<compile_context>
chip_gen: v7x
topology: tpu7x:2x2x1
jax: 0.10.2.dev20260603
libtpu: 0.0.44.dev20260713+nightly
codegen_flags: <defaults>
</compile_context>

<pallas_src>
import dataclasses
import functools

import jax
import jax.numpy as jnp
from jax import lax
from jax.experimental import pallas as pl
from jax.experimental.pallas import tpu as pltpu
from jax.experimental.pallas import tpu_sc as plsc

N = 10000
E = 320000
D = 128
H = 128
G = 64

NC = 2
NS = 16
NW = NC * NS
LANES = 16

N_PAD = 10240
ROWS_PER_TILE_E = 80
E_PAD = NW * ROWS_PER_TILE_E * 128
E_ROWS = E_PAD // 128
NODES_PER_TILE = N_PAD // NW
ZCHUNK = 128
K_IDX = 4

_mesh = plsc.VectorSubcoreMesh(core_axis_name="c", subcore_axis_name="s")

_sc_params = pltpu.CompilerParams()
if "needs_layout_passes" in pltpu.CompilerParams.__dataclass_fields__:
    _sc_params = dataclasses.replace(_sc_params, needs_layout_passes=False)
_sc_params_lin = _sc_params
if "use_tc_tiling_on_sc" in pltpu.CompilerParams.__dataclass_fields__:
    _sc_params_lin = dataclasses.replace(_sc_params, use_tc_tiling_on_sc=False)


EGRP = 16


@functools.partial(
    pl.kernel,
    out_type=jax.ShapeDtypeStruct((NC, N_PAD, D), jnp.float32),
    mesh=_mesh,
    compiler_params=_sc_params_lin,
    scratch_types=[
        pltpu.VMEM_SHARED((N_PAD, D), jnp.float32),
        pltpu.VMEM((EGRP, 128), jnp.int32),
        pltpu.VMEM((EGRP, 128), jnp.int32),
        pltpu.VMEM((EGRP, 128), jnp.float32),
        pltpu.VMEM((128, D // 2), jnp.int32),
        pltpu.VMEM((128, D // 2), jnp.int32),
        pltpu.VMEM((128, D), jnp.float32),
        pltpu.SemaphoreType.DMA((4,)),
        pltpu.SemaphoreType.DMA((2,)),
    ],
)
def _sc_aggregate(x_hbm, src_hbm, dst_hbm, w_hbm, out_hbm, accum,
                  srcb, dstb, wb, rb0, rb1, fbuf, gsem, ssem):
    c = lax.axis_index("c")
    s = lax.axis_index("s")
    tid = c * NS + s
    rows = [rb0, rb1]

    zv = jnp.zeros((LANES,), jnp.float32)

    @pl.loop(0, ZCHUNK)
    def _(rr):
        for k in range(D // LANES):
            fbuf[rr, pl.ds(k * LANES, LANES)] = zv

    rows_per_sub = N_PAD // NS

    @pl.loop(0, rows_per_sub // ZCHUNK)
    def _(i):
        pltpu.sync_copy(fbuf, accum.at[pl.ds(s * rows_per_sub + i * ZCHUNK, ZCHUNK)])

    plsc.subcore_barrier()

    base = tid * ROWS_PER_TILE_E

    def stage(grp):
        pltpu.sync_copy(src_hbm.at[pl.ds(base + grp * EGRP, EGRP)], srcb)
        pltpu.sync_copy(dst_hbm.at[pl.ds(base + grp * EGRP, EGRP)], dstb)
        pltpu.sync_copy(w_hbm.at[pl.ds(base + grp * EGRP, EGRP)], wb)

    def start_gather(jj, b):
        pltpu.async_copy(x_hbm.at[srcb.at[jj]], rows[b], gsem.at[b])

    def wait_gather(jj, b):
        pltpu.make_async_copy(x_hbm.at[srcb.at[jj]], rows[b],
                              gsem.at[b]).wait()

    def start_scatter(jj):
        pltpu.async_copy(fbuf, accum.at[dstb.at[jj]], ssem.at[0],
                         add=True)

    def wait_scatter(jj):
        pltpu.make_async_copy(fbuf, accum.at[dstb.at[jj]],
                              ssem.at[0]).wait()

    def scale(jj, b):
        buf = rows[b]

        @pl.loop(0, 128)
        def _(ri):
            wv = plsc.load_gather(wb, [jnp.full((LANES,), jj, jnp.int32),
                                       jnp.full((LANES,), ri, jnp.int32)])
            for g2 in range(D // 32):
                packed = buf[ri, pl.ds(g2 * LANES, LANES)]
                ab = plsc.bitcast(packed, jnp.bfloat16)
                lo, hi = plsc.unpack(ab, format=plsc.PackFormat.INTERLEAVED)
                fbuf[ri, pl.ds(g2 * 32, LANES)] = lo * wv
                fbuf[ri, pl.ds(g2 * 32 + LANES, LANES)] = hi * wv

    NGRP = ROWS_PER_TILE_E // EGRP
    stage(0)
    start_gather(0, 0)

    @pl.loop(0, NGRP)
    def _(grp):
        for jj in range(EGRP):
            b = jj % 2
            if jj + 1 < EGRP:
                start_gather(jj + 1, 1 - b)
            if jj >= 1:
                wait_scatter(jj - 1)
            wait_gather(jj, b)
            scale(jj, b)
            start_scatter(jj)
        wait_scatter(EGRP - 1)

        @pl.when(grp + 1 < NGRP)
        def _():
            stage(grp + 1)
            start_gather(0, 0)

    plsc.subcore_barrier()

    @pl.loop(0, rows_per_sub // ZCHUNK)
    def _(i):
        off = s * rows_per_sub + i * ZCHUNK
        pltpu.sync_copy(accum.at[pl.ds(off, ZCHUNK)],
                        out_hbm.at[c, pl.ds(off, ZCHUNK)])


BN = 1024


def _tc_qr_body(parts, xr, w1rel, b1, w1root, w2rel, w2root, wlin, b2, qr):
    agg = parts[0] + parts[1]
    dn = (((1,), (1,)), ((), ()))
    dot = functools.partial(lax.dot_general,
                            precision=lax.Precision.HIGHEST,
                            preferred_element_type=jnp.float32)
    h = dot(agg, w1rel[...], dn)
    hr = dot(xr[...], w1root[...], dn)
    h1 = jnp.maximum(h + hr + b1[...], 0.0)
    dk = (((1,), (0,)), ((), ()))
    vrel = dot(wlin[...], w2rel[...], dk)
    vroot = dot(wlin[...], w2root[...], dk)
    q = dot(vrel, h1, dn)
    r = dot(vroot, h1, dn)
    c2 = jnp.sum(wlin[...] * b2[...])
    qr[...] = jnp.concatenate([q, r + c2], axis=0)


_tc_qr = pl.pallas_call(
    _tc_qr_body,
    grid=(N_PAD // BN,),
    in_specs=[
        pl.BlockSpec((NC, BN, D), lambda i: (0, i, 0)),
        pl.BlockSpec((BN, D), lambda i: (i, 0)),
        pl.BlockSpec((H, D), lambda i: (0, 0)),
        pl.BlockSpec((1, H), lambda i: (0, 0)),
        pl.BlockSpec((H, D), lambda i: (0, 0)),
        pl.BlockSpec((H, H), lambda i: (0, 0)),
        pl.BlockSpec((H, H), lambda i: (0, 0)),
        pl.BlockSpec((1, H), lambda i: (0, 0)),
        pl.BlockSpec((1, H), lambda i: (0, 0)),
    ],
    out_specs=pl.BlockSpec((2, BN), lambda i: (0, i)),
    out_shape=jax.ShapeDtypeStruct((2, N_PAD), jnp.float32),
)


@functools.partial(
    pl.kernel,
    out_type=jax.ShapeDtypeStruct((NW, 192), jnp.float32),
    mesh=_mesh,
    compiler_params=_sc_params,
    scratch_types=[
        pltpu.VMEM((N_PAD,), jnp.float32),
        pltpu.VMEM((N_PAD,), jnp.float32),
        pltpu.VMEM((N_PAD,), jnp.int32),
        pltpu.VMEM((ROWS_PER_TILE_E, 128), jnp.int32),
        pltpu.VMEM((ROWS_PER_TILE_E, 128), jnp.int32),
        pltpu.VMEM((ROWS_PER_TILE_E, 128), jnp.float32),
        pltpu.VMEM((LANES * G,), jnp.float32),
        pltpu.VMEM((LANES * G,), jnp.float32),
        pltpu.VMEM((LANES * G,), jnp.float32),
        pltpu.VMEM((192,), jnp.float32),
    ],
)
def _sc_reduce(qr_hbm, batch_hbm, src_hbm, dst_hbm, w_hbm, out_hbm,
               qv, rv, bv, srcb, dstb, wb, zacc, sacc, cacc, partial):
    c = lax.axis_index("c")
    s = lax.axis_index("s")
    tid = c * NS + s

    pltpu.sync_copy(qr_hbm.at[0], qv)
    pltpu.sync_copy(qr_hbm.at[1], rv)
    pltpu.sync_copy(batch_hbm, bv)
    pltpu.sync_copy(src_hbm.at[pl.ds(tid * ROWS_PER_TILE_E, ROWS_PER_TILE_E)], srcb)
    pltpu.sync_copy(dst_hbm.at[pl.ds(tid * ROWS_PER_TILE_E, ROWS_PER_TILE_E)], dstb)
    pltpu.sync_copy(w_hbm.at[pl.ds(tid * ROWS_PER_TILE_E, ROWS_PER_TILE_E)], wb)

    zv = jnp.zeros((LANES,), jnp.float32)

    @pl.loop(0, LANES * G, step=LANES)
    def _(i):
        zacc[pl.ds(i, LANES)] = zv
        sacc[pl.ds(i, LANES)] = zv
        cacc[pl.ds(i, LANES)] = zv

    lane = lax.iota(jnp.int32, LANES)
    loff = lane * G

    @pl.loop(0, ROWS_PER_TILE_E)
    def _(rr):
        for k in range(128 // LANES):
            sl = pl.ds(k * LANES, LANES)
            sv = srcb[rr, sl]
            dv = dstb[rr, sl]
            wv = wb[rr, sl]
            qg = plsc.load_gather(qv, [sv])
            bg = plsc.load_gather(bv, [dv])
            plsc.addupdate_scatter(zacc, [loff + bg], wv * qg)

    base_n = tid * NODES_PER_TILE
    ones = jnp.ones((LANES,), jnp.float32)

    @pl.loop(0, NODES_PER_TILE, step=LANES)
    def _(i):
        idx = base_n + i + lane
        valid = idx < N
        rv16 = rv[pl.ds(base_n + i, LANES)]
        bv16 = bv[pl.ds(base_n + i, LANES)]
        plsc.addupdate_scatter(sacc, [loff + bv16], rv16, mask=valid)
        plsc.addupdate_scatter(cacc, [loff + bv16], ones, mask=valid)

    for cg in range(G // LANES):
        az = jnp.zeros((LANES,), jnp.float32)
        asq = jnp.zeros((LANES,), jnp.float32)
        ac = jnp.zeros((LANES,), jnp.float32)
        for row in range(LANES):
            off = pl.ds(row * G + cg * LANES, LANES)
            az = az + zacc[off]
            asq = asq + sacc[off]
            ac = ac + cacc[off]
        partial[pl.ds(cg * LANES, LANES)] = az
        partial[pl.ds(G + cg * LANES, LANES)] = asq
        partial[pl.ds(2 * G + cg * LANES, LANES)] = ac

    pltpu.sync_copy(partial, out_hbm.at[tid])


def _tc_final_body(p, bl, out):
    t = jnp.sum(p[...], axis=0)
    z = t[0:G]
    sv = t[G:2 * G]
    cnt = t[2 * G:3 * G]
    out[...] = ((z + sv) / jnp.maximum(cnt, 1.0) + bl[0, 0])[:, None]


_tc_final = pl.pallas_call(
    _tc_final_body,
    in_specs=[
        pl.BlockSpec((NW, 192), lambda: (0, 0)),
        pl.BlockSpec((1, 1), lambda: (0, 0)),
    ],
    out_specs=pl.BlockSpec((G, 1), lambda: (0, 0)),
    out_shape=jax.ShapeDtypeStruct((G, 1), jnp.float32),
)


def kernel(x, edge_index, edge_weight, batch, W1_rel, b1_rel, W1_root,
           W2_rel, b2_rel, W2_root, W_lin, b_lin):
    x_pad = jnp.pad(x, ((0, N_PAD - N), (0, 0)))
    batch_pad = jnp.pad(batch, (0, N_PAD - N))
    perm = []
    for g2 in range(D // 32):
        for i in range(16):
            perm.extend([g2 * 32 + i, g2 * 32 + 16 + i])
    x_bf = x_pad[:, jnp.array(perm, dtype=jnp.int32)].astype(jnp.bfloat16)
    x_bfp = lax.bitcast_convert_type(x_bf.reshape(N_PAD, D // 2, 2),
                                     jnp.int32)
    epad = E_PAD - E
    src = jnp.pad(edge_index[0], (0, epad)).reshape(E_ROWS, 128)
    dst = jnp.pad(edge_index[1], (0, epad)).reshape(E_ROWS, 128)
    w = jnp.pad(edge_weight, (0, epad)).reshape(E_ROWS, 128)
    parts = _sc_aggregate(x_bfp, src, dst, w)
    return jnp.full((G, 1), parts[0, 0, 0])
    qr = _tc_qr(parts, x_pad, W1_rel, b1_rel.reshape(1, H), W1_root,
                W2_rel, W2_root, W_lin, b2_rel.reshape(1, H))
    tile_partials = _sc_reduce(qr, batch_pad, src, dst, w)
    out = _tc_final(tile_partials, b_lin.reshape(1, 1))
    return out

# --- scband reference (transcript-rebuilt; emitter-appended) ---
"""Pipeline reference for scband-gnn-8332236554306 (READ-ONLY COPY).

The authoritative reference and input builder live on the scoring server;
editing this copy changes nothing except your own understanding.
"""

import jax, jax.numpy as jnp
import numpy as np

N = 10000
E = 320000
D = 128
H = 128
G = 64


def setup_inputs(seed: int = 0) -> dict:
    key = jax.random.key(seed)
    ks = jax.random.split(key, 12)
    x = jax.random.normal(ks[0], (N, D), dtype=jnp.float32)
    edge_index = jax.random.randint(ks[1], (2, E), 0, N, dtype=jnp.int32)
    edge_weight = jax.random.uniform(ks[2], (E,), dtype=jnp.float32)
    batch = jnp.sort(jax.random.randint(ks[3], (N,), 0, G, dtype=jnp.int32))
    s_in = 1.0 / np.sqrt(D)
    s_h = 1.0 / np.sqrt(H)
    W1_rel = jax.random.uniform(ks[4], (H, D), dtype=jnp.float32, minval=-s_in, maxval=s_in)
    b1_rel = jax.random.uniform(ks[5], (H,), dtype=jnp.float32, minval=-s_in, maxval=s_in)
    W1_root = jax.random.uniform(ks[6], (H, D), dtype=jnp.float32, minval=-s_in, maxval=s_in)
    W2_rel = jax.random.uniform(ks[7], (H, H), dtype=jnp.float32, minval=-s_h, maxval=s_h)
    b2_rel = jax.random.uniform(ks[8], (H,), dtype=jnp.float32, minval=-s_h, maxval=s_h)
    W2_root = jax.random.uniform(ks[9], (H, H), dtype=jnp.float32, minval=-s_h, maxval=s_h)
    W_lin = jax.random.uniform(ks[10], (1, H), dtype=jnp.float32, minval=-s_h, maxval=s_h)
    b_lin = jax.random.uniform(ks[11], (1,), dtype=jnp.float32, minval=-s_h, maxval=s_h)
    return {
        "x": x,
        "edge_index": edge_index,
        "edge_weight": edge_weight,
        "batch": batch,
        "W1_rel": W1_rel,
        "b1_rel": b1_rel,
        "W1_root": W1_root,
        "W2_rel": W2_rel,
        "b2_rel": b2_rel,
        "W2_root": W2_root,
        "W_lin": W_lin,
        "b_lin": b_lin,
    }


def _graph_conv(x, edge_index, edge_weight, W_rel, b_rel, W_root):
    # PyG GraphConv (aggr='add'):
    #   out_i = W_rel @ (sum_{j->i} w_ji * x_j) + b_rel + W_root @ x_i
    src = edge_index[0]
    dst = edge_index[1]
    msgs = jnp.take(x, src, axis=0) * edge_weight[:, None]
    aggr = jax.ops.segment_sum(msgs, dst, num_segments=N)
    return aggr @ W_rel.T + b_rel + x @ W_root.T


def reference(x, edge_index, edge_weight, batch, W1_rel, b1_rel, W1_root, W2_rel, b2_rel, W2_root, W_lin, b_lin):
    h = _graph_conv(x, edge_index, edge_weight, W1_rel, b1_rel, W1_root)
    h = jax.nn.relu(h)
    h = _graph_conv(h, edge_index, edge_weight, W2_rel, b2_rel, W2_root)
    # global_mean_pool over batch assignment
    sums = jax.ops.segment_sum(h, batch, num_segments=G)
    counts = jax.ops.segment_sum(jnp.ones((N,), dtype=h.dtype), batch, num_segments=G)
    pooled = sums / jnp.clip(counts, 1.0, None)[:, None]
    # dropout is identity in eval mode
    out = pooled @ W_lin.T + b_lin
    return out

if __name__ == "__main__":
    import jax
    _d = setup_inputs()
    print(jax.jit(kernel)(*tuple(_d.values())))

</pallas_src>

<mosaic_0001>
#map = affine_map<(d0, d1) -> (0, 0)>
#map1 = affine_map<(d0, d1) -> (0, 0, 0)>
module attributes {stable_mosaic.version = 14 : i64} {
  func.func @_sc_aggregate(%arg0: i32, %arg1: i32, %arg2: memref<10240x64xi32, #tpu.memory_space<hbm>>, %arg3: memref<2560x128xi32, #tpu.memory_space<hbm>>, %arg4: memref<2560x128xi32, #tpu.memory_space<hbm>>, %arg5: memref<2560x128xf32, #tpu.memory_space<hbm>>, %arg6: memref<2x10240x128xf32, #tpu.memory_space<hbm>>, %arg7: memref<10240x128xf32, #tpu.memory_space<vmem_shared>>, %arg8: memref<16x128xi32, #tpu.memory_space<vmem>>, %arg9: memref<16x128xi32, #tpu.memory_space<vmem>>, %arg10: memref<16x128xf32, #tpu.memory_space<vmem>>, %arg11: memref<128x64xi32, #tpu.memory_space<vmem>>, %arg12: memref<128x64xi32, #tpu.memory_space<vmem>>, %arg13: memref<128x128xf32, #tpu.memory_space<vmem>>, %arg14: memref<4x!tpu.dma_semaphore, #tpu.memory_space<semaphore_mem>>, %arg15: memref<2x!tpu.dma_semaphore, #tpu.memory_space<semaphore_mem>>) attributes {dimension_semantics = [#tpu.dimension_semantics<core_parallel>, #tpu.dimension_semantics<subcore_parallel>], iteration_bounds = array<i64: 2, 16>, scalar_prefetch = 0 : i64, scratch_operands = 9 : i64, tpu.core_type = #tpu.core_type<sc_vector_subcore>, window_params = [{transform_indices = #map}, {transform_indices = #map}, {transform_indices = #map}, {transform_indices = #map}, {transform_indices = #map1}]} {
    %mul3A = arith.constant 16 : i32
    %mul3A_0 = arith.muli %arg0, %mul3A : i32
    %add3A = arith.addi %mul3A_0, %arg1 : i32
    %broadcast_in_dim3A = arith.constant 0.000000e+00 : f32
    %broadcast_in_dim3A_1 = vector.broadcast %broadcast_in_dim3A : f32 to vector<16xf32>
    %scan3A = arith.constant 0 : i32
    %scan3A_2 = arith.constant 128 : i32
    %scan3A_3 = arith.addi %scan3A, %scan3A_2 : i32
    %scan3A_4 = arith.constant 1 : i32
    scf.for %scan3A_39 = %scan3A to %scan3A_3 step %scan3A_4  : i32 {
      %mul3A_40 = arith.constant 1 : i32
      %mul3A_41 = arith.muli %scan3A_39, %mul3A_40 : i32
      %add3A_42 = arith.constant 0 : i32
      %add3A_43 = arith.addi %add3A_42, %mul3A_41 : i32
      %swap3A = arith.index_cast %add3A_43 : i32 to index
      %swap3A_44 = arith.constant 0 : index
      %swap3A_45 = tpu.vector_load %arg13[%swap3A, %swap3A_44] {strides = array<i32>} : memref<128x128xf32, #tpu.memory_space<vmem>>, vector<16xf32>,
      tpu.vector_store %arg13[%swap3A, %swap3A_44], %broadcast_in_dim3A_1 {strides = array<i32>} : memref<128x128xf32, #tpu.memory_space<vmem>>, vector<16xf32>,
      %swap3A_46 = arith.index_cast %add3A_43 : i32 to index
      %swap3A_47 = arith.constant 16 : index
      %swap3A_48 = tpu.vector_load %arg13[%swap3A_46, %swap3A_47] {strides = array<i32>} : memref<128x128xf32, #tpu.memory_space<vmem>>, vector<16xf32>,
      tpu.vector_store %arg13[%swap3A_46, %swap3A_47], %broadcast_in_dim3A_1 {strides = array<i32>} : memref<128x128xf32, #tpu.memory_space<vmem>>, vector<16xf32>,
      %swap3A_49 = arith.index_cast %add3A_43 : i32 to index
      %swap3A_50 = arith.constant 32 : index
      %swap3A_51 = tpu.vector_load %arg13[%swap3A_49, %swap3A_50] {strides = array<i32>} : memref<128x128xf32, #tpu.memory_space<vmem>>, vector<16xf32>,
      tpu.vector_store %arg13[%swap3A_49, %swap3A_50], %broadcast_in_dim3A_1 {strides = array<i32>} : memref<128x128xf32, #tpu.memory_space<vmem>>, vector<16xf32>,
      %swap3A_52 = arith.index_cast %add3A_43 : i32 to index
      %swap3A_53 = arith.constant 48 : index
      %swap3A_54 = tpu.vector_load %arg13[%swap3A_52, %swap3A_53] {strides = array<i32>} : memref<128x128xf32, #tpu.memory_space<vmem>>, vector<16xf32>,
      tpu.vector_store %arg13[%swap3A_52, %swap3A_53], %broadcast_in_dim3A_1 {strides = array<i32>} : memref<128x128xf32, #tpu.memory_space<vmem>>, vector<16xf32>,
      %swap3A_55 = arith.index_cast %add3A_43 : i32 to index
      %swap3A_56 = arith.constant 64 : index
      %swap3A_57 = tpu.vector_load %arg13[%swap3A_55, %swap3A_56] {strides = array<i32>} : memref<128x128xf32, #tpu.memory_space<vmem>>, vector<16xf32>,
      tpu.vector_store %arg13[%swap3A_55, %swap3A_56], %broadcast_in_dim3A_1 {strides = array<i32>} : memref<128x128xf32, #tpu.memory_space<vmem>>, vector<16xf32>,
      %swap3A_58 = arith.index_cast %add3A_43 : i32 to index
      %swap3A_59 = arith.constant 80 : index
      %swap3A_60 = tpu.vector_load %arg13[%swap3A_58, %swap3A_59] {strides = array<i32>} : memref<128x128xf32, #tpu.memory_space<vmem>>, vector<16xf32>,
      tpu.vector_store %arg13[%swap3A_58, %swap3A_59], %broadcast_in_dim3A_1 {strides = array<i32>} : memref<128x128xf32, #tpu.memory_space<vmem>>, vector<16xf32>,
      %swap3A_61 = arith.index_cast %add3A_43 : i32 to index
      %swap3A_62 = arith.constant 96 : index
      %swap3A_63 = tpu.vector_load %arg13[%swap3A_61, %swap3A_62] {strides = array<i32>} : memref<128x128xf32, #tpu.memory_space<vmem>>, vector<16xf32>,
      tpu.vector_store %arg13[%swap3A_61, %swap3A_62], %broadcast_in_dim3A_1 {strides = array<i32>} : memref<128x128xf32, #tpu.memory_space<vmem>>, vector<16xf32>,
      %swap3A_64 = arith.index_cast %add3A_43 : i32 to index
      %swap3A_65 = arith.constant 112 : index
      %swap3A_66 = tpu.vector_load %arg13[%swap3A_64, %swap3A_65] {strides = array<i32>} : memref<128x128xf32, #tpu.memory_space<vmem>>, vector<16xf32>,
      tpu.vector_store %arg13[%swap3A_64, %swap3A_65], %broadcast_in_dim3A_1 {strides = array<i32>} : memref<128x128xf32, #tpu.memory_space<vmem>>, vector<16xf32>,
    }
    %scan3A_5 = arith.constant 128 : i32
    %scan3A_6 = arith.constant 0 : i32
    %scan3A_7 = arith.constant 5 : i32
    %scan3A_8 = arith.addi %scan3A_6, %scan3A_7 : i32
    %scan3A_9 = arith.constant 1 : i32
    scf.for %scan3A_39 = %scan3A_6 to %scan3A_8 step %scan3A_9  : i32 {
      %mul3A_40 = arith.constant 1 : i32
      %mul3A_41 = arith.muli %scan3A_39, %mul3A_40 : i32
      %add3A_42 = arith.constant 0 : i32
      %add3A_43 = arith.addi %add3A_42, %mul3A_41 : i32
      %mul3A_44 = arith.constant 640 : i32
      %mul3A_45 = arith.muli %arg1, %mul3A_44 : i32
      %mul3A_46 = arith.constant 128 : i32
      %mul3A_47 = arith.muli %add3A_43, %mul3A_46 : i32
      %add3A_48 = arith.addi %mul3A_45, %mul3A_47 : i32
      "tpu.region"() ({
        %run_scoped3A = tpu.sem_alloc : memref<!tpu.dma_semaphore, #tpu.memory_space<semaphore_mem>>
        %dma_start3A_49 = arith.constant 0 : i32
        %dma_start3A_50 = tpu.memref_slice %arg7[%add3A_48, %dma_start3A_49] : memref<10240x128xf32, #tpu.memory_space<vmem_shared>> -> memref<128x128xf32, #tpu.memory_space<vmem_shared>>
        %dma_start3A_51 = arith.constant 0 : i32
        %dma_start3A_52 = tpu.memref_slice %arg7[%add3A_48, %dma_start3A_51] : memref<10240x128xf32, #tpu.memory_space<vmem_shared>> -> memref<128x128xf32, #tpu.memory_space<vmem_shared>>
        tpu.enqueue_dma source(%arg13 : memref<128x128xf32, #tpu.memory_space<vmem>>) target(%dma_start3A_52 : memref<128x128xf32, #tpu.memory_space<vmem_shared>>) target_semaphore(%run_scoped3A : memref<!tpu.dma_semaphore, #tpu.memory_space<semaphore_mem>>)
        %dma_wait3A = arith.constant 0 : i32
        %dma_wait3A_53 = tpu.memref_slice %arg7[%add3A_48, %dma_wait3A] : memref<10240x128xf32, #tpu.memory_space<vmem_shared>> -> memref<128x128xf32, #tpu.memory_space<vmem_shared>>
        %dma_wait3A_54 = arith.constant 0 : i32
        %dma_wait3A_55 = tpu.memref_slice %arg7[%add3A_48, %dma_wait3A_54] : memref<10240x128xf32, #tpu.memory_space<vmem_shared>> -> memref<128x128xf32, #tpu.memory_space<vmem_shared>>
        tpu.wait_dma2 semaphore(%run_scoped3A : memref<!tpu.dma_semaphore, #tpu.memory_space<semaphore_mem>>) src(%arg13 : memref<128x128xf32, #tpu.memory_space<vmem>>) dst(%dma_wait3A_55 : memref<128x128xf32, #tpu.memory_space<vmem_shared>>)
        tpu.yield
      }) : () -> ()
    }
    %scan3A_10 = arith.constant 5 : i32
    %barrier3A = arith.constant 0 : index
    tpu.barrier barrier_id(%barrier3A)
    %mul3A_11 = arith.constant 80 : i32
    %mul3A_12 = arith.muli %add3A, %mul3A_11 : i32
    %add3A_13 = arith.constant 0 : i32
    %add3A_14 = arith.addi %mul3A_12, %add3A_13 : i32
    "tpu.region"() ({
      %run_scoped3A = tpu.sem_alloc : memref<!tpu.dma_semaphore, #tpu.memory_space<semaphore_mem>>
      %dma_start3A_39 = arith.constant 0 : i32
      %dma_start3A_40 = tpu.memref_slice %arg3[%add3A_14, %dma_start3A_39] : memref<2560x128xi32, #tpu.memory_space<hbm>> -> memref<16x128xi32, #tpu.memory_space<hbm>>
      %dma_start3A_41 = arith.constant 0 : i32
      %dma_start3A_42 = tpu.memref_slice %arg3[%add3A_14, %dma_start3A_41] : memref<2560x128xi32, #tpu.memory_space<hbm>> -> memref<16x128xi32, #tpu.memory_space<hbm>>
      tpu.enqueue_dma source(%dma_start3A_42 : memref<16x128xi32, #tpu.memory_space<hbm>>) target(%arg8 : memref<16x128xi32, #tpu.memory_space<vmem>>) target_semaphore(%run_scoped3A : memref<!tpu.dma_semaphore, #tpu.memory_space<semaphore_mem>>)
      %dma_wait3A = arith.constant 0 : i32
      %dma_wait3A_43 = tpu.memref_slice %arg3[%add3A_14, %dma_wait3A] : memref<2560x128xi32, #tpu.memory_space<hbm>> -> memref<16x128xi32, #tpu.memory_space<hbm>>
      %dma_wait3A_44 = arith.constant 0 : i32
      %dma_wait3A_45 = tpu.memref_slice %arg3[%add3A_14, %dma_wait3A_44] : memref<2560x128xi32, #tpu.memory_space<hbm>> -> memref<16x128xi32, #tpu.memory_space<hbm>>
      tpu.wait_dma2 semaphore(%run_scoped3A : memref<!tpu.dma_semaphore, #tpu.memory_space<semaphore_mem>>) src(%dma_wait3A_45 : memref<16x128xi32, #tpu.memory_space<hbm>>) dst(%arg8 : memref<16x128xi32, #tpu.memory_space<vmem>>)
      tpu.yield
    }) : () -> ()
    %add3A_15 = arith.constant 0 : i32
    %add3A_16 = arith.addi %mul3A_12, %add3A_15 : i32
    "tpu.region"() ({
      %run_scoped3A = tpu.sem_alloc : memref<!tpu.dma_semaphore, #tpu.memory_space<semaphore_mem>>
      %dma_start3A_39 = arith.constant 0 : i32
      %dma_start3A_40 = tpu.memref_slice %arg4[%add3A_16, %dma_start3A_39] : memref<2560x128xi32, #tpu.memory_space<hbm>> -> memref<16x128xi32, #tpu.memory_space<hbm>>
      %dma_start3A_41 = arith.constant 0 : i32
      %dma_start3A_42 = tpu.memref_slice %arg4[%add3A_16, %dma_start3A_41] : memref<2560x128xi32, #tpu.memory_space<hbm>> -> memref<16x128xi32, #tpu.memory_space<hbm>>
      tpu.enqueue_dma source(%dma_start3A_42 : memref<16x128xi32, #tpu.memory_space<hbm>>) target(%arg9 : memref<16x128xi32, #tpu.memory_space<vmem>>) target_semaphore(%run_scoped3A : memref<!tpu.dma_semaphore, #tpu.memory_space<semaphore_mem>>)
      %dma_wait3A = arith.constant 0 : i32
      %dma_wait3A_43 = tpu.memref_slice %arg4[%add3A_16, %dma_wait3A] : memref<2560x128xi32, #tpu.memory_space<hbm>> -> memref<16x128xi32, #tpu.memory_space<hbm>>
      %dma_wait3A_44 = arith.constant 0 : i32
      %dma_wait3A_45 = tpu.memref_slice %arg4[%add3A_16, %dma_wait3A_44] : memref<2560x128xi32, #tpu.memory_space<hbm>> -> memref<16x128xi32, #tpu.memory_space<hbm>>
      tpu.wait_dma2 semaphore(%run_scoped3A : memref<!tpu.dma_semaphore, #tpu.memory_space<semaphore_mem>>) src(%dma_wait3A_45 : memref<16x128xi32, #tpu.memory_space<hbm>>) dst(%arg9 : memref<16x128xi32, #tpu.memory_space<vmem>>)
      tpu.yield
    }) : () -> ()
    %add3A_17 = arith.constant 0 : i32
    %add3A_18 = arith.addi %mul3A_12, %add3A_17 : i32
    "tpu.region"() ({
      %run_scoped3A = tpu.sem_alloc : memref<!tpu.dma_semaphore, #tpu.memory_space<semaphore_mem>>
      %dma_start3A_39 = arith.constant 0 : i32
      %dma_start3A_40 = tpu.memref_slice %arg5[%add3A_18, %dma_start3A_39] : memref<2560x128xf32, #tpu.memory_space<hbm>> -> memref<16x128xf32, #tpu.memory_space<hbm>>
      %dma_start3A_41 = arith.constant 0 : i32
      %dma_start3A_42 = tpu.memref_slice %arg5[%add3A_18, %dma_start3A_41] : memref<2560x128xf32, #tpu.memory_space<hbm>> -> memref<16x128xf32, #tpu.memory_space<hbm>>
      tpu.enqueue_dma source(%dma_start3A_42 : memref<16x128xf32, #tpu.memory_space<hbm>>) target(%arg10 : memref<16x128xf32, #tpu.memory_space<vmem>>) target_semaphore(%run_scoped3A : memref<!tpu.dma_semaphore, #tpu.memory_space<semaphore_mem>>)
      %dma_wait3A = arith.constant 0 : i32
      %dma_wait3A_43 = tpu.memref_slice %arg5[%add3A_18, %dma_wait3A] : memref<2560x128xf32, #tpu.memory_space<hbm>> -> memref<16x128xf32, #tpu.memory_space<hbm>>
      %dma_wait3A_44 = arith.constant 0 : i32
      %dma_wait3A_45 = tpu.memref_slice %arg5[%add3A_18, %dma_wait3A_44] : memref<2560x128xf32, #tpu.memory_space<hbm>> -> memref<16x128xf32, #tpu.memory_space<hbm>>
      tpu.wait_dma2 semaphore(%run_scoped3A : memref<!tpu.dma_semaphore, #tpu.memory_space<semaphore_mem>>) src(%dma_wait3A_45 : memref<16x128xf32, #tpu.memory_space<hbm>>) dst(%arg10 : memref<16x128xf32, #tpu.memory_space<vmem>>)
      tpu.yield
    }) : () -> ()
    %dma_start3A = arith.constant 0 : i32
    %dma_start3A_19 = arith.constant 0 : i32
    %dma_start3A_20 = arith.constant 0 : i32
    %dma_start3A_21 = tpu.memref_slice %arg8[%dma_start3A, %dma_start3A_20] : memref<16x128xi32, #tpu.memory_space<vmem>> -> memref<1x128xi32, #tpu.memory_space<vmem>>
    %dma_start3A_22 = tpu.memref_squeeze %dma_start3A_21 : memref<1x128xi32, #tpu.memory_space<vmem>> -> memref<128xi32, #tpu.memory_space<vmem>>
    %dma_start3A_23 = arith.constant 0 : i32
    %dma_start3A_24 = arith.constant 0 : i32
    %dma_start3A_25 = tpu.memref_slice %arg2[%dma_start3A_23, %dma_start3A_24] : memref<10240x64xi32, #tpu.memory_space<hbm>> -> memref<10240x64xi32, #tpu.memory_space<hbm>>
    %dma_start3A_26 = tpu.memref_slice %arg14[%dma_start3A_19] : memref<4x!tpu.dma_semaphore, #tpu.memory_space<semaphore_mem>> -> memref<1x!tpu.dma_semaphore, #tpu.memory_space<semaphore_mem>>
    %dma_start3A_27 = tpu.memref_squeeze %dma_start3A_26 : memref<1x!tpu.dma_semaphore, #tpu.memory_space<semaphore_mem>> -> memref<!tpu.dma_semaphore, #tpu.memory_space<semaphore_mem>>
    tpu.enqueue_indirect_dma source(%dma_start3A_25 : memref<10240x64xi32, #tpu.memory_space<hbm>>) target(%arg11 : memref<128x64xi32, #tpu.memory_space<vmem>>) offsets(%dma_start3A_22 : memref<128xi32, #tpu.memory_space<vmem>>) semaphore(%dma_start3A_27 : memref<!tpu.dma_semaphore, #tpu.memory_space<semaphore_mem>>)
    %scan3A_28 = arith.constant 0 : i32
    %scan3A_29 = arith.constant 5 : i32
    %scan3A_30 = arith.addi %scan3A_28, %scan3A_29 : i32
    %scan3A_31 = arith.constant 1 : i32
    scf.for %scan3A_39 = %scan3A_28 to %scan3A_30 step %scan3A_31  : i32 {
      %mul3A_40 = arith.constant 1 : i32
      %mul3A_41 = arith.muli %scan3A_39, %mul3A_40 : i32
      %add3A_42 = arith.constant 0 : i32
      %add3A_43 = arith.addi %add3A_42, %mul3A_41 : i32
      %dma_start3A_44 = arith.constant 1 : i32
      %dma_start3A_45 = arith.constant 1 : i32
      %dma_start3A_46 = arith.constant 0 : i32
      %dma_start3A_47 = tpu.memref_slice %arg8[%dma_start3A_44, %dma_start3A_46] : memref<16x128xi32, #tpu.memory_space<vmem>> -> memref<1x128xi32, #tpu.memory_space<vmem>>
      %dma_start3A_48 = tpu.memref_squeeze %dma_start3A_47 : memref<1x128xi32, #tpu.memory_space<vmem>> -> memref<128xi32, #tpu.memory_space<vmem>>
      %dma_start3A_49 = arith.constant 0 : i32
      %dma_start3A_50 = arith.constant 0 : i32
      %dma_start3A_51 = tpu.memref_slice %arg2[%dma_start3A_49, %dma_start3A_50] : memref<10240x64xi32, #tpu.memory_space<hbm>> -> memref<10240x64xi32, #tpu.memory_space<hbm>>
      %dma_start3A_52 = tpu.memref_slice %arg14[%dma_start3A_45] : memref<4x!tpu.dma_semaphore, #tpu.memory_space<semaphore_mem>> -> memref<1x!tpu.dma_semaphore, #tpu.memory_space<semaphore_mem>>
      %dma_start3A_53 = tpu.memref_squeeze %dma_start3A_52 : memref<1x!tpu.dma_semaphore, #tpu.memory_space<semaphore_mem>> -> memref<!tpu.dma_semaphore, #tpu.memory_space<semaphore_mem>>
      tpu.enqueue_indirect_dma source(%dma_start3A_51 : memref<10240x64xi32, #tpu.memory_space<hbm>>) target(%arg12 : memref<128x64xi32, #tpu.memory_space<vmem>>) offsets(%dma_start3A_48 : memref<128xi32, #tpu.memory_space<vmem>>) semaphore(%dma_start3A_53 : memref<!tpu.dma_semaphore, #tpu.memory_space<semaphore_mem>>)
      %dma_wait3A = arith.constant 0 : i32
      %dma_wait3A_54 = arith.constant 0 : i32
      %dma_wait3A_55 = arith.constant 0 : i32
      %dma_wait3A_56 = tpu.memref_slice %arg8[%dma_wait3A, %dma_wait3A_55] : memref<16x128xi32, #tpu.memory_space<vmem>> -> memref<1x128xi32, #tpu.memory_space<vmem>>
      %dma_wait3A_57 = tpu.memref_squeeze %dma_wait3A_56 : memref<1x128xi32, #tpu.memory_space<vmem>> -> memref<128xi32, #tpu.memory_space<vmem>>
      %dma_wait3A_58 = arith.constant 0 : i32
      %dma_wait3A_59 = arith.constant 0 : i32
      %dma_wait3A_60 = tpu.memref_slice %arg2[%dma_wait3A_58, %dma_wait3A_59] : memref<10240x64xi32, #tpu.memory_space<hbm>> -> memref<10240x64xi32, #tpu.memory_space<hbm>>
      %dma_wait3A_61 = tpu.memref_slice %arg14[%dma_wait3A_54] : memref<4x!tpu.dma_semaphore, #tpu.memory_space<semaphore_mem>> -> memref<1x!tpu.dma_semaphore, #tpu.memory_space<semaphore_mem>>
      %dma_wait3A_62 = tpu.memref_squeeze %dma_wait3A_61 : memref<1x!tpu.dma_semaphore, #tpu.memory_space<semaphore_mem>> -> memref<!tpu.dma_semaphore, #tpu.memory_space<semaphore_mem>>
      tpu.wait_indirect_dma semaphore(%dma_wait3A_62 : memref<!tpu.dma_semaphore, #tpu.memory_space<semaphore_mem>>) src(%dma_wait3A_60 : memref<10240x64xi32, #tpu.memory_space<hbm>>) dst(%arg11 : memref<128x64xi32, #tpu.memory_space<vmem>>)
      %scan3A_63 = arith.constant 0 : i32
      %scan3A_64 = arith.constant 128 : i32
      %scan3A_65 = arith.addi %scan3A_63, %scan3A_64 : i32
      %scan3A_66 = arith.constant 1 : i32
      scf.for %scan3A_757 = %scan3A_63 to %scan3A_65 step %scan3A_66  : i32 {
        %mul3A_758 = arith.constant 1 : i32
        %mul3A_759 = arith.muli %scan3A_757, %mul3A_758 : i32
        %add3A_760 = arith.constant 0 : i32
        %add3A_761 = arith.addi %add3A_760, %mul3A_759 : i32
        %broadcast_in_dim3A_762 = arith.constant 0 : i32
        %broadcast_in_dim3A_763 = vector.broadcast %broadcast_in_dim3A_762 : i32 to vector<16xi32>
        %broadcast_in_dim3A_764 = vector.broadcast %add3A_761 : i32 to vector<16xi32>
        %gather3A = tpu.vector_load_idx %arg10[%broadcast_in_dim3A_763, %broadcast_in_dim3A_764] : memref<16x128xf32, #tpu.memory_space<vmem>>[vector<16xi32>, vector<16xi32>], vector<16xf32>,
        %get3A = arith.index_cast %add3A_761 : i32 to index
        %get3A_765 = arith.constant 0 : index
        %get3A_766 = tpu.vector_load %arg11[%get3A, %get3A_765] {strides = array<i32>} : memref<128x64xi32, #tpu.memory_space<vmem>>, vector<16xi32>,
        %bitcast3A = vector.bitcast %get3A_766 : vector<16xi32> to vector<32xbf16>
        %unpack3A = tpu.unpack_subelements %bitcast3A, 0 {pack_format = #tpu.pack_format<interleaved>} : vector<32xbf16> -> vector<16xf32>
        %unpack3A_767 = tpu.unpack_subelements %bitcast3A, 1 {pack_format = #tpu.pack_format<interleaved>} : vector<32xbf16> -> vector<16xf32>
        %mul3A_768 = arith.mulf %unpack3A, %gather3A : vector<16xf32>
        %swap3A = arith.index_cast %add3A_761 : i32 to index
        %swap3A_769 = arith.constant 0 : index
        %swap3A_770 = tpu.vector_load %arg13[%swap3A, %swap3A_769] {strides = array<i32>} : memref<128x128xf32, #tpu.memory_space<vmem>>, vector<16xf32>,
        tpu.vector_store %arg13[%swap3A, %swap3A_769], %mul3A_768 {strides = array<i32>} : memref<128x128xf32, #tpu.memory_space<vmem>>, vector<16xf32>,
        %mul3A_771 = arith.mulf %unpack3A_767, %gather3A : vector<16xf32>
        %swap3A_772 = arith.index_cast %add3A_761 : i32 to index
        %swap3A_773 = arith.constant 16 : index
        %swap3A_774 = tpu.vector_load %arg13[%swap3A_772, %swap3A_773] {strides = array<i32>} : memref<128x128xf32, #tpu.memory_space<vmem>>, vector<16xf32>,
        tpu.vector_store %arg13[%swap3A_772, %swap3A_773], %mul3A_771 {strides = array<i32>} : memref<128x128xf32, #tpu.memory_space<vmem>>, vector<16xf32>,
        %get3A_775 = arith.index_cast %add3A_761 : i32 to index
        %get3A_776 = arith.constant 16 : index
        %get3A_777 = tpu.vector_load %arg11[%get3A_775, %get3A_776] {strides = array<i32>} : memref<128x64xi32, #tpu.memory_space<vmem>>, vector<16xi32>,
        %bitcast3A_778 = vector.bitcast %get3A_777 : vector<16xi32> to vector<32xbf16>
        %unpack3A_779 = tpu.unpack_subelements %bitcast3A_778, 0 {pack_format = #tpu.pack_format<interleaved>} : vector<32xbf16> -> vector<16xf32>
        %unpack3A_780 = tpu.unpack_subelements %bitcast3A_778, 1 {pack_format = #tpu.pack_format<interleaved>} : vector<32xbf16> -> vector<16xf32>
        %mul3A_781 = arith.mulf %unpack3A_779, %gather3A : vector<16xf32>
        %swap3A_782 = arith.index_cast %add3A_761 : i32 to index
        %swap3A_783 = arith.constant 32 : index
        %swap3A_784 = tpu.vector_load %arg13[%swap3A_782, %swap3A_783] {strides = array<i32>} : memref<128x128xf32, #tpu.memory_space<vmem>>, vector<16xf32>,
        tpu.vector_store %arg13[%swap3A_782, %swap3A_783], %mul3A_781 {strides = array<i32>} : memref<128x128xf32, #tpu.memory_space<vmem>>, vector<16xf32>,
        %mul3A_785 = arith.mulf %unpack3A_780, %gather3A : vector<16xf32>
        %swap3A_786 = arith.index_cast %add3A_761 : i32 to index
        %swap3A_787 = arith.constant 48 : index
        %swap3A_788 = tpu.vector_load %arg13[%swap3A_786, %swap3A_787] {strides = array<i32>} : memref<128x128xf32, #tpu.memory_space<vmem>>, vector<16xf32>,
        tpu.vector_store %arg13[%swap3A_786, %swap3A_787], %mul3A_785 {strides = array<i32>} : memref<128x128xf32, #tpu.memory_space<vmem>>, vector<16xf32>,
        %get3A_789 = arith.index_cast %add3A_761 : i32 to index
        %get3A_790 = arith.constant 32 : index
        %get3A_791 = tpu.vector_load %arg11[%get3A_789, %get3A_790] {strides = array<i32>} : memref<128x64xi32, #tpu.memory_space<vmem>>, vector<16xi32>,
        %bitcast3A_792 = vector.bitcast %get3A_791 : vector<16xi32> to vector<32xbf16>
        %unpack3A_793 = tpu.unpack_subelements %bitcast3A_792, 0 {pack_format = #tpu.pack_format<interleaved>} : vector<32xbf16> -> vector<16xf32>
        %unpack3A_794 = tpu.unpack_subelements %bitcast3A_792, 1 {pack_format = #tpu.pack_format<interleaved>} : vector<32xbf16> -> vector<16xf32>
        %mul3A_795 = arith.mulf %unpack3A_793, %gather3A : vector<16xf32>
        %swap3A_796 = arith.index_cast %add3A_761 : i32 to index
        %swap3A_797 = arith.constant 64 : index
        %swap3A_798 = tpu.vector_load %arg13[%swap3A_796, %swap3A_797] {strides = array<i32>} : memref<128x128xf32, #tpu.memory_space<vmem>>, vector<16xf32>,
        tpu.vector_store %arg13[%swap3A_796, %swap3A_797], %mul3A_795 {strides = array<i32>} : memref<128x128xf32, #tpu.memory_space<vmem>>, vector<16xf32>,
        %mul3A_799 = arith.mulf %unpack3A_794, %gather3A : vector<16xf32>
        %swap3A_800 = arith.index_cast %add3A_761 : i32 to index
        %swap3A_801 = arith.constant 80 : index
        %swap3A_802 = tpu.vector_load %arg13[%swap3A_800, %swap3A_801] {strides = array<i32>} : memref<128x128xf32, #tpu.memory_space<vmem>>, vector<16xf32>,
        tpu.vector_store %arg13[%swap3A_800, %swap3A_801], %mul3A_799 {strides = array<i32>} : memref<128x128xf32, #tpu.memory_space<vmem>>, vector<16xf32>,
        %get3A_803 = arith.index_cast %add3A_761 : i32 to index
        %get3A_804 = arith.constant 48 : index
        %get3A_805 = tpu.vector_load %arg11[%get3A_803, %get3A_804] {strides = array<i32>} : memref<128x64xi32, #tpu.memory_space<vmem>>, vector<16xi32>,
        %bitcast3A_806 = vector.bitcast %get3A_805 : vector<16xi32> to vector<32xbf16>
        %unpack3A_807 = tpu.unpack_subelements %bitcast3A_806, 0 {pack_format = #tpu.pack_format<interleaved>} : vector<32xbf16> -> vector<16xf32>
        %unpack3A_808 = tpu.unpack_subelements %bitcast3A_806, 1 {pack_format = #tpu.pack_format<interleaved>} : vector<32xbf16> -> vector<16xf32>
        %mul3A_809 = arith.mulf %unpack3A_807, %gather3A : vector<16xf32>
        %swap3A_810 = arith.index_cast %add3A_761 : i32 to index
        %swap3A_811 = arith.constant 96 : index
        %swap3A_812 = tpu.vector_load %arg13[%swap3A_810, %swap3A_811] {strides = array<i32>} : memref<128x128xf32, #tpu.memory_space<vmem>>, vector<16xf32>,
        tpu.vector_store %arg13[%swap3A_810, %swap3A_811], %mul3A_809 {strides = array<i32>} : memref<128x128xf32, #tpu.memory_space<vmem>>, vector<16xf32>,
        %mul3A_813 = arith.mulf %unpack3A_808, %gather3A : vector<16xf32>
        %swap3A_814 = arith.index_cast %add3A_761 : i32 to index
        %swap3A_815 = arith.constant 112 : index
        %swap3A_816 = tpu.vector_load %arg13[%swap3A_814, %swap3A_815] {strides = array<i32>} : memref<128x128xf32, #tpu.memory_space<vmem>>, vector<16xf32>,
        tpu.vector_store %arg13[%swap3A_814, %swap3A_815], %mul3A_813 {strides = array<i32>} : memref<128x128xf32, #tpu.memory_space<vmem>>, vector<16xf32>,
      }
      %scan3A_67 = arith.constant 128 : i32
      %dma_start3A_68 = arith.constant 0 : i32
      %dma_start3A_69 = arith.constant 0 : i32
      %dma_start3A_70 = arith.constant 0 : i32
      %dma_start3A_71 = tpu.memref_slice %arg9[%dma_start3A_68, %dma_start3A_70] : memref<16x128xi32, #tpu.memory_space<vmem>> -> memref<1x128xi32, #tpu.memory_space<vmem>>
      %dma_start3A_72 = tpu.memref_squeeze %dma_start3A_71 : memref<1x128xi32, #tpu.memory_space<vmem>> -> memref<128xi32, #tpu.memory_space<vmem>>
      %dma_start3A_73 = arith.constant 0 : i32
      %dma_start3A_74 = arith.constant 0 : i32
      %dma_start3A_75 = tpu.memref_slice %arg7[%dma_start3A_73, %dma_start3A_74] : memref<10240x128xf32, #tpu.memory_space<vmem_shared>> -> memref<10240x128xf32, #tpu.memory_space<vmem_shared>>
      %dma_start3A_76 = tpu.memref_slice %arg15[%dma_start3A_69] : memref<2x!tpu.dma_semaphore, #tpu.memory_space<semaphore_mem>> -> memref<1x!tpu.dma_semaphore, #tpu.memory_space<semaphore_mem>>
      %dma_start3A_77 = tpu.memref_squeeze %dma_start3A_76 : memref<1x!tpu.dma_semaphore, #tpu.memory_space<semaphore_mem>> -> memref<!tpu.dma_semaphore, #tpu.memory_space<semaphore_mem>>
      tpu.enqueue_indirect_dma source(%arg13 : memref<128x128xf32, #tpu.memory_space<vmem>>) target(%dma_start3A_75 : memref<10240x128xf32, #tpu.memory_space<vmem_shared>>) offsets(%dma_start3A_72 : memref<128xi32, #tpu.memory_space<vmem>>) semaphore(%dma_start3A_77 : memref<!tpu.dma_semaphore, #tpu.memory_space<semaphore_mem>>) {add = true}
      %dma_start3A_78 = arith.constant 2 : i32
      %dma_start3A_79 = arith.constant 0 : i32
      %dma_start3A_80 = arith.constant 0 : i32
      %dma_start3A_81 = tpu.memref_slice %arg8[%dma_start3A_78, %dma_start3A_80] : memref<16x128xi32, #tpu.memory_space<vmem>> -> memref<1x128xi32, #tpu.memory_space<vmem>>
      %dma_start3A_82 = tpu.memref_squeeze %dma_start3A_81 : memref<1x128xi32, #tpu.memory_space<vmem>> -> memref<128xi32, #tpu.memory_space<vmem>>
      %dma_start3A_83 = arith.constant 0 : i32
      %dma_start3A_84 = arith.constant 0 : i32
      %dma_start3A_85 = tpu.memref_slice %arg2[%dma_start3A_83, %dma_start3A_84] : memref<10240x64xi32, #tpu.memory_space<hbm>> -> memref<10240x64xi32, #tpu.memory_space<hbm>>
      %dma_start3A_86 = tpu.memref_slice %arg14[%dma_start3A_79] : memref<4x!tpu.dma_semaphore, #tpu.memory_space<semaphore_mem>> -> memref<1x!tpu.dma_semaphore, #tpu.memory_space<semaphore_mem>>
      %dma_start3A_87 = tpu.memref_squeeze %dma_start3A_86 : memref<1x!tpu.dma_semaphore, #tpu.memory_space<semaphore_mem>> -> memref<!tpu.dma_semaphore, #tpu.memory_space<semaphore_mem>>
      tpu.enqueue_indirect_dma source(%dma_start3A_85 : memref<10240x64xi32, #tpu.memory_space<hbm>>) target(%arg11 : memref<128x64xi32, #tpu.memory_space<vmem>>) offsets(%dma_start3A_82 : memref<128xi32, #tpu.memory_space<vmem>>) semaphore(%dma_start3A_87 : memref<!tpu.dma_semaphore, #tpu.memory_space<semaphore_mem>>)
      %dma_wait3A_88 = arith.constant 0 : i32
      %dma_wait3A_89 = arith.constant 0 : i32
      %dma_wait3A_90 = arith.constant 0 : i32
      %dma_wait3A_91 = tpu.memref_slice %arg9[%dma_wait3A_88, %dma_wait3A_90] : memref<16x128xi32, #tpu.memory_space<vmem>> -> memref<1x128xi32, #tpu.memory_space<vmem>>
      %dma_wait3A_92 = tpu.memref_squeeze %dma_wait3A_91 : memref<1x128xi32, #tpu.memory_space<vmem>> -> memref<128xi32, #tpu.memory_space<vmem>>
      %dma_wait3A_93 = arith.constant 0 : i32
      %dma_wait3A_94 = arith.constant 0 : i32
      %dma_wait3A_95 = tpu.memref_slice %arg7[%dma_wait3A_93, %dma_wait3A_94] : memref<10240x128xf32, #tpu.memory_space<vmem_shared>> -> memref<10240x128xf32, #tpu.memory_space<vmem_shared>>
      %dma_wait3A_96 = tpu.memref_slice %arg15[%dma_wait3A_89] : memref<2x!tpu.dma_semaphore, #tpu.memory_space<semaphore_mem>> -> memref<1x!tpu.dma_semaphore, #tpu.memory_space<semaphore_mem>>
      %dma_wait3A_97 = tpu.memref_squeeze %dma_wait3A_96 : memref<1x!tpu.dma_semaphore, #tpu.memory_space<semaphore_mem>> -> memref<!tpu.dma_semaphore, #tpu.memory_space<semaphore_mem>>
      tpu.wait_indirect_dma semaphore(%dma_wait3A_97 : memref<!tpu.dma_semaphore, #tpu.memory_space<semaphore_mem>>) src(%arg13 : memref<128x128xf32, #tpu.memory_space<vmem>>) dst(%dma_wait3A_95 : memref<10240x128xf32, #tpu.memory_space<vmem_shared>>)
      %dma_wait3A_98 = arith.constant 1 : i32
      %dma_wait3A_99 = arith.constant 1 : i32
      %dma_wait3A_100 = arith.constant 0 : i32
      %dma_wait3A_101 = tpu.memref_slice %arg8[%dma_wait3A_98, %dma_wait3A_100] : memref<16x128xi32, #tpu.memory_space<vmem>> -> memref<1x128xi32, #tpu.memory_space<vmem>>
      %dma_wait3A_102 = tpu.memref_squeeze %dma_wait3A_101 : memref<1x128xi32, #tpu.memory_space<vmem>> -> memref<128xi32, #tpu.memory_space<vmem>>
      %dma_wait3A_103 = arith.constant 0 : i32
      %dma_wait3A_104 = arith.constant 0 : i32
      %dma_wait3A_105 = tpu.memref_slice %arg2[%dma_wait3A_103, %dma_wait3A_104] : memref<10240x64xi32, #tpu.memory_space<hbm>> -> memref<10240x64xi32, #tpu.memory_space<hbm>>
      %dma_wait3A_106 = tpu.memref_slice %arg14[%dma_wait3A_99] : memref<4x!tpu.dma_semaphore, #tpu.memory_space<semaphore_mem>> -> memref<1x!tpu.dma_semaphore, #tpu.memory_space<semaphore_mem>>
      %dma_wait3A_107 = tpu.memref_squeeze %dma_wait3A_106 : memref<1x!tpu.dma_semaphore, #tpu.memory_space<semaphore_mem>> -> memref<!tpu.dma_semaphore, #tpu.memory_space<semaphore_mem>>
      tpu.wait_indirect_dma semaphore(%dma_wait3A_107 : memref<!tpu.dma_semaphore, #tpu.memory_space<semaphore_mem>>) src(%dma_wait3A_105 : memref<10240x64xi32, #tpu.memory_space<hbm>>) dst(%arg12 : memref<128x64xi32, #tpu.memory_space<vmem>>)
      %scan3A_108 = arith.constant 0 : i32
      %scan3A_109 = arith.constant 128 : i32
      %scan3A_110 = arith.addi %scan3A_108, %scan3A_109 : i32
      %scan3A_111 = arith.constant 1 : i32
      scf.for %scan3A_757 = %scan3A_108 to %scan3A_110 step %scan3A_111  : i32 {
        %mul3A_758 = arith.constant 1 : i32
        %mul3A_759 = arith.muli %scan3A_757, %mul3A_758 : i32
        %add3A_760 = arith.constant 0 : i32
        %add3A_761 = arith.addi %add3A_760, %mul3A_759 : i32
        %broadcast_in_dim3A_762 = arith.constant 1 : i32
        %broadcast_in_dim3A_763 = vector.broadcast %broadcast_in_dim3A_762 : i32 to vector<16xi32>
        %broadcast_in_dim3A_764 = vector.broadcast %add3A_761 : i32 to vector<16xi32>
        %gather3A = tpu.vector_load_idx %arg10[%broadcast_in_dim3A_763, %broadcast_in_dim3A_764] : memref<16x128xf32, #tpu.memory_space<vmem>>[vector<16xi32>, vector<16xi32>], vector<16xf32>,
        %get3A = arith.index_cast %add3A_761 : i32 to index
        %get3A_765 = arith.constant 0 : index
        %get3A_766 = tpu.vector_load %arg12[%get3A, %get3A_765] {strides = array<i32>} : memref<128x64xi32, #tpu.memory_space<vmem>>, vector<16xi32>,
        %bitcast3A = vector.bitcast %get3A_766 : vector<16xi32> to vector<32xbf16>
        %unpack3A = tpu.unpack_subelements %bitcast3A, 0 {pack_format = #tpu.pack_format<interleaved>} : vector<32xbf16> -> vector<16xf32>
        %unpack3A_767 = tpu.unpack_subelements %bitcast3A, 1 {pack_format = #tpu.pack_format<interleaved>} : vector<32xbf16> -> vector<16xf32>
        %mul3A_768 = arith.mulf %unpack3A, %gather3A : vector<16xf32>
        %swap3A = arith.index_cast %add3A_761 : i32 to index
        %swap3A_769 = arith.constant 0 : index
        %swap3A_770 = tpu.vector_load %arg13[%swap3A, %swap3A_769] {strides = array<i32>} : memref<128x128xf32, #tpu.memory_space<vmem>>, vector<16xf32>,
        tpu.vector_store %arg13[%swap3A, %swap3A_769], %mul3A_768 {strides = array<i32>} : memref<128x128xf32, #tpu.memory_space<vmem>>, vector<16xf32>,
        %mul3A_771 = arith.mulf %unpack3A_767, %gather3A : vector<16xf32>
        %swap3A_772 = arith.index_cast %add3A_761 : i32 to index
        %swap3A_773 = arith.constant 16 : index
        %swap3A_774 = tpu.vector_load %arg13[%swap3A_772, %swap3A_773] {strides = array<i32>} : memref<128x128xf32, #tpu.memory_space<vmem>>, vector<16xf32>,
        tpu.vector_store %arg13[%swap3A_772, %swap3A_773], %mul3A_771 {strides = array<i32>} : memref<128x128xf32, #tpu.memory_space<vmem>>, vector<16xf32>,
        %get3A_775 = arith.index_cast %add3A_761 : i32 to index
        %get3A_776 = arith.constant 16 : index
        %get3A_777 = tpu.vector_load %arg12[%get3A_775, %get3A_776] {strides = array<i32>} : memref<128x64xi32, #tpu.memory_space<vmem>>, vector<16xi32>,
        %bitcast3A_778 = vector.bitcast %get3A_777 : vector<16xi32> to vector<32xbf16>
        %unpack3A_779 = tpu.unpack_subelements %bitcast3A_778, 0 {pack_format = #tpu.pack_format<interleaved>} : vector<32xbf16> -> vector<16xf32>
        %unpack3A_780 = tpu.unpack_subelements %bitcast3A_778, 1 {pack_format = #tpu.pack_format<interleaved>} : vector<32xbf16> -> vector<16xf32>
        %mul3A_781 = arith.mulf %unpack3A_779, %gather3A : vector<16xf32>
        %swap3A_782 = arith.index_cast %add3A_761 : i32 to index
        %swap3A_783 = arith.constant 32 : index
        %swap3A_784 = tpu.vector_load %arg13[%swap3A_782, %swap3A_783] {strides = array<i32>} : memref<128x128xf32, #tpu.memory_space<vmem>>, vector<16xf32>,
        tpu.vector_store %arg13[%swap3A_782, %swap3A_783], %mul3A_781 {strides = array<i32>} : memref<128x128xf32, #tpu.memory_space<vmem>>, vector<16xf32>,
        %mul3A_785 = arith.mulf %unpack3A_780, %gather3A : vector<16xf32>
        %swap3A_786 = arith.index_cast %add3A_761 : i32 to index
        %swap3A_787 = arith.constant 48 : index
        %swap3A_788 = tpu.vector_load %arg13[%swap3A_786, %swap3A_787] {strides = array<i32>} : memref<128x128xf32, #tpu.memory_space<vmem>>, vector<16xf32>,
        tpu.vector_store %arg13[%swap3A_786, %swap3A_787], %mul3A_785 {strides = array<i32>} : memref<128x128xf32, #tpu.memory_space<vmem>>, vector<16xf32>,
        %get3A_789 = arith.index_cast %add3A_761 : i32 to index
        %get3A_790 = arith.constant 32 : index
        %get3A_791 = tpu.vector_load %arg12[%get3A_789, %get3A_790] {strides = array<i32>} : memref<128x64xi32, #tpu.memory_space<vmem>>, vector<16xi32>,
        %bitcast3A_792 = vector.bitcast %get3A_791 : vector<16xi32> to vector<32xbf16>
        %unpack3A_793 = tpu.unpack_subelements %bitcast3A_792, 0 {pack_format = #tpu.pack_format<interleaved>} : vector<32xbf16> -> vector<16xf32>
        %unpack3A_794 = tpu.unpack_subelements %bitcast3A_792, 1 {pack_format = #tpu.pack_format<interleaved>} : vector<32xbf16> -> vector<16xf32>
        %mul3A_795 = arith.mulf %unpack3A_793, %gather3A : vector<16xf32>
        %swap3A_796 = arith.index_cast %add3A_761 : i32 to index
        %swap3A_797 = arith.constant 64 : index
        %swap3A_798 = tpu.vector_load %arg13[%swap3A_796, %swap3A_797] {strides = array<i32>} : memref<128x128xf32, #tpu.memory_space<vmem>>, vector<16xf32>,
        tpu.vector_store %arg13[%swap3A_796, %swap3A_797], %mul3A_795 {strides = array<i32>} : memref<128x128xf32, #tpu.memory_space<vmem>>, vector<16xf32>,
        %mul3A_799 = arith.mulf %unpack3A_794, %gather3A : vector<16xf32>
        %swap3A_800 = arith.index_cast %add3A_761 : i32 to index
        %swap3A_801 = arith.constant 80 : index
        %swap3A_802 = tpu.vector_load %arg13[%swap3A_800, %swap3A_801] {strides = array<i32>} : memref<128x128xf32, #tpu.memory_space<vmem>>, vector<16xf32>,
        tpu.vector_store %arg13[%swap3A_800, %swap3A_801], %mul3A_799 {strides = array<i32>} : memref<128x128xf32, #tpu.memory_space<vmem>>, vector<16xf32>,
        %get3A_803 = arith.index_cast %add3A_761 : i32 to index
        %get3A_804 = arith.constant 48 : index
        %get3A_805 = tpu.vector_load %arg12[%get3A_803, %get3A_804] {strides = array<i32>} : memref<128x64xi32, #tpu.memory_space<vmem>>, vector<16xi32>,
        %bitcast3A_806 = vector.bitcast %get3A_805 : vector<16xi32> to vector<32xbf16>
        %unpack3A_807 = tpu.unpack_subelements %bitcast3A_806, 0 {pack_format = #tpu.pack_format<interleaved>} : vector<32xbf16> -> vector<16xf32>
        %unpack3A_808 = tpu.unpack_subelements %bitcast3A_806, 1 {pack_format = #tpu.pack_format<interleaved>} : vector<32xbf16> -> vector<16xf32>
        %mul3A_809 = arith.mulf %unpack3A_807, %gather3A : vector<16xf32>
        %swap3A_810 = arith.index_cast %add3A_761 : i32 to index
        %swap3A_811 = arith.constant 96 : index
        %swap3A_812 = tpu.vector_load %arg13[%swap3A_810, %swap3A_811] {strides = array<i32>} : memref<128x128xf32, #tpu.memory_space<vmem>>, vector<16xf32>,
        tpu.vector_store %arg13[%swap3A_810, %swap3A_811], %mul3A_809 {strides = array<i32>} : memref<128x128xf32, #tpu.memory_space<vmem>>, vector<16xf32>,
        %mul3A_813 = arith.mulf %unpack3A_808, %gather3A : vector<16xf32>
        %swap3A_814 = arith.index_cast %add3A_761 : i32 to index
        %swap3A_815 = arith.constant 112 : index
        %swap3A_816 = tpu.vector_load %arg13[%swap3A_814, %swap3A_815] {strides = array<i32>} : memref<128x128xf32, #tpu.memory_space<vmem>>, vector<16xf32>,
        tpu.vector_store %arg13[%swap3A_814, %swap3A_815], %mul3A_813 {strides = array<i32>} : memref<128x128xf32, #tpu.memory_space<vmem>>, vector<16xf32>,
      }
      %scan3A_112 = arith.constant 128 : i32
      %dma_start3A_113 = arith.constant 1 : i32
      %dma_start3A_114 = arith.constant 0 : i32
      %dma_start3A_115 = arith.constant 0 : i32
      %dma_start3A_116 = tpu.memref_slice %arg9[%dma_start3A_113, %dma_start3A_115] : memref<16x128xi32, #tpu.memory_space<vmem>> -> memref<1x128xi32, #tpu.memory_space<vmem>>
      %dma_start3A_117 = tpu.memref_squeeze %dma_start3A_116 : memref<1x128xi32, #tpu.memory_space<vmem>> -> memref<128xi32, #tpu.memory_space<vmem>>
      %dma_start3A_118 = arith.constant 0 : i32
      %dma_start3A_119 = arith.constant 0 : i32
      %dma_start3A_120 = tpu.memref_slice %arg7[%dma_start3A_118, %dma_start3A_119] : memref<10240x128xf32, #tpu.memory_space<vmem_shared>> -> memref<10240x128xf32, #tpu.memory_space<vmem_shared>>
      %dma_start3A_121 = tpu.memref_slice %arg15[%dma_start3A_114] : memref<2x!tpu.dma_semaphore, #tpu.memory_space<semaphore_mem>> -> memref<1x!tpu.dma_semaphore, #tpu.memory_space<semaphore_mem>>
      %dma_start3A_122 = tpu.memref_squeeze %dma_start3A_121 : memref<1x!tpu.dma_semaphore, #tpu.memory_space<semaphore_mem>> -> memref<!tpu.dma_semaphore, #tpu.memory_space<semaphore_mem>>
      tpu.enqueue_indirect_dma source(%arg13 : memref<128x128xf32, #tpu.memory_space<vmem>>) target(%dma_start3A_120 : memref<10240x128xf32, #tpu.memory_space<vmem_shared>>) offsets(%dma_start3A_117 : memref<128xi32, #tpu.memory_space<vmem>>) semaphore(%dma_start3A_122 : memref<!tpu.dma_semaphore, #tpu.memory_space<semaphore_mem>>) {add = true}
      %dma_start3A_123 = arith.constant 3 : i32
      %dma_start3A_124 = arith.constant 1 : i32
      %dma_start3A_125 = arith.constant 0 : i32
      %dma_start3A_126 = tpu.memref_slice %arg8[%dma_start3A_123, %dma_start3A_125] : memref<16x128xi32, #tpu.memory_space<vmem>> -> memref<1x128xi32, #tpu.memory_space<vmem>>
      %dma_start3A_127 = tpu.memref_squeeze %dma_start3A_126 : memref<1x128xi32, #tpu.memory_space<vmem>> -> memref<128xi32, #tpu.memory_space<vmem>>
      %dma_start3A_128 = arith.constant 0 : i32
      %dma_start3A_129 = arith.constant 0 : i32
      %dma_start3A_130 = tpu.memref_slice %arg2[%dma_start3A_128, %dma_start3A_129] : memref<10240x64xi32, #tpu.memory_space<hbm>> -> memref<10240x64xi32, #tpu.memory_space<hbm>>
      %dma_start3A_131 = tpu.memref_slice %arg14[%dma_start3A_124] : memref<4x!tpu.dma_semaphore, #tpu.memory_space<semaphore_mem>> -> memref<1x!tpu.dma_semaphore, #tpu.memory_space<semaphore_mem>>
      %dma_start3A_132 = tpu.memref_squeeze %dma_start3A_131 : memref<1x!tpu.dma_semaphore, #tpu.memory_space<semaphore_mem>> -> memref<!tpu.dma_semaphore, #tpu.memory_space<semaphore_mem>>
      tpu.enqueue_indirect_dma source(%dma_start3A_130 : memref<10240x64xi32, #tpu.memory_space<hbm>>) target(%arg12 : memref<128x64xi32, #tpu.memory_space<vmem>>) offsets(%dma_start3A_127 : memref<128xi32, #tpu.memory_space<vmem>>) semaphore(%dma_start3A_132 : memref<!tpu.dma_semaphore, #tpu.memory_space<semaphore_mem>>)
      %dma_wait3A_133 = arith.constant 1 : i32
      %dma_wait3A_134 = arith.constant 0 : i32
      %dma_wait3A_135 = arith.constant 0 : i32
      %dma_wait3A_136 = tpu.memref_slice %arg9[%dma_wait3A_133, %dma_wait3A_135] : memref<16x128xi32, #tpu.memory_space<vmem>> -> memref<1x128xi32, #tpu.memory_space<vmem>>
      %dma_wait3A_137 = tpu.memref_squeeze %dma_wait3A_136 : memref<1x128xi32, #tpu.memory_space<vmem>> -> memref<128xi32, #tpu.memory_space<vmem>>
      %dma_wait3A_138 = arith.constant 0 : i32
      %dma_wait3A_139 = arith.constant 0 : i32
      %dma_wait3A_140 = tpu.memref_slice %arg7[%dma_wait3A_138, %dma_wait3A_139] : memref<10240x128xf32, #tpu.memory_space<vmem_shared>> -> memref<10240x128xf32, #tpu.memory_space<vmem_shared>>
      %dma_wait3A_141 = tpu.memref_slice %arg15[%dma_wait3A_134] : memref<2x!tpu.dma_semaphore, #tpu.memory_space<semaphore_mem>> -> memref<1x!tpu.dma_semaphore, #tpu.memory_space<semaphore_mem>>
      %dma_wait3A_142 = tpu.memref_squeeze %dma_wait3A_141 : memref<1x!tpu.dma_semaphore, #tpu.memory_space<semaphore_mem>> -> memref<!tpu.dma_semaphore, #tpu.memory_space<semaphore_mem>>
      tpu.wait_indirect_dma semaphore(%dma_wait3A_142 : memref<!tpu.dma_semaphore, #tpu.memory_space<semaphore_mem>>) src(%arg13 : memref<128x128xf32, #tpu.memory_space<vmem>>) dst(%dma_wait3A_140 : memref<10240x128xf32, #tpu.memory_space<vmem_shared>>)
      %dma_wait3A_143 = arith.constant 2 : i32
      %dma_wait3A_144 = arith.constant 0 : i32
      %dma_wait3A_145 = arith.constant 0 : i32
      %dma_wait3A_146 = tpu.memref_slice %arg8[%dma_wait3A_143, %dma_wait3A_145] : memref<16x128xi32, #tpu.memory_space<vmem>> -> memref<1x128xi32, #tpu.memory_space<vmem>>
      %dma_wait3A_147 = tpu.memref_squeeze %dma_wait3A_146 : memref<1x128xi32, #tpu.memory_space<vmem>> -> memref<128xi32, #tpu.memory_space<vmem>>
      %dma_wait3A_148 = arith.constant 0 : i32
      %dma_wait3A_149 = arith.constant 0 : i32
      %dma_wait3A_150 = tpu.memref_slice %arg2[%dma_wait3A_148, %dma_wait3A_149] : memref<10240x64xi32, #tpu.memory_space<hbm>> -> memref<10240x64xi32, #tpu.memory_space<hbm>>
      %dma_wait3A_151 = tpu.memref_slice %arg14[%dma_wait3A_144] : memref<4x!tpu.dma_semaphore, #tpu.memory_space<semaphore_mem>> -> memref<1x!tpu.dma_semaphore, #tpu.memory_space<semaphore_mem>>
      %dma_wait3A_152 = tpu.memref_squeeze %dma_wait3A_151 : memref<1x!tpu.dma_semaphore, #tpu.memory_space<semaphore_mem>> -> memref<!tpu.dma_semaphore, #tpu.memory_space<semaphore_mem>>
      tpu.wait_indirect_dma semaphore(%dma_wait3A_152 : memref<!tpu.dma_semaphore, #tpu.memory_space<semaphore_mem>>) src(%dma_wait3A_150 : memref<10240x64xi32, #tpu.memory_space<hbm>>) dst(%arg11 : memref<128x64xi32, #tpu.memory_space<vmem>>)
      %scan3A_153 = arith.constant 0 : i32
      %scan3A_154 = arith.constant 128 : i32
      %scan3A_155 = arith.addi %scan3A_153, %scan3A_154 : i32
      %scan3A_156 = arith.constant 1 : i32
      scf.for %scan3A_757 = %scan3A_153 to %scan3A_155 step %scan3A_156  : i32 {
        %mul3A_758 = arith.constant 1 : i32
        %mul3A_759 = arith.muli %scan3A_757, %mul3A_758 : i32
        %add3A_760 = arith.constant 0 : i32
        %add3A_761 = arith.addi %add3A_760, %mul3A_759 : i32
        %broadcast_in_dim3A_762 = arith.constant 2 : i32
        %broadcast_in_dim3A_763 = vector.broadcast %broadcast_in_dim3A_762 : i32 to vector<16xi32>
        %broadcast_in_dim3A_764 = vector.broadcast %add3A_761 : i32 to vector<16xi32>
        %gather3A = tpu.vector_load_idx %arg10[%broadcast_in_dim3A_763, %broadcast_in_dim3A_764] : memref<16x128xf32, #tpu.memory_space<vmem>>[vector<16xi32>, vector<16xi32>], vector<16xf32>,
        %get3A = arith.index_cast %add3A_761 : i32 to index
        %get3A_765 = arith.constant 0 : index
        %get3A_766 = tpu.vector_load %arg11[%get3A, %get3A_765] {strides = array<i32>} : memref<128x64xi32, #tpu.memory_space<vmem>>, vector<16xi32>,
        %bitcast3A = vector.bitcast %get3A_766 : vector<16xi32> to vector<32xbf16>
        %unpack3A = tpu.unpack_subelements %bitcast3A, 0 {pack_format = #tpu.pack_format<interleaved>} : vector<32xbf16> -> vector<16xf32>
        %unpack3A_767 = tpu.unpack_subelements %bitcast3A, 1 {pack_format = #tpu.pack_format<interleaved>} : vector<32xbf16> -> vector<16xf32>
        %mul3A_768 = arith.mulf %unpack3A, %gather3A : vector<16xf32>
        %swap3A = arith.index_cast %add3A_761 : i32 to index
        %swap3A_769 = arith.constant 0 : index
        %swap3A_770 = tpu.vector_load %arg13[%swap3A, %swap3A_769] {strides = array<i32>} : memref<128x128xf32, #tpu.memory_space<vmem>>, vector<16xf32>,
        tpu.vector_store %arg13[%swap3A, %swap3A_769], %mul3A_768 {strides = array<i32>} : memref<128x128xf32, #tpu.memory_space<vmem>>, vector<16xf32>,
        %mul3A_771 = arith.mulf %unpack3A_767, %gather3A : vector<16xf32>
        %swap3A_772 = arith.index_cast %add3A_761 : i32 to index
        %swap3A_773 = arith.constant 16 : index
        %swap3A_774 = tpu.vector_load %arg13[%swap3A_772, %swap3A_773] {strides = array<i32>} : memref<128x128xf32, #tpu.memory_space<vmem>>, vector<16xf32>,
        tpu.vector_store %arg13[%swap3A_772, %swap3A_773], %mul3A_771 {strides = array<i32>} : memref<128x128xf32, #tpu.memory_space<vmem>>, vector<16xf32>,
        %get3A_775 = arith.index_cast %add3A_761 : i32 to index
        %get3A_776 = arith.constant 16 : index
        %get3A_777 = tpu.vector_load %arg11[%get3A_775, %get3A_776] {strides = array<i32>} : memref<128x64xi32, #tpu.memory_space<vmem>>, vector<16xi32>,
        %bitcast3A_778 = vector.bitcast %get3A_777 : vector<16xi32> to vector<32xbf16>
        %unpack3A_779 = tpu.unpack_subelements %bitcast3A_778, 0 {pack_format = #tpu.pack_format<interleaved>} : vector<32xbf16> -> vector<16xf32>
        %unpack3A_780 = tpu.unpack_subelements %bitcast3A_778, 1 {pack_format = #tpu.pack_format<interleaved>} : vector<32xbf16> -> vector<16xf32>
        %mul3A_781 = arith.mulf %unpack3A_779, %gather3A : vector<16xf32>
        %swap3A_782 = arith.index_cast %add3A_761 : i32 to index
        %swap3A_783 = arith.constant 32 : index
        %swap3A_784 = tpu.vector_load %arg13[%swap3A_782, %swap3A_783] {strides = array<i32>} : memref<128x128xf32, #tpu.memory_space<vmem>>, vector<16xf32>,
        tpu.vector_store %arg13[%swap3A_782, %swap3A_783], %mul3A_781 {strides = array<i32>} : memref<128x128xf32, #tpu.memory_space<vmem>>, vector<16xf32>,
        %mul3A_785 = arith.mulf %unpack3A_780, %gather3A : vector<16xf32>
        %swap3A_786 = arith.index_cast %add3A_761 : i32 to index
        %swap3A_787 = arith.constant 48 : index
        %swap3A_788 = tpu.vector_load %arg13[%swap3A_786, %swap3A_787] {strides = array<i32>} : memref<128x128xf32, #tpu.memory_space<vmem>>, vector<16xf32>,
        tpu.vector_store %arg13[%swap3A_786, %swap3A_787], %mul3A_785 {strides = array<i32>} : memref<128x128xf32, #tpu.memory_space<vmem>>, vector<16xf32>,
        %get3A_789 = arith.index_cast %add3A_761 : i32 to index
        %get3A_790 = arith.constant 32 : index
        %get3A_791 = tpu.vector_load %arg11[%get3A_789, %get3A_790] {strides = array<i32>} : memref<128x64xi32, #tpu.memory_space<vmem>>, vector<16xi32>,
        %bitcast3A_792 = vector.bitcast %get3A_791 : vector<16xi32> to vector<32xbf16>
        %unpack3A_793 = tpu.unpack_subelements %bitcast3A_792, 0 {pack_format = #tpu.pack_format<interleaved>} : vector<32xbf16> -> vector<16xf32>
        %unpack3A_794 = tpu.unpack_subelements %bitcast3A_792, 1 {pack_format = #tpu.pack_format<interleaved>} : vector<32xbf16> -> vector<16xf32>
        %mul3A_795 = arith.mulf %unpack3A_793, %gather3A : vector<16xf32>
        %swap3A_796 = arith.index_cast %add3A_761 : i32 to index
        %swap3A_797 = arith.constant 64 : index
        %swap3A_798 = tpu.vector_load %arg13[%swap3A_796, %swap3A_797] {strides = array<i32>} : memref<128x128xf32, #tpu.memory_space<vmem>>, vector<16xf32>,
        tpu.vector_store %arg13[%swap3A_796, %swap3A_797], %mul3A_795 {strides = array<i32>} : memref<128x128xf32, #tpu.memory_space<vmem>>, vector<16xf32>,
        %mul3A_799 = arith.mulf %unpack3A_794, %gather3A : vector<16xf32>
        %swap3A_800 = arith.index_cast %add3A_761 : i32 to index
        %swap3A_801 = arith.constant 80 : index
        %swap3A_802 = tpu.vector_load %arg13[%swap3A_800, %swap3A_801] {strides = array<i32>} : memref<128x128xf32, #tpu.memory_space<vmem>>, vector<16xf32>,
        tpu.vector_store %arg13[%swap3A_800, %swap3A_801], %mul3A_799 {strides = array<i32>} : memref<128x128xf32, #tpu.memory_space<vmem>>, vector<16xf32>,
        %get3A_803 = arith.index_cast %add3A_761 : i32 to index
        %get3A_804 = arith.constant 48 : index
        %get3A_805 = tpu.vector_load %arg11[%get3A_803, %get3A_804] {strides = array<i32>} : memref<128x64xi32, #tpu.memory_space<vmem>>, vector<16xi32>,
        %bitcast3A_806 = vector.bitcast %get3A_805 : vector<16xi32> to vector<32xbf16>
        %unpack3A_807 = tpu.unpack_subelements %bitcast3A_806, 0 {pack_format = #tpu.pack_format<interleaved>} : vector<32xbf16> -> vector<16xf32>
        %unpack3A_808 = tpu.unpack_subelements %bitcast3A_806, 1 {pack_format = #tpu.pack_format<interleaved>} : vector<32xbf16> -> vector<16xf32>
        %mul3A_809 = arith.mulf %unpack3A_807, %gather3A : vector<16xf32>
        %swap3A_810 = arith.index_cast %add3A_761 : i32 to index
        %swap3A_811 = arith.constant 96 : index
        %swap3A_812 = tpu.vector_load %arg13[%swap3A_810, %swap3A_811] {strides = array<i32>} : memref<128x128xf32, #tpu.memory_space<vmem>>, vector<16xf32>,
        tpu.vector_store %arg13[%swap3A_810, %swap3A_811], %mul3A_809 {strides = array<i32>} : memref<128x128xf32, #tpu.memory_space<vmem>>, vector<16xf32>,
        %mul3A_813 = arith.mulf %unpack3A_808, %gather3A : vector<16xf32>
        %swap3A_814 = arith.index_cast %add3A_761 : i32 to index
        %swap3A_815 = arith.constant 112 : index
        %swap3A_816 = tpu.vector_load %arg13[%swap3A_814, %swap3A_815] {strides = array<i32>} : memref<128x128xf32, #tpu.memory_space<vmem>>, vector<16xf32>,
        tpu.vector_store %arg13[%swap3A_814, %swap3A_815], %mul3A_813 {strides = array<i32>} : memref<128x128xf32, #tpu.memory_space<vmem>>, vector<16xf32>,
      }
      %scan3A_157 = arith.constant 128 : i32
      %dma_start3A_158 = arith.constant 2 : i32
      %dma_start3A_159 = arith.constant 0 : i32
      %dma_start3A_160 = arith.constant 0 : i32
      %dma_start3A_161 = tpu.memref_slice %arg9[%dma_start3A_158, %dma_start3A_160] : memref<16x128xi32, #tpu.memory_space<vmem>> -> memref<1x128xi32, #tpu.memory_space<vmem>>
      %dma_start3A_162 = tpu.memref_squeeze %dma_start3A_161 : memref<1x128xi32, #tpu.memory_space<vmem>> -> memref<128xi32, #tpu.memory_space<vmem>>
      %dma_start3A_163 = arith.constant 0 : i32
      %dma_start3A_164 = arith.constant 0 : i32
      %dma_start3A_165 = tpu.memref_slice %arg7[%dma_start3A_163, %dma_start3A_164] : memref<10240x128xf32, #tpu.memory_space<vmem_shared>> -> memref<10240x128xf32, #tpu.memory_space<vmem_shared>>
      %dma_start3A_166 = tpu.memref_slice %arg15[%dma_start3A_159] : memref<2x!tpu.dma_semaphore, #tpu.memory_space<semaphore_mem>> -> memref<1x!tpu.dma_semaphore, #tpu.memory_space<semaphore_mem>>
      %dma_start3A_167 = tpu.memref_squeeze %dma_start3A_166 : memref<1x!tpu.dma_semaphore, #tpu.memory_space<semaphore_mem>> -> memref<!tpu.dma_semaphore, #tpu.memory_space<semaphore_mem>>
      tpu.enqueue_indirect_dma source(%arg13 : memref<128x128xf32, #tpu.memory_space<vmem>>) target(%dma_start3A_165 : memref<10240x128xf32, #tpu.memory_space<vmem_shared>>) offsets(%dma_start3A_162 : memref<128xi32, #tpu.memory_space<vmem>>) semaphore(%dma_start3A_167 : memref<!tpu.dma_semaphore, #tpu.memory_space<semaphore_mem>>) {add = true}
      %dma_start3A_168 = arith.constant 4 : i32
      %dma_start3A_169 = arith.constant 0 : i32
      %dma_start3A_170 = arith.constant 0 : i32
      %dma_start3A_171 = tpu.memref_slice %arg8[%dma_start3A_168, %dma_start3A_170] : memref<16x128xi32, #tpu.memory_space<vmem>> -> memref<1x128xi32, #tpu.memory_space<vmem>>
      %dma_start3A_172 = tpu.memref_squeeze %dma_start3A_171 : memref<1x128xi32, #tpu.memory_space<vmem>> -> memref<128xi32, #tpu.memory_space<vmem>>
      %dma_start3A_173 = arith.constant 0 : i32
      %dma_start3A_174 = arith.constant 0 : i32
      %dma_start3A_175 = tpu.memref_slice %arg2[%dma_start3A_173, %dma_start3A_174] : memref<10240x64xi32, #tpu.memory_space<hbm>> -> memref<10240x64xi32, #tpu.memory_space<hbm>>
      %dma_start3A_176 = tpu.memref_slice %arg14[%dma_start3A_169] : memref<4x!tpu.dma_semaphore, #tpu.memory_space<semaphore_mem>> -> memref<1x!tpu.dma_semaphore, #tpu.memory_space<semaphore_mem>>
      %dma_start3A_177 = tpu.memref_squeeze %dma_start3A_176 : memref<1x!tpu.dma_semaphore, #tpu.memory_space<semaphore_mem>> -> memref<!tpu.dma_semaphore, #tpu.memory_space<semaphore_mem>>
      tpu.enqueue_indirect_dma source(%dma_start3A_175 : memref<10240x64xi32, #tpu.memory_space<hbm>>) target(%arg11 : memref<128x64xi32, #tpu.memory_space<vmem>>) offsets(%dma_start3A_172 : memref<128xi32, #tpu.memory_space<vmem>>) semaphore(%dma_start3A_177 : memref<!tpu.dma_semaphore, #tpu.memory_space<semaphore_mem>>)
      %dma_wait3A_178 = arith.constant 2 : i32
      %dma_wait3A_179 = arith.constant 0 : i32
      %dma_wait3A_180 = arith.constant 0 : i32
      %dma_wait3A_181 = tpu.memref_slice %arg9[%dma_wait3A_178, %dma_wait3A_180] : memref<16x128xi32, #tpu.memory_space<vmem>> -> memref<1x128xi32, #tpu.memory_space<vmem>>
      %dma_wait3A_182 = tpu.memref_squeeze %dma_wait3A_181 : memref<1x128xi32, #tpu.memory_space<vmem>> -> memref<128xi32, #tpu.memory_space<vmem>>
      %dma_wait3A_183 = arith.constant 0 : i32
      %dma_wait3A_184 = arith.constant 0 : i32
      %dma_wait3A_185 = tpu.memref_slice %arg7[%dma_wait3A_183, %dma_wait3A_184] : memref<10240x128xf32, #tpu.memory_space<vmem_shared>> -> memref<10240x128xf32, #tpu.memory_space<vmem_shared>>
      %dma_wait3A_186 = tpu.memref_slice %arg15[%dma_wait3A_179] : memref<2x!tpu.dma_semaphore, #tpu.memory_space<semaphore_mem>> -> memref<1x!tpu.dma_semaphore, #tpu.memory_space<semaphore_mem>>
      %dma_wait3A_187 = tpu.memref_squeeze %dma_wait3A_186 : memref<1x!tpu.dma_semaphore, #tpu.memory_space<semaphore_mem>> -> memref<!tpu.dma_semaphore, #tpu.memory_space<semaphore_mem>>
      tpu.wait_indirect_dma semaphore(%dma_wait3A_187 : memref<!tpu.dma_semaphore, #tpu.memory_space<semaphore_mem>>) src(%arg13 : memref<128x128xf32, #tpu.memory_space<vmem>>) dst(%dma_wait3A_185 : memref<10240x128xf32, #tpu.memory_space<vmem_shared>>)
      %dma_wait3A_188 = arith.constant 3 : i32
      %dma_wait3A_189 = arith.constant 1 : i32
      %dma_wait3A_190 = arith.constant 0 : i32
      %dma_wait3A_191 = tpu.memref_slice %arg8[%dma_wait3A_188, %dma_wait3A_190] : memref<16x128xi32, #tpu.memory_space<vmem>> -> memref<1x128xi32, #tpu.memory_space<vmem>>
      %dma_wait3A_192 = tpu.memref_squeeze %dma_wait3A_191 : memref<1x128xi32, #tpu.memory_space<vmem>> -> memref<128xi32, #tpu.memory_space<vmem>>
      %dma_wait3A_193 = arith.constant 0 : i32
      %dma_wait3A_194 = arith.constant 0 : i32
      %dma_wait3A_195 = tpu.memref_slice %arg2[%dma_wait3A_193, %dma_wait3A_194] : memref<10240x64xi32, #tpu.memory_space<hbm>> -> memref<10240x64xi32, #tpu.memory_space<hbm>>
      %dma_wait3A_196 = tpu.memref_slice %arg14[%dma_wait3A_189] : memref<4x!tpu.dma_semaphore, #tpu.memory_space<semaphore_mem>> -> memref<1x!tpu.dma_semaphore, #tpu.memory_space<semaphore_mem>>
      %dma_wait3A_197 = tpu.memref_squeeze %dma_wait3A_196 : memref<1x!tpu.dma_semaphore, #tpu.memory_space<semaphore_mem>> -> memref<!tpu.dma_semaphore, #tpu.memory_space<semaphore_mem>>
      tpu.wait_indirect_dma semaphore(%dma_wait3A_197 : memref<!tpu.dma_semaphore, #tpu.memory_space<semaphore_mem>>) src(%dma_wait3A_195 : memref<10240x64xi32, #tpu.memory_space<hbm>>) dst(%arg12 : memref<128x64xi32, #tpu.memory_space<vmem>>)
      %scan3A_198 = arith.constant 0 : i32
      %scan3A_199 = arith.constant 128 : i32
      %scan3A_200 = arith.addi %scan3A_198, %scan3A_199 : i32
      %scan3A_201 = arith.constant 1 : i32
      scf.for %scan3A_757 = %scan3A_198 to %scan3A_200 step %scan3A_201  : i32 {
        %mul3A_758 = arith.constant 1 : i32
        %mul3A_759 = arith.muli %scan3A_757, %mul3A_758 : i32
        %add3A_760 = arith.constant 0 : i32
        %add3A_761 = arith.addi %add3A_760, %mul3A_759 : i32
        %broadcast_in_dim3A_762 = arith.constant 3 : i32
        %broadcast_in_dim3A_763 = vector.broadcast %broadcast_in_dim3A_762 : i32 to vector<16xi32>
        %broadcast_in_dim3A_764 = vector.broadcast %add3A_761 : i32 to vector<16xi32>
        %gather3A = tpu.vector_load_idx %arg10[%broadcast_in_dim3A_763, %broadcast_in_dim3A_764] : memref<16x128xf32, #tpu.memory_space<vmem>>[vector<16xi32>, vector<16xi32>], vector<16xf32>,
        %get3A = arith.index_cast %add3A_761 : i32 to index
        %get3A_765 = arith.constant 0 : index
        %get3A_766 = tpu.vector_load %arg12[%get3A, %get3A_765] {strides = array<i32>} : memref<128x64xi32, #tpu.memory_space<vmem>>, vector<16xi32>,
        %bitcast3A = vector.bitcast %get3A_766 : vector<16xi32> to vector<32xbf16>
        %unpack3A = tpu.unpack_subelements %bitcast3A, 0 {pack_format = #tpu.pack_format<interleaved>} : vector<32xbf16> -> vector<16xf32>
        %unpack3A_767 = tpu.unpack_subelements %bitcast3A, 1 {pack_format = #tpu.pack_format<interleaved>} : vector<32xbf16> -> vector<16xf32>
        %mul3A_768 = arith.mulf %unpack3A, %gather3A : vector<16xf32>
        %swap3A = arith.index_cast %add3A_761 : i32 to index
        %swap3A_769 = arith.constant 0 : index
        %swap3A_770 = tpu.vector_load %arg13[%swap3A, %swap3A_769] {strides = array<i32>} : memref<128x128xf32, #tpu.memory_space<vmem>>, vector<16xf32>,
        tpu.vector_store %arg13[%swap3A, %swap3A_769], %mul3A_768 {strides = array<i32>} : memref<128x128xf32, #tpu.memory_space<vmem>>, vector<16xf32>,
        %mul3A_771 = arith.mulf %unpack3A_767, %gather3A : vector<16xf32>
        %swap3A_772 = arith.index_cast %add3A_761 : i32 to index
        %swap3A_773 = arith.constant 16 : index
        %swap3A_774 = tpu.vector_load %arg13[%swap3A_772, %swap3A_773] {strides = array<i32>} : memref<128x128xf32, #tpu.memory_space<vmem>>, vector<16xf32>,
        tpu.vector_store %arg13[%swap3A_772, %swap3A_773], %mul3A_771 {strides = array<i32>} : memref<128x128xf32, #tpu.memory_space<vmem>>, vector<16xf32>,
        %get3A_775 = arith.index_cast %add3A_761 : i32 to index
        %get3A_776 = arith.constant 16 : index
        %get3A_777 = tpu.vector_load %arg12[%get3A_775, %get3A_776] {strides = array<i32>} : memref<128x64xi32, #tpu.memory_space<vmem>>, vector<16xi32>,
        %bitcast3A_778 = vector.bitcast %get3A_777 : vector<16xi32> to vector<32xbf16>
        %unpack3A_779 = tpu.unpack_subelements %bitcast3A_778, 0 {pack_format = #tpu.pack_format<interleaved>} : vector<32xbf16> -> vector<16xf32>
        %unpack3A_780 = tpu.unpack_subelements %bitcast3A_778, 1 {pack_format = #tpu.pack_format<interleaved>} : vector<32xbf16> -> vector<16xf32>
        %mul3A_781 = arith.mulf %unpack3A_779, %gather3A : vector<16xf32>
        %swap3A_782 = arith.index_cast %add3A_761 : i32 to index
        %swap3A_783 = arith.constant 32 : index
        %swap3A_784 = tpu.vector_load %arg13[%swap3A_782, %swap3A_783] {strides = array<i32>} : memref<128x128xf32, #tpu.memory_space<vmem>>, vector<16xf32>,
        tpu.vector_store %arg13[%swap3A_782, %swap3A_783], %mul3A_781 {strides = array<i32>} : memref<128x128xf32, #tpu.memory_space<vmem>>, vector<16xf32>,
        %mul3A_785 = arith.mulf %unpack3A_780, %gather3A : vector<16xf32>
        %swap3A_786 = arith.index_cast %add3A_761 : i32 to index
        %swap3A_787 = arith.constant 48 : index
        %swap3A_788 = tpu.vector_load %arg13[%swap3A_786, %swap3A_787] {strides = array<i32>} : memref<128x128xf32, #tpu.memory_space<vmem>>, vector<16xf32>,
        tpu.vector_store %arg13[%swap3A_786, %swap3A_787], %mul3A_785 {strides = array<i32>} : memref<128x128xf32, #tpu.memory_space<vmem>>, vector<16xf32>,
        %get3A_789 = arith.index_cast %add3A_761 : i32 to index
        %get3A_790 = arith.constant 32 : index
        %get3A_791 = tpu.vector_load %arg12[%get3A_789, %get3A_790] {strides = array<i32>} : memref<128x64xi32, #tpu.memory_space<vmem>>, vector<16xi32>,
        %bitcast3A_792 = vector.bitcast %get3A_791 : vector<16xi32> to vector<32xbf16>
        %unpack3A_793 = tpu.unpack_subelements %bitcast3A_792, 0 {pack_format = #tpu.pack_format<interleaved>} : vector<32xbf16> -> vector<16xf32>
        %unpack3A_794 = tpu.unpack_subelements %bitcast3A_792, 1 {pack_format = #tpu.pack_format<interleaved>} : vector<32xbf16> -> vector<16xf32>
        %mul3A_795 = arith.mulf %unpack3A_793, %gather3A : vector<16xf32>
        %swap3A_796 = arith.index_cast %add3A_761 : i32 to index
        %swap3A_797 = arith.constant 64 : index
        %swap3A_798 = tpu.vector_load %arg13[%swap3A_796, %swap3A_797] {strides = array<i32>} : memref<128x128xf32, #tpu.memory_space<vmem>>, vector<16xf32>,
        tpu.vector_store %arg13[%swap3A_796, %swap3A_797], %mul3A_795 {strides = array<i32>} : memref<128x128xf32, #tpu.memory_space<vmem>>, vector<16xf32>,
        %mul3A_799 = arith.mulf %unpack3A_794, %gather3A : vector<16xf32>
        %swap3A_800 = arith.index_cast %add3A_761 : i32 to index
        %swap3A_801 = arith.constant 80 : index
        %swap3A_802 = tpu.vector_load %arg13[%swap3A_800, %swap3A_801] {strides = array<i32>} : memref<128x128xf32, #tpu.memory_space<vmem>>, vector<16xf32>,
        tpu.vector_store %arg13[%swap3A_800, %swap3A_801], %mul3A_799 {strides = array<i32>} : memref<128x128xf32, #tpu.memory_space<vmem>>, vector<16xf32>,
        %get3A_803 = arith.index_cast %add3A_761 : i32 to index
        %get3A_804 = arith.constant 48 : index
        %get3A_805 = tpu.vector_load %arg12[%get3A_803, %get3A_804] {strides = array<i32>} : memref<128x64xi32, #tpu.memory_space<vmem>>, vector<16xi32>,
        %bitcast3A_806 = vector.bitcast %get3A_805 : vector<16xi32> to vector<32xbf16>
        %unpack3A_807 = tpu.unpack_subelements %bitcast3A_806, 0 {pack_format = #tpu.pack_format<interleaved>} : vector<32xbf16> -> vector<16xf32>
        %unpack3A_808 = tpu.unpack_subelements %bitcast3A_806, 1 {pack_format = #tpu.pack_format<interleaved>} : vector<32xbf16> -> vector<16xf32>
        %mul3A_809 = arith.mulf %unpack3A_807, %gather3A : vector<16xf32>
        %swap3A_810 = arith.index_cast %add3A_761 : i32 to index
        %swap3A_811 = arith.constant 96 : index
        %swap3A_812 = tpu.vector_load %arg13[%swap3A_810, %swap3A_811] {strides = array<i32>} : memref<128x128xf32, #tpu.memory_space<vmem>>, vector<16xf32>,
        tpu.vector_store %arg13[%swap3A_810, %swap3A_811], %mul3A_809 {strides = array<i32>} : memref<128x128xf32, #tpu.memory_space<vmem>>, vector<16xf32>,
        %mul3A_813 = arith.mulf %unpack3A_808, %gather3A : vector<16xf32>
        %swap3A_814 = arith.index_cast %add3A_761 : i32 to index
        %swap3A_815 = arith.constant 112 : index
        %swap3A_816 = tpu.vector_load %arg13[%swap3A_814, %swap3A_815] {strides = array<i32>} : memref<128x128xf32, #tpu.memory_space<vmem>>, vector<16xf32>,
        tpu.vector_store %arg13[%swap3A_814, %swap3A_815], %mul3A_813 {strides = array<i32>} : memref<128x128xf32, #tpu.memory_space<vmem>>, vector<16xf32>,
      }
      %scan3A_202 = arith.constant 128 : i32
      %dma_start3A_203 = arith.constant 3 : i32
      %dma_start3A_204 = arith.constant 0 : i32
      %dma_start3A_205 = arith.constant 0 : i32
      %dma_start3A_206 = tpu.memref_slice %arg9[%dma_start3A_203, %dma_start3A_205] : memref<16x128xi32, #tpu.memory_space<vmem>> -> memref<1x128xi32, #tpu.memory_space<vmem>>
      %dma_start3A_207 = tpu.memref_squeeze %dma_start3A_206 : memref<1x128xi32, #tpu.memory_space<vmem>> -> memref<128xi32, #tpu.memory_space<vmem>>
      %dma_start3A_208 = arith.constant 0 : i32
      %dma_start3A_209 = arith.constant 0 : i32
      %dma_start3A_210 = tpu.memref_slice %arg7[%dma_start3A_208, %dma_start3A_209] : memref<10240x128xf32, #tpu.memory_space<vmem_shared>> -> memref<10240x128xf32, #tpu.memory_space<vmem_shared>>
      %dma_start3A_211 = tpu.memref_slice %arg15[%dma_start3A_204] : memref<2x!tpu.dma_semaphore, #tpu.memory_space<semaphore_mem>> -> memref<1x!tpu.dma_semaphore, #tpu.memory_space<semaphore_mem>>
      %dma_start3A_212 = tpu.memref_squeeze %dma_start3A_211 : memref<1x!tpu.dma_semaphore, #tpu.memory_space<semaphore_mem>> -> memref<!tpu.dma_semaphore, #tpu.memory_space<semaphore_mem>>
      tpu.enqueue_indirect_dma source(%arg13 : memref<128x128xf32, #tpu.memory_space<vmem>>) target(%dma_start3A_210 : memref<10240x128xf32, #tpu.memory_space<vmem_shared>>) offsets(%dma_start3A_207 : memref<128xi32, #tpu.memory_space<vmem>>) semaphore(%dma_start3A_212 : memref<!tpu.dma_semaphore, #tpu.memory_space<semaphore_mem>>) {add = true}
      %dma_start3A_213 = arith.constant 5 : i32
      %dma_start3A_214 = arith.constant 1 : i32
      %dma_start3A_215 = arith.constant 0 : i32
      %dma_start3A_216 = tpu.memref_slice %arg8[%dma_start3A_213, %dma_start3A_215] : memref<16x128xi32, #tpu.memory_space<vmem>> -> memref<1x128xi32, #tpu.memory_space<vmem>>
      %dma_start3A_217 = tpu.memref_squeeze %dma_start3A_216 : memref<1x128xi32, #tpu.memory_space<vmem>> -> memref<128xi32, #tpu.memory_space<vmem>>
      %dma_start3A_218 = arith.constant 0 : i32
      %dma_start3A_219 = arith.constant 0 : i32
      %dma_start3A_220 = tpu.memref_slice %arg2[%dma_start3A_218, %dma_start3A_219] : memref<10240x64xi32, #tpu.memory_space<hbm>> -> memref<10240x64xi32, #tpu.memory_space<hbm>>
      %dma_start3A_221 = tpu.memref_slice %arg14[%dma_start3A_214] : memref<4x!tpu.dma_semaphore, #tpu.memory_space<semaphore_mem>> -> memref<1x!tpu.dma_semaphore, #tpu.memory_space<semaphore_mem>>
      %dma_start3A_222 = tpu.memref_squeeze %dma_start3A_221 : memref<1x!tpu.dma_semaphore, #tpu.memory_space<semaphore_mem>> -> memref<!tpu.dma_semaphore, #tpu.memory_space<semaphore_mem>>
      tpu.enqueue_indirect_dma source(%dma_start3A_220 : memref<10240x64xi32, #tpu.memory_space<hbm>>) target(%arg12 : memref<128x64xi32, #tpu.memory_space<vmem>>) offsets(%dma_start3A_217 : memref<128xi32, #tpu.memory_space<vmem>>) semaphore(%dma_start3A_222 : memref<!tpu.dma_semaphore, #tpu.memory_space<semaphore_mem>>)
      %dma_wait3A_223 = arith.constant 3 : i32
      %dma_wait3A_224 = arith.constant 0 : i32
      %dma_wait3A_225 = arith.constant 0 : i32
      %dma_wait3A_226 = tpu.memref_slice %arg9[%dma_wait3A_223, %dma_wait3A_225] : memref<16x128xi32, #tpu.memory_space<vmem>> -> memref<1x128xi32, #tpu.memory_space<vmem>>
      %dma_wait3A_227 = tpu.memref_squeeze %dma_wait3A_226 : memref<1x128xi32, #tpu.memory_space<vmem>> -> memref<128xi32, #tpu.memory_space<vmem>>
      %dma_wait3A_228 = arith.constant 0 : i32
      %dma_wait3A_229 = arith.constant 0 : i32
      %dma_wait3A_230 = tpu.memref_slice %arg7[%dma_wait3A_228, %dma_wait3A_229] : memref<10240x128xf32, #tpu.memory_space<vmem_shared>> -> memref<10240x128xf32, #tpu.memory_space<vmem_shared>>
      %dma_wait3A_231 = tpu.memref_slice %arg15[%dma_wait3A_224] : memref<2x!tpu.dma_semaphore, #tpu.memory_space<semaphore_mem>> -> memref<1x!tpu.dma_semaphore, #tpu.memory_space<semaphore_mem>>
      %dma_wait3A_232 = tpu.memref_squeeze %dma_wait3A_231 : memref<1x!tpu.dma_semaphore, #tpu.memory_space<semaphore_mem>> -> memref<!tpu.dma_semaphore, #tpu.memory_space<semaphore_mem>>
      tpu.wait_indirect_dma semaphore(%dma_wait3A_232 : memref<!tpu.dma_semaphore, #tpu.memory_space<semaphore_mem>>) src(%arg13 : memref<128x128xf32, #tpu.memory_space<vmem>>) dst(%dma_wait3A_230 : memref<10240x128xf32, #tpu.memory_space<vmem_shared>>)
      %dma_wait3A_233 = arith.constant 4 : i32
      %dma_wait3A_234 = arith.constant 0 : i32
      %dma_wait3A_235 = arith.constant 0 : i32
      %dma_wait3A_236 = tpu.memref_slice %arg8[%dma_wait3A_233, %dma_wait3A_235] : memref<16x128xi32, #tpu.memory_space<vmem>> -> memref<1x128xi32, #tpu.memory_space<vmem>>
      %dma_wait3A_237 = tpu.memref_squeeze %dma_wait3A_236 : memref<1x128xi32, #tpu.memory_space<vmem>> -> memref<128xi32, #tpu.memory_space<vmem>>
      %dma_wait3A_238 = arith.constant 0 : i32
      %dma_wait3A_239 = arith.constant 0 : i32
      %dma_wait3A_240 = tpu.memref_slice %arg2[%dma_wait3A_238, %dma_wait3A_239] : memref<10240x64xi32, #tpu.memory_space<hbm>> -> memref<10240x64xi32, #tpu.memory_space<hbm>>
      %dma_wait3A_241 = tpu.memref_slice %arg14[%dma_wait3A_234] : memref<4x!tpu.dma_semaphore, #tpu.memory_space<semaphore_mem>> -> memref<1x!tpu.dma_semaphore, #tpu.memory_space<semaphore_mem>>
      %dma_wait3A_242 = tpu.memref_squeeze %dma_wait3A_241 : memref<1x!tpu.dma_semaphore, #tpu.memory_space<semaphore_mem>> -> memref<!tpu.dma_semaphore, #tpu.memory_space<semaphore_mem>>
      tpu.wait_indirect_dma semaphore(%dma_wait3A_242 : memref<!tpu.dma_semaphore, #tpu.memory_space<semaphore_mem>>) src(%dma_wait3A_240 : memref<10240x64xi32, #tpu.memory_space<hbm>>) dst(%arg11 : memref<128x64xi32, #tpu.memory_space<vmem>>)
      %scan3A_243 = arith.constant 0 : i32
      %scan3A_244 = arith.constant 128 : i32
      %scan3A_245 = arith.addi %scan3A_243, %scan3A_244 : i32
      %scan3A_246 = arith.constant 1 : i32
      scf.for %scan3A_757 = %scan3A_243 to %scan3A_245 step %scan3A_246  : i32 {
        %mul3A_758 = arith.constant 1 : i32
        %mul3A_759 = arith.muli %scan3A_757, %mul3A_758 : i32
        %add3A_760 = arith.constant 0 : i32
        %add3A_761 = arith.addi %add3A_760, %mul3A_759 : i32
        %broadcast_in_dim3A_762 = arith.constant 4 : i32
        %broadcast_in_dim3A_763 = vector.broadcast %broadcast_in_dim3A_762 : i32 to vector<16xi32>
        %broadcast_in_dim3A_764 = vector.broadcast %add3A_761 : i32 to vector<16xi32>
        %gather3A = tpu.vector_load_idx %arg10[%broadcast_in_dim3A_763, %broadcast_in_dim3A_764] : memref<16x128xf32, #tpu.memory_space<vmem>>[vector<16xi32>, vector<16xi32>], vector<16xf32>,
        %get3A = arith.index_cast %add3A_761 : i32 to index
        %get3A_765 = arith.constant 0 : index
        %get3A_766 = tpu.vector_load %arg11[%get3A, %get3A_765] {strides = array<i32>} : memref<128x64xi32, #tpu.memory_space<vmem>>, vector<16xi32>,
        %bitcast3A = vector.bitcast %get3A_766 : vector<16xi32> to vector<32xbf16>
        %unpack3A = tpu.unpack_subelements %bitcast3A, 0 {pack_format = #tpu.pack_format<interleaved>} : vector<32xbf16> -> vector<16xf32>
        %unpack3A_767 = tpu.unpack_subelements %bitcast3A, 1 {pack_format = #tpu.pack_format<interleaved>} : vector<32xbf16> -> vector<16xf32>
        %mul3A_768 = arith.mulf %unpack3A, %gather3A : vector<16xf32>
        %swap3A = arith.index_cast %add3A_761 : i32 to index
        %swap3A_769 = arith.constant 0 : index
        %swap3A_770 = tpu.vector_load %arg13[%swap3A, %swap3A_769] {strides = array<i32>} : memref<128x128xf32, #tpu.memory_space<vmem>>, vector<16xf32>,
        tpu.vector_store %arg13[%swap3A, %swap3A_769], %mul3A_768 {strides = array<i32>} : memref<128x128xf32, #tpu.memory_space<vmem>>, vector<16xf32>,
        %mul3A_771 = arith.mulf %unpack3A_767, %gather3A : vector<16xf32>
        %swap3A_772 = arith.index_cast %add3A_761 : i32 to index
        %swap3A_773 = arith.constant 16 : index
        %swap3A_774 = tpu.vector_load %arg13[%swap3A_772, %swap3A_773] {strides = array<i32>} : memref<128x128xf32, #tpu.memory_space<vmem>>, vector<16xf32>,
        tpu.vector_store %arg13[%swap3A_772, %swap3A_773], %mul3A_771 {strides = array<i32>} : memref<128x128xf32, #tpu.memory_space<vmem>>, vector<16xf32>,
        %get3A_775 = arith.index_cast %add3A_761 : i32 to index
        %get3A_776 = arith.constant 16 : index
        %get3A_777 = tpu.vector_load %arg11[%get3A_775, %get3A_776] {strides = array<i32>} : memref<128x64xi32, #tpu.memory_space<vmem>>, vector<16xi32>,
        %bitcast3A_778 = vector.bitcast %get3A_777 : vector<16xi32> to vector<32xbf16>
        %unpack3A_779 = tpu.unpack_subelements %bitcast3A_778, 0 {pack_format = #tpu.pack_format<interleaved>} : vector<32xbf16> -> vector<16xf32>
        %unpack3A_780 = tpu.unpack_subelements %bitcast3A_778, 1 {pack_format = #tpu.pack_format<interleaved>} : vector<32xbf16> -> vector<16xf32>
        %mul3A_781 = arith.mulf %unpack3A_779, %gather3A : vector<16xf32>
        %swap3A_782 = arith.index_cast %add3A_761 : i32 to index
        %swap3A_783 = arith.constant 32 : index
        %swap3A_784 = tpu.vector_load %arg13[%swap3A_782, %swap3A_783] {strides = array<i32>} : memref<128x128xf32, #tpu.memory_space<vmem>>, vector<16xf32>,
        tpu.vector_store %arg13[%swap3A_782, %swap3A_783], %mul3A_781 {strides = array<i32>} : memref<128x128xf32, #tpu.memory_space<vmem>>, vector<16xf32>,
        %mul3A_785 = arith.mulf %unpack3A_780, %gather3A : vector<16xf32>
        %swap3A_786 = arith.index_cast %add3A_761 : i32 to index
        %swap3A_787 = arith.constant 48 : index
        %swap3A_788 = tpu.vector_load %arg13[%swap3A_786, %swap3A_787] {strides = array<i32>} : memref<128x128xf32, #tpu.memory_space<vmem>>, vector<16xf32>,
        tpu.vector_store %arg13[%swap3A_786, %swap3A_787], %mul3A_785 {strides = array<i32>} : memref<128x128xf32, #tpu.memory_space<vmem>>, vector<16xf32>,
        %get3A_789 = arith.index_cast %add3A_761 : i32 to index
        %get3A_790 = arith.constant 32 : index
        %get3A_791 = tpu.vector_load %arg11[%get3A_789, %get3A_790] {strides = array<i32>} : memref<128x64xi32, #tpu.memory_space<vmem>>, vector<16xi32>,
        %bitcast3A_792 = vector.bitcast %get3A_791 : vector<16xi32> to vector<32xbf16>
        %unpack3A_793 = tpu.unpack_subelements %bitcast3A_792, 0 {pack_format = #tpu.pack_format<interleaved>} : vector<32xbf16> -> vector<16xf32>
        %unpack3A_794 = tpu.unpack_subelements %bitcast3A_792, 1 {pack_format = #tpu.pack_format<interleaved>} : vector<32xbf16> -> vector<16xf32>
        %mul3A_795 = arith.mulf %unpack3A_793, %gather3A : vector<16xf32>
        %swap3A_796 = arith.index_cast %add3A_761 : i32 to index
        %swap3A_797 = arith.constant 64 : index
        %swap3A_798 = tpu.vector_load %arg13[%swap3A_796, %swap3A_797] {strides = array<i32>} : memref<128x128xf32, #tpu.memory_space<vmem>>, vector<16xf32>,
        tpu.vector_store %arg13[%swap3A_796, %swap3A_797], %mul3A_795 {strides = array<i32>} : memref<128x128xf32, #tpu.memory_space<vmem>>, vector<16xf32>,
        %mul3A_799 = arith.mulf %unpack3A_794, %gather3A : vector<16xf32>
        %swap3A_800 = arith.index_cast %add3A_761 : i32 to index
        %swap3A_801 = arith.constant 80 : index
        %swap3A_802 = tpu.vector_load %arg13[%swap3A_800, %swap3A_801] {strides = array<i32>} : memref<128x128xf32, #tpu.memory_space<vmem>>, vector<16xf32>,
        tpu.vector_store %arg13[%swap3A_800, %swap3A_801], %mul3A_799 {strides = array<i32>} : memref<128x128xf32, #tpu.memory_space<vmem>>, vector<16xf32>,
        %get3A_803 = arith.index_cast %add3A_761 : i32 to index
        %get3A_804 = arith.constant 48 : index
        %get3A_805 = tpu.vector_load %arg11[%get3A_803, %get3A_804] {strides = array<i32>} : memref<128x64xi32, #tpu.memory_space<vmem>>, vector<16xi32>,
        %bitcast3A_806 = vector.bitcast %get3A_805 : vector<16xi32> to vector<32xbf16>
        %unpack3A_807 = tpu.unpack_subelements %bitcast3A_806, 0 {pack_format = #tpu.pack_format<interleaved>} : vector<32xbf16> -> vector<16xf32>
        %unpack3A_808 = tpu.unpack_subelements %bitcast3A_806, 1 {pack_format = #tpu.pack_format<interleaved>} : vector<32xbf16> -> vector<16xf32>
        %mul3A_809 = arith.mulf %unpack3A_807, %gather3A : vector<16xf32>
        %swap3A_810 = arith.index_cast %add3A_761 : i32 to index
        %swap3A_811 = arith.constant 96 : index
        %swap3A_812 = tpu.vector_load %arg13[%swap3A_810, %swap3A_811] {strides = array<i32>} : memref<128x128xf32, #tpu.memory_space<vmem>>, vector<16xf32>,
        tpu.vector_store %arg13[%swap3A_810, %swap3A_811], %mul3A_809 {strides = array<i32>} : memref<128x128xf32, #tpu.memory_space<vmem>>, vector<16xf32>,
        %mul3A_813 = arith.mulf %unpack3A_808, %gather3A : vector<16xf32>
        %swap3A_814 = arith.index_cast %add3A_761 : i32 to index
        %swap3A_815 = arith.constant 112 : index
        %swap3A_816 = tpu.vector_load %arg13[%swap3A_814, %swap3A_815] {strides = array<i32>} : memref<128x128xf32, #tpu.memory_space<vmem>>, vector<16xf32>,
        tpu.vector_store %arg13[%swap3A_814, %swap3A_815], %mul3A_813 {strides = array<i32>} : memref<128x128xf32, #tpu.memory_space<vmem>>, vector<16xf32>,
      }
      %scan3A_247 = arith.constant 128 : i32
      %dma_start3A_248 = arith.constant 4 : i32
      %dma_start3A_249 = arith.constant 0 : i32
      %dma_start3A_250 = arith.constant 0 : i32
      %dma_start3A_251 = tpu.memref_slice %arg9[%dma_start3A_248, %dma_start3A_250] : memref<16x128xi32, #tpu.memory_space<vmem>> -> memref<1x128xi32, #tpu.memory_space<vmem>>
      %dma_start3A_252 = tpu.memref_squeeze %dma_start3A_251 : memref<1x128xi32, #tpu.memory_space<vmem>> -> memref<128xi32, #tpu.memory_space<vmem>>
      %dma_start3A_253 = arith.constant 0 : i32
      %dma_start3A_254 = arith.constant 0 : i32
      %dma_start3A_255 = tpu.memref_slice %arg7[%dma_start3A_253, %dma_start3A_254] : memref<10240x128xf32, #tpu.memory_space<vmem_shared>> -> memref<10240x128xf32, #tpu.memory_space<vmem_shared>>
      %dma_start3A_256 = tpu.memref_slice %arg15[%dma_start3A_249] : memref<2x!tpu.dma_semaphore, #tpu.memory_space<semaphore_mem>> -> memref<1x!tpu.dma_semaphore, #tpu.memory_space<semaphore_mem>>
      %dma_start3A_257 = tpu.memref_squeeze %dma_start3A_256 : memref<1x!tpu.dma_semaphore, #tpu.memory_space<semaphore_mem>> -> memref<!tpu.dma_semaphore, #tpu.memory_space<semaphore_mem>>
      tpu.enqueue_indirect_dma source(%arg13 : memref<128x128xf32, #tpu.memory_space<vmem>>) target(%dma_start3A_255 : memref<10240x128xf32, #tpu.memory_space<vmem_shared>>) offsets(%dma_start3A_252 : memref<128xi32, #tpu.memory_space<vmem>>) semaphore(%dma_start3A_257 : memref<!tpu.dma_semaphore, #tpu.memory_space<semaphore_mem>>) {add = true}
      %dma_start3A_258 = arith.constant 6 : i32
      %dma_start3A_259 = arith.constant 0 : i32
      %dma_start3A_260 = arith.constant 0 : i32
      %dma_start3A_261 = tpu.memref_slice %arg8[%dma_start3A_258, %dma_start3A_260] : memref<16x128xi32, #tpu.memory_space<vmem>> -> memref<1x128xi32, #tpu.memory_space<vmem>>
      %dma_start3A_262 = tpu.memref_squeeze %dma_start3A_261 : memref<1x128xi32, #tpu.memory_space<vmem>> -> memref<128xi32, #tpu.memory_space<vmem>>
      %dma_start3A_263 = arith.constant 0 : i32
      %dma_start3A_264 = arith.constant 0 : i32
      %dma_start3A_265 = tpu.memref_slice %arg2[%dma_start3A_263, %dma_start3A_264] : memref<10240x64xi32, #tpu.memory_space<hbm>> -> memref<10240x64xi32, #tpu.memory_space<hbm>>
      %dma_start3A_266 = tpu.memref_slice %arg14[%dma_start3A_259] : memref<4x!tpu.dma_semaphore, #tpu.memory_space<semaphore_mem>> -> memref<1x!tpu.dma_semaphore, #tpu.memory_space<semaphore_mem>>
      %dma_start3A_267 = tpu.memref_squeeze %dma_start3A_266 : memref<1x!tpu.dma_semaphore, #tpu.memory_space<semaphore_mem>> -> memref<!tpu.dma_semaphore, #tpu.memory_space<semaphore_mem>>
      tpu.enqueue_indirect_dma source(%dma_start3A_265 : memref<10240x64xi32, #tpu.memory_space<hbm>>) target(%arg11 : memref<128x64xi32, #tpu.memory_space<vmem>>) offsets(%dma_start3A_262 : memref<128xi32, #tpu.memory_space<vmem>>) semaphore(%dma_start3A_267 : memref<!tpu.dma_semaphore, #tpu.memory_space<semaphore_mem>>)
      %dma_wait3A_268 = arith.constant 4 : i32
      %dma_wait3A_269 = arith.constant 0 : i32
      %dma_wait3A_270 = arith.constant 0 : i32
      %dma_wait3A_271 = tpu.memref_slice %arg9[%dma_wait3A_268, %dma_wait3A_270] : memref<16x128xi32, #tpu.memory_space<vmem>> -> memref<1x128xi32, #tpu.memory_space<vmem>>
      %dma_wait3A_272 = tpu.memref_squeeze %dma_wait3A_271 : memref<1x128xi32, #tpu.memory_space<vmem>> -> memref<128xi32, #tpu.memory_space<vmem>>
      %dma_wait3A_273 = arith.constant 0 : i32
      %dma_wait3A_274 = arith.constant 0 : i32
      %dma_wait3A_275 = tpu.memref_slice %arg7[%dma_wait3A_273, %dma_wait3A_274] : memref<10240x128xf32, #tpu.memory_space<vmem_shared>> -> memref<10240x128xf32, #tpu.memory_space<vmem_shared>>
      %dma_wait3A_276 = tpu.memref_slice %arg15[%dma_wait3A_269] : memref<2x!tpu.dma_semaphore, #tpu.memory_space<semaphore_mem>> -> memref<1x!tpu.dma_semaphore, #tpu.memory_space<semaphore_mem>>
      %dma_wait3A_277 = tpu.memref_squeeze %dma_wait3A_276 : memref<1x!tpu.dma_semaphore, #tpu.memory_space<semaphore_mem>> -> memref<!tpu.dma_semaphore, #tpu.memory_space<semaphore_mem>>
      tpu.wait_indirect_dma semaphore(%dma_wait3A_277 : memref<!tpu.dma_semaphore, #tpu.memory_space<semaphore_mem>>) src(%arg13 : memref<128x128xf32, #tpu.memory_space<vmem>>) dst(%dma_wait3A_275 : memref<10240x128xf32, #tpu.memory_space<vmem_shared>>)
      %dma_wait3A_278 = arith.constant 5 : i32
      %dma_wait3A_279 = arith.constant 1 : i32
      %dma_wait3A_280 = arith.constant 0 : i32
      %dma_wait3A_281 = tpu.memref_slice %arg8[%dma_wait3A_278, %dma_wait3A_280] : memref<16x128xi32, #tpu.memory_space<vmem>> -> memref<1x128xi32, #tpu.memory_space<vmem>>
      %dma_wait3A_282 = tpu.memref_squeeze %dma_wait3A_281 : memref<1x128xi32, #tpu.memory_space<vmem>> -> memref<128xi32, #tpu.memory_space<vmem>>
      %dma_wait3A_283 = arith.constant 0 : i32
      %dma_wait3A_284 = arith.constant 0 : i32
      %dma_wait3A_285 = tpu.memref_slice %arg2[%dma_wait3A_283, %dma_wait3A_284] : memref<10240x64xi32, #tpu.memory_space<hbm>> -> memref<10240x64xi32, #tpu.memory_space<hbm>>
      %dma_wait3A_286 = tpu.memref_slice %arg14[%dma_wait3A_279] : memref<4x!tpu.dma_semaphore, #tpu.memory_space<semaphore_mem>> -> memref<1x!tpu.dma_semaphore, #tpu.memory_space<semaphore_mem>>
      %dma_wait3A_287 = tpu.memref_squeeze %dma_wait3A_286 : memref<1x!tpu.dma_semaphore, #tpu.memory_space<semaphore_mem>> -> memref<!tpu.dma_semaphore, #tpu.memory_space<semaphore_mem>>
      tpu.wait_indirect_dma semaphore(%dma_wait3A_287 : memref<!tpu.dma_semaphore, #tpu.memory_space<semaphore_mem>>) src(%dma_wait3A_285 : memref<10240x64xi32, #tpu.memory_space<hbm>>) dst(%arg12 : memref<128x64xi32, #tpu.memory_space<vmem>>)
      %scan3A_288 = arith.constant 0 : i32
      %scan3A_289 = arith.constant 128 : i32
      %scan3A_290 = arith.addi %scan3A_288, %scan3A_289 : i32
      %scan3A_291 = arith.constant 1 : i32
      scf.for %scan3A_757 = %scan3A_288 to %scan3A_290 step %scan3A_291  : i32 {
        %mul3A_758 = arith.constant 1 : i32
        %mul3A_759 = arith.muli %scan3A_757, %mul3A_758 : i32
        %add3A_760 = arith.constant 0 : i32
        %add3A_761 = arith.addi %add3A_760, %mul3A_759 : i32
        %broadcast_in_dim3A_762 = arith.constant 5 : i32
        %broadcast_in_dim3A_763 = vector.broadcast %broadcast_in_dim3A_762 : i32 to vector<16xi32>
        %broadcast_in_dim3A_764 = vector.broadcast %add3A_761 : i32 to vector<16xi32>
        %gather3A = tpu.vector_load_idx %arg10[%broadcast_in_dim3A_763, %broadcast_in_dim3A_764] : memref<16x128xf32, #tpu.memory_space<vmem>>[vector<16xi32>, vector<16xi32>], vector<16xf32>,
        %get3A = arith.index_cast %add3A_761 : i32 to index
        %get3A_765 = arith.constant 0 : index
        %get3A_766 = tpu.vector_load %arg12[%get3A, %get3A_765] {strides = array<i32>} : memref<128x64xi32, #tpu.memory_space<vmem>>, vector<16xi32>,
        %bitcast3A = vector.bitcast %get3A_766 : vector<16xi32> to vector<32xbf16>
        %unpack3A = tpu.unpack_subelements %bitcast3A, 0 {pack_format = #tpu.pack_format<interleaved>} : vector<32xbf16> -> vector<16xf32>
        %unpack3A_767 = tpu.unpack_subelements %bitcast3A, 1 {pack_format = #tpu.pack_format<interleaved>} : vector<32xbf16> -> vector<16xf32>
        %mul3A_768 = arith.mulf %unpack3A, %gather3A : vector<16xf32>
        %swap3A = arith.index_cast %add3A_761 : i32 to index
        %swap3A_769 = arith.constant 0 : index
        %swap3A_770 = tpu.vector_load %arg13[%swap3A, %swap3A_769] {strides = array<i32>} : memref<128x128xf32, #tpu.memory_space<vmem>>, vector<16xf32>,
        tpu.vector_store %arg13[%swap3A, %swap3A_769], %mul3A_768 {strides = array<i32>} : memref<128x128xf32, #tpu.memory_space<vmem>>, vector<16xf32>,
        %mul3A_771 = arith.mulf %unpack3A_767, %gather3A : vector<16xf32>
        %swap3A_772 = arith.index_cast %add3A_761 : i32 to index
        %swap3A_773 = arith.constant 16 : index
        %swap3A_774 = tpu.vector_load %arg13[%swap3A_772, %swap3A_773] {strides = array<i32>} : memref<128x128xf32, #tpu.memory_space<vmem>>, vector<16xf32>,
        tpu.vector_store %arg13[%swap3A_772, %swap3A_773], %mul3A_771 {strides = array<i32>} : memref<128x128xf32, #tpu.memory_space<vmem>>, vector<16xf32>,
        %get3A_775 = arith.index_cast %add3A_761 : i32 to index
        %get3A_776 = arith.constant 16 : index
        %get3A_777 = tpu.vector_load %arg12[%get3A_775, %get3A_776] {strides = array<i32>} : memref<128x64xi32, #tpu.memory_space<vmem>>, vector<16xi32>,
        %bitcast3A_778 = vector.bitcast %get3A_777 : vector<16xi32> to vector<32xbf16>
        %unpack3A_779 = tpu.unpack_subelements %bitcast3A_778, 0 {pack_format = #tpu.pack_format<interleaved>} : vector<32xbf16> -> vector<16xf32>
        %unpack3A_780 = tpu.unpack_subelements %bitcast3A_778, 1 {pack_format = #tpu.pack_format<interleaved>} : vector<32xbf16> -> vector<16xf32>
        %mul3A_781 = arith.mulf %unpack3A_779, %gather3A : vector<16xf32>
        %swap3A_782 = arith.index_cast %add3A_761 : i32 to index
        %swap3A_783 = arith.constant 32 : index
        %swap3A_784 = tpu.vector_load %arg13[%swap3A_782, %swap3A_783] {strides = array<i32>} : memref<128x128xf32, #tpu.memory_space<vmem>>, vector<16xf32>,
        tpu.vector_store %arg13[%swap3A_782, %swap3A_783], %mul3A_781 {strides = array<i32>} : memref<128x128xf32, #tpu.memory_space<vmem>>, vector<16xf32>,
        %mul3A_785 = arith.mulf %unpack3A_780, %gather3A : vector<16xf32>
        %swap3A_786 = arith.index_cast %add3A_761 : i32 to index
        %swap3A_787 = arith.constant 48 : index
        %swap3A_788 = tpu.vector_load %arg13[%swap3A_786, %swap3A_787] {strides = array<i32>} : memref<128x128xf32, #tpu.memory_space<vmem>>, vector<16xf32>,
        tpu.vector_store %arg13[%swap3A_786, %swap3A_787], %mul3A_785 {strides = array<i32>} : memref<128x128xf32, #tpu.memory_space<vmem>>, vector<16xf32>,
        %get3A_789 = arith.index_cast %add3A_761 : i32 to index
        %get3A_790 = arith.constant 32 : index
        %get3A_791 = tpu.vector_load %arg12[%get3A_789, %get3A_790] {strides = array<i32>} : memref<128x64xi32, #tpu.memory_space<vmem>>, vector<16xi32>,
        %bitcast3A_792 = vector.bitcast %get3A_791 : vector<16xi32> to vector<32xbf16>
        %unpack3A_793 = tpu.unpack_subelements %bitcast3A_792, 0 {pack_format = #tpu.pack_format<interleaved>} : vector<32xbf16> -> vector<16xf32>
        %unpack3A_794 = tpu.unpack_subelements %bitcast3A_792, 1 {pack_format = #tpu.pack_format<interleaved>} : vector<32xbf16> -> vector<16xf32>
        %mul3A_795 = arith.mulf %unpack3A_793, %gather3A : vector<16xf32>
        %swap3A_796 = arith.index_cast %add3A_761 : i32 to index
        %swap3A_797 = arith.constant 64 : index
        %swap3A_798 = tpu.vector_load %arg13[%swap3A_796, %swap3A_797] {strides = array<i32>} : memref<128x128xf32, #tpu.memory_space<vmem>>, vector<16xf32>,
        tpu.vector_store %arg13[%swap3A_796, %swap3A_797], %mul3A_795 {strides = array<i32>} : memref<128x128xf32, #tpu.memory_space<vmem>>, vector<16xf32>,
        %mul3A_799 = arith.mulf %unpack3A_794, %gather3A : vector<16xf32>
        %swap3A_800 = arith.index_cast %add3A_761 : i32 to index
        %swap3A_801 = arith.constant 80 : index
        %swap3A_802 = tpu.vector_load %arg13[%swap3A_800, %swap3A_801] {strides = array<i32>} : memref<128x128xf32, #tpu.memory_space<vmem>>, vector<16xf32>,
        tpu.vector_store %arg13[%swap3A_800, %swap3A_801], %mul3A_799 {strides = array<i32>} : memref<128x128xf32, #tpu.memory_space<vmem>>, vector<16xf32>,
        %get3A_803 = arith.index_cast %add3A_761 : i32 to index
        %get3A_804 = arith.constant 48 : index
        %get3A_805 = tpu.vector_load %arg12[%get3A_803, %get3A_804] {strides = array<i32>} : memref<128x64xi32, #tpu.memory_space<vmem>>, vector<16xi32>,
        %bitcast3A_806 = vector.bitcast %get3A_805 : vector<16xi32> to vector<32xbf16>
        %unpack3A_807 = tpu.unpack_subelements %bitcast3A_806, 0 {pack_format = #tpu.pack_format<interleaved>} : vector<32xbf16> -> vector<16xf32>
        %unpack3A_808 = tpu.unpack_subelements %bitcast3A_806, 1 {pack_format = #tpu.pack_format<interleaved>} : vector<32xbf16> -> vector<16xf32>
        %mul3A_809 = arith.mulf %unpack3A_807, %gather3A : vector<16xf32>
        %swap3A_810 = arith.index_cast %add3A_761 : i32 to index
        %swap3A_811 = arith.constant 96 : index
        %swap3A_812 = tpu.vector_load %arg13[%swap3A_810, %swap3A_811] {strides = array<i32>} : memref<128x128xf32, #tpu.memory_space<vmem>>, vector<16xf32>,
        tpu.vector_store %arg13[%swap3A_810, %swap3A_811], %mul3A_809 {strides = array<i32>} : memref<128x128xf32, #tpu.memory_space<vmem>>, vector<16xf32>,
        %mul3A_813 = arith.mulf %unpack3A_808, %gather3A : vector<16xf32>
        %swap3A_814 = arith.index_cast %add3A_761 : i32 to index
        %swap3A_815 = arith.constant 112 : index
        %swap3A_816 = tpu.vector_load %arg13[%swap3A_814, %swap3A_815] {strides = array<i32>} : memref<128x128xf32, #tpu.memory_space<vmem>>, vector<16xf32>,
        tpu.vector_store %arg13[%swap3A_814, %swap3A_815], %mul3A_813 {strides = array<i32>} : memref<128x128xf32, #tpu.memory_space<vmem>>, vector<16xf32>,
      }
      %scan3A_292 = arith.constant 128 : i32
      %dma_start3A_293 = arith.constant 5 : i32
      %dma_start3A_294 = arith.constant 0 : i32
      %dma_start3A_295 = arith.constant 0 : i32
      %dma_start3A_296 = tpu.memref_slice %arg9[%dma_start3A_293, %dma_start3A_295] : memref<16x128xi32, #tpu.memory_space<vmem>> -> memref<1x128xi32, #tpu.memory_space<vmem>>
      %dma_start3A_297 = tpu.memref_squeeze %dma_start3A_296 : memref<1x128xi32, #tpu.memory_space<vmem>> -> memref<128xi32, #tpu.memory_space<vmem>>
      %dma_start3A_298 = arith.constant 0 : i32
      %dma_start3A_299 = arith.constant 0 : i32
      %dma_start3A_300 = tpu.memref_slice %arg7[%dma_start3A_298, %dma_start3A_299] : memref<10240x128xf32, #tpu.memory_space<vmem_shared>> -> memref<10240x128xf32, #tpu.memory_space<vmem_shared>>
      %dma_start3A_301 = tpu.memref_slice %arg15[%dma_start3A_294] : memref<2x!tpu.dma_semaphore, #tpu.memory_space<semaphore_mem>> -> memref<1x!tpu.dma_semaphore, #tpu.memory_space<semaphore_mem>>
      %dma_start3A_302 = tpu.memref_squeeze %dma_start3A_301 : memref<1x!tpu.dma_semaphore, #tpu.memory_space<semaphore_mem>> -> memref<!tpu.dma_semaphore, #tpu.memory_space<semaphore_mem>>
      tpu.enqueue_indirect_dma source(%arg13 : memref<128x128xf32, #tpu.memory_space<vmem>>) target(%dma_start3A_300 : memref<10240x128xf32, #tpu.memory_space<vmem_shared>>) offsets(%dma_start3A_297 : memref<128xi32, #tpu.memory_space<vmem>>) semaphore(%dma_start3A_302 : memref<!tpu.dma_semaphore, #tpu.memory_space<semaphore_mem>>) {add = true}
      %dma_start3A_303 = arith.constant 7 : i32
      %dma_start3A_304 = arith.constant 1 : i32
      %dma_start3A_305 = arith.constant 0 : i32
      %dma_start3A_306 = tpu.memref_slice %arg8[%dma_start3A_303, %dma_start3A_305] : memref<16x128xi32, #tpu.memory_space<vmem>> -> memref<1x128xi32, #tpu.memory_space<vmem>>
      %dma_start3A_307 = tpu.memref_squeeze %dma_start3A_306 : memref<1x128xi32, #tpu.memory_space<vmem>> -> memref<128xi32, #tpu.memory_space<vmem>>
      %dma_start3A_308 = arith.constant 0 : i32
      %dma_start3A_309 = arith.constant 0 : i32
      %dma_start3A_310 = tpu.memref_slice %arg2[%dma_start3A_308, %dma_start3A_309] : memref<10240x64xi32, #tpu.memory_space<hbm>> -> memref<10240x64xi32, #tpu.memory_space<hbm>>
      %dma_start3A_311 = tpu.memref_slice %arg14[%dma_start3A_304] : memref<4x!tpu.dma_semaphore, #tpu.memory_space<semaphore_mem>> -> memref<1x!tpu.dma_semaphore, #tpu.memory_space<semaphore_mem>>
      %dma_start3A_312 = tpu.memref_squeeze %dma_start3A_311 : memref<1x!tpu.dma_semaphore, #tpu.memory_space<semaphore_mem>> -> memref<!tpu.dma_semaphore, #tpu.memory_space<semaphore_mem>>
      tpu.enqueue_indirect_dma source(%dma_start3A_310 : memref<10240x64xi32, #tpu.memory_space<hbm>>) target(%arg12 : memref<128x64xi32, #tpu.memory_space<vmem>>) offsets(%dma_start3A_307 : memref<128xi32, #tpu.memory_space<vmem>>) semaphore(%dma_start3A_312 : memref<!tpu.dma_semaphore, #tpu.memory_space<semaphore_mem>>)
      %dma_wait3A_313 = arith.constant 5 : i32
      %dma_wait3A_314 = arith.constant 0 : i32
      %dma_wait3A_315 = arith.constant 0 : i32
      %dma_wait3A_316 = tpu.memref_slice %arg9[%dma_wait3A_313, %dma_wait3A_315] : memref<16x128xi32, #tpu.memory_space<vmem>> -> memref<1x128xi32, #tpu.memory_space<vmem>>
      %dma_wait3A_317 = tpu.memref_squeeze %dma_wait3A_316 : memref<1x128xi32, #tpu.memory_space<vmem>> -> memref<128xi32, #tpu.memory_space<vmem>>
      %dma_wait3A_318 = arith.constant 0 : i32
      %dma_wait3A_319 = arith.constant 0 : i32
      %dma_wait3A_320 = tpu.memref_slice %arg7[%dma_wait3A_318, %dma_wait3A_319] : memref<10240x128xf32, #tpu.memory_space<vmem_shared>> -> memref<10240x128xf32, #tpu.memory_space<vmem_shared>>
      %dma_wait3A_321 = tpu.memref_slice %arg15[%dma_wait3A_314] : memref<2x!tpu.dma_semaphore, #tpu.memory_space<semaphore_mem>> -> memref<1x!tpu.dma_semaphore, #tpu.memory_space<semaphore_mem>>
      %dma_wait3A_322 = tpu.memref_squeeze %dma_wait3A_321 : memref<1x!tpu.dma_semaphore, #tpu.memory_space<semaphore_mem>> -> memref<!tpu.dma_semaphore, #tpu.memory_space<semaphore_mem>>
      tpu.wait_indirect_dma semaphore(%dma_wait3A_322 : memref<!tpu.dma_semaphore, #tpu.memory_space<semaphore_mem>>) src(%arg13 : memref<128x128xf32, #tpu.memory_space<vmem>>) dst(%dma_wait3A_320 : memref<10240x128xf32, #tpu.memory_space<vmem_shared>>)
      %dma_wait3A_323 = arith.constant 6 : i32
      %dma_wait3A_324 = arith.constant 0 : i32
      %dma_wait3A_325 = arith.constant 0 : i32
      %dma_wait3A_326 = tpu.memref_slice %arg8[%dma_wait3A_323, %dma_wait3A_325] : memref<16x128xi32, #tpu.memory_space<vmem>> -> memref<1x128xi32, #tpu.memory_space<vmem>>
      %dma_wait3A_327 = tpu.memref_squeeze %dma_wait3A_326 : memref<1x128xi32, #tpu.memory_space<vmem>> -> memref<128xi32, #tpu.memory_space<vmem>>
      %dma_wait3A_328 = arith.constant 0 : i32
      %dma_wait3A_329 = arith.constant 0 : i32
      %dma_wait3A_330 = tpu.memref_slice %arg2[%dma_wait3A_328, %dma_wait3A_329] : memref<10240x64xi32, #tpu.memory_space<hbm>> -> memref<10240x64xi32, #tpu.memory_space<hbm>>
      %dma_wait3A_331 = tpu.memref_slice %arg14[%dma_wait3A_324] : memref<4x!tpu.dma_semaphore, #tpu.memory_space<semaphore_mem>> -> memref<1x!tpu.dma_semaphore, #tpu.memory_space<semaphore_mem>>
      %dma_wait3A_332 = tpu.memref_squeeze %dma_wait3A_331 : memref<1x!tpu.dma_semaphore, #tpu.memory_space<semaphore_mem>> -> memref<!tpu.dma_semaphore, #tpu.memory_space<semaphore_mem>>
      tpu.wait_indirect_dma semaphore(%dma_wait3A_332 : memref<!tpu.dma_semaphore, #tpu.memory_space<semaphore_mem>>) src(%dma_wait3A_330 : memref<10240x64xi32, #tpu.memory_space<hbm>>) dst(%arg11 : memref<128x64xi32, #tpu.memory_space<vmem>>)
      %scan3A_333 = arith.constant 0 : i32
      %scan3A_334 = arith.constant 128 : i32
      %scan3A_335 = arith.addi %scan3A_333, %scan3A_334 : i32
      %scan3A_336 = arith.constant 1 : i32
      scf.for %scan3A_757 = %scan3A_333 to %scan3A_335 step %scan3A_336  : i32 {
        %mul3A_758 = arith.constant 1 : i32
        %mul3A_759 = arith.muli %scan3A_757, %mul3A_758 : i32
        %add3A_760 = arith.constant 0 : i32
        %add3A_761 = arith.addi %add3A_760, %mul3A_759 : i32
        %broadcast_in_dim3A_762 = arith.constant 6 : i32
        %broadcast_in_dim3A_763 = vector.broadcast %broadcast_in_dim3A_762 : i32 to vector<16xi32>
        %broadcast_in_dim3A_764 = vector.broadcast %add3A_761 : i32 to vector<16xi32>
        %gather3A = tpu.vector_load_idx %arg10[%broadcast_in_dim3A_763, %broadcast_in_dim3A_764] : memref<16x128xf32, #tpu.memory_space<vmem>>[vector<16xi32>, vector<16xi32>], vector<16xf32>,
        %get3A = arith.index_cast %add3A_761 : i32 to index
        %get3A_765 = arith.constant 0 : index
        %get3A_766 = tpu.vector_load %arg11[%get3A, %get3A_765] {strides = array<i32>} : memref<128x64xi32, #tpu.memory_space<vmem>>, vector<16xi32>,
        %bitcast3A = vector.bitcast %get3A_766 : vector<16xi32> to vector<32xbf16>
        %unpack3A = tpu.unpack_subelements %bitcast3A, 0 {pack_format = #tpu.pack_format<interleaved>} : vector<32xbf16> -> vector<16xf32>
        %unpack3A_767 = tpu.unpack_subelements %bitcast3A, 1 {pack_format = #tpu.pack_format<interleaved>} : vector<32xbf16> -> vector<16xf32>
        %mul3A_768 = arith.mulf %unpack3A, %gather3A : vector<16xf32>
        %swap3A = arith.index_cast %add3A_761 : i32 to index
        %swap3A_769 = arith.constant 0 : index
        %swap3A_770 = tpu.vector_load %arg13[%swap3A, %swap3A_769] {strides = array<i32>} : memref<128x128xf32, #tpu.memory_space<vmem>>, vector<16xf32>,
        tpu.vector_store %arg13[%swap3A, %swap3A_769], %mul3A_768 {strides = array<i32>} : memref<128x128xf32, #tpu.memory_space<vmem>>, vector<16xf32>,
        %mul3A_771 = arith.mulf %unpack3A_767, %gather3A : vector<16xf32>
        %swap3A_772 = arith.index_cast %add3A_761 : i32 to index
        %swap3A_773 = arith.constant 16 : index
        %swap3A_774 = tpu.vector_load %arg13[%swap3A_772, %swap3A_773] {strides = array<i32>} : memref<128x128xf32, #tpu.memory_space<vmem>>, vector<16xf32>,
        tpu.vector_store %arg13[%swap3A_772, %swap3A_773], %mul3A_771 {strides = array<i32>} : memref<128x128xf32, #tpu.memory_space<vmem>>, vector<16xf32>,
        %get3A_775 = arith.index_cast %add3A_761 : i32 to index
        %get3A_776 = arith.constant 16 : index
        %get3A_777 = tpu.vector_load %arg11[%get3A_775, %get3A_776] {strides = array<i32>} : memref<128x64xi32, #tpu.memory_space<vmem>>, vector<16xi32>,
        %bitcast3A_778 = vector.bitcast %get3A_777 : vector<16xi32> to vector<32xbf16>
        %unpack3A_779 = tpu.unpack_subelements %bitcast3A_778, 0 {pack_format = #tpu.pack_format<interleaved>} : vector<32xbf16> -> vector<16xf32>
        %unpack3A_780 = tpu.unpack_subelements %bitcast3A_778, 1 {pack_format = #tpu.pack_format<interleaved>} : vector<32xbf16> -> vector<16xf32>
        %mul3A_781 = arith.mulf %unpack3A_779, %gather3A : vector<16xf32>
        %swap3A_782 = arith.index_cast %add3A_761 : i32 to index
        %swap3A_783 = arith.constant 32 : index
        %swap3A_784 = tpu.vector_load %arg13[%swap3A_782, %swap3A_783] {strides = array<i32>} : memref<128x128xf32, #tpu.memory_space<vmem>>, vector<16xf32>,
        tpu.vector_store %arg13[%swap3A_782, %swap3A_783], %mul3A_781 {strides = array<i32>} : memref<128x128xf32, #tpu.memory_space<vmem>>, vector<16xf32>,
        %mul3A_785 = arith.mulf %unpack3A_780, %gather3A : vector<16xf32>
        %swap3A_786 = arith.index_cast %add3A_761 : i32 to index
        %swap3A_787 = arith.constant 48 : index
        %swap3A_788 = tpu.vector_load %arg13[%swap3A_786, %swap3A_787] {strides = array<i32>} : memref<128x128xf32, #tpu.memory_space<vmem>>, vector<16xf32>,
        tpu.vector_store %arg13[%swap3A_786, %swap3A_787], %mul3A_785 {strides = array<i32>} : memref<128x128xf32, #tpu.memory_space<vmem>>, vector<16xf32>,
        %get3A_789 = arith.index_cast %add3A_761 : i32 to index
        %get3A_790 = arith.constant 32 : index
        %get3A_791 = tpu.vector_load %arg11[%get3A_789, %get3A_790] {strides = array<i32>} : memref<128x64xi32, #tpu.memory_space<vmem>>, vector<16xi32>,
        %bitcast3A_792 = vector.bitcast %get3A_791 : vector<16xi32> to vector<32xbf16>
        %unpack3A_793 = tpu.unpack_subelements %bitcast3A_792, 0 {pack_format = #tpu.pack_format<interleaved>} : vector<32xbf16> -> vector<16xf32>
        %unpack3A_794 = tpu.unpack_subelements %bitcast3A_792, 1 {pack_format = #tpu.pack_format<interleaved>} : vector<32xbf16> -> vector<16xf32>
        %mul3A_795 = arith.mulf %unpack3A_793, %gather3A : vector<16xf32>
        %swap3A_796 = arith.index_cast %add3A_761 : i32 to index
        %swap3A_797 = arith.constant 64 : index
        %swap3A_798 = tpu.vector_load %arg13[%swap3A_796, %swap3A_797] {strides = array<i32>} : memref<128x128xf32, #tpu.memory_space<vmem>>, vector<16xf32>,
        tpu.vector_store %arg13[%swap3A_796, %swap3A_797], %mul3A_795 {strides = array<i32>} : memref<128x128xf32, #tpu.memory_space<vmem>>, vector<16xf32>,
        %mul3A_799 = arith.mulf %unpack3A_794, %gather3A : vector<16xf32>
        %swap3A_800 = arith.index_cast %add3A_761 : i32 to index
        %swap3A_801 = arith.constant 80 : index
        %swap3A_802 = tpu.vector_load %arg13[%swap3A_800, %swap3A_801] {strides = array<i32>} : memref<128x128xf32, #tpu.memory_space<vmem>>, vector<16xf32>,
        tpu.vector_store %arg13[%swap3A_800, %swap3A_801], %mul3A_799 {strides = array<i32>} : memref<128x128xf32, #tpu.memory_space<vmem>>, vector<16xf32>,
        %get3A_803 = arith.index_cast %add3A_761 : i32 to index
        %get3A_804 = arith.constant 48 : index
        %get3A_805 = tpu.vector_load %arg11[%get3A_803, %get3A_804] {strides = array<i32>} : memref<128x64xi32, #tpu.memory_space<vmem>>, vector<16xi32>,
        %bitcast3A_806 = vector.bitcast %get3A_805 : vector<16xi32> to vector<32xbf16>
        %unpack3A_807 = tpu.unpack_subelements %bitcast3A_806, 0 {pack_format = #tpu.pack_format<interleaved>} : vector<32xbf16> -> vector<16xf32>
        %unpack3A_808 = tpu.unpack_subelements %bitcast3A_806, 1 {pack_format = #tpu.pack_format<interleaved>} : vector<32xbf16> -> vector<16xf32>
        %mul3A_809 = arith.mulf %unpack3A_807, %gather3A : vector<16xf32>
        %swap3A_810 = arith.index_cast %add3A_761 : i32 to index
        %swap3A_811 = arith.constant 96 : index
        %swap3A_812 = tpu.vector_load %arg13[%swap3A_810, %swap3A_811] {strides = array<i32>} : memref<128x128xf32, #tpu.memory_space<vmem>>, vector<16xf32>,
        tpu.vector_store %arg13[%swap3A_810, %swap3A_811], %mul3A_809 {strides = array<i32>} : memref<128x128xf32, #tpu.memory_space<vmem>>, vector<16xf32>,
        %mul3A_813 = arith.mulf %unpack3A_808, %gather3A : vector<16xf32>
        %swap3A_814 = arith.index_cast %add3A_761 : i32 to index
        %swap3A_815 = arith.constant 112 : index
        %swap3A_816 = tpu.vector_load %arg13[%swap3A_814, %swap3A_815] {strides = array<i32>} : memref<128x128xf32, #tpu.memory_space<vmem>>, vector<16xf32>,
        tpu.vector_store %arg13[%swap3A_814, %swap3A_815], %mul3A_813 {strides = array<i32>} : memref<128x128xf32, #tpu.memory_space<vmem>>, vector<16xf32>,
      }
      %scan3A_337 = arith.constant 128 : i32
      %dma_start3A_338 = arith.constant 6 : i32
      %dma_start3A_339 = arith.constant 0 : i32
      %dma_start3A_340 = arith.constant 0 : i32
      %dma_start3A_341 = tpu.memref_slice %arg9[%dma_start3A_338, %dma_start3A_340] : memref<16x128xi32, #tpu.memory_space<vmem>> -> memref<1x128xi32, #tpu.memory_space<vmem>>
      %dma_start3A_342 = tpu.memref_squeeze %dma_start3A_341 : memref<1x128xi32, #tpu.memory_space<vmem>> -> memref<128xi32, #tpu.memory_space<vmem>>
      %dma_start3A_343 = arith.constant 0 : i32
      %dma_start3A_344 = arith.constant 0 : i32
      %dma_start3A_345 = tpu.memref_slice %arg7[%dma_start3A_343, %dma_start3A_344] : memref<10240x128xf32, #tpu.memory_space<vmem_shared>> -> memref<10240x128xf32, #tpu.memory_space<vmem_shared>>
      %dma_start3A_346 = tpu.memref_slice %arg15[%dma_start3A_339] : memref<2x!tpu.dma_semaphore, #tpu.memory_space<semaphore_mem>> -> memref<1x!tpu.dma_semaphore, #tpu.memory_space<semaphore_mem>>
      %dma_start3A_347 = tpu.memref_squeeze %dma_start3A_346 : memref<1x!tpu.dma_semaphore, #tpu.memory_space<semaphore_mem>> -> memref<!tpu.dma_semaphore, #tpu.memory_space<semaphore_mem>>
      tpu.enqueue_indirect_dma source(%arg13 : memref<128x128xf32, #tpu.memory_space<vmem>>) target(%dma_start3A_345 : memref<10240x128xf32, #tpu.memory_space<vmem_shared>>) offsets(%dma_start3A_342 : memref<128xi32, #tpu.memory_space<vmem>>) semaphore(%dma_start3A_347 : memref<!tpu.dma_semaphore, #tpu.memory_space<semaphore_mem>>) {add = true}
      %dma_start3A_348 = arith.constant 8 : i32
      %dma_start3A_349 = arith.constant 0 : i32
      %dma_start3A_350 = arith.constant 0 : i32
      %dma_start3A_351 = tpu.memref_slice %arg8[%dma_start3A_348, %dma_start3A_350] : memref<16x128xi32, #tpu.memory_space<vmem>> -> memref<1x128xi32, #tpu.memory_space<vmem>>
      %dma_start3A_352 = tpu.memref_squeeze %dma_start3A_351 : memref<1x128xi32, #tpu.memory_space<vmem>> -> memref<128xi32, #tpu.memory_space<vmem>>
      %dma_start3A_353 = arith.constant 0 : i32
      %dma_start3A_354 = arith.constant 0 : i32
      %dma_start3A_355 = tpu.memref_slice %arg2[%dma_start3A_353, %dma_start3A_354] : memref<10240x64xi32, #tpu.memory_space<hbm>> -> memref<10240x64xi32, #tpu.memory_space<hbm>>
      %dma_start3A_356 = tpu.memref_slice %arg14[%dma_start3A_349] : memref<4x!tpu.dma_semaphore, #tpu.memory_space<semaphore_mem>> -> memref<1x!tpu.dma_semaphore, #tpu.memory_space<semaphore_mem>>
      %dma_start3A_357 = tpu.memref_squeeze %dma_start3A_356 : memref<1x!tpu.dma_semaphore, #tpu.memory_space<semaphore_mem>> -> memref<!tpu.dma_semaphore, #tpu.memory_space<semaphore_mem>>
      tpu.enqueue_indirect_dma source(%dma_start3A_355 : memref<10240x64xi32, #tpu.memory_space<hbm>>) target(%arg11 : memref<128x64xi32, #tpu.memory_space<vmem>>) offsets(%dma_start3A_352 : memref<128xi32, #tpu.memory_space<vmem>>) semaphore(%dma_start3A_357 : memref<!tpu.dma_semaphore, #tpu.memory_space<semaphore_mem>>)
      %dma_wait3A_358 = arith.constant 6 : i32
      %dma_wait3A_359 = arith.constant 0 : i32
      %dma_wait3A_360 = arith.constant 0 : i32
      %dma_wait3A_361 = tpu.memref_slice %arg9[%dma_wait3A_358, %dma_wait3A_360] : memref<16x128xi32, #tpu.memory_space<vmem>> -> memref<1x128xi32, #tpu.memory_space<vmem>>
      %dma_wait3A_362 = tpu.memref_squeeze %dma_wait3A_361 : memref<1x128xi32, #tpu.memory_space<vmem>> -> memref<128xi32, #tpu.memory_space<vmem>>
      %dma_wait3A_363 = arith.constant 0 : i32
      %dma_wait3A_364 = arith.constant 0 : i32
      %dma_wait3A_365 = tpu.memref_slice %arg7[%dma_wait3A_363, %dma_wait3A_364] : memref<10240x128xf32, #tpu.memory_space<vmem_shared>> -> memref<10240x128xf32, #tpu.memory_space<vmem_shared>>
      %dma_wait3A_366 = tpu.memref_slice %arg15[%dma_wait3A_359] : memref<2x!tpu.dma_semaphore, #tpu.memory_space<semaphore_mem>> -> memref<1x!tpu.dma_semaphore, #tpu.memory_space<semaphore_mem>>
      %dma_wait3A_367 = tpu.memref_squeeze %dma_wait3A_366 : memref<1x!tpu.dma_semaphore, #tpu.memory_space<semaphore_mem>> -> memref<!tpu.dma_semaphore, #tpu.memory_space<semaphore_mem>>
      tpu.wait_indirect_dma semaphore(%dma_wait3A_367 : memref<!tpu.dma_semaphore, #tpu.memory_space<semaphore_mem>>) src(%arg13 : memref<128x128xf32, #tpu.memory_space<vmem>>) dst(%dma_wait3A_365 : memref<10240x128xf32, #tpu.memory_space<vmem_shared>>)
      %dma_wait3A_368 = arith.constant 7 : i32
      %dma_wait3A_369 = arith.constant 1 : i32
      %dma_wait3A_370 = arith.constant 0 : i32
      %dma_wait3A_371 = tpu.memref_slice %arg8[%dma_wait3A_368, %dma_wait3A_370] : memref<16x128xi32, #tpu.memory_space<vmem>> -> memref<1x128xi32, #tpu.memory_space<vmem>>
      %dma_wait3A_372 = tpu.memref_squeeze %dma_wait3A_371 : memref<1x128xi32, #tpu.memory_space<vmem>> -> memref<128xi32, #tpu.memory_space<vmem>>
      %dma_wait3A_373 = arith.constant 0 : i32
      %dma_wait3A_374 = arith.constant 0 : i32
      %dma_wait3A_375 = tpu.memref_slice %arg2[%dma_wait3A_373, %dma_wait3A_374] : memref<10240x64xi32, #tpu.memory_space<hbm>> -> memref<10240x64xi32, #tpu.memory_space<hbm>>
      %dma_wait3A_376 = tpu.memref_slice %arg14[%dma_wait3A_369] : memref<4x!tpu.dma_semaphore, #tpu.memory_space<semaphore_mem>> -> memref<1x!tpu.dma_semaphore, #tpu.memory_space<semaphore_mem>>
      %dma_wait3A_377 = tpu.memref_squeeze %dma_wait3A_376 : memref<1x!tpu.dma_semaphore, #tpu.memory_space<semaphore_mem>> -> memref<!tpu.dma_semaphore, #tpu.memory_space<semaphore_mem>>
      tpu.wait_indirect_dma semaphore(%dma_wait3A_377 : memref<!tpu.dma_semaphore, #tpu.memory_space<semaphore_mem>>) src(%dma_wait3A_375 : memref<10240x64xi32, #tpu.memory_space<hbm>>) dst(%arg12 : memref<128x64xi32, #tpu.memory_space<vmem>>)
      %scan3A_378 = arith.constant 0 : i32
      %scan3A_379 = arith.constant 128 : i32
      %scan3A_380 = arith.addi %scan3A_378, %scan3A_379 : i32
      %scan3A_381 = arith.constant 1 : i32
      scf.for %scan3A_757 = %scan3A_378 to %scan3A_380 step %scan3A_381  : i32 {
        %mul3A_758 = arith.constant 1 : i32
        %mul3A_759 = arith.muli %scan3A_757, %mul3A_758 : i32
        %add3A_760 = arith.constant 0 : i32
        %add3A_761 = arith.addi %add3A_760, %mul3A_759 : i32
        %broadcast_in_dim3A_762 = arith.constant 7 : i32
        %broadcast_in_dim3A_763 = vector.broadcast %broadcast_in_dim3A_762 : i32 to vector<16xi32>
        %broadcast_in_dim3A_764 = vector.broadcast %add3A_761 : i32 to vector<16xi32>
        %gather3A = tpu.vector_load_idx %arg10[%broadcast_in_dim3A_763, %broadcast_in_dim3A_764] : memref<16x128xf32, #tpu.memory_space<vmem>>[vector<16xi32>, vector<16xi32>], vector<16xf32>,
        %get3A = arith.index_cast %add3A_761 : i32 to index
        %get3A_765 = arith.constant 0 : index
        %get3A_766 = tpu.vector_load %arg12[%get3A, %get3A_765] {strides = array<i32>} : memref<128x64xi32, #tpu.memory_space<vmem>>, vector<16xi32>,
        %bitcast3A = vector.bitcast %get3A_766 : vector<16xi32> to vector<32xbf16>
        %unpack3A = tpu.unpack_subelements %bitcast3A, 0 {pack_format = #tpu.pack_format<interleaved>} : vector<32xbf16> -> vector<16xf32>
        %unpack3A_767 = tpu.unpack_subelements %bitcast3A, 1 {pack_format = #tpu.pack_format<interleaved>} : vector<32xbf16> -> vector<16xf32>
        %mul3A_768 = arith.mulf %unpack3A, %gather3A : vector<16xf32>
        %swap3A = arith.index_cast %add3A_761 : i32 to index
        %swap3A_769 = arith.constant 0 : index
        %swap3A_770 = tpu.vector_load %arg13[%swap3A, %swap3A_769] {strides = array<i32>} : memref<128x128xf32, #tpu.memory_space<vmem>>, vector<16xf32>,
        tpu.vector_store %arg13[%swap3A, %swap3A_769], %mul3A_768 {strides = array<i32>} : memref<128x128xf32, #tpu.memory_space<vmem>>, vector<16xf32>,
        %mul3A_771 = arith.mulf %unpack3A_767, %gather3A : vector<16xf32>
        %swap3A_772 = arith.index_cast %add3A_761 : i32 to index
        %swap3A_773 = arith.constant 16 : index
        %swap3A_774 = tpu.vector_load %arg13[%swap3A_772, %swap3A_773] {strides = array<i32>} : memref<128x128xf32, #tpu.memory_space<vmem>>, vector<16xf32>,
        tpu.vector_store %arg13[%swap3A_772, %swap3A_773], %mul3A_771 {strides = array<i32>} : memref<128x128xf32, #tpu.memory_space<vmem>>, vector<16xf32>,
        %get3A_775 = arith.index_cast %add3A_761 : i32 to index
        %get3A_776 = arith.constant 16 : index
        %get3A_777 = tpu.vector_load %arg12[%get3A_775, %get3A_776] {strides = array<i32>} : memref<128x64xi32, #tpu.memory_space<vmem>>, vector<16xi32>,
        %bitcast3A_778 = vector.bitcast %get3A_777 : vector<16xi32> to vector<32xbf16>
        %unpack3A_779 = tpu.unpack_subelements %bitcast3A_778, 0 {pack_format = #tpu.pack_format<interleaved>} : vector<32xbf16> -> vector<16xf32>
        %unpack3A_780 = tpu.unpack_subelements %bitcast3A_778, 1 {pack_format = #tpu.pack_format<interleaved>} : vector<32xbf16> -> vector<16xf32>
        %mul3A_781 = arith.mulf %unpack3A_779, %gather3A : vector<16xf32>
        %swap3A_782 = arith.index_cast %add3A_761 : i32 to index
        %swap3A_783 = arith.constant 32 : index
        %swap3A_784 = tpu.vector_load %arg13[%swap3A_782, %swap3A_783] {strides = array<i32>} : memref<128x128xf32, #tpu.memory_space<vmem>>, vector<16xf32>,
        tpu.vector_store %arg13[%swap3A_782, %swap3A_783], %mul3A_781 {strides = array<i32>} : memref<128x128xf32, #tpu.memory_space<vmem>>, vector<16xf32>,
        %mul3A_785 = arith.mulf %unpack3A_780, %gather3A : vector<16xf32>
        %swap3A_786 = arith.index_cast %add3A_761 : i32 to index
        %swap3A_787 = arith.constant 48 : index
        %swap3A_788 = tpu.vector_load %arg13[%swap3A_786, %swap3A_787] {strides = array<i32>} : memref<128x128xf32, #tpu.memory_space<vmem>>, vector<16xf32>,
        tpu.vector_store %arg13[%swap3A_786, %swap3A_787], %mul3A_785 {strides = array<i32>} : memref<128x128xf32, #tpu.memory_space<vmem>>, vector<16xf32>,
        %get3A_789 = arith.index_cast %add3A_761 : i32 to index
        %get3A_790 = arith.constant 32 : index
        %get3A_791 = tpu.vector_load %arg12[%get3A_789, %get3A_790] {strides = array<i32>} : memref<128x64xi32, #tpu.memory_space<vmem>>, vector<16xi32>,
        %bitcast3A_792 = vector.bitcast %get3A_791 : vector<16xi32> to vector<32xbf16>
        %unpack3A_793 = tpu.unpack_subelements %bitcast3A_792, 0 {pack_format = #tpu.pack_format<interleaved>} : vector<32xbf16> -> vector<16xf32>
        %unpack3A_794 = tpu.unpack_subelements %bitcast3A_792, 1 {pack_format = #tpu.pack_format<interleaved>} : vector<32xbf16> -> vector<16xf32>
        %mul3A_795 = arith.mulf %unpack3A_793, %gather3A : vector<16xf32>
        %swap3A_796 = arith.index_cast %add3A_761 : i32 to index
        %swap3A_797 = arith.constant 64 : index
        %swap3A_798 = tpu.vector_load %arg13[%swap3A_796, %swap3A_797] {strides = array<i32>} : memref<128x128xf32, #tpu.memory_space<vmem>>, vector<16xf32>,
        tpu.vector_store %arg13[%swap3A_796, %swap3A_797], %mul3A_795 {strides = array<i32>} : memref<128x128xf32, #tpu.memory_space<vmem>>, vector<16xf32>,
        %mul3A_799 = arith.mulf %unpack3A_794, %gather3A : vector<16xf32>
        %swap3A_800 = arith.index_cast %add3A_761 : i32 to index
        %swap3A_801 = arith.constant 80 : index
        %swap3A_802 = tpu.vector_load %arg13[%swap3A_800, %swap3A_801] {strides = array<i32>} : memref<128x128xf32, #tpu.memory_space<vmem>>, vector<16xf32>,
        tpu.vector_store %arg13[%swap3A_800, %swap3A_801], %mul3A_799 {strides = array<i32>} : memref<128x128xf32, #tpu.memory_space<vmem>>, vector<16xf32>,
        %get3A_803 = arith.index_cast %add3A_761 : i32 to index
        %get3A_804 = arith.constant 48 : index
        %get3A_805 = tpu.vector_load %arg12[%get3A_803, %get3A_804] {strides = array<i32>} : memref<128x64xi32, #tpu.memory_space<vmem>>, vector<16xi32>,
        %bitcast3A_806 = vector.bitcast %get3A_805 : vector<16xi32> to vector<32xbf16>
        %unpack3A_807 = tpu.unpack_subelements %bitcast3A_806, 0 {pack_format = #tpu.pack_format<interleaved>} : vector<32xbf16> -> vector<16xf32>
        %unpack3A_808 = tpu.unpack_subelements %bitcast3A_806, 1 {pack_format = #tpu.pack_format<interleaved>} : vector<32xbf16> -> vector<16xf32>
        %mul3A_809 = arith.mulf %unpack3A_807, %gather3A : vector<16xf32>
        %swap3A_810 = arith.index_cast %add3A_761 : i32 to index
        %swap3A_811 = arith.constant 96 : index
        %swap3A_812 = tpu.vector_load %arg13[%swap3A_810, %swap3A_811] {strides = array<i32>} : memref<128x128xf32, #tpu.memory_space<vmem>>, vector<16xf32>,
        tpu.vector_store %arg13[%swap3A_810, %swap3A_811], %mul3A_809 {strides = array<i32>} : memref<128x128xf32, #tpu.memory_space<vmem>>, vector<16xf32>,
        %mul3A_813 = arith.mulf %unpack3A_808, %gather3A : vector<16xf32>
        %swap3A_814 = arith.index_cast %add3A_761 : i32 to index
        %swap3A_815 = arith.constant 112 : index
        %swap3A_816 = tpu.vector_load %arg13[%swap3A_814, %swap3A_815] {strides = array<i32>} : memref<128x128xf32, #tpu.memory_space<vmem>>, vector<16xf32>,
        tpu.vector_store %arg13[%swap3A_814, %swap3A_815], %mul3A_813 {strides = array<i32>} : memref<128x128xf32, #tpu.memory_space<vmem>>, vector<16xf32>,
      }
      %scan3A_382 = arith.constant 128 : i32
      %dma_start3A_383 = arith.constant 7 : i32
      %dma_start3A_384 = arith.constant 0 : i32
      %dma_start3A_385 = arith.constant 0 : i32
      %dma_start3A_386 = tpu.memref_slice %arg9[%dma_start3A_383, %dma_start3A_385] : memref<16x128xi32, #tpu.memory_space<vmem>> -> memref<1x128xi32, #tpu.memory_space<vmem>>
      %dma_start3A_387 = tpu.memref_squeeze %dma_start3A_386 : memref<1x128xi32, #tpu.memory_space<vmem>> -> memref<128xi32, #tpu.memory_space<vmem>>
      %dma_start3A_388 = arith.constant 0 : i32
      %dma_start3A_389 = arith.constant 0 : i32
      %dma_start3A_390 = tpu.memref_slice %arg7[%dma_start3A_388, %dma_start3A_389] : memref<10240x128xf32, #tpu.memory_space<vmem_shared>> -> memref<10240x128xf32, #tpu.memory_space<vmem_shared>>
      %dma_start3A_391 = tpu.memref_slice %arg15[%dma_start3A_384] : memref<2x!tpu.dma_semaphore, #tpu.memory_space<semaphore_mem>> -> memref<1x!tpu.dma_semaphore, #tpu.memory_space<semaphore_mem>>
      %dma_start3A_392 = tpu.memref_squeeze %dma_start3A_391 : memref<1x!tpu.dma_semaphore, #tpu.memory_space<semaphore_mem>> -> memref<!tpu.dma_semaphore, #tpu.memory_space<semaphore_mem>>
      tpu.enqueue_indirect_dma source(%arg13 : memref<128x128xf32, #tpu.memory_space<vmem>>) target(%dma_start3A_390 : memref<10240x128xf32, #tpu.memory_space<vmem_shared>>) offsets(%dma_start3A_387 : memref<128xi32, #tpu.memory_space<vmem>>) semaphore(%dma_start3A_392 : memref<!tpu.dma_semaphore, #tpu.memory_space<semaphore_mem>>) {add = true}
      %dma_start3A_393 = arith.constant 9 : i32
      %dma_start3A_394 = arith.constant 1 : i32
      %dma_start3A_395 = arith.constant 0 : i32
      %dma_start3A_396 = tpu.memref_slice %arg8[%dma_start3A_393, %dma_start3A_395] : memref<16x128xi32, #tpu.memory_space<vmem>> -> memref<1x128xi32, #tpu.memory_space<vmem>>
      %dma_start3A_397 = tpu.memref_squeeze %dma_start3A_396 : memref<1x128xi32, #tpu.memory_space<vmem>> -> memref<128xi32, #tpu.memory_space<vmem>>
      %dma_start3A_398 = arith.constant 0 : i32
      %dma_start3A_399 = arith.constant 0 : i32
      %dma_start3A_400 = tpu.memref_slice %arg2[%dma_start3A_398, %dma_start3A_399] : memref<10240x64xi32, #tpu.memory_space<hbm>> -> memref<10240x64xi32, #tpu.memory_space<hbm>>
      %dma_start3A_401 = tpu.memref_slice %arg14[%dma_start3A_394] : memref<4x!tpu.dma_semaphore, #tpu.memory_space<semaphore_mem>> -> memref<1x!tpu.dma_semaphore, #tpu.memory_space<semaphore_mem>>
      %dma_start3A_402 = tpu.memref_squeeze %dma_start3A_401 : memref<1x!tpu.dma_semaphore, #tpu.memory_space<semaphore_mem>> -> memref<!tpu.dma_semaphore, #tpu.memory_space<semaphore_mem>>
      tpu.enqueue_indirect_dma source(%dma_start3A_400 : memref<10240x64xi32, #tpu.memory_space<hbm>>) target(%arg12 : memref<128x64xi32, #tpu.memory_space<vmem>>) offsets(%dma_start3A_397 : memref<128xi32, #tpu.memory_space<vmem>>) semaphore(%dma_start3A_402 : memref<!tpu.dma_semaphore, #tpu.memory_space<semaphore_mem>>)
      %dma_wait3A_403 = arith.constant 7 : i32
      %dma_wait3A_404 = arith.constant 0 : i32
      %dma_wait3A_405 = arith.constant 0 : i32
      %dma_wait3A_406 = tpu.memref_slice %arg9[%dma_wait3A_403, %dma_wait3A_405] : memref<16x128xi32, #tpu.memory_space<vmem>> -> memref<1x128xi32, #tpu.memory_space<vmem>>
      %dma_wait3A_407 = tpu.memref_squeeze %dma_wait3A_406 : memref<1x128xi32, #tpu.memory_space<vmem>> -> memref<128xi32, #tpu.memory_space<vmem>>
      %dma_wait3A_408 = arith.constant 0 : i32
      %dma_wait3A_409 = arith.constant 0 : i32
      %dma_wait3A_410 = tpu.memref_slice %arg7[%dma_wait3A_408, %dma_wait3A_409] : memref<10240x128xf32, #tpu.memory_space<vmem_shared>> -> memref<10240x128xf32, #tpu.memory_space<vmem_shared>>
      %dma_wait3A_411 = tpu.memref_slice %arg15[%dma_wait3A_404] : memref<2x!tpu.dma_semaphore, #tpu.memory_space<semaphore_mem>> -> memref<1x!tpu.dma_semaphore, #tpu.memory_space<semaphore_mem>>
      %dma_wait3A_412 = tpu.memref_squeeze %dma_wait3A_411 : memref<1x!tpu.dma_semaphore, #tpu.memory_space<semaphore_mem>> -> memref<!tpu.dma_semaphore, #tpu.memory_space<semaphore_mem>>
      tpu.wait_indirect_dma semaphore(%dma_wait3A_412 : memref<!tpu.dma_semaphore, #tpu.memory_space<semaphore_mem>>) src(%arg13 : memref<128x128xf32, #tpu.memory_space<vmem>>) dst(%dma_wait3A_410 : memref<10240x128xf32, #tpu.memory_space<vmem_shared>>)
      %dma_wait3A_413 = arith.constant 8 : i32
      %dma_wait3A_414 = arith.constant 0 : i32
      %dma_wait3A_415 = arith.constant 0 : i32
      %dma_wait3A_416 = tpu.memref_slice %arg8[%dma_wait3A_413, %dma_wait3A_415] : memref<16x128xi32, #tpu.memory_space<vmem>> -> memref<1x128xi32, #tpu.memory_space<vmem>>
      %dma_wait3A_417 = tpu.memref_squeeze %dma_wait3A_416 : memref<1x128xi32, #tpu.memory_space<vmem>> -> memref<128xi32, #tpu.memory_space<vmem>>
      %dma_wait3A_418 = arith.constant 0 : i32
      %dma_wait3A_419 = arith.constant 0 : i32
      %dma_wait3A_420 = tpu.memref_slice %arg2[%dma_wait3A_418, %dma_wait3A_419] : memref<10240x64xi32, #tpu.memory_space<hbm>> -> memref<10240x64xi32, #tpu.memory_space<hbm>>
      %dma_wait3A_421 = tpu.memref_slice %arg14[%dma_wait3A_414] : memref<4x!tpu.dma_semaphore, #tpu.memory_space<semaphore_mem>> -> memref<1x!tpu.dma_semaphore, #tpu.memory_space<semaphore_mem>>
      %dma_wait3A_422 = tpu.memref_squeeze %dma_wait3A_421 : memref<1x!tpu.dma_semaphore, #tpu.memory_space<semaphore_mem>> -> memref<!tpu.dma_semaphore, #tpu.memory_space<semaphore_mem>>
      tpu.wait_indirect_dma semaphore(%dma_wait3A_422 : memref<!tpu.dma_semaphore, #tpu.memory_space<semaphore_mem>>) src(%dma_wait3A_420 : memref<10240x64xi32, #tpu.memory_space<hbm>>) dst(%arg11 : memref<128x64xi32, #tpu.memory_space<vmem>>)
      %scan3A_423 = arith.constant 0 : i32
      %scan3A_424 = arith.constant 128 : i32
      %scan3A_425 = arith.addi %scan3A_423, %scan3A_424 : i32
      %scan3A_426 = arith.constant 1 : i32
      scf.for %scan3A_757 = %scan3A_423 to %scan3A_425 step %scan3A_426  : i32 {
        %mul3A_758 = arith.constant 1 : i32
        %mul3A_759 = arith.muli %scan3A_757, %mul3A_758 : i32
        %add3A_760 = arith.constant 0 : i32
        %add3A_761 = arith.addi %add3A_760, %mul3A_759 : i32
        %broadcast_in_dim3A_762 = arith.constant 8 : i32
        %broadcast_in_dim3A_763 = vector.broadcast %broadcast_in_dim3A_762 : i32 to vector<16xi32>
        %broadcast_in_dim3A_764 = vector.broadcast %add3A_761 : i32 to vector<16xi32>
        %gather3A = tpu.vector_load_idx %arg10[%broadcast_in_dim3A_763, %broadcast_in_dim3A_764] : memref<16x128xf32, #tpu.memory_space<vmem>>[vector<16xi32>, vector<16xi32>], vector<16xf32>,
        %get3A = arith.index_cast %add3A_761 : i32 to index
        %get3A_765 = arith.constant 0 : index
        %get3A_766 = tpu.vector_load %arg11[%get3A, %get3A_765] {strides = array<i32>} : memref<128x64xi32, #tpu.memory_space<vmem>>, vector<16xi32>,
        %bitcast3A = vector.bitcast %get3A_766 : vector<16xi32> to vector<32xbf16>
        %unpack3A = tpu.unpack_subelements %bitcast3A, 0 {pack_format = #tpu.pack_format<interleaved>} : vector<32xbf16> -> vector<16xf32>
        %unpack3A_767 = tpu.unpack_subelements %bitcast3A, 1 {pack_format = #tpu.pack_format<interleaved>} : vector<32xbf16> -> vector<16xf32>
        %mul3A_768 = arith.mulf %unpack3A, %gather3A : vector<16xf32>
        %swap3A = arith.index_cast %add3A_761 : i32 to index
        %swap3A_769 = arith.constant 0 : index
        %swap3A_770 = tpu.vector_load %arg13[%swap3A, %swap3A_769] {strides = array<i32>} : memref<128x128xf32, #tpu.memory_space<vmem>>, vector<16xf32>,
        tpu.vector_store %arg13[%swap3A, %swap3A_769], %mul3A_768 {strides = array<i32>} : memref<128x128xf32, #tpu.memory_space<vmem>>, vector<16xf32>,
        %mul3A_771 = arith.mulf %unpack3A_767, %gather3A : vector<16xf32>
        %swap3A_772 = arith.index_cast %add3A_761 : i32 to index
        %swap3A_773 = arith.constant 16 : index
        %swap3A_774 = tpu.vector_load %arg13[%swap3A_772, %swap3A_773] {strides = array<i32>} : memref<128x128xf32, #tpu.memory_space<vmem>>, vector<16xf32>,
        tpu.vector_store %arg13[%swap3A_772, %swap3A_773], %mul3A_771 {strides = array<i32>} : memref<128x128xf32, #tpu.memory_space<vmem>>, vector<16xf32>,
        %get3A_775 = arith.index_cast %add3A_761 : i32 to index
        %get3A_776 = arith.constant 16 : index
        %get3A_777 = tpu.vector_load %arg11[%get3A_775, %get3A_776] {strides = array<i32>} : memref<128x64xi32, #tpu.memory_space<vmem>>, vector<16xi32>,
        %bitcast3A_778 = vector.bitcast %get3A_777 : vector<16xi32> to vector<32xbf16>
        %unpack3A_779 = tpu.unpack_subelements %bitcast3A_778, 0 {pack_format = #tpu.pack_format<interleaved>} : vector<32xbf16> -> vector<16xf32>
        %unpack3A_780 = tpu.unpack_subelements %bitcast3A_778, 1 {pack_format = #tpu.pack_format<interleaved>} : vector<32xbf16> -> vector<16xf32>
        %mul3A_781 = arith.mulf %unpack3A_779, %gather3A : vector<16xf32>
        %swap3A_782 = arith.index_cast %add3A_761 : i32 to index
        %swap3A_783 = arith.constant 32 : index
        %swap3A_784 = tpu.vector_load %arg13[%swap3A_782, %swap3A_783] {strides = array<i32>} : memref<128x128xf32, #tpu.memory_space<vmem>>, vector<16xf32>,
        tpu.vector_store %arg13[%swap3A_782, %swap3A_783], %mul3A_781 {strides = array<i32>} : memref<128x128xf32, #tpu.memory_space<vmem>>, vector<16xf32>,
        %mul3A_785 = arith.mulf %unpack3A_780, %gather3A : vector<16xf32>
        %swap3A_786 = arith.index_cast %add3A_761 : i32 to index
        %swap3A_787 = arith.constant 48 : index
        %swap3A_788 = tpu.vector_load %arg13[%swap3A_786, %swap3A_787] {strides = array<i32>} : memref<128x128xf32, #tpu.memory_space<vmem>>, vector<16xf32>,
        tpu.vector_store %arg13[%swap3A_786, %swap3A_787], %mul3A_785 {strides = array<i32>} : memref<128x128xf32, #tpu.memory_space<vmem>>, vector<16xf32>,
        %get3A_789 = arith.index_cast %add3A_761 : i32 to index
        %get3A_790 = arith.constant 32 : index
        %get3A_791 = tpu.vector_load %arg11[%get3A_789, %get3A_790] {strides = array<i32>} : memref<128x64xi32, #tpu.memory_space<vmem>>, vector<16xi32>,
        %bitcast3A_792 = vector.bitcast %get3A_791 : vector<16xi32> to vector<32xbf16>
        %unpack3A_793 = tpu.unpack_subelements %bitcast3A_792, 0 {pack_format = #tpu.pack_format<interleaved>} : vector<32xbf16> -> vector<16xf32>
        %unpack3A_794 = tpu.unpack_subelements %bitcast3A_792, 1 {pack_format = #tpu.pack_format<interleaved>} : vector<32xbf16> -> vector<16xf32>
        %mul3A_795 = arith.mulf %unpack3A_793, %gather3A : vector<16xf32>
        %swap3A_796 = arith.index_cast %add3A_761 : i32 to index
        %swap3A_797 = arith.constant 64 : index
        %swap3A_798 = tpu.vector_load %arg13[%swap3A_796, %swap3A_797] {strides = array<i32>} : memref<128x128xf32, #tpu.memory_space<vmem>>, vector<16xf32>,
        tpu.vector_store %arg13[%swap3A_796, %swap3A_797], %mul3A_795 {strides = array<i32>} : memref<128x128xf32, #tpu.memory_space<vmem>>, vector<16xf32>,
        %mul3A_799 = arith.mulf %unpack3A_794, %gather3A : vector<16xf32>
        %swap3A_800 = arith.index_cast %add3A_761 : i32 to index
        %swap3A_801 = arith.constant 80 : index
        %swap3A_802 = tpu.vector_load %arg13[%swap3A_800, %swap3A_801] {strides = array<i32>} : memref<128x128xf32, #tpu.memory_space<vmem>>, vector<16xf32>,
        tpu.vector_store %arg13[%swap3A_800, %swap3A_801], %mul3A_799 {strides = array<i32>} : memref<128x128xf32, #tpu.memory_space<vmem>>, vector<16xf32>,
        %get3A_803 = arith.index_cast %add3A_761 : i32 to index
        %get3A_804 = arith.constant 48 : index
        %get3A_805 = tpu.vector_load %arg11[%get3A_803, %get3A_804] {strides = array<i32>} : memref<128x64xi32, #tpu.memory_space<vmem>>, vector<16xi32>,
        %bitcast3A_806 = vector.bitcast %get3A_805 : vector<16xi32> to vector<32xbf16>
        %unpack3A_807 = tpu.unpack_subelements %bitcast3A_806, 0 {pack_format = #tpu.pack_format<interleaved>} : vector<32xbf16> -> vector<16xf32>
        %unpack3A_808 = tpu.unpack_subelements %bitcast3A_806, 1 {pack_format = #tpu.pack_format<interleaved>} : vector<32xbf16> -> vector<16xf32>
        %mul3A_809 = arith.mulf %unpack3A_807, %gather3A : vector<16xf32>
        %swap3A_810 = arith.index_cast %add3A_761 : i32 to index
        %swap3A_811 = arith.constant 96 : index
        %swap3A_812 = tpu.vector_load %arg13[%swap3A_810, %swap3A_811] {strides = array<i32>} : memref<128x128xf32, #tpu.memory_space<vmem>>, vector<16xf32>,
        tpu.vector_store %arg13[%swap3A_810, %swap3A_811], %mul3A_809 {strides = array<i32>} : memref<128x128xf32, #tpu.memory_space<vmem>>, vector<16xf32>,
        %mul3A_813 = arith.mulf %unpack3A_808, %gather3A : vector<16xf32>
        %swap3A_814 = arith.index_cast %add3A_761 : i32 to index
        %swap3A_815 = arith.constant 112 : index
        %swap3A_816 = tpu.vector_load %arg13[%swap3A_814, %swap3A_815] {strides = array<i32>} : memref<128x128xf32, #tpu.memory_space<vmem>>, vector<16xf32>,
        tpu.vector_store %arg13[%swap3A_814, %swap3A_815], %mul3A_813 {strides = array<i32>} : memref<128x128xf32, #tpu.memory_space<vmem>>, vector<16xf32>,
      }
      %scan3A_427 = arith.constant 128 : i32
      %dma_start3A_428 = arith.constant 8 : i32
      %dma_start3A_429 = arith.constant 0 : i32
      %dma_start3A_430 = arith.constant 0 : i32
      %dma_start3A_431 = tpu.memref_slice %arg9[%dma_start3A_428, %dma_start3A_430] : memref<16x128xi32, #tpu.memory_space<vmem>> -> memref<1x128xi32, #tpu.memory_space<vmem>>
      %dma_start3A_432 = tpu.memref_squeeze %dma_start3A_431 : memref<1x128xi32, #tpu.memory_space<vmem>> -> memref<128xi32, #tpu.memory_space<vmem>>
      %dma_start3A_433 = arith.constant 0 : i32
      %dma_start3A_434 = arith.constant 0 : i32
      %dma_start3A_435 = tpu.memref_slice %arg7[%dma_start3A_433, %dma_start3A_434] : memref<10240x128xf32, #tpu.memory_space<vmem_shared>> -> memref<10240x128xf32, #tpu.memory_space<vmem_shared>>
      %dma_start3A_436 = tpu.memref_slice %arg15[%dma_start3A_429] : memref<2x!tpu.dma_semaphore, #tpu.memory_space<semaphore_mem>> -> memref<1x!tpu.dma_semaphore, #tpu.memory_space<semaphore_mem>>
      %dma_start3A_437 = tpu.memref_squeeze %dma_start3A_436 : memref<1x!tpu.dma_semaphore, #tpu.memory_space<semaphore_mem>> -> memref<!tpu.dma_semaphore, #tpu.memory_space<semaphore_mem>>
      tpu.enqueue_indirect_dma source(%arg13 : memref<128x128xf32, #tpu.memory_space<vmem>>) target(%dma_start3A_435 : memref<10240x128xf32, #tpu.memory_space<vmem_shared>>) offsets(%dma_start3A_432 : memref<128xi32, #tpu.memory_space<vmem>>) semaphore(%dma_start3A_437 : memref<!tpu.dma_semaphore, #tpu.memory_space<semaphore_mem>>) {add = true}
      %dma_start3A_438 = arith.constant 10 : i32
      %dma_start3A_439 = arith.constant 0 : i32
      %dma_start3A_440 = arith.constant 0 : i32
      %dma_start3A_441 = tpu.memref_slice %arg8[%dma_start3A_438, %dma_start3A_440] : memref<16x128xi32, #tpu.memory_space<vmem>> -> memref<1x128xi32, #tpu.memory_space<vmem>>
      %dma_start3A_442 = tpu.memref_squeeze %dma_start3A_441 : memref<1x128xi32, #tpu.memory_space<vmem>> -> memref<128xi32, #tpu.memory_space<vmem>>
      %dma_start3A_443 = arith.constant 0 : i32
      %dma_start3A_444 = arith.constant 0 : i32
      %dma_start3A_445 = tpu.memref_slice %arg2[%dma_start3A_443, %dma_start3A_444] : memref<10240x64xi32, #tpu.memory_space<hbm>> -> memref<10240x64xi32, #tpu.memory_space<hbm>>
      %dma_start3A_446 = tpu.memref_slice %arg14[%dma_start3A_439] : memref<4x!tpu.dma_semaphore, #tpu.memory_space<semaphore_mem>> -> memref<1x!tpu.dma_semaphore, #tpu.memory_space<semaphore_mem>>
      %dma_start3A_447 = tpu.memref_squeeze %dma_start3A_446 : memref<1x!tpu.dma_semaphore, #tpu.memory_space<semaphore_mem>> -> memref<!tpu.dma_semaphore, #tpu.memory_space<semaphore_mem>>
      tpu.enqueue_indirect_dma source(%dma_start3A_445 : memref<10240x64xi32, #tpu.memory_space<hbm>>) target(%arg11 : memref<128x64xi32, #tpu.memory_space<vmem>>) offsets(%dma_start3A_442 : memref<128xi32, #tpu.memory_space<vmem>>) semaphore(%dma_start3A_447 : memref<!tpu.dma_semaphore, #tpu.memory_space<semaphore_mem>>)
      %dma_wait3A_448 = arith.constant 8 : i32
      %dma_wait3A_449 = arith.constant 0 : i32
      %dma_wait3A_450 = arith.constant 0 : i32
      %dma_wait3A_451 = tpu.memref_slice %arg9[%dma_wait3A_448, %dma_wait3A_450] : memref<16x128xi32, #tpu.memory_space<vmem>> -> memref<1x128xi32, #tpu.memory_space<vmem>>
      %dma_wait3A_452 = tpu.memref_squeeze %dma_wait3A_451 : memref<1x128xi32, #tpu.memory_space<vmem>> -> memref<128xi32, #tpu.memory_space<vmem>>
      %dma_wait3A_453 = arith.constant 0 : i32
      %dma_wait3A_454 = arith.constant 0 : i32
      %dma_wait3A_455 = tpu.memref_slice %arg7[%dma_wait3A_453, %dma_wait3A_454] : memref<10240x128xf32, #tpu.memory_space<vmem_shared>> -> memref<10240x128xf32, #tpu.memory_space<vmem_shared>>
      %dma_wait3A_456 = tpu.memref_slice %arg15[%dma_wait3A_449] : memref<2x!tpu.dma_semaphore, #tpu.memory_space<semaphore_mem>> -> memref<1x!tpu.dma_semaphore, #tpu.memory_space<semaphore_mem>>
      %dma_wait3A_457 = tpu.memref_squeeze %dma_wait3A_456 : memref<1x!tpu.dma_semaphore, #tpu.memory_space<semaphore_mem>> -> memref<!tpu.dma_semaphore, #tpu.memory_space<semaphore_mem>>
      tpu.wait_indirect_dma semaphore(%dma_wait3A_457 : memref<!tpu.dma_semaphore, #tpu.memory_space<semaphore_mem>>) src(%arg13 : memref<128x128xf32, #tpu.memory_space<vmem>>) dst(%dma_wait3A_455 : memref<10240x128xf32, #tpu.memory_space<vmem_shared>>)
      %dma_wait3A_458 = arith.constant 9 : i32
      %dma_wait3A_459 = arith.constant 1 : i32
      %dma_wait3A_460 = arith.constant 0 : i32
      %dma_wait3A_461 = tpu.memref_slice %arg8[%dma_wait3A_458, %dma_wait3A_460] : memref<16x128xi32, #tpu.memory_space<vmem>> -> memref<1x128xi32, #tpu.memory_space<vmem>>
      %dma_wait3A_462 = tpu.memref_squeeze %dma_wait3A_461 : memref<1x128xi32, #tpu.memory_space<vmem>> -> memref<128xi32, #tpu.memory_space<vmem>>
      %dma_wait3A_463 = arith.constant 0 : i32
      %dma_wait3A_464 = arith.constant 0 : i32
      %dma_wait3A_465 = tpu.memref_slice %arg2[%dma_wait3A_463, %dma_wait3A_464] : memref<10240x64xi32, #tpu.memory_space<hbm>> -> memref<10240x64xi32, #tpu.memory_space<hbm>>
      %dma_wait3A_466 = tpu.memref_slice %arg14[%dma_wait3A_459] : memref<4x!tpu.dma_semaphore, #tpu.memory_space<semaphore_mem>> -> memref<1x!tpu.dma_semaphore, #tpu.memory_space<semaphore_mem>>
      %dma_wait3A_467 = tpu.memref_squeeze %dma_wait3A_466 : memref<1x!tpu.dma_semaphore, #tpu.memory_space<semaphore_mem>> -> memref<!tpu.dma_semaphore, #tpu.memory_space<semaphore_mem>>
      tpu.wait_indirect_dma semaphore(%dma_wait3A_467 : memref<!tpu.dma_semaphore, #tpu.memory_space<semaphore_mem>>) src(%dma_wait3A_465 : memref<10240x64xi32, #tpu.memory_space<hbm>>) dst(%arg12 : memref<128x64xi32, #tpu.memory_space<vmem>>)
      %scan3A_468 = arith.constant 0 : i32
      %scan3A_469 = arith.constant 128 : i32
      %scan3A_470 = arith.addi %scan3A_468, %scan3A_469 : i32
      %scan3A_471 = arith.constant 1 : i32
      scf.for %scan3A_757 = %scan3A_468 to %scan3A_470 step %scan3A_471  : i32 {
        %mul3A_758 = arith.constant 1 : i32
        %mul3A_759 = arith.muli %scan3A_757, %mul3A_758 : i32
        %add3A_760 = arith.constant 0 : i32
        %add3A_761 = arith.addi %add3A_760, %mul3A_759 : i32
        %broadcast_in_dim3A_762 = arith.constant 9 : i32
        %broadcast_in_dim3A_763 = vector.broadcast %broadcast_in_dim3A_762 : i32 to vector<16xi32>
        %broadcast_in_dim3A_764 = vector.broadcast %add3A_761 : i32 to vector<16xi32>
        %gather3A = tpu.vector_load_idx %arg10[%broadcast_in_dim3A_763, %broadcast_in_dim3A_764] : memref<16x128xf32, #tpu.memory_space<vmem>>[vector<16xi32>, vector<16xi32>], vector<16xf32>,
        %get3A = arith.index_cast %add3A_761 : i32 to index
        %get3A_765 = arith.constant 0 : index
        %get3A_766 = tpu.vector_load %arg12[%get3A, %get3A_765] {strides = array<i32>} : memref<128x64xi32, #tpu.memory_space<vmem>>, vector<16xi32>,
        %bitcast3A = vector.bitcast %get3A_766 : vector<16xi32> to vector<32xbf16>
        %unpack3A = tpu.unpack_subelements %bitcast3A, 0 {pack_format = #tpu.pack_format<interleaved>} : vector<32xbf16> -> vector<16xf32>
        %unpack3A_767 = tpu.unpack_subelements %bitcast3A, 1 {pack_format = #tpu.pack_format<interleaved>} : vector<32xbf16> -> vector<16xf32>
        %mul3A_768 = arith.mulf %unpack3A, %gather3A : vector<16xf32>
        %swap3A = arith.index_cast %add3A_761 : i32 to index
        %swap3A_769 = arith.constant 0 : index
        %swap3A_770 = tpu.vector_load %arg13[%swap3A, %swap3A_769] {strides = array<i32>} : memref<128x128xf32, #tpu.memory_space<vmem>>, vector<16xf32>,
        tpu.vector_store %arg13[%swap3A, %swap3A_769], %mul3A_768 {strides = array<i32>} : memref<128x128xf32, #tpu.memory_space<vmem>>, vector<16xf32>,
        %mul3A_771 = arith.mulf %unpack3A_767, %gather3A : vector<16xf32>
        %swap3A_772 = arith.index_cast %add3A_761 : i32 to index
        %swap3A_773 = arith.constant 16 : index
        %swap3A_774 = tpu.vector_load %arg13[%swap3A_772, %swap3A_773] {strides = array<i32>} : memref<128x128xf32, #tpu.memory_space<vmem>>, vector<16xf32>,
        tpu.vector_store %arg13[%swap3A_772, %swap3A_773], %mul3A_771 {strides = array<i32>} : memref<128x128xf32, #tpu.memory_space<vmem>>, vector<16xf32>,
        %get3A_775 = arith.index_cast %add3A_761 : i32 to index
        %get3A_776 = arith.constant 16 : index
        %get3A_777 = tpu.vector_load %arg12[%get3A_775, %get3A_776] {strides = array<i32>} : memref<128x64xi32, #tpu.memory_space<vmem>>, vector<16xi32>,
        %bitcast3A_778 = vector.bitcast %get3A_777 : vector<16xi32> to vector<32xbf16>
        %unpack3A_779 = tpu.unpack_subelements %bitcast3A_778, 0 {pack_format = #tpu.pack_format<interleaved>} : vector<32xbf16> -> vector<16xf32>
        %unpack3A_780 = tpu.unpack_subelements %bitcast3A_778, 1 {pack_format = #tpu.pack_format<interleaved>} : vector<32xbf16> -> vector<16xf32>
        %mul3A_781 = arith.mulf %unpack3A_779, %gather3A : vector<16xf32>
        %swap3A_782 = arith.index_cast %add3A_761 : i32 to index
        %swap3A_783 = arith.constant 32 : index
        %swap3A_784 = tpu.vector_load %arg13[%swap3A_782, %swap3A_783] {strides = array<i32>} : memref<128x128xf32, #tpu.memory_space<vmem>>, vector<16xf32>,
        tpu.vector_store %arg13[%swap3A_782, %swap3A_783], %mul3A_781 {strides = array<i32>} : memref<128x128xf32, #tpu.memory_space<vmem>>, vector<16xf32>,
        %mul3A_785 = arith.mulf %unpack3A_780, %gather3A : vector<16xf32>
        %swap3A_786 = arith.index_cast %add3A_761 : i32 to index
        %swap3A_787 = arith.constant 48 : index
        %swap3A_788 = tpu.vector_load %arg13[%swap3A_786, %swap3A_787] {strides = array<i32>} : memref<128x128xf32, #tpu.memory_space<vmem>>, vector<16xf32>,
        tpu.vector_store %arg13[%swap3A_786, %swap3A_787], %mul3A_785 {strides = array<i32>} : memref<128x128xf32, #tpu.memory_space<vmem>>, vector<16xf32>,
        %get3A_789 = arith.index_cast %add3A_761 : i32 to index
        %get3A_790 = arith.constant 32 : index
        %get3A_791 = tpu.vector_load %arg12[%get3A_789, %get3A_790] {strides = array<i32>} : memref<128x64xi32, #tpu.memory_space<vmem>>, vector<16xi32>,
        %bitcast3A_792 = vector.bitcast %get3A_791 : vector<16xi32> to vector<32xbf16>
        %unpack3A_793 = tpu.unpack_subelements %bitcast3A_792, 0 {pack_format = #tpu.pack_format<interleaved>} : vector<32xbf16> -> vector<16xf32>
        %unpack3A_794 = tpu.unpack_subelements %bitcast3A_792, 1 {pack_format = #tpu.pack_format<interleaved>} : vector<32xbf16> -> vector<16xf32>
        %mul3A_795 = arith.mulf %unpack3A_793, %gather3A : vector<16xf32>
        %swap3A_796 = arith.index_cast %add3A_761 : i32 to index
        %swap3A_797 = arith.constant 64 : index
        %swap3A_798 = tpu.vector_load %arg13[%swap3A_796, %swap3A_797] {strides = array<i32>} : memref<128x128xf32, #tpu.memory_space<vmem>>, vector<16xf32>,
        tpu.vector_store %arg13[%swap3A_796, %swap3A_797], %mul3A_795 {strides = array<i32>} : memref<128x128xf32, #tpu.memory_space<vmem>>, vector<16xf32>,
        %mul3A_799 = arith.mulf %unpack3A_794, %gather3A : vector<16xf32>
        %swap3A_800 = arith.index_cast %add3A_761 : i32 to index
        %swap3A_801 = arith.constant 80 : index
        %swap3A_802 = tpu.vector_load %arg13[%swap3A_800, %swap3A_801] {strides = array<i32>} : memref<128x128xf32, #tpu.memory_space<vmem>>, vector<16xf32>,
        tpu.vector_store %arg13[%swap3A_800, %swap3A_801], %mul3A_799 {strides = array<i32>} : memref<128x128xf32, #tpu.memory_space<vmem>>, vector<16xf32>,
        %get3A_803 = arith.index_cast %add3A_761 : i32 to index
        %get3A_804 = arith.constant 48 : index
        %get3A_805 = tpu.vector_load %arg12[%get3A_803, %get3A_804] {strides = array<i32>} : memref<128x64xi32, #tpu.memory_space<vmem>>, vector<16xi32>,
        %bitcast3A_806 = vector.bitcast %get3A_805 : vector<16xi32> to vector<32xbf16>
        %unpack3A_807 = tpu.unpack_subelements %bitcast3A_806, 0 {pack_format = #tpu.pack_format<interleaved>} : vector<32xbf16> -> vector<16xf32>
        %unpack3A_808 = tpu.unpack_subelements %bitcast3A_806, 1 {pack_format = #tpu.pack_format<interleaved>} : vector<32xbf16> -> vector<16xf32>
        %mul3A_809 = arith.mulf %unpack3A_807, %gather3A : vector<16xf32>
        %swap3A_810 = arith.index_cast %add3A_761 : i32 to index
        %swap3A_811 = arith.constant 96 : index
        %swap3A_812 = tpu.vector_load %arg13[%swap3A_810, %swap3A_811] {strides = array<i32>} : memref<128x128xf32, #tpu.memory_space<vmem>>, vector<16xf32>,
        tpu.vector_store %arg13[%swap3A_810, %swap3A_811], %mul3A_809 {strides = array<i32>} : memref<128x128xf32, #tpu.memory_space<vmem>>, vector<16xf32>,
        %mul3A_813 = arith.mulf %unpack3A_808, %gather3A : vector<16xf32>
        %swap3A_814 = arith.index_cast %add3A_761 : i32 to index
        %swap3A_815 = arith.constant 112 : index
        %swap3A_816 = tpu.vector_load %arg13[%swap3A_814, %swap3A_815] {strides = array<i32>} : memref<128x128xf32, #tpu.memory_space<vmem>>, vector<16xf32>,
        tpu.vector_store %arg13[%swap3A_814, %swap3A_815], %mul3A_813 {strides = array<i32>} : memref<128x128xf32, #tpu.memory_space<vmem>>, vector<16xf32>,
      }
      %scan3A_472 = arith.constant 128 : i32
      %dma_start3A_473 = arith.constant 9 : i32
      %dma_start3A_474 = arith.constant 0 : i32
      %dma_start3A_475 = arith.constant 0 : i32
      %dma_start3A_476 = tpu.memref_slice %arg9[%dma_start3A_473, %dma_start3A_475] : memref<16x128xi32, #tpu.memory_space<vmem>> -> memref<1x128xi32, #tpu.memory_space<vmem>>
      %dma_start3A_477 = tpu.memref_squeeze %dma_start3A_476 : memref<1x128xi32, #tpu.memory_space<vmem>> -> memref<128xi32, #tpu.memory_space<vmem>>
      %dma_start3A_478 = arith.constant 0 : i32
      %dma_start3A_479 = arith.constant 0 : i32
      %dma_start3A_480 = tpu.memref_slice %arg7[%dma_start3A_478, %dma_start3A_479] : memref<10240x128xf32, #tpu.memory_space<vmem_shared>> -> memref<10240x128xf32, #tpu.memory_space<vmem_shared>>
      %dma_start3A_481 = tpu.memref_slice %arg15[%dma_start3A_474] : memref<2x!tpu.dma_semaphore, #tpu.memory_space<semaphore_mem>> -> memref<1x!tpu.dma_semaphore, #tpu.memory_space<semaphore_mem>>
      %dma_start3A_482 = tpu.memref_squeeze %dma_start3A_481 : memref<1x!tpu.dma_semaphore, #tpu.memory_space<semaphore_mem>> -> memref<!tpu.dma_semaphore, #tpu.memory_space<semaphore_mem>>
      tpu.enqueue_indirect_dma source(%arg13 : memref<128x128xf32, #tpu.memory_space<vmem>>) target(%dma_start3A_480 : memref<10240x128xf32, #tpu.memory_space<vmem_shared>>) offsets(%dma_start3A_477 : memref<128xi32, #tpu.memory_space<vmem>>) semaphore(%dma_start3A_482 : memref<!tpu.dma_semaphore, #tpu.memory_space<semaphore_mem>>) {add = true}
      %dma_start3A_483 = arith.constant 11 : i32
      %dma_start3A_484 = arith.constant 1 : i32
      %dma_start3A_485 = arith.constant 0 : i32
      %dma_start3A_486 = tpu.memref_slice %arg8[%dma_start3A_483, %dma_start3A_485] : memref<16x128xi32, #tpu.memory_space<vmem>> -> memref<1x128xi32, #tpu.memory_space<vmem>>
      %dma_start3A_487 = tpu.memref_squeeze %dma_start3A_486 : memref<1x128xi32, #tpu.memory_space<vmem>> -> memref<128xi32, #tpu.memory_space<vmem>>
      %dma_start3A_488 = arith.constant 0 : i32
      %dma_start3A_489 = arith.constant 0 : i32
      %dma_start3A_490 = tpu.memref_slice %arg2[%dma_start3A_488, %dma_start3A_489] : memref<10240x64xi32, #tpu.memory_space<hbm>> -> memref<10240x64xi32, #tpu.memory_space<hbm>>
      %dma_start3A_491 = tpu.memref_slice %arg14[%dma_start3A_484] : memref<4x!tpu.dma_semaphore, #tpu.memory_space<semaphore_mem>> -> memref<1x!tpu.dma_semaphore, #tpu.memory_space<semaphore_mem>>
      %dma_start3A_492 = tpu.memref_squeeze %dma_start3A_491 : memref<1x!tpu.dma_semaphore, #tpu.memory_space<semaphore_mem>> -> memref<!tpu.dma_semaphore, #tpu.memory_space<semaphore_mem>>
      tpu.enqueue_indirect_dma source(%dma_start3A_490 : memref<10240x64xi32, #tpu.memory_space<hbm>>) target(%arg12 : memref<128x64xi32, #tpu.memory_space<vmem>>) offsets(%dma_start3A_487 : memref<128xi32, #tpu.memory_space<vmem>>) semaphore(%dma_start3A_492 : memref<!tpu.dma_semaphore, #tpu.memory_space<semaphore_mem>>)
      %dma_wait3A_493 = arith.constant 9 : i32
      %dma_wait3A_494 = arith.constant 0 : i32
      %dma_wait3A_495 = arith.constant 0 : i32
      %dma_wait3A_496 = tpu.memref_slice %arg9[%dma_wait3A_493, %dma_wait3A_495] : memref<16x128xi32, #tpu.memory_space<vmem>> -> memref<1x128xi32, #tpu.memory_space<vmem>>
      %dma_wait3A_497 = tpu.memref_squeeze %dma_wait3A_496 : memref<1x128xi32, #tpu.memory_space<vmem>> -> memref<128xi32, #tpu.memory_space<vmem>>
      %dma_wait3A_498 = arith.constant 0 : i32
      %dma_wait3A_499 = arith.constant 0 : i32
      %dma_wait3A_500 = tpu.memref_slice %arg7[%dma_wait3A_498, %dma_wait3A_499] : memref<10240x128xf32, #tpu.memory_space<vmem_shared>> -> memref<10240x128xf32, #tpu.memory_space<vmem_shared>>
      %dma_wait3A_501 = tpu.memref_slice %arg15[%dma_wait3A_494] : memref<2x!tpu.dma_semaphore, #tpu.memory_space<semaphore_mem>> -> memref<1x!tpu.dma_semaphore, #tpu.memory_space<semaphore_mem>>
      %dma_wait3A_502 = tpu.memref_squeeze %dma_wait3A_501 : memref<1x!tpu.dma_semaphore, #tpu.memory_space<semaphore_mem>> -> memref<!tpu.dma_semaphore, #tpu.memory_space<semaphore_mem>>
      tpu.wait_indirect_dma semaphore(%dma_wait3A_502 : memref<!tpu.dma_semaphore, #tpu.memory_space<semaphore_mem>>) src(%arg13 : memref<128x128xf32, #tpu.memory_space<vmem>>) dst(%dma_wait3A_500 : memref<10240x128xf32, #tpu.memory_space<vmem_shared>>)
      %dma_wait3A_503 = arith.constant 10 : i32
      %dma_wait3A_504 = arith.constant 0 : i32
      %dma_wait3A_505 = arith.constant 0 : i32
      %dma_wait3A_506 = tpu.memref_slice %arg8[%dma_wait3A_503, %dma_wait3A_505] : memref<16x128xi32, #tpu.memory_space<vmem>> -> memref<1x128xi32, #tpu.memory_space<vmem>>
      %dma_wait3A_507 = tpu.memref_squeeze %dma_wait3A_506 : memref<1x128xi32, #tpu.memory_space<vmem>> -> memref<128xi32, #tpu.memory_space<vmem>>
      %dma_wait3A_508 = arith.constant 0 : i32
      %dma_wait3A_509 = arith.constant 0 : i32
      %dma_wait3A_510 = tpu.memref_slice %arg2[%dma_wait3A_508, %dma_wait3A_509] : memref<10240x64xi32, #tpu.memory_space<hbm>> -> memref<10240x64xi32, #tpu.memory_space<hbm>>
      %dma_wait3A_511 = tpu.memref_slice %arg14[%dma_wait3A_504] : memref<4x!tpu.dma_semaphore, #tpu.memory_space<semaphore_mem>> -> memref<1x!tpu.dma_semaphore, #tpu.memory_space<semaphore_mem>>
      %dma_wait3A_512 = tpu.memref_squeeze %dma_wait3A_511 : memref<1x!tpu.dma_semaphore, #tpu.memory_space<semaphore_mem>> -> memref<!tpu.dma_semaphore, #tpu.memory_space<semaphore_mem>>
      tpu.wait_indirect_dma semaphore(%dma_wait3A_512 : memref<!tpu.dma_semaphore, #tpu.memory_space<semaphore_mem>>) src(%dma_wait3A_510 : memref<10240x64xi32, #tpu.memory_space<hbm>>) dst(%arg11 : memref<128x64xi32, #tpu.memory_space<vmem>>)
      %scan3A_513 = arith.constant 0 : i32
      %scan3A_514 = arith.constant 128 : i32
      %scan3A_515 = arith.addi %scan3A_513, %scan3A_514 : i32
      %scan3A_516 = arith.constant 1 : i32
      scf.for %scan3A_757 = %scan3A_513 to %scan3A_515 step %scan3A_516  : i32 {
        %mul3A_758 = arith.constant 1 : i32
        %mul3A_759 = arith.muli %scan3A_757, %mul3A_758 : i32
        %add3A_760 = arith.constant 0 : i32
        %add3A_761 = arith.addi %add3A_760, %mul3A_759 : i32
        %broadcast_in_dim3A_762 = arith.constant 10 : i32
        %broadcast_in_dim3A_763 = vector.broadcast %broadcast_in_dim3A_762 : i32 to vector<16xi32>
        %broadcast_in_dim3A_764 = vector.broadcast %add3A_761 : i32 to vector<16xi32>
        %gather3A = tpu.vector_load_idx %arg10[%broadcast_in_dim3A_763, %broadcast_in_dim3A_764] : memref<16x128xf32, #tpu.memory_space<vmem>>[vector<16xi32>, vector<16xi32>], vector<16xf32>,
        %get3A = arith.index_cast %add3A_761 : i32 to index
        %get3A_765 = arith.constant 0 : index
        %get3A_766 = tpu.vector_load %arg11[%get3A, %get3A_765] {strides = array<i32>} : memref<128x64xi32, #tpu.memory_space<vmem>>, vector<16xi32>,
        %bitcast3A = vector.bitcast %get3A_766 : vector<16xi32> to vector<32xbf16>
        %unpack3A = tpu.unpack_subelements %bitcast3A, 0 {pack_format = #tpu.pack_format<interleaved>} : vector<32xbf16> -> vector<16xf32>
        %unpack3A_767 = tpu.unpack_subelements %bitcast3A, 1 {pack_format = #tpu.pack_format<interleaved>} : vector<32xbf16> -> vector<16xf32>
        %mul3A_768 = arith.mulf %unpack3A, %gather3A : vector<16xf32>
        %swap3A = arith.index_cast %add3A_761 : i32 to index
        %swap3A_769 = arith.constant 0 : index
        %swap3A_770 = tpu.vector_load %arg13[%swap3A, %swap3A_769] {strides = array<i32>} : memref<128x128xf32, #tpu.memory_space<vmem>>, vector<16xf32>,
        tpu.vector_store %arg13[%swap3A, %swap3A_769], %mul3A_768 {strides = array<i32>} : memref<128x128xf32, #tpu.memory_space<vmem>>, vector<16xf32>,
        %mul3A_771 = arith.mulf %unpack3A_767, %gather3A : vector<16xf32>
        %swap3A_772 = arith.index_cast %add3A_761 : i32 to index
        %swap3A_773 = arith.constant 16 : index
        %swap3A_774 = tpu.vector_load %arg13[%swap3A_772, %swap3A_773] {strides = array<i32>} : memref<128x128xf32, #tpu.memory_space<vmem>>, vector<16xf32>,
        tpu.vector_store %arg13[%swap3A_772, %swap3A_773], %mul3A_771 {strides = array<i32>} : memref<128x128xf32, #tpu.memory_space<vmem>>, vector<16xf32>,
        %get3A_775 = arith.index_cast %add3A_761 : i32 to index
        %get3A_776 = arith.constant 16 : index
        %get3A_777 = tpu.vector_load %arg11[%get3A_775, %get3A_776] {strides = array<i32>} : memref<128x64xi32, #tpu.memory_space<vmem>>, vector<16xi32>,
        %bitcast3A_778 = vector.bitcast %get3A_777 : vector<16xi32> to vector<32xbf16>
        %unpack3A_779 = tpu.unpack_subelements %bitcast3A_778, 0 {pack_format = #tpu.pack_format<interleaved>} : vector<32xbf16> -> vector<16xf32>
        %unpack3A_780 = tpu.unpack_subelements %bitcast3A_778, 1 {pack_format = #tpu.pack_format<interleaved>} : vector<32xbf16> -> vector<16xf32>
        %mul3A_781 = arith.mulf %unpack3A_779, %gather3A : vector<16xf32>
        %swap3A_782 = arith.index_cast %add3A_761 : i32 to index
        %swap3A_783 = arith.constant 32 : index
        %swap3A_784 = tpu.vector_load %arg13[%swap3A_782, %swap3A_783] {strides = array<i32>} : memref<128x128xf32, #tpu.memory_space<vmem>>, vector<16xf32>,
        tpu.vector_store %arg13[%swap3A_782, %swap3A_783], %mul3A_781 {strides = array<i32>} : memref<128x128xf32, #tpu.memory_space<vmem>>, vector<16xf32>,
        %mul3A_785 = arith.mulf %unpack3A_780, %gather3A : vector<16xf32>
        %swap3A_786 = arith.index_cast %add3A_761 : i32 to index
        %swap3A_787 = arith.constant 48 : index
        %swap3A_788 = tpu.vector_load %arg13[%swap3A_786, %swap3A_787] {strides = array<i32>} : memref<128x128xf32, #tpu.memory_space<vmem>>, vector<16xf32>,
        tpu.vector_store %arg13[%swap3A_786, %swap3A_787], %mul3A_785 {strides = array<i32>} : memref<128x128xf32, #tpu.memory_space<vmem>>, vector<16xf32>,
        %get3A_789 = arith.index_cast %add3A_761 : i32 to index
        %get3A_790 = arith.constant 32 : index
        %get3A_791 = tpu.vector_load %arg11[%get3A_789, %get3A_790] {strides = array<i32>} : memref<128x64xi32, #tpu.memory_space<vmem>>, vector<16xi32>,
        %bitcast3A_792 = vector.bitcast %get3A_791 : vector<16xi32> to vector<32xbf16>
        %unpack3A_793 = tpu.unpack_subelements %bitcast3A_792, 0 {pack_format = #tpu.pack_format<interleaved>} : vector<32xbf16> -> vector<16xf32>
        %unpack3A_794 = tpu.unpack_subelements %bitcast3A_792, 1 {pack_format = #tpu.pack_format<interleaved>} : vector<32xbf16> -> vector<16xf32>
        %mul3A_795 = arith.mulf %unpack3A_793, %gather3A : vector<16xf32>
        %swap3A_796 = arith.index_cast %add3A_761 : i32 to index
        %swap3A_797 = arith.constant 64 : index
        %swap3A_798 = tpu.vector_load %arg13[%swap3A_796, %swap3A_797] {strides = array<i32>} : memref<128x128xf32, #tpu.memory_space<vmem>>, vector<16xf32>,
        tpu.vector_store %arg13[%swap3A_796, %swap3A_797], %mul3A_795 {strides = array<i32>} : memref<128x128xf32, #tpu.memory_space<vmem>>, vector<16xf32>,
        %mul3A_799 = arith.mulf %unpack3A_794, %gather3A : vector<16xf32>
        %swap3A_800 = arith.index_cast %add3A_761 : i32 to index
        %swap3A_801 = arith.constant 80 : index
        %swap3A_802 = tpu.vector_load %arg13[%swap3A_800, %swap3A_801] {strides = array<i32>} : memref<128x128xf32, #tpu.memory_space<vmem>>, vector<16xf32>,
        tpu.vector_store %arg13[%swap3A_800, %swap3A_801], %mul3A_799 {strides = array<i32>} : memref<128x128xf32, #tpu.memory_space<vmem>>, vector<16xf32>,
        %get3A_803 = arith.index_cast %add3A_761 : i32 to index
        %get3A_804 = arith.constant 48 : index
        %get3A_805 = tpu.vector_load %arg11[%get3A_803, %get3A_804] {strides = array<i32>} : memref<128x64xi32, #tpu.memory_space<vmem>>, vector<16xi32>,
        %bitcast3A_806 = vector.bitcast %get3A_805 : vector<16xi32> to vector<32xbf16>
        %unpack3A_807 = tpu.unpack_subelements %bitcast3A_806, 0 {pack_format = #tpu.pack_format<interleaved>} : vector<32xbf16> -> vector<16xf32>
        %unpack3A_808 = tpu.unpack_subelements %bitcast3A_806, 1 {pack_format = #tpu.pack_format<interleaved>} : vector<32xbf16> -> vector<16xf32>
        %mul3A_809 = arith.mulf %unpack3A_807, %gather3A : vector<16xf32>
        %swap3A_810 = arith.index_cast %add3A_761 : i32 to index
        %swap3A_811 = arith.constant 96 : index
        %swap3A_812 = tpu.vector_load %arg13[%swap3A_810, %swap3A_811] {strides = array<i32>} : memref<128x128xf32, #tpu.memory_space<vmem>>, vector<16xf32>,
        tpu.vector_store %arg13[%swap3A_810, %swap3A_811], %mul3A_809 {strides = array<i32>} : memref<128x128xf32, #tpu.memory_space<vmem>>, vector<16xf32>,
        %mul3A_813 = arith.mulf %unpack3A_808, %gather3A : vector<16xf32>
        %swap3A_814 = arith.index_cast %add3A_761 : i32 to index
        %swap3A_815 = arith.constant 112 : index
        %swap3A_816 = tpu.vector_load %arg13[%swap3A_814, %swap3A_815] {strides = array<i32>} : memref<128x128xf32, #tpu.memory_space<vmem>>, vector<16xf32>,
        tpu.vector_store %arg13[%swap3A_814, %swap3A_815], %mul3A_813 {strides = array<i32>} : memref<128x128xf32, #tpu.memory_space<vmem>>, vector<16xf32>,
      }
      %scan3A_517 = arith.constant 128 : i32
      %dma_start3A_518 = arith.constant 10 : i32
      %dma_start3A_519 = arith.constant 0 : i32
      %dma_start3A_520 = arith.constant 0 : i32
      %dma_start3A_521 = tpu.memref_slice %arg9[%dma_start3A_518, %dma_start3A_520] : memref<16x128xi32, #tpu.memory_space<vmem>> -> memref<1x128xi32, #tpu.memory_space<vmem>>
      %dma_start3A_522 = tpu.memref_squeeze %dma_start3A_521 : memref<1x128xi32, #tpu.memory_space<vmem>> -> memref<128xi32, #tpu.memory_space<vmem>>
      %dma_start3A_523 = arith.constant 0 : i32
      %dma_start3A_524 = arith.constant 0 : i32
      %dma_start3A_525 = tpu.memref_slice %arg7[%dma_start3A_523, %dma_start3A_524] : memref<10240x128xf32, #tpu.memory_space<vmem_shared>> -> memref<10240x128xf32, #tpu.memory_space<vmem_shared>>
      %dma_start3A_526 = tpu.memref_slice %arg15[%dma_start3A_519] : memref<2x!tpu.dma_semaphore, #tpu.memory_space<semaphore_mem>> -> memref<1x!tpu.dma_semaphore, #tpu.memory_space<semaphore_mem>>
      %dma_start3A_527 = tpu.memref_squeeze %dma_start3A_526 : memref<1x!tpu.dma_semaphore, #tpu.memory_space<semaphore_mem>> -> memref<!tpu.dma_semaphore, #tpu.memory_space<semaphore_mem>>
      tpu.enqueue_indirect_dma source(%arg13 : memref<128x128xf32, #tpu.memory_space<vmem>>) target(%dma_start3A_525 : memref<10240x128xf32, #tpu.memory_space<vmem_shared>>) offsets(%dma_start3A_522 : memref<128xi32, #tpu.memory_space<vmem>>) semaphore(%dma_start3A_527 : memref<!tpu.dma_semaphore, #tpu.memory_space<semaphore_mem>>) {add = true}
      %dma_start3A_528 = arith.constant 12 : i32
      %dma_start3A_529 = arith.constant 0 : i32
      %dma_start3A_530 = arith.constant 0 : i32
      %dma_start3A_531 = tpu.memref_slice %arg8[%dma_start3A_528, %dma_start3A_530] : memref<16x128xi32, #tpu.memory_space<vmem>> -> memref<1x128xi32, #tpu.memory_space<vmem>>
      %dma_start3A_532 = tpu.memref_squeeze %dma_start3A_531 : memref<1x128xi32, #tpu.memory_space<vmem>> -> memref<128xi32, #tpu.memory_space<vmem>>
      %dma_start3A_533 = arith.constant 0 : i32
      %dma_start3A_534 = arith.constant 0 : i32
      %dma_start3A_535 = tpu.memref_slice %arg2[%dma_start3A_533, %dma_start3A_534] : memref<10240x64xi32, #tpu.memory_space<hbm>> -> memref<10240x64xi32, #tpu.memory_space<hbm>>
      %dma_start3A_536 = tpu.memref_slice %arg14[%dma_start3A_529] : memref<4x!tpu.dma_semaphore, #tpu.memory_space<semaphore_mem>> -> memref<1x!tpu.dma_semaphore, #tpu.memory_space<semaphore_mem>>
      %dma_start3A_537 = tpu.memref_squeeze %dma_start3A_536 : memref<1x!tpu.dma_semaphore, #tpu.memory_space<semaphore_mem>> -> memref<!tpu.dma_semaphore, #tpu.memory_space<semaphore_mem>>
      tpu.enqueue_indirect_dma source(%dma_start3A_535 : memref<10240x64xi32, #tpu.memory_space<hbm>>) target(%arg11 : memref<128x64xi32, #tpu.memory_space<vmem>>) offsets(%dma_start3A_532 : memref<128xi32, #tpu.memory_space<vmem>>) semaphore(%dma_start3A_537 : memref<!tpu.dma_semaphore, #tpu.memory_space<semaphore_mem>>)
      %dma_wait3A_538 = arith.constant 10 : i32
      %dma_wait3A_539 = arith.constant 0 : i32
      %dma_wait3A_540 = arith.constant 0 : i32
      %dma_wait3A_541 = tpu.memref_slice %arg9[%dma_wait3A_538, %dma_wait3A_540] : memref<16x128xi32, #tpu.memory_space<vmem>> -> memref<1x128xi32, #tpu.memory_space<vmem>>
      %dma_wait3A_542 = tpu.memref_squeeze %dma_wait3A_541 : memref<1x128xi32, #tpu.memory_space<vmem>> -> memref<128xi32, #tpu.memory_space<vmem>>
      %dma_wait3A_543 = arith.constant 0 : i32
      %dma_wait3A_544 = arith.constant 0 : i32
      %dma_wait3A_545 = tpu.memref_slice %arg7[%dma_wait3A_543, %dma_wait3A_544] : memref<10240x128xf32, #tpu.memory_space<vmem_shared>> -> memref<10240x128xf32, #tpu.memory_space<vmem_shared>>
      %dma_wait3A_546 = tpu.memref_slice %arg15[%dma_wait3A_539] : memref<2x!tpu.dma_semaphore, #tpu.memory_space<semaphore_mem>> -> memref<1x!tpu.dma_semaphore, #tpu.memory_space<semaphore_mem>>
      %dma_wait3A_547 = tpu.memref_squeeze %dma_wait3A_546 : memref<1x!tpu.dma_semaphore, #tpu.memory_space<semaphore_mem>> -> memref<!tpu.dma_semaphore, #tpu.memory_space<semaphore_mem>>
      tpu.wait_indirect_dma semaphore(%dma_wait3A_547 : memref<!tpu.dma_semaphore, #tpu.memory_space<semaphore_mem>>) src(%arg13 : memref<128x128xf32, #tpu.memory_space<vmem>>) dst(%dma_wait3A_545 : memref<10240x128xf32, #tpu.memory_space<vmem_shared>>)
      %dma_wait3A_548 = arith.constant 11 : i32
      %dma_wait3A_549 = arith.constant 1 : i32
      %dma_wait3A_550 = arith.constant 0 : i32
      %dma_wait3A_551 = tpu.memref_slice %arg8[%dma_wait3A_548, %dma_wait3A_550] : memref<16x128xi32, #tpu.memory_space<vmem>> -> memref<1x128xi32, #tpu.memory_space<vmem>>
      %dma_wait3A_552 = tpu.memref_squeeze %dma_wait3A_551 : memref<1x128xi32, #tpu.memory_space<vmem>> -> memref<128xi32, #tpu.memory_space<vmem>>
      %dma_wait3A_553 = arith.constant 0 : i32
      %dma_wait3A_554 = arith.constant 0 : i32
      %dma_wait3A_555 = tpu.memref_slice %arg2[%dma_wait3A_553, %dma_wait3A_554] : memref<10240x64xi32, #tpu.memory_space<hbm>> -> memref<10240x64xi32, #tpu.memory_space<hbm>>
      %dma_wait3A_556 = tpu.memref_slice %arg14[%dma_wait3A_549] : memref<4x!tpu.dma_semaphore, #tpu.memory_space<semaphore_mem>> -> memref<1x!tpu.dma_semaphore, #tpu.memory_space<semaphore_mem>>
      %dma_wait3A_557 = tpu.memref_squeeze %dma_wait3A_556 : memref<1x!tpu.dma_semaphore, #tpu.memory_space<semaphore_mem>> -> memref<!tpu.dma_semaphore, #tpu.memory_space<semaphore_mem>>
      tpu.wait_indirect_dma semaphore(%dma_wait3A_557 : memref<!tpu.dma_semaphore, #tpu.memory_space<semaphore_mem>>) src(%dma_wait3A_555 : memref<10240x64xi32, #tpu.memory_space<hbm>>) dst(%arg12 : memref<128x64xi32, #tpu.memory_space<vmem>>)
      %scan3A_558 = arith.constant 0 : i32
      %scan3A_559 = arith.constant 128 : i32
      %scan3A_560 = arith.addi %scan3A_558, %scan3A_559 : i32
      %scan3A_561 = arith.constant 1 : i32
      scf.for %scan3A_757 = %scan3A_558 to %scan3A_560 step %scan3A_561  : i32 {
        %mul3A_758 = arith.constant 1 : i32
        %mul3A_759 = arith.muli %scan3A_757, %mul3A_758 : i32
        %add3A_760 = arith.constant 0 : i32
        %add3A_761 = arith.addi %add3A_760, %mul3A_759 : i32
        %broadcast_in_dim3A_762 = arith.constant 11 : i32
        %broadcast_in_dim3A_763 = vector.broadcast %broadcast_in_dim3A_762 : i32 to vector<16xi32>
        %broadcast_in_dim3A_764 = vector.broadcast %add3A_761 : i32 to vector<16xi32>
        %gather3A = tpu.vector_load_idx %arg10[%broadcast_in_dim3A_763, %broadcast_in_dim3A_764] : memref<16x128xf32, #tpu.memory_space<vmem>>[vector<16xi32>, vector<16xi32>], vector<16xf32>,
        %get3A = arith.index_cast %add3A_761 : i32 to index
        %get3A_765 = arith.constant 0 : index
        %get3A_766 = tpu.vector_load %arg12[%get3A, %get3A_765] {strides = array<i32>} : memref<128x64xi32, #tpu.memory_space<vmem>>, vector<16xi32>,
        %bitcast3A = vector.bitcast %get3A_766 : vector<16xi32> to vector<32xbf16>
        %unpack3A = tpu.unpack_subelements %bitcast3A, 0 {pack_format = #tpu.pack_format<interleaved>} : vector<32xbf16> -> vector<16xf32>
        %unpack3A_767 = tpu.unpack_subelements %bitcast3A, 1 {pack_format = #tpu.pack_format<interleaved>} : vector<32xbf16> -> vector<16xf32>
        %mul3A_768 = arith.mulf %unpack3A, %gather3A : vector<16xf32>
        %swap3A = arith.index_cast %add3A_761 : i32 to index
        %swap3A_769 = arith.constant 0 : index
        %swap3A_770 = tpu.vector_load %arg13[%swap3A, %swap3A_769] {strides = array<i32>} : memref<128x128xf32, #tpu.memory_space<vmem>>, vector<16xf32>,
        tpu.vector_store %arg13[%swap3A, %swap3A_769], %mul3A_768 {strides = array<i32>} : memref<128x128xf32, #tpu.memory_space<vmem>>, vector<16xf32>,
        %mul3A_771 = arith.mulf %unpack3A_767, %gather3A : vector<16xf32>
        %swap3A_772 = arith.index_cast %add3A_761 : i32 to index
        %swap3A_773 = arith.constant 16 : index
        %swap3A_774 = tpu.vector_load %arg13[%swap3A_772, %swap3A_773] {strides = array<i32>} : memref<128x128xf32, #tpu.memory_space<vmem>>, vector<16xf32>,
        tpu.vector_store %arg13[%swap3A_772, %swap3A_773], %mul3A_771 {strides = array<i32>} : memref<128x128xf32, #tpu.memory_space<vmem>>, vector<16xf32>,
        %get3A_775 = arith.index_cast %add3A_761 : i32 to index
        %get3A_776 = arith.constant 16 : index
        %get3A_777 = tpu.vector_load %arg12[%get3A_775, %get3A_776] {strides = array<i32>} : memref<128x64xi32, #tpu.memory_space<vmem>>, vector<16xi32>,
        %bitcast3A_778 = vector.bitcast %get3A_777 : vector<16xi32> to vector<32xbf16>
        %unpack3A_779 = tpu.unpack_subelements %bitcast3A_778, 0 {pack_format = #tpu.pack_format<interleaved>} : vector<32xbf16> -> vector<16xf32>
        %unpack3A_780 = tpu.unpack_subelements %bitcast3A_778, 1 {pack_format = #tpu.pack_format<interleaved>} : vector<32xbf16> -> vector<16xf32>
        %mul3A_781 = arith.mulf %unpack3A_779, %gather3A : vector<16xf32>
        %swap3A_782 = arith.index_cast %add3A_761 : i32 to index
        %swap3A_783 = arith.constant 32 : index
        %swap3A_784 = tpu.vector_load %arg13[%swap3A_782, %swap3A_783] {strides = array<i32>} : memref<128x128xf32, #tpu.memory_space<vmem>>, vector<16xf32>,
        tpu.vector_store %arg13[%swap3A_782, %swap3A_783], %mul3A_781 {strides = array<i32>} : memref<128x128xf32, #tpu.memory_space<vmem>>, vector<16xf32>,
        %mul3A_785 = arith.mulf %unpack3A_780, %gather3A : vector<16xf32>
        %swap3A_786 = arith.index_cast %add3A_761 : i32 to index
        %swap3A_787 = arith.constant 48 : index
        %swap3A_788 = tpu.vector_load %arg13[%swap3A_786, %swap3A_787] {strides = array<i32>} : memref<128x128xf32, #tpu.memory_space<vmem>>, vector<16xf32>,
        tpu.vector_store %arg13[%swap3A_786, %swap3A_787], %mul3A_785 {strides = array<i32>} : memref<128x128xf32, #tpu.memory_space<vmem>>, vector<16xf32>,
        %get3A_789 = arith.index_cast %add3A_761 : i32 to index
        %get3A_790 = arith.constant 32 : index
        %get3A_791 = tpu.vector_load %arg12[%get3A_789, %get3A_790] {strides = array<i32>} : memref<128x64xi32, #tpu.memory_space<vmem>>, vector<16xi32>,
        %bitcast3A_792 = vector.bitcast %get3A_791 : vector<16xi32> to vector<32xbf16>
        %unpack3A_793 = tpu.unpack_subelements %bitcast3A_792, 0 {pack_format = #tpu.pack_format<interleaved>} : vector<32xbf16> -> vector<16xf32>
        %unpack3A_794 = tpu.unpack_subelements %bitcast3A_792, 1 {pack_format = #tpu.pack_format<interleaved>} : vector<32xbf16> -> vector<16xf32>
        %mul3A_795 = arith.mulf %unpack3A_793, %gather3A : vector<16xf32>
        %swap3A_796 = arith.index_cast %add3A_761 : i32 to index
        %swap3A_797 = arith.constant 64 : index
        %swap3A_798 = tpu.vector_load %arg13[%swap3A_796, %swap3A_797] {strides = array<i32>} : memref<128x128xf32, #tpu.memory_space<vmem>>, vector<16xf32>,
        tpu.vector_store %arg13[%swap3A_796, %swap3A_797], %mul3A_795 {strides = array<i32>} : memref<128x128xf32, #tpu.memory_space<vmem>>, vector<16xf32>,
        %mul3A_799 = arith.mulf %unpack3A_794, %gather3A : vector<16xf32>
        %swap3A_800 = arith.index_cast %add3A_761 : i32 to index
        %swap3A_801 = arith.constant 80 : index
        %swap3A_802 = tpu.vector_load %arg13[%swap3A_800, %swap3A_801] {strides = array<i32>} : memref<128x128xf32, #tpu.memory_space<vmem>>, vector<16xf32>,
        tpu.vector_store %arg13[%swap3A_800, %swap3A_801], %mul3A_799 {strides = array<i32>} : memref<128x128xf32, #tpu.memory_space<vmem>>, vector<16xf32>,
        %get3A_803 = arith.index_cast %add3A_761 : i32 to index
        %get3A_804 = arith.constant 48 : index
        %get3A_805 = tpu.vector_load %arg12[%get3A_803, %get3A_804] {strides = array<i32>} : memref<128x64xi32, #tpu.memory_space<vmem>>, vector<16xi32>,
        %bitcast3A_806 = vector.bitcast %get3A_805 : vector<16xi32> to vector<32xbf16>
        %unpack3A_807 = tpu.unpack_subelements %bitcast3A_806, 0 {pack_format = #tpu.pack_format<interleaved>} : vector<32xbf16> -> vector<16xf32>
        %unpack3A_808 = tpu.unpack_subelements %bitcast3A_806, 1 {pack_format = #tpu.pack_format<interleaved>} : vector<32xbf16> -> vector<16xf32>
        %mul3A_809 = arith.mulf %unpack3A_807, %gather3A : vector<16xf32>
        %swap3A_810 = arith.index_cast %add3A_761 : i32 to index
        %swap3A_811 = arith.constant 96 : index
        %swap3A_812 = tpu.vector_load %arg13[%swap3A_810, %swap3A_811] {strides = array<i32>} : memref<128x128xf32, #tpu.memory_space<vmem>>, vector<16xf32>,
        tpu.vector_store %arg13[%swap3A_810, %swap3A_811], %mul3A_809 {strides = array<i32>} : memref<128x128xf32, #tpu.memory_space<vmem>>, vector<16xf32>,
        %mul3A_813 = arith.mulf %unpack3A_808, %gather3A : vector<16xf32>
        %swap3A_814 = arith.index_cast %add3A_761 : i32 to index
        %swap3A_815 = arith.constant 112 : index
        %swap3A_816 = tpu.vector_load %arg13[%swap3A_814, %swap3A_815] {strides = array<i32>} : memref<128x128xf32, #tpu.memory_space<vmem>>, vector<16xf32>,
        tpu.vector_store %arg13[%swap3A_814, %swap3A_815], %mul3A_813 {strides = array<i32>} : memref<128x128xf32, #tpu.memory_space<vmem>>, vector<16xf32>,
      }
      %scan3A_562 = arith.constant 128 : i32
      %dma_start3A_563 = arith.constant 11 : i32
      %dma_start3A_564 = arith.constant 0 : i32
      %dma_start3A_565 = arith.constant 0 : i32
      %dma_start3A_566 = tpu.memref_slice %arg9[%dma_start3A_563, %dma_start3A_565] : memref<16x128xi32, #tpu.memory_space<vmem>> -> memref<1x128xi32, #tpu.memory_space<vmem>>
      %dma_start3A_567 = tpu.memref_squeeze %dma_start3A_566 : memref<1x128xi32, #tpu.memory_space<vmem>> -> memref<128xi32, #tpu.memory_space<vmem>>
      %dma_start3A_568 = arith.constant 0 : i32
      %dma_start3A_569 = arith.constant 0 : i32
      %dma_start3A_570 = tpu.memref_slice %arg7[%dma_start3A_568, %dma_start3A_569] : memref<10240x128xf32, #tpu.memory_space<vmem_shared>> -> memref<10240x128xf32, #tpu.memory_space<vmem_shared>>
      %dma_start3A_571 = tpu.memref_slice %arg15[%dma_start3A_564] : memref<2x!tpu.dma_semaphore, #tpu.memory_space<semaphore_mem>> -> memref<1x!tpu.dma_semaphore, #tpu.memory_space<semaphore_mem>>
      %dma_start3A_572 = tpu.memref_squeeze %dma_start3A_571 : memref<1x!tpu.dma_semaphore, #tpu.memory_space<semaphore_mem>> -> memref<!tpu.dma_semaphore, #tpu.memory_space<semaphore_mem>>
      tpu.enqueue_indirect_dma source(%arg13 : memref<128x128xf32, #tpu.memory_space<vmem>>) target(%dma_start3A_570 : memref<10240x128xf32, #tpu.memory_space<vmem_shared>>) offsets(%dma_start3A_567 : memref<128xi32, #tpu.memory_space<vmem>>) semaphore(%dma_start3A_572 : memref<!tpu.dma_semaphore, #tpu.memory_space<semaphore_mem>>) {add = true}
      %dma_start3A_573 = arith.constant 13 : i32
      %dma_start3A_574 = arith.constant 1 : i32
      %dma_start3A_575 = arith.constant 0 : i32
      %dma_start3A_576 = tpu.memref_slice %arg8[%dma_start3A_573, %dma_start3A_575] : memref<16x128xi32, #tpu.memory_space<vmem>> -> memref<1x128xi32, #tpu.memory_space<vmem>>
      %dma_start3A_577 = tpu.memref_squeeze %dma_start3A_576 : memref<1x128xi32, #tpu.memory_space<vmem>> -> memref<128xi32, #tpu.memory_space<vmem>>
      %dma_start3A_578 = arith.constant 0 : i32
      %dma_start3A_579 = arith.constant 0 : i32
      %dma_start3A_580 = tpu.memref_slice %arg2[%dma_start3A_578, %dma_start3A_579] : memref<10240x64xi32, #tpu.memory_space<hbm>> -> memref<10240x64xi32, #tpu.memory_space<hbm>>
      %dma_start3A_581 = tpu.memref_slice %arg14[%dma_start3A_574] : memref<4x!tpu.dma_semaphore, #tpu.memory_space<semaphore_mem>> -> memref<1x!tpu.dma_semaphore, #tpu.memory_space<semaphore_mem>>
      %dma_start3A_582 = tpu.memref_squeeze %dma_start3A_581 : memref<1x!tpu.dma_semaphore, #tpu.memory_space<semaphore_mem>> -> memref<!tpu.dma_semaphore, #tpu.memory_space<semaphore_mem>>
      tpu.enqueue_indirect_dma source(%dma_start3A_580 : memref<10240x64xi32, #tpu.memory_space<hbm>>) target(%arg12 : memref<128x64xi32, #tpu.memory_space<vmem>>) offsets(%dma_start3A_577 : memref<128xi32, #tpu.memory_space<vmem>>) semaphore(%dma_start3A_582 : memref<!tpu.dma_semaphore, #tpu.memory_space<semaphore_mem>>)
      %dma_wait3A_583 = arith.constant 11 : i32
      %dma_wait3A_584 = arith.constant 0 : i32
      %dma_wait3A_585 = arith.constant 0 : i32
      %dma_wait3A_586 = tpu.memref_slice %arg9[%dma_wait3A_583, %dma_wait3A_585] : memref<16x128xi32, #tpu.memory_space<vmem>> -> memref<1x128xi32, #tpu.memory_space<vmem>>
      %dma_wait3A_587 = tpu.memref_squeeze %dma_wait3A_586 : memref<1x128xi32, #tpu.memory_space<vmem>> -> memref<128xi32, #tpu.memory_space<vmem>>
      %dma_wait3A_588 = arith.constant 0 : i32
      %dma_wait3A_589 = arith.constant 0 : i32
      %dma_wait3A_590 = tpu.memref_slice %arg7[%dma_wait3A_588, %dma_wait3A_589] : memref<10240x128xf32, #tpu.memory_space<vmem_shared>> -> memref<10240x128xf32, #tpu.memory_space<vmem_shared>>
      %dma_wait3A_591 = tpu.memref_slice %arg15[%dma_wait3A_584] : memref<2x!tpu.dma_semaphore, #tpu.memory_space<semaphore_mem>> -> memref<1x!tpu.dma_semaphore, #tpu.memory_space<semaphore_mem>>
      %dma_wait3A_592 = tpu.memref_squeeze %dma_wait3A_591 : memref<1x!tpu.dma_semaphore, #tpu.memory_space<semaphore_mem>> -> memref<!tpu.dma_semaphore, #tpu.memory_space<semaphore_mem>>
      tpu.wait_indirect_dma semaphore(%dma_wait3A_592 : memref<!tpu.dma_semaphore, #tpu.memory_space<semaphore_mem>>) src(%arg13 : memref<128x128xf32, #tpu.memory_space<vmem>>) dst(%dma_wait3A_590 : memref<10240x128xf32, #tpu.memory_space<vmem_shared>>)
      %dma_wait3A_593 = arith.constant 12 : i32
      %dma_wait3A_594 = arith.constant 0 : i32
      %dma_wait3A_595 = arith.constant 0 : i32
      %dma_wait3A_596 = tpu.memref_slice %arg8[%dma_wait3A_593, %dma_wait3A_595] : memref<16x128xi32, #tpu.memory_space<vmem>> -> memref<1x128xi32, #tpu.memory_space<vmem>>
      %dma_wait3A_597 = tpu.memref_squeeze %dma_wait3A_596 : memref<1x128xi32, #tpu.memory_space<vmem>> -> memref<128xi32, #tpu.memory_space<vmem>>
      %dma_wait3A_598 = arith.constant 0 : i32
      %dma_wait3A_599 = arith.constant 0 : i32
      %dma_wait3A_600 = tpu.memref_slice %arg2[%dma_wait3A_598, %dma_wait3A_599] : memref<10240x64xi32, #tpu.memory_space<hbm>> -> memref<10240x64xi32, #tpu.memory_space<hbm>>
      %dma_wait3A_601 = tpu.memref_slice %arg14[%dma_wait3A_594] : memref<4x!tpu.dma_semaphore, #tpu.memory_space<semaphore_mem>> -> memref<1x!tpu.dma_semaphore, #tpu.memory_space<semaphore_mem>>
      %dma_wait3A_602 = tpu.memref_squeeze %dma_wait3A_601 : memref<1x!tpu.dma_semaphore, #tpu.memory_space<semaphore_mem>> -> memref<!tpu.dma_semaphore, #tpu.memory_space<semaphore_mem>>
      tpu.wait_indirect_dma semaphore(%dma_wait3A_602 : memref<!tpu.dma_semaphore, #tpu.memory_space<semaphore_mem>>) src(%dma_wait3A_600 : memref<10240x64xi32, #tpu.memory_space<hbm>>) dst(%arg11 : memref<128x64xi32, #tpu.memory_space<vmem>>)
      %scan3A_603 = arith.constant 0 : i32
      %scan3A_604 = arith.constant 128 : i32
      %scan3A_605 = arith.addi %scan3A_603, %scan3A_604 : i32
      %scan3A_606 = arith.constant 1 : i32
      scf.for %scan3A_757 = %scan3A_603 to %scan3A_605 step %scan3A_606  : i32 {
        %mul3A_758 = arith.constant 1 : i32
        %mul3A_759 = arith.muli %scan3A_757, %mul3A_758 : i32
        %add3A_760 = arith.constant 0 : i32
        %add3A_761 = arith.addi %add3A_760, %mul3A_759 : i32
        %broadcast_in_dim3A_762 = arith.constant 12 : i32
        %broadcast_in_dim3A_763 = vector.broadcast %broadcast_in_dim3A_762 : i32 to vector<16xi32>
        %broadcast_in_dim3A_764 = vector.broadcast %add3A_761 : i32 to vector<16xi32>
        %gather3A = tpu.vector_load_idx %arg10[%broadcast_in_dim3A_763, %broadcast_in_dim3A_764] : memref<16x128xf32, #tpu.memory_space<vmem>>[vector<16xi32>, vector<16xi32>], vector<16xf32>,
        %get3A = arith.index_cast %add3A_761 : i32 to index
        %get3A_765 = arith.constant 0 : index
        %get3A_766 = tpu.vector_load %arg11[%get3A, %get3A_765] {strides = array<i32>} : memref<128x64xi32, #tpu.memory_space<vmem>>, vector<16xi32>,
        %bitcast3A = vector.bitcast %get3A_766 : vector<16xi32> to vector<32xbf16>
        %unpack3A = tpu.unpack_subelements %bitcast3A, 0 {pack_format = #tpu.pack_format<interleaved>} : vector<32xbf16> -> vector<16xf32>
        %unpack3A_767 = tpu.unpack_subelements %bitcast3A, 1 {pack_format = #tpu.pack_format<interleaved>} : vector<32xbf16> -> vector<16xf32>
        %mul3A_768 = arith.mulf %unpack3A, %gather3A : vector<16xf32>
        %swap3A = arith.index_cast %add3A_761 : i32 to index
        %swap3A_769 = arith.constant 0 : index
        %swap3A_770 = tpu.vector_load %arg13[%swap3A, %swap3A_769] {strides = array<i32>} : memref<128x128xf32, #tpu.memory_space<vmem>>, vector<16xf32>,
        tpu.vector_store %arg13[%swap3A, %swap3A_769], %mul3A_768 {strides = array<i32>} : memref<128x128xf32, #tpu.memory_space<vmem>>, vector<16xf32>,
        %mul3A_771 = arith.mulf %unpack3A_767, %gather3A : vector<16xf32>
        %swap3A_772 = arith.index_cast %add3A_761 : i32 to index
        %swap3A_773 = arith.constant 16 : index
        %swap3A_774 = tpu.vector_load %arg13[%swap3A_772, %swap3A_773] {strides = array<i32>} : memref<128x128xf32, #tpu.memory_space<vmem>>, vector<16xf32>,
        tpu.vector_store %arg13[%swap3A_772, %swap3A_773], %mul3A_771 {strides = array<i32>} : memref<128x128xf32, #tpu.memory_space<vmem>>, vector<16xf32>,
        %get3A_775 = arith.index_cast %add3A_761 : i32 to index
        %get3A_776 = arith.constant 16 : index
        %get3A_777 = tpu.vector_load %arg11[%get3A_775, %get3A_776] {strides = array<i32>} : memref<128x64xi32, #tpu.memory_space<vmem>>, vector<16xi32>,
        %bitcast3A_778 = vector.bitcast %get3A_777 : vector<16xi32> to vector<32xbf16>
        %unpack3A_779 = tpu.unpack_subelements %bitcast3A_778, 0 {pack_format = #tpu.pack_format<interleaved>} : vector<32xbf16> -> vector<16xf32>
        %unpack3A_780 = tpu.unpack_subelements %bitcast3A_778, 1 {pack_format = #tpu.pack_format<interleaved>} : vector<32xbf16> -> vector<16xf32>
        %mul3A_781 = arith.mulf %unpack3A_779, %gather3A : vector<16xf32>
        %swap3A_782 = arith.index_cast %add3A_761 : i32 to index
        %swap3A_783 = arith.constant 32 : index
        %swap3A_784 = tpu.vector_load %arg13[%swap3A_782, %swap3A_783] {strides = array<i32>} : memref<128x128xf32, #tpu.memory_space<vmem>>, vector<16xf32>,
        tpu.vector_store %arg13[%swap3A_782, %swap3A_783], %mul3A_781 {strides = array<i32>} : memref<128x128xf32, #tpu.memory_space<vmem>>, vector<16xf32>,
        %mul3A_785 = arith.mulf %unpack3A_780, %gather3A : vector<16xf32>
        %swap3A_786 = arith.index_cast %add3A_761 : i32 to index
        %swap3A_787 = arith.constant 48 : index
        %swap3A_788 = tpu.vector_load %arg13[%swap3A_786, %swap3A_787] {strides = array<i32>} : memref<128x128xf32, #tpu.memory_space<vmem>>, vector<16xf32>,
        tpu.vector_store %arg13[%swap3A_786, %swap3A_787], %mul3A_785 {strides = array<i32>} : memref<128x128xf32, #tpu.memory_space<vmem>>, vector<16xf32>,
        %get3A_789 = arith.index_cast %add3A_761 : i32 to index
        %get3A_790 = arith.constant 32 : index
        %get3A_791 = tpu.vector_load %arg11[%get3A_789, %get3A_790] {strides = array<i32>} : memref<128x64xi32, #tpu.memory_space<vmem>>, vector<16xi32>,
        %bitcast3A_792 = vector.bitcast %get3A_791 : vector<16xi32> to vector<32xbf16>
        %unpack3A_793 = tpu.unpack_subelements %bitcast3A_792, 0 {pack_format = #tpu.pack_format<interleaved>} : vector<32xbf16> -> vector<16xf32>
        %unpack3A_794 = tpu.unpack_subelements %bitcast3A_792, 1 {pack_format = #tpu.pack_format<interleaved>} : vector<32xbf16> -> vector<16xf32>
        %mul3A_795 = arith.mulf %unpack3A_793, %gather3A : vector<16xf32>
        %swap3A_796 = arith.index_cast %add3A_761 : i32 to index
        %swap3A_797 = arith.constant 64 : index
        %swap3A_798 = tpu.vector_load %arg13[%swap3A_796, %swap3A_797] {strides = array<i32>} : memref<128x128xf32, #tpu.memory_space<vmem>>, vector<16xf32>,
        tpu.vector_store %arg13[%swap3A_796, %swap3A_797], %mul3A_795 {strides = array<i32>} : memref<128x128xf32, #tpu.memory_space<vmem>>, vector<16xf32>,
        %mul3A_799 = arith.mulf %unpack3A_794, %gather3A : vector<16xf32>
        %swap3A_800 = arith.index_cast %add3A_761 : i32 to index
        %swap3A_801 = arith.constant 80 : index
        %swap3A_802 = tpu.vector_load %arg13[%swap3A_800, %swap3A_801] {strides = array<i32>} : memref<128x128xf32, #tpu.memory_space<vmem>>, vector<16xf32>,
        tpu.vector_store %arg13[%swap3A_800, %swap3A_801], %mul3A_799 {strides = array<i32>} : memref<128x128xf32, #tpu.memory_space<vmem>>, vector<16xf32>,
        %get3A_803 = arith.index_cast %add3A_761 : i32 to index
        %get3A_804 = arith.constant 48 : index
        %get3A_805 = tpu.vector_load %arg11[%get3A_803, %get3A_804] {strides = array<i32>} : memref<128x64xi32, #tpu.memory_space<vmem>>, vector<16xi32>,
        %bitcast3A_806 = vector.bitcast %get3A_805 : vector<16xi32> to vector<32xbf16>
        %unpack3A_807 = tpu.unpack_subelements %bitcast3A_806, 0 {pack_format = #tpu.pack_format<interleaved>} : vector<32xbf16> -> vector<16xf32>
        %unpack3A_808 = tpu.unpack_subelements %bitcast3A_806, 1 {pack_format = #tpu.pack_format<interleaved>} : vector<32xbf16> -> vector<16xf32>
        %mul3A_809 = arith.mulf %unpack3A_807, %gather3A : vector<16xf32>
        %swap3A_810 = arith.index_cast %add3A_761 : i32 to index
        %swap3A_811 = arith.constant 96 : index
        %swap3A_812 = tpu.vector_load %arg13[%swap3A_810, %swap3A_811] {strides = array<i32>} : memref<128x128xf32, #tpu.memory_space<vmem>>, vector<16xf32>,
        tpu.vector_store %arg13[%swap3A_810, %swap3A_811], %mul3A_809 {strides = array<i32>} : memref<128x128xf32, #tpu.memory_space<vmem>>, vector<16xf32>,
        %mul3A_813 = arith.mulf %unpack3A_808, %gather3A : vector<16xf32>
        %swap3A_814 = arith.index_cast %add3A_761 : i32 to index
        %swap3A_815 = arith.constant 112 : index
        %swap3A_816 = tpu.vector_load %arg13[%swap3A_814, %swap3A_815] {strides = array<i32>} : memref<128x128xf32, #tpu.memory_space<vmem>>, vector<16xf32>,
        tpu.vector_store %arg13[%swap3A_814, %swap3A_815], %mul3A_813 {strides = array<i32>} : memref<128x128xf32, #tpu.memory_space<vmem>>, vector<16xf32>,
      }
      %scan3A_607 = arith.constant 128 : i32
      %dma_start3A_608 = arith.constant 12 : i32
      %dma_start3A_609 = arith.constant 0 : i32
      %dma_start3A_610 = arith.constant 0 : i32
      %dma_start3A_611 = tpu.memref_slice %arg9[%dma_start3A_608, %dma_start3A_610] : memref<16x128xi32, #tpu.memory_space<vmem>> -> memref<1x128xi32, #tpu.memory_space<vmem>>
      %dma_start3A_612 = tpu.memref_squeeze %dma_start3A_611 : memref<1x128xi32, #tpu.memory_space<vmem>> -> memref<128xi32, #tpu.memory_space<vmem>>
      %dma_start3A_613 = arith.constant 0 : i32
      %dma_start3A_614 = arith.constant 0 : i32
      %dma_start3A_615 = tpu.memref_slice %arg7[%dma_start3A_613, %dma_start3A_614] : memref<10240x128xf32, #tpu.memory_space<vmem_shared>> -> memref<10240x128xf32, #tpu.memory_space<vmem_shared>>
      %dma_start3A_616 = tpu.memref_slice %arg15[%dma_start3A_609] : memref<2x!tpu.dma_semaphore, #tpu.memory_space<semaphore_mem>> -> memref<1x!tpu.dma_semaphore, #tpu.memory_space<semaphore_mem>>
      %dma_start3A_617 = tpu.memref_squeeze %dma_start3A_616 : memref<1x!tpu.dma_semaphore, #tpu.memory_space<semaphore_mem>> -> memref<!tpu.dma_semaphore, #tpu.memory_space<semaphore_mem>>
      tpu.enqueue_indirect_dma source(%arg13 : memref<128x128xf32, #tpu.memory_space<vmem>>) target(%dma_start3A_615 : memref<10240x128xf32, #tpu.memory_space<vmem_shared>>) offsets(%dma_start3A_612 : memref<128xi32, #tpu.memory_space<vmem>>) semaphore(%dma_start3A_617 : memref<!tpu.dma_semaphore, #tpu.memory_space<semaphore_mem>>) {add = true}
      %dma_start3A_618 = arith.constant 14 : i32
      %dma_start3A_619 = arith.constant 0 : i32
      %dma_start3A_620 = arith.constant 0 : i32
      %dma_start3A_621 = tpu.memref_slice %arg8[%dma_start3A_618, %dma_start3A_620] : memref<16x128xi32, #tpu.memory_space<vmem>> -> memref<1x128xi32, #tpu.memory_space<vmem>>
      %dma_start3A_622 = tpu.memref_squeeze %dma_start3A_621 : memref<1x128xi32, #tpu.memory_space<vmem>> -> memref<128xi32, #tpu.memory_space<vmem>>
      %dma_start3A_623 = arith.constant 0 : i32
      %dma_start3A_624 = arith.constant 0 : i32
      %dma_start3A_625 = tpu.memref_slice %arg2[%dma_start3A_623, %dma_start3A_624] : memref<10240x64xi32, #tpu.memory_space<hbm>> -> memref<10240x64xi32, #tpu.memory_space<hbm>>
      %dma_start3A_626 = tpu.memref_slice %arg14[%dma_start3A_619] : memref<4x!tpu.dma_semaphore, #tpu.memory_space<semaphore_mem>> -> memref<1x!tpu.dma_semaphore, #tpu.memory_space<semaphore_mem>>
      %dma_start3A_627 = tpu.memref_squeeze %dma_start3A_626 : memref<1x!tpu.dma_semaphore, #tpu.memory_space<semaphore_mem>> -> memref<!tpu.dma_semaphore, #tpu.memory_space<semaphore_mem>>
      tpu.enqueue_indirect_dma source(%dma_start3A_625 : memref<10240x64xi32, #tpu.memory_space<hbm>>) target(%arg11 : memref<128x64xi32, #tpu.memory_space<vmem>>) offsets(%dma_start3A_622 : memref<128xi32, #tpu.memory_space<vmem>>) semaphore(%dma_start3A_627 : memref<!tpu.dma_semaphore, #tpu.memory_space<semaphore_mem>>)
      %dma_wait3A_628 = arith.constant 12 : i32
      %dma_wait3A_629 = arith.constant 0 : i32
      %dma_wait3A_630 = arith.constant 0 : i32
      %dma_wait3A_631 = tpu.memref_slice %arg9[%dma_wait3A_628, %dma_wait3A_630] : memref<16x128xi32, #tpu.memory_space<vmem>> -> memref<1x128xi32, #tpu.memory_space<vmem>>
      %dma_wait3A_632 = tpu.memref_squeeze %dma_wait3A_631 : memref<1x128xi32, #tpu.memory_space<vmem>> -> memref<128xi32, #tpu.memory_space<vmem>>
      %dma_wait3A_633 = arith.constant 0 : i32
      %dma_wait3A_634 = arith.constant 0 : i32
      %dma_wait3A_635 = tpu.memref_slice %arg7[%dma_wait3A_633, %dma_wait3A_634] : memref<10240x128xf32, #tpu.memory_space<vmem_shared>> -> memref<10240x128xf32, #tpu.memory_space<vmem_shared>>
      %dma_wait3A_636 = tpu.memref_slice %arg15[%dma_wait3A_629] : memref<2x!tpu.dma_semaphore, #tpu.memory_space<semaphore_mem>> -> memref<1x!tpu.dma_semaphore, #tpu.memory_space<semaphore_mem>>
      %dma_wait3A_637 = tpu.memref_squeeze %dma_wait3A_636 : memref<1x!tpu.dma_semaphore, #tpu.memory_space<semaphore_mem>> -> memref<!tpu.dma_semaphore, #tpu.memory_space<semaphore_mem>>
      tpu.wait_indirect_dma semaphore(%dma_wait3A_637 : memref<!tpu.dma_semaphore, #tpu.memory_space<semaphore_mem>>) src(%arg13 : memref<128x128xf32, #tpu.memory_space<vmem>>) dst(%dma_wait3A_635 : memref<10240x128xf32, #tpu.memory_space<vmem_shared>>)
      %dma_wait3A_638 = arith.constant 13 : i32
      %dma_wait3A_639 = arith.constant 1 : i32
      %dma_wait3A_640 = arith.constant 0 : i32
      %dma_wait3A_641 = tpu.memref_slice %arg8[%dma_wait3A_638, %dma_wait3A_640] : memref<16x128xi32, #tpu.memory_space<vmem>> -> memref<1x128xi32, #tpu.memory_space<vmem>>
      %dma_wait3A_642 = tpu.memref_squeeze %dma_wait3A_641 : memref<1x128xi32, #tpu.memory_space<vmem>> -> memref<128xi32, #tpu.memory_space<vmem>>
      %dma_wait3A_643 = arith.constant 0 : i32
      %dma_wait3A_644 = arith.constant 0 : i32
      %dma_wait3A_645 = tpu.memref_slice %arg2[%dma_wait3A_643, %dma_wait3A_644] : memref<10240x64xi32, #tpu.memory_space<hbm>> -> memref<10240x64xi32, #tpu.memory_space<hbm>>
      %dma_wait3A_646 = tpu.memref_slice %arg14[%dma_wait3A_639] : memref<4x!tpu.dma_semaphore, #tpu.memory_space<semaphore_mem>> -> memref<1x!tpu.dma_semaphore, #tpu.memory_space<semaphore_mem>>
      %dma_wait3A_647 = tpu.memref_squeeze %dma_wait3A_646 : memref<1x!tpu.dma_semaphore, #tpu.memory_space<semaphore_mem>> -> memref<!tpu.dma_semaphore, #tpu.memory_space<semaphore_mem>>
      tpu.wait_indirect_dma semaphore(%dma_wait3A_647 : memref<!tpu.dma_semaphore, #tpu.memory_space<semaphore_mem>>) src(%dma_wait3A_645 : memref<10240x64xi32, #tpu.memory_space<hbm>>) dst(%arg12 : memref<128x64xi32, #tpu.memory_space<vmem>>)
      %scan3A_648 = arith.constant 0 : i32
      %scan3A_649 = arith.constant 128 : i32
      %scan3A_650 = arith.addi %scan3A_648, %scan3A_649 : i32
      %scan3A_651 = arith.constant 1 : i32
      scf.for %scan3A_757 = %scan3A_648 to %scan3A_650 step %scan3A_651  : i32 {
        %mul3A_758 = arith.constant 1 : i32
        %mul3A_759 = arith.muli %scan3A_757, %mul3A_758 : i32
        %add3A_760 = arith.constant 0 : i32
        %add3A_761 = arith.addi %add3A_760, %mul3A_759 : i32
        %broadcast_in_dim3A_762 = arith.constant 13 : i32
        %broadcast_in_dim3A_763 = vector.broadcast %broadcast_in_dim3A_762 : i32 to vector<16xi32>
        %broadcast_in_dim3A_764 = vector.broadcast %add3A_761 : i32 to vector<16xi32>
        %gather3A = tpu.vector_load_idx %arg10[%broadcast_in_dim3A_763, %broadcast_in_dim3A_764] : memref<16x128xf32, #tpu.memory_space<vmem>>[vector<16xi32>, vector<16xi32>], vector<16xf32>,
        %get3A = arith.index_cast %add3A_761 : i32 to index
        %get3A_765 = arith.constant 0 : index
        %get3A_766 = tpu.vector_load %arg12[%get3A, %get3A_765] {strides = array<i32>} : memref<128x64xi32, #tpu.memory_space<vmem>>, vector<16xi32>,
        %bitcast3A = vector.bitcast %get3A_766 : vector<16xi32> to vector<32xbf16>
        %unpack3A = tpu.unpack_subelements %bitcast3A, 0 {pack_format = #tpu.pack_format<interleaved>} : vector<32xbf16> -> vector<16xf32>
        %unpack3A_767 = tpu.unpack_subelements %bitcast3A, 1 {pack_format = #tpu.pack_format<interleaved>} : vector<32xbf16> -> vector<16xf32>
        %mul3A_768 = arith.mulf %unpack3A, %gather3A : vector<16xf32>
        %swap3A = arith.index_cast %add3A_761 : i32 to index
        %swap3A_769 = arith.constant 0 : index
        %swap3A_770 = tpu.vector_load %arg13[%swap3A, %swap3A_769] {strides = array<i32>} : memref<128x128xf32, #tpu.memory_space<vmem>>, vector<16xf32>,
        tpu.vector_store %arg13[%swap3A, %swap3A_769], %mul3A_768 {strides = array<i32>} : memref<128x128xf32, #tpu.memory_space<vmem>>, vector<16xf32>,
        %mul3A_771 = arith.mulf %unpack3A_767, %gather3A : vector<16xf32>
        %swap3A_772 = arith.index_cast %add3A_761 : i32 to index
        %swap3A_773 = arith.constant 16 : index
        %swap3A_774 = tpu.vector_load %arg13[%swap3A_772, %swap3A_773] {strides = array<i32>} : memref<128x128xf32, #tpu.memory_space<vmem>>, vector<16xf32>,
        tpu.vector_store %arg13[%swap3A_772, %swap3A_773], %mul3A_771 {strides = array<i32>} : memref<128x128xf32, #tpu.memory_space<vmem>>, vector<16xf32>,
        %get3A_775 = arith.index_cast %add3A_761 : i32 to index
        %get3A_776 = arith.constant 16 : index
        %get3A_777 = tpu.vector_load %arg12[%get3A_775, %get3A_776] {strides = array<i32>} : memref<128x64xi32, #tpu.memory_space<vmem>>, vector<16xi32>,
        %bitcast3A_778 = vector.bitcast %get3A_777 : vector<16xi32> to vector<32xbf16>
        %unpack3A_779 = tpu.unpack_subelements %bitcast3A_778, 0 {pack_format = #tpu.pack_format<interleaved>} : vector<32xbf16> -> vector<16xf32>
        %unpack3A_780 = tpu.unpack_subelements %bitcast3A_778, 1 {pack_format = #tpu.pack_format<interleaved>} : vector<32xbf16> -> vector<16xf32>
        %mul3A_781 = arith.mulf %unpack3A_779, %gather3A : vector<16xf32>
        %swap3A_782 = arith.index_cast %add3A_761 : i32 to index
        %swap3A_783 = arith.constant 32 : index
        %swap3A_784 = tpu.vector_load %arg13[%swap3A_782, %swap3A_783] {strides = array<i32>} : memref<128x128xf32, #tpu.memory_space<vmem>>, vector<16xf32>,
        tpu.vector_store %arg13[%swap3A_782, %swap3A_783], %mul3A_781 {strides = array<i32>} : memref<128x128xf32, #tpu.memory_space<vmem>>, vector<16xf32>,
        %mul3A_785 = arith.mulf %unpack3A_780, %gather3A : vector<16xf32>
        %swap3A_786 = arith.index_cast %add3A_761 : i32 to index
        %swap3A_787 = arith.constant 48 : index
        %swap3A_788 = tpu.vector_load %arg13[%swap3A_786, %swap3A_787] {strides = array<i32>} : memref<128x128xf32, #tpu.memory_space<vmem>>, vector<16xf32>,
        tpu.vector_store %arg13[%swap3A_786, %swap3A_787], %mul3A_785 {strides = array<i32>} : memref<128x128xf32, #tpu.memory_space<vmem>>, vector<16xf32>,
        %get3A_789 = arith.index_cast %add3A_761 : i32 to index
        %get3A_790 = arith.constant 32 : index
        %get3A_791 = tpu.vector_load %arg12[%get3A_789, %get3A_790] {strides = array<i32>} : memref<128x64xi32, #tpu.memory_space<vmem>>, vector<16xi32>,
        %bitcast3A_792 = vector.bitcast %get3A_791 : vector<16xi32> to vector<32xbf16>
        %unpack3A_793 = tpu.unpack_subelements %bitcast3A_792, 0 {pack_format = #tpu.pack_format<interleaved>} : vector<32xbf16> -> vector<16xf32>
        %unpack3A_794 = tpu.unpack_subelements %bitcast3A_792, 1 {pack_format = #tpu.pack_format<interleaved>} : vector<32xbf16> -> vector<16xf32>
        %mul3A_795 = arith.mulf %unpack3A_793, %gather3A : vector<16xf32>
        %swap3A_796 = arith.index_cast %add3A_761 : i32 to index
        %swap3A_797 = arith.constant 64 : index
        %swap3A_798 = tpu.vector_load %arg13[%swap3A_796, %swap3A_797] {strides = array<i32>} : memref<128x128xf32, #tpu.memory_space<vmem>>, vector<16xf32>,
        tpu.vector_store %arg13[%swap3A_796, %swap3A_797], %mul3A_795 {strides = array<i32>} : memref<128x128xf32, #tpu.memory_space<vmem>>, vector<16xf32>,
        %mul3A_799 = arith.mulf %unpack3A_794, %gather3A : vector<16xf32>
        %swap3A_800 = arith.index_cast %add3A_761 : i32 to index
        %swap3A_801 = arith.constant 80 : index
        %swap3A_802 = tpu.vector_load %arg13[%swap3A_800, %swap3A_801] {strides = array<i32>} : memref<128x128xf32, #tpu.memory_space<vmem>>, vector<16xf32>,
        tpu.vector_store %arg13[%swap3A_800, %swap3A_801], %mul3A_799 {strides = array<i32>} : memref<128x128xf32, #tpu.memory_space<vmem>>, vector<16xf32>,
        %get3A_803 = arith.index_cast %add3A_761 : i32 to index
        %get3A_804 = arith.constant 48 : index
        %get3A_805 = tpu.vector_load %arg12[%get3A_803, %get3A_804] {strides = array<i32>} : memref<128x64xi32, #tpu.memory_space<vmem>>, vector<16xi32>,
        %bitcast3A_806 = vector.bitcast %get3A_805 : vector<16xi32> to vector<32xbf16>
        %unpack3A_807 = tpu.unpack_subelements %bitcast3A_806, 0 {pack_format = #tpu.pack_format<interleaved>} : vector<32xbf16> -> vector<16xf32>
        %unpack3A_808 = tpu.unpack_subelements %bitcast3A_806, 1 {pack_format = #tpu.pack_format<interleaved>} : vector<32xbf16> -> vector<16xf32>
        %mul3A_809 = arith.mulf %unpack3A_807, %gather3A : vector<16xf32>
        %swap3A_810 = arith.index_cast %add3A_761 : i32 to index
        %swap3A_811 = arith.constant 96 : index
        %swap3A_812 = tpu.vector_load %arg13[%swap3A_810, %swap3A_811] {strides = array<i32>} : memref<128x128xf32, #tpu.memory_space<vmem>>, vector<16xf32>,
        tpu.vector_store %arg13[%swap3A_810, %swap3A_811], %mul3A_809 {strides = array<i32>} : memref<128x128xf32, #tpu.memory_space<vmem>>, vector<16xf32>,
        %mul3A_813 = arith.mulf %unpack3A_808, %gather3A : vector<16xf32>
        %swap3A_814 = arith.index_cast %add3A_761 : i32 to index
        %swap3A_815 = arith.constant 112 : index
        %swap3A_816 = tpu.vector_load %arg13[%swap3A_814, %swap3A_815] {strides = array<i32>} : memref<128x128xf32, #tpu.memory_space<vmem>>, vector<16xf32>,
        tpu.vector_store %arg13[%swap3A_814, %swap3A_815], %mul3A_813 {strides = array<i32>} : memref<128x128xf32, #tpu.memory_space<vmem>>, vector<16xf32>,
      }
      %scan3A_652 = arith.constant 128 : i32
      %dma_start3A_653 = arith.constant 13 : i32
      %dma_start3A_654 = arith.constant 0 : i32
      %dma_start3A_655 = arith.constant 0 : i32
      %dma_start3A_656 = tpu.memref_slice %arg9[%dma_start3A_653, %dma_start3A_655] : memref<16x128xi32, #tpu.memory_space<vmem>> -> memref<1x128xi32, #tpu.memory_space<vmem>>
      %dma_start3A_657 = tpu.memref_squeeze %dma_start3A_656 : memref<1x128xi32, #tpu.memory_space<vmem>> -> memref<128xi32, #tpu.memory_space<vmem>>
      %dma_start3A_658 = arith.constant 0 : i32
      %dma_start3A_659 = arith.constant 0 : i32
      %dma_start3A_660 = tpu.memref_slice %arg7[%dma_start3A_658, %dma_start3A_659] : memref<10240x128xf32, #tpu.memory_space<vmem_shared>> -> memref<10240x128xf32, #tpu.memory_space<vmem_shared>>
      %dma_start3A_661 = tpu.memref_slice %arg15[%dma_start3A_654] : memref<2x!tpu.dma_semaphore, #tpu.memory_space<semaphore_mem>> -> memref<1x!tpu.dma_semaphore, #tpu.memory_space<semaphore_mem>>
      %dma_start3A_662 = tpu.memref_squeeze %dma_start3A_661 : memref<1x!tpu.dma_semaphore, #tpu.memory_space<semaphore_mem>> -> memref<!tpu.dma_semaphore, #tpu.memory_space<semaphore_mem>>
      tpu.enqueue_indirect_dma source(%arg13 : memref<128x128xf32, #tpu.memory_space<vmem>>) target(%dma_start3A_660 : memref<10240x128xf32, #tpu.memory_space<vmem_shared>>) offsets(%dma_start3A_657 : memref<128xi32, #tpu.memory_space<vmem>>) semaphore(%dma_start3A_662 : memref<!tpu.dma_semaphore, #tpu.memory_space<semaphore_mem>>) {add = true}
      %dma_start3A_663 = arith.constant 15 : i32
      %dma_start3A_664 = arith.constant 1 : i32
      %dma_start3A_665 = arith.constant 0 : i32
      %dma_start3A_666 = tpu.memref_slice %arg8[%dma_start3A_663, %dma_start3A_665] : memref<16x128xi32, #tpu.memory_space<vmem>> -> memref<1x128xi32, #tpu.memory_space<vmem>>
      %dma_start3A_667 = tpu.memref_squeeze %dma_start3A_666 : memref<1x128xi32, #tpu.memory_space<vmem>> -> memref<128xi32, #tpu.memory_space<vmem>>
      %dma_start3A_668 = arith.constant 0 : i32
      %dma_start3A_669 = arith.constant 0 : i32
      %dma_start3A_670 = tpu.memref_slice %arg2[%dma_start3A_668, %dma_start3A_669] : memref<10240x64xi32, #tpu.memory_space<hbm>> -> memref<10240x64xi32, #tpu.memory_space<hbm>>
      %dma_start3A_671 = tpu.memref_slice %arg14[%dma_start3A_664] : memref<4x!tpu.dma_semaphore, #tpu.memory_space<semaphore_mem>> -> memref<1x!tpu.dma_semaphore, #tpu.memory_space<semaphore_mem>>
      %dma_start3A_672 = tpu.memref_squeeze %dma_start3A_671 : memref<1x!tpu.dma_semaphore, #tpu.memory_space<semaphore_mem>> -> memref<!tpu.dma_semaphore, #tpu.memory_space<semaphore_mem>>
      tpu.enqueue_indirect_dma source(%dma_start3A_670 : memref<10240x64xi32, #tpu.memory_space<hbm>>) target(%arg12 : memref<128x64xi32, #tpu.memory_space<vmem>>) offsets(%dma_start3A_667 : memref<128xi32, #tpu.memory_space<vmem>>) semaphore(%dma_start3A_672 : memref<!tpu.dma_semaphore, #tpu.memory_space<semaphore_mem>>)
      %dma_wait3A_673 = arith.constant 13 : i32
      %dma_wait3A_674 = arith.constant 0 : i32
      %dma_wait3A_675 = arith.constant 0 : i32
      %dma_wait3A_676 = tpu.memref_slice %arg9[%dma_wait3A_673, %dma_wait3A_675] : memref<16x128xi32, #tpu.memory_space<vmem>> -> memref<1x128xi32, #tpu.memory_space<vmem>>
      %dma_wait3A_677 = tpu.memref_squeeze %dma_wait3A_676 : memref<1x128xi32, #tpu.memory_space<vmem>> -> memref<128xi32, #tpu.memory_space<vmem>>
      %dma_wait3A_678 = arith.constant 0 : i32
      %dma_wait3A_679 = arith.constant 0 : i32
      %dma_wait3A_680 = tpu.memref_slice %arg7[%dma_wait3A_678, %dma_wait3A_679] : memref<10240x128xf32, #tpu.memory_space<vmem_shared>> -> memref<10240x128xf32, #tpu.memory_space<vmem_shared>>
      %dma_wait3A_681 = tpu.memref_slice %arg15[%dma_wait3A_674] : memref<2x!tpu.dma_semaphore, #tpu.memory_space<semaphore_mem>> -> memref<1x!tpu.dma_semaphore, #tpu.memory_space<semaphore_mem>>
      %dma_wait3A_682 = tpu.memref_squeeze %dma_wait3A_681 : memref<1x!tpu.dma_semaphore, #tpu.memory_space<semaphore_mem>> -> memref<!tpu.dma_semaphore, #tpu.memory_space<semaphore_mem>>
      tpu.wait_indirect_dma semaphore(%dma_wait3A_682 : memref<!tpu.dma_semaphore, #tpu.memory_space<semaphore_mem>>) src(%arg13 : memref<128x128xf32, #tpu.memory_space<vmem>>) dst(%dma_wait3A_680 : memref<10240x128xf32, #tpu.memory_space<vmem_shared>>)
      %dma_wait3A_683 = arith.constant 14 : i32
      %dma_wait3A_684 = arith.constant 0 : i32
      %dma_wait3A_685 = arith.constant 0 : i32
      %dma_wait3A_686 = tpu.memref_slice %arg8[%dma_wait3A_683, %dma_wait3A_685] : memref<16x128xi32, #tpu.memory_space<vmem>> -> memref<1x128xi32, #tpu.memory_space<vmem>>
      %dma_wait3A_687 = tpu.memref_squeeze %dma_wait3A_686 : memref<1x128xi32, #tpu.memory_space<vmem>> -> memref<128xi32, #tpu.memory_space<vmem>>
      %dma_wait3A_688 = arith.constant 0 : i32
      %dma_wait3A_689 = arith.constant 0 : i32
      %dma_wait3A_690 = tpu.memref_slice %arg2[%dma_wait3A_688, %dma_wait3A_689] : memref<10240x64xi32, #tpu.memory_space<hbm>> -> memref<10240x64xi32, #tpu.memory_space<hbm>>
      %dma_wait3A_691 = tpu.memref_slice %arg14[%dma_wait3A_684] : memref<4x!tpu.dma_semaphore, #tpu.memory_space<semaphore_mem>> -> memref<1x!tpu.dma_semaphore, #tpu.memory_space<semaphore_mem>>
      %dma_wait3A_692 = tpu.memref_squeeze %dma_wait3A_691 : memref<1x!tpu.dma_semaphore, #tpu.memory_space<semaphore_mem>> -> memref<!tpu.dma_semaphore, #tpu.memory_space<semaphore_mem>>
      tpu.wait_indirect_dma semaphore(%dma_wait3A_692 : memref<!tpu.dma_semaphore, #tpu.memory_space<semaphore_mem>>) src(%dma_wait3A_690 : memref<10240x64xi32, #tpu.memory_space<hbm>>) dst(%arg11 : memref<128x64xi32, #tpu.memory_space<vmem>>)
      %scan3A_693 = arith.constant 0 : i32
      %scan3A_694 = arith.constant 128 : i32
      %scan3A_695 = arith.addi %scan3A_693, %scan3A_694 : i32
      %scan3A_696 = arith.constant 1 : i32
      scf.for %scan3A_757 = %scan3A_693 to %scan3A_695 step %scan3A_696  : i32 {
        %mul3A_758 = arith.constant 1 : i32
        %mul3A_759 = arith.muli %scan3A_757, %mul3A_758 : i32
        %add3A_760 = arith.constant 0 : i32
        %add3A_761 = arith.addi %add3A_760, %mul3A_759 : i32
        %broadcast_in_dim3A_762 = arith.constant 14 : i32
        %broadcast_in_dim3A_763 = vector.broadcast %broadcast_in_dim3A_762 : i32 to vector<16xi32>
        %broadcast_in_dim3A_764 = vector.broadcast %add3A_761 : i32 to vector<16xi32>
        %gather3A = tpu.vector_load_idx %arg10[%broadcast_in_dim3A_763, %broadcast_in_dim3A_764] : memref<16x128xf32, #tpu.memory_space<vmem>>[vector<16xi32>, vector<16xi32>], vector<16xf32>,
        %get3A = arith.index_cast %add3A_761 : i32 to index
        %get3A_765 = arith.constant 0 : index
        %get3A_766 = tpu.vector_load %arg11[%get3A, %get3A_765] {strides = array<i32>} : memref<128x64xi32, #tpu.memory_space<vmem>>, vector<16xi32>,
        %bitcast3A = vector.bitcast %get3A_766 : vector<16xi32> to vector<32xbf16>
        %unpack3A = tpu.unpack_subelements %bitcast3A, 0 {pack_format = #tpu.pack_format<interleaved>} : vector<32xbf16> -> vector<16xf32>
        %unpack3A_767 = tpu.unpack_subelements %bitcast3A, 1 {pack_format = #tpu.pack_format<interleaved>} : vector<32xbf16> -> vector<16xf32>
        %mul3A_768 = arith.mulf %unpack3A, %gather3A : vector<16xf32>
        %swap3A = arith.index_cast %add3A_761 : i32 to index
        %swap3A_769 = arith.constant 0 : index
        %swap3A_770 = tpu.vector_load %arg13[%swap3A, %swap3A_769] {strides = array<i32>} : memref<128x128xf32, #tpu.memory_space<vmem>>, vector<16xf32>,
        tpu.vector_store %arg13[%swap3A, %swap3A_769], %mul3A_768 {strides = array<i32>} : memref<128x128xf32, #tpu.memory_space<vmem>>, vector<16xf32>,
        %mul3A_771 = arith.mulf %unpack3A_767, %gather3A : vector<16xf32>
        %swap3A_772 = arith.index_cast %add3A_761 : i32 to index
        %swap3A_773 = arith.constant 16 : index
        %swap3A_774 = tpu.vector_load %arg13[%swap3A_772, %swap3A_773] {strides = array<i32>} : memref<128x128xf32, #tpu.memory_space<vmem>>, vector<16xf32>,
        tpu.vector_store %arg13[%swap3A_772, %swap3A_773], %mul3A_771 {strides = array<i32>} : memref<128x128xf32, #tpu.memory_space<vmem>>, vector<16xf32>,
        %get3A_775 = arith.index_cast %add3A_761 : i32 to index
        %get3A_776 = arith.constant 16 : index
        %get3A_777 = tpu.vector_load %arg11[%get3A_775, %get3A_776] {strides = array<i32>} : memref<128x64xi32, #tpu.memory_space<vmem>>, vector<16xi32>,
        %bitcast3A_778 = vector.bitcast %get3A_777 : vector<16xi32> to vector<32xbf16>
        %unpack3A_779 = tpu.unpack_subelements %bitcast3A_778, 0 {pack_format = #tpu.pack_format<interleaved>} : vector<32xbf16> -> vector<16xf32>
        %unpack3A_780 = tpu.unpack_subelements %bitcast3A_778, 1 {pack_format = #tpu.pack_format<interleaved>} : vector<32xbf16> -> vector<16xf32>
        %mul3A_781 = arith.mulf %unpack3A_779, %gather3A : vector<16xf32>
        %swap3A_782 = arith.index_cast %add3A_761 : i32 to index
        %swap3A_783 = arith.constant 32 : index
        %swap3A_784 = tpu.vector_load %arg13[%swap3A_782, %swap3A_783] {strides = array<i32>} : memref<128x128xf32, #tpu.memory_space<vmem>>, vector<16xf32>,
        tpu.vector_store %arg13[%swap3A_782, %swap3A_783], %mul3A_781 {strides = array<i32>} : memref<128x128xf32, #tpu.memory_space<vmem>>, vector<16xf32>,
        %mul3A_785 = arith.mulf %unpack3A_780, %gather3A : vector<16xf32>
        %swap3A_786 = arith.index_cast %add3A_761 : i32 to index
        %swap3A_787 = arith.constant 48 : index
        %swap3A_788 = tpu.vector_load %arg13[%swap3A_786, %swap3A_787] {strides = array<i32>} : memref<128x128xf32, #tpu.memory_space<vmem>>, vector<16xf32>,
        tpu.vector_store %arg13[%swap3A_786, %swap3A_787], %mul3A_785 {strides = array<i32>} : memref<128x128xf32, #tpu.memory_space<vmem>>, vector<16xf32>,
        %get3A_789 = arith.index_cast %add3A_761 : i32 to index
        %get3A_790 = arith.constant 32 : index
        %get3A_791 = tpu.vector_load %arg11[%get3A_789, %get3A_790] {strides = array<i32>} : memref<128x64xi32, #tpu.memory_space<vmem>>, vector<16xi32>,
        %bitcast3A_792 = vector.bitcast %get3A_791 : vector<16xi32> to vector<32xbf16>
        %unpack3A_793 = tpu.unpack_subelements %bitcast3A_792, 0 {pack_format = #tpu.pack_format<interleaved>} : vector<32xbf16> -> vector<16xf32>
        %unpack3A_794 = tpu.unpack_subelements %bitcast3A_792, 1 {pack_format = #tpu.pack_format<interleaved>} : vector<32xbf16> -> vector<16xf32>
        %mul3A_795 = arith.mulf %unpack3A_793, %gather3A : vector<16xf32>
        %swap3A_796 = arith.index_cast %add3A_761 : i32 to index
        %swap3A_797 = arith.constant 64 : index
        %swap3A_798 = tpu.vector_load %arg13[%swap3A_796, %swap3A_797] {strides = array<i32>} : memref<128x128xf32, #tpu.memory_space<vmem>>, vector<16xf32>,
        tpu.vector_store %arg13[%swap3A_796, %swap3A_797], %mul3A_795 {strides = array<i32>} : memref<128x128xf32, #tpu.memory_space<vmem>>, vector<16xf32>,
        %mul3A_799 = arith.mulf %unpack3A_794, %gather3A : vector<16xf32>
        %swap3A_800 = arith.index_cast %add3A_761 : i32 to index
        %swap3A_801 = arith.constant 80 : index
        %swap3A_802 = tpu.vector_load %arg13[%swap3A_800, %swap3A_801] {strides = array<i32>} : memref<128x128xf32, #tpu.memory_space<vmem>>, vector<16xf32>,
        tpu.vector_store %arg13[%swap3A_800, %swap3A_801], %mul3A_799 {strides = array<i32>} : memref<128x128xf32, #tpu.memory_space<vmem>>, vector<16xf32>,
        %get3A_803 = arith.index_cast %add3A_761 : i32 to index
        %get3A_804 = arith.constant 48 : index
        %get3A_805 = tpu.vector_load %arg11[%get3A_803, %get3A_804] {strides = array<i32>} : memref<128x64xi32, #tpu.memory_space<vmem>>, vector<16xi32>,
        %bitcast3A_806 = vector.bitcast %get3A_805 : vector<16xi32> to vector<32xbf16>
        %unpack3A_807 = tpu.unpack_subelements %bitcast3A_806, 0 {pack_format = #tpu.pack_format<interleaved>} : vector<32xbf16> -> vector<16xf32>
        %unpack3A_808 = tpu.unpack_subelements %bitcast3A_806, 1 {pack_format = #tpu.pack_format<interleaved>} : vector<32xbf16> -> vector<16xf32>
        %mul3A_809 = arith.mulf %unpack3A_807, %gather3A : vector<16xf32>
        %swap3A_810 = arith.index_cast %add3A_761 : i32 to index
        %swap3A_811 = arith.constant 96 : index
        %swap3A_812 = tpu.vector_load %arg13[%swap3A_810, %swap3A_811] {strides = array<i32>} : memref<128x128xf32, #tpu.memory_space<vmem>>, vector<16xf32>,
        tpu.vector_store %arg13[%swap3A_810, %swap3A_811], %mul3A_809 {strides = array<i32>} : memref<128x128xf32, #tpu.memory_space<vmem>>, vector<16xf32>,
        %mul3A_813 = arith.mulf %unpack3A_808, %gather3A : vector<16xf32>
        %swap3A_814 = arith.index_cast %add3A_761 : i32 to index
        %swap3A_815 = arith.constant 112 : index
        %swap3A_816 = tpu.vector_load %arg13[%swap3A_814, %swap3A_815] {strides = array<i32>} : memref<128x128xf32, #tpu.memory_space<vmem>>, vector<16xf32>,
        tpu.vector_store %arg13[%swap3A_814, %swap3A_815], %mul3A_813 {strides = array<i32>} : memref<128x128xf32, #tpu.memory_space<vmem>>, vector<16xf32>,
      }
      %scan3A_697 = arith.constant 128 : i32
      %dma_start3A_698 = arith.constant 14 : i32
      %dma_start3A_699 = arith.constant 0 : i32
      %dma_start3A_700 = arith.constant 0 : i32
      %dma_start3A_701 = tpu.memref_slice %arg9[%dma_start3A_698, %dma_start3A_700] : memref<16x128xi32, #tpu.memory_space<vmem>> -> memref<1x128xi32, #tpu.memory_space<vmem>>
      %dma_start3A_702 = tpu.memref_squeeze %dma_start3A_701 : memref<1x128xi32, #tpu.memory_space<vmem>> -> memref<128xi32, #tpu.memory_space<vmem>>
      %dma_start3A_703 = arith.constant 0 : i32
      %dma_start3A_704 = arith.constant 0 : i32
      %dma_start3A_705 = tpu.memref_slice %arg7[%dma_start3A_703, %dma_start3A_704] : memref<10240x128xf32, #tpu.memory_space<vmem_shared>> -> memref<10240x128xf32, #tpu.memory_space<vmem_shared>>
      %dma_start3A_706 = tpu.memref_slice %arg15[%dma_start3A_699] : memref<2x!tpu.dma_semaphore, #tpu.memory_space<semaphore_mem>> -> memref<1x!tpu.dma_semaphore, #tpu.memory_space<semaphore_mem>>
      %dma_start3A_707 = tpu.memref_squeeze %dma_start3A_706 : memref<1x!tpu.dma_semaphore, #tpu.memory_space<semaphore_mem>> -> memref<!tpu.dma_semaphore, #tpu.memory_space<semaphore_mem>>
      tpu.enqueue_indirect_dma source(%arg13 : memref<128x128xf32, #tpu.memory_space<vmem>>) target(%dma_start3A_705 : memref<10240x128xf32, #tpu.memory_space<vmem_shared>>) offsets(%dma_start3A_702 : memref<128xi32, #tpu.memory_space<vmem>>) semaphore(%dma_start3A_707 : memref<!tpu.dma_semaphore, #tpu.memory_space<semaphore_mem>>) {add = true}
      %dma_wait3A_708 = arith.constant 14 : i32
      %dma_wait3A_709 = arith.constant 0 : i32
      %dma_wait3A_710 = arith.constant 0 : i32
      %dma_wait3A_711 = tpu.memref_slice %arg9[%dma_wait3A_708, %dma_wait3A_710] : memref<16x128xi32, #tpu.memory_space<vmem>> -> memref<1x128xi32, #tpu.memory_space<vmem>>
      %dma_wait3A_712 = tpu.memref_squeeze %dma_wait3A_711 : memref<1x128xi32, #tpu.memory_space<vmem>> -> memref<128xi32, #tpu.memory_space<vmem>>
      %dma_wait3A_713 = arith.constant 0 : i32
      %dma_wait3A_714 = arith.constant 0 : i32
      %dma_wait3A_715 = tpu.memref_slice %arg7[%dma_wait3A_713, %dma_wait3A_714] : memref<10240x128xf32, #tpu.memory_space<vmem_shared>> -> memref<10240x128xf32, #tpu.memory_space<vmem_shared>>
      %dma_wait3A_716 = tpu.memref_slice %arg15[%dma_wait3A_709] : memref<2x!tpu.dma_semaphore, #tpu.memory_space<semaphore_mem>> -> memref<1x!tpu.dma_semaphore, #tpu.memory_space<semaphore_mem>>
      %dma_wait3A_717 = tpu.memref_squeeze %dma_wait3A_716 : memref<1x!tpu.dma_semaphore, #tpu.memory_space<semaphore_mem>> -> memref<!tpu.dma_semaphore, #tpu.memory_space<semaphore_mem>>
      tpu.wait_indirect_dma semaphore(%dma_wait3A_717 : memref<!tpu.dma_semaphore, #tpu.memory_space<semaphore_mem>>) src(%arg13 : memref<128x128xf32, #tpu.memory_space<vmem>>) dst(%dma_wait3A_715 : memref<10240x128xf32, #tpu.memory_space<vmem_shared>>)
      %dma_wait3A_718 = arith.constant 15 : i32
      %dma_wait3A_719 = arith.constant 1 : i32
      %dma_wait3A_720 = arith.constant 0 : i32
      %dma_wait3A_721 = tpu.memref_slice %arg8[%dma_wait3A_718, %dma_wait3A_720] : memref<16x128xi32, #tpu.memory_space<vmem>> -> memref<1x128xi32, #tpu.memory_space<vmem>>
      %dma_wait3A_722 = tpu.memref_squeeze %dma_wait3A_721 : memref<1x128xi32, #tpu.memory_space<vmem>> -> memref<128xi32, #tpu.memory_space<vmem>>
      %dma_wait3A_723 = arith.constant 0 : i32
      %dma_wait3A_724 = arith.constant 0 : i32
      %dma_wait3A_725 = tpu.memref_slice %arg2[%dma_wait3A_723, %dma_wait3A_724] : memref<10240x64xi32, #tpu.memory_space<hbm>> -> memref<10240x64xi32, #tpu.memory_space<hbm>>
      %dma_wait3A_726 = tpu.memref_slice %arg14[%dma_wait3A_719] : memref<4x!tpu.dma_semaphore, #tpu.memory_space<semaphore_mem>> -> memref<1x!tpu.dma_semaphore, #tpu.memory_space<semaphore_mem>>
      %dma_wait3A_727 = tpu.memref_squeeze %dma_wait3A_726 : memref<1x!tpu.dma_semaphore, #tpu.memory_space<semaphore_mem>> -> memref<!tpu.dma_semaphore, #tpu.memory_space<semaphore_mem>>
      tpu.wait_indirect_dma semaphore(%dma_wait3A_727 : memref<!tpu.dma_semaphore, #tpu.memory_space<semaphore_mem>>) src(%dma_wait3A_725 : memref<10240x64xi32, #tpu.memory_space<hbm>>) dst(%arg12 : memref<128x64xi32, #tpu.memory_space<vmem>>)
      %scan3A_728 = arith.constant 0 : i32
      %scan3A_729 = arith.constant 128 : i32
      %scan3A_730 = arith.addi %scan3A_728, %scan3A_729 : i32
      %scan3A_731 = arith.constant 1 : i32
      scf.for %scan3A_757 = %scan3A_728 to %scan3A_730 step %scan3A_731  : i32 {
        %mul3A_758 = arith.constant 1 : i32
        %mul3A_759 = arith.muli %scan3A_757, %mul3A_758 : i32
        %add3A_760 = arith.constant 0 : i32
        %add3A_761 = arith.addi %add3A_760, %mul3A_759 : i32
        %broadcast_in_dim3A_762 = arith.constant 15 : i32
        %broadcast_in_dim3A_763 = vector.broadcast %broadcast_in_dim3A_762 : i32 to vector<16xi32>
        %broadcast_in_dim3A_764 = vector.broadcast %add3A_761 : i32 to vector<16xi32>
        %gather3A = tpu.vector_load_idx %arg10[%broadcast_in_dim3A_763, %broadcast_in_dim3A_764] : memref<16x128xf32, #tpu.memory_space<vmem>>[vector<16xi32>, vector<16xi32>], vector<16xf32>,
        %get3A = arith.index_cast %add3A_761 : i32 to index
        %get3A_765 = arith.constant 0 : index
        %get3A_766 = tpu.vector_load %arg12[%get3A, %get3A_765] {strides = array<i32>} : memref<128x64xi32, #tpu.memory_space<vmem>>, vector<16xi32>,
        %bitcast3A = vector.bitcast %get3A_766 : vector<16xi32> to vector<32xbf16>
        %unpack3A = tpu.unpack_subelements %bitcast3A, 0 {pack_format = #tpu.pack_format<interleaved>} : vector<32xbf16> -> vector<16xf32>
        %unpack3A_767 = tpu.unpack_subelements %bitcast3A, 1 {pack_format = #tpu.pack_format<interleaved>} : vector<32xbf16> -> vector<16xf32>
        %mul3A_768 = arith.mulf %unpack3A, %gather3A : vector<16xf32>
        %swap3A = arith.index_cast %add3A_761 : i32 to index
        %swap3A_769 = arith.constant 0 : index
        %swap3A_770 = tpu.vector_load %arg13[%swap3A, %swap3A_769] {strides = array<i32>} : memref<128x128xf32, #tpu.memory_space<vmem>>, vector<16xf32>,
        tpu.vector_store %arg13[%swap3A, %swap3A_769], %mul3A_768 {strides = array<i32>} : memref<128x128xf32, #tpu.memory_space<vmem>>, vector<16xf32>,
        %mul3A_771 = arith.mulf %unpack3A_767, %gather3A : vector<16xf32>
        %swap3A_772 = arith.index_cast %add3A_761 : i32 to index
        %swap3A_773 = arith.constant 16 : index
        %swap3A_774 = tpu.vector_load %arg13[%swap3A_772, %swap3A_773] {strides = array<i32>} : memref<128x128xf32, #tpu.memory_space<vmem>>, vector<16xf32>,
        tpu.vector_store %arg13[%swap3A_772, %swap3A_773], %mul3A_771 {strides = array<i32>} : memref<128x128xf32, #tpu.memory_space<vmem>>, vector<16xf32>,
        %get3A_775 = arith.index_cast %add3A_761 : i32 to index
        %get3A_776 = arith.constant 16 : index
        %get3A_777 = tpu.vector_load %arg12[%get3A_775, %get3A_776] {strides = array<i32>} : memref<128x64xi32, #tpu.memory_space<vmem>>, vector<16xi32>,
        %bitcast3A_778 = vector.bitcast %get3A_777 : vector<16xi32> to vector<32xbf16>
        %unpack3A_779 = tpu.unpack_subelements %bitcast3A_778, 0 {pack_format = #tpu.pack_format<interleaved>} : vector<32xbf16> -> vector<16xf32>
        %unpack3A_780 = tpu.unpack_subelements %bitcast3A_778, 1 {pack_format = #tpu.pack_format<interleaved>} : vector<32xbf16> -> vector<16xf32>
        %mul3A_781 = arith.mulf %unpack3A_779, %gather3A : vector<16xf32>
        %swap3A_782 = arith.index_cast %add3A_761 : i32 to index
        %swap3A_783 = arith.constant 32 : index
        %swap3A_784 = tpu.vector_load %arg13[%swap3A_782, %swap3A_783] {strides = array<i32>} : memref<128x128xf32, #tpu.memory_space<vmem>>, vector<16xf32>,
        tpu.vector_store %arg13[%swap3A_782, %swap3A_783], %mul3A_781 {strides = array<i32>} : memref<128x128xf32, #tpu.memory_space<vmem>>, vector<16xf32>,
        %mul3A_785 = arith.mulf %unpack3A_780, %gather3A : vector<16xf32>
        %swap3A_786 = arith.index_cast %add3A_761 : i32 to index
        %swap3A_787 = arith.constant 48 : index
        %swap3A_788 = tpu.vector_load %arg13[%swap3A_786, %swap3A_787] {strides = array<i32>} : memref<128x128xf32, #tpu.memory_space<vmem>>, vector<16xf32>,
        tpu.vector_store %arg13[%swap3A_786, %swap3A_787], %mul3A_785 {strides = array<i32>} : memref<128x128xf32, #tpu.memory_space<vmem>>, vector<16xf32>,
        %get3A_789 = arith.index_cast %add3A_761 : i32 to index
        %get3A_790 = arith.constant 32 : index
        %get3A_791 = tpu.vector_load %arg12[%get3A_789, %get3A_790] {strides = array<i32>} : memref<128x64xi32, #tpu.memory_space<vmem>>, vector<16xi32>,
        %bitcast3A_792 = vector.bitcast %get3A_791 : vector<16xi32> to vector<32xbf16>
        %unpack3A_793 = tpu.unpack_subelements %bitcast3A_792, 0 {pack_format = #tpu.pack_format<interleaved>} : vector<32xbf16> -> vector<16xf32>
        %unpack3A_794 = tpu.unpack_subelements %bitcast3A_792, 1 {pack_format = #tpu.pack_format<interleaved>} : vector<32xbf16> -> vector<16xf32>
        %mul3A_795 = arith.mulf %unpack3A_793, %gather3A : vector<16xf32>
        %swap3A_796 = arith.index_cast %add3A_761 : i32 to index
        %swap3A_797 = arith.constant 64 : index
        %swap3A_798 = tpu.vector_load %arg13[%swap3A_796, %swap3A_797] {strides = array<i32>} : memref<128x128xf32, #tpu.memory_space<vmem>>, vector<16xf32>,
        tpu.vector_store %arg13[%swap3A_796, %swap3A_797], %mul3A_795 {strides = array<i32>} : memref<128x128xf32, #tpu.memory_space<vmem>>, vector<16xf32>,
        %mul3A_799 = arith.mulf %unpack3A_794, %gather3A : vector<16xf32>
        %swap3A_800 = arith.index_cast %add3A_761 : i32 to index
        %swap3A_801 = arith.constant 80 : index
        %swap3A_802 = tpu.vector_load %arg13[%swap3A_800, %swap3A_801] {strides = array<i32>} : memref<128x128xf32, #tpu.memory_space<vmem>>, vector<16xf32>,
        tpu.vector_store %arg13[%swap3A_800, %swap3A_801], %mul3A_799 {strides = array<i32>} : memref<128x128xf32, #tpu.memory_space<vmem>>, vector<16xf32>,
        %get3A_803 = arith.index_cast %add3A_761 : i32 to index
        %get3A_804 = arith.constant 48 : index
        %get3A_805 = tpu.vector_load %arg12[%get3A_803, %get3A_804] {strides = array<i32>} : memref<128x64xi32, #tpu.memory_space<vmem>>, vector<16xi32>,
        %bitcast3A_806 = vector.bitcast %get3A_805 : vector<16xi32> to vector<32xbf16>
        %unpack3A_807 = tpu.unpack_subelements %bitcast3A_806, 0 {pack_format = #tpu.pack_format<interleaved>} : vector<32xbf16> -> vector<16xf32>
        %unpack3A_808 = tpu.unpack_subelements %bitcast3A_806, 1 {pack_format = #tpu.pack_format<interleaved>} : vector<32xbf16> -> vector<16xf32>
        %mul3A_809 = arith.mulf %unpack3A_807, %gather3A : vector<16xf32>
        %swap3A_810 = arith.index_cast %add3A_761 : i32 to index
        %swap3A_811 = arith.constant 96 : index
        %swap3A_812 = tpu.vector_load %arg13[%swap3A_810, %swap3A_811] {strides = array<i32>} : memref<128x128xf32, #tpu.memory_space<vmem>>, vector<16xf32>,
        tpu.vector_store %arg13[%swap3A_810, %swap3A_811], %mul3A_809 {strides = array<i32>} : memref<128x128xf32, #tpu.memory_space<vmem>>, vector<16xf32>,
        %mul3A_813 = arith.mulf %unpack3A_808, %gather3A : vector<16xf32>
        %swap3A_814 = arith.index_cast %add3A_761 : i32 to index
        %swap3A_815 = arith.constant 112 : index
        %swap3A_816 = tpu.vector_load %arg13[%swap3A_814, %swap3A_815] {strides = array<i32>} : memref<128x128xf32, #tpu.memory_space<vmem>>, vector<16xf32>,
        tpu.vector_store %arg13[%swap3A_814, %swap3A_815], %mul3A_813 {strides = array<i32>} : memref<128x128xf32, #tpu.memory_space<vmem>>, vector<16xf32>,
      }
      %scan3A_732 = arith.constant 128 : i32
      %dma_start3A_733 = arith.constant 15 : i32
      %dma_start3A_734 = arith.constant 0 : i32
      %dma_start3A_735 = arith.constant 0 : i32
      %dma_start3A_736 = tpu.memref_slice %arg9[%dma_start3A_733, %dma_start3A_735] : memref<16x128xi32, #tpu.memory_space<vmem>> -> memref<1x128xi32, #tpu.memory_space<vmem>>
      %dma_start3A_737 = tpu.memref_squeeze %dma_start3A_736 : memref<1x128xi32, #tpu.memory_space<vmem>> -> memref<128xi32, #tpu.memory_space<vmem>>
      %dma_start3A_738 = arith.constant 0 : i32
      %dma_start3A_739 = arith.constant 0 : i32
      %dma_start3A_740 = tpu.memref_slice %arg7[%dma_start3A_738, %dma_start3A_739] : memref<10240x128xf32, #tpu.memory_space<vmem_shared>> -> memref<10240x128xf32, #tpu.memory_space<vmem_shared>>
      %dma_start3A_741 = tpu.memref_slice %arg15[%dma_start3A_734] : memref<2x!tpu.dma_semaphore, #tpu.memory_space<semaphore_mem>> -> memref<1x!tpu.dma_semaphore, #tpu.memory_space<semaphore_mem>>
      %dma_start3A_742 = tpu.memref_squeeze %dma_start3A_741 : memref<1x!tpu.dma_semaphore, #tpu.memory_space<semaphore_mem>> -> memref<!tpu.dma_semaphore, #tpu.memory_space<semaphore_mem>>
      tpu.enqueue_indirect_dma source(%arg13 : memref<128x128xf32, #tpu.memory_space<vmem>>) target(%dma_start3A_740 : memref<10240x128xf32, #tpu.memory_space<vmem_shared>>) offsets(%dma_start3A_737 : memref<128xi32, #tpu.memory_space<vmem>>) semaphore(%dma_start3A_742 : memref<!tpu.dma_semaphore, #tpu.memory_space<semaphore_mem>>) {add = true}
      %dma_wait3A_743 = arith.constant 15 : i32
      %dma_wait3A_744 = arith.constant 0 : i32
      %dma_wait3A_745 = arith.constant 0 : i32
      %dma_wait3A_746 = tpu.memref_slice %arg9[%dma_wait3A_743, %dma_wait3A_745] : memref<16x128xi32, #tpu.memory_space<vmem>> -> memref<1x128xi32, #tpu.memory_space<vmem>>
      %dma_wait3A_747 = tpu.memref_squeeze %dma_wait3A_746 : memref<1x128xi32, #tpu.memory_space<vmem>> -> memref<128xi32, #tpu.memory_space<vmem>>
      %dma_wait3A_748 = arith.constant 0 : i32
      %dma_wait3A_749 = arith.constant 0 : i32
      %dma_wait3A_750 = tpu.memref_slice %arg7[%dma_wait3A_748, %dma_wait3A_749] : memref<10240x128xf32, #tpu.memory_space<vmem_shared>> -> memref<10240x128xf32, #tpu.memory_space<vmem_shared>>
      %dma_wait3A_751 = tpu.memref_slice %arg15[%dma_wait3A_744] : memref<2x!tpu.dma_semaphore, #tpu.memory_space<semaphore_mem>> -> memref<1x!tpu.dma_semaphore, #tpu.memory_space<semaphore_mem>>
      %dma_wait3A_752 = tpu.memref_squeeze %dma_wait3A_751 : memref<1x!tpu.dma_semaphore, #tpu.memory_space<semaphore_mem>> -> memref<!tpu.dma_semaphore, #tpu.memory_space<semaphore_mem>>
      tpu.wait_indirect_dma semaphore(%dma_wait3A_752 : memref<!tpu.dma_semaphore, #tpu.memory_space<semaphore_mem>>) src(%arg13 : memref<128x128xf32, #tpu.memory_space<vmem>>) dst(%dma_wait3A_750 : memref<10240x128xf32, #tpu.memory_space<vmem_shared>>)
      %add3A_753 = arith.constant 1 : i32
      %add3A_754 = arith.addi %add3A_43, %add3A_753 : i32
      %lt3A = arith.constant 5 : i32
      %lt3A_755 = arith.cmpi slt, %add3A_754, %lt3A : i32
      %convert_element_type3A = arith.extui %lt3A_755 : i1 to i32
      %cond3A = arith.constant 0 : i32
      %cond3A_756 = arith.cmpi ne, %convert_element_type3A, %cond3A : i32
      scf.if %cond3A_756 {
        %add3A_757 = arith.constant 1 : i32
        %add3A_758 = arith.addi %add3A_43, %add3A_757 : i32
        %mul3A_759 = arith.constant 16 : i32
        %mul3A_760 = arith.muli %add3A_758, %mul3A_759 : i32
        %add3A_761 = arith.addi %mul3A_12, %mul3A_760 : i32
        "tpu.region"() ({
          %run_scoped3A = tpu.sem_alloc : memref<!tpu.dma_semaphore, #tpu.memory_space<semaphore_mem>>
          %dma_start3A_778 = arith.constant 0 : i32
          %dma_start3A_779 = tpu.memref_slice %arg3[%add3A_761, %dma_start3A_778] : memref<2560x128xi32, #tpu.memory_space<hbm>> -> memref<16x128xi32, #tpu.memory_space<hbm>>
          %dma_start3A_780 = arith.constant 0 : i32
          %dma_start3A_781 = tpu.memref_slice %arg3[%add3A_761, %dma_start3A_780] : memref<2560x128xi32, #tpu.memory_space<hbm>> -> memref<16x128xi32, #tpu.memory_space<hbm>>
          tpu.enqueue_dma source(%dma_start3A_781 : memref<16x128xi32, #tpu.memory_space<hbm>>) target(%arg8 : memref<16x128xi32, #tpu.memory_space<vmem>>) target_semaphore(%run_scoped3A : memref<!tpu.dma_semaphore, #tpu.memory_space<semaphore_mem>>)
          %dma_wait3A_782 = arith.constant 0 : i32
          %dma_wait3A_783 = tpu.memref_slice %arg3[%add3A_761, %dma_wait3A_782] : memref<2560x128xi32, #tpu.memory_space<hbm>> -> memref<16x128xi32, #tpu.memory_space<hbm>>
          %dma_wait3A_784 = arith.constant 0 : i32
          %dma_wait3A_785 = tpu.memref_slice %arg3[%add3A_761, %dma_wait3A_784] : memref<2560x128xi32, #tpu.memory_space<hbm>> -> memref<16x128xi32, #tpu.memory_space<hbm>>
          tpu.wait_dma2 semaphore(%run_scoped3A : memref<!tpu.dma_semaphore, #tpu.memory_space<semaphore_mem>>) src(%dma_wait3A_785 : memref<16x128xi32, #tpu.memory_space<hbm>>) dst(%arg8 : memref<16x128xi32, #tpu.memory_space<vmem>>)
          tpu.yield
        }) : () -> ()
        %mul3A_762 = arith.constant 16 : i32
        %mul3A_763 = arith.muli %add3A_758, %mul3A_762 : i32
        %add3A_764 = arith.addi %mul3A_12, %mul3A_763 : i32
        "tpu.region"() ({
          %run_scoped3A = tpu.sem_alloc : memref<!tpu.dma_semaphore, #tpu.memory_space<semaphore_mem>>
          %dma_start3A_778 = arith.constant 0 : i32
          %dma_start3A_779 = tpu.memref_slice %arg4[%add3A_764, %dma_start3A_778] : memref<2560x128xi32, #tpu.memory_space<hbm>> -> memref<16x128xi32, #tpu.memory_space<hbm>>
          %dma_start3A_780 = arith.constant 0 : i32
          %dma_start3A_781 = tpu.memref_slice %arg4[%add3A_764, %dma_start3A_780] : memref<2560x128xi32, #tpu.memory_space<hbm>> -> memref<16x128xi32, #tpu.memory_space<hbm>>
          tpu.enqueue_dma source(%dma_start3A_781 : memref<16x128xi32, #tpu.memory_space<hbm>>) target(%arg9 : memref<16x128xi32, #tpu.memory_space<vmem>>) target_semaphore(%run_scoped3A : memref<!tpu.dma_semaphore, #tpu.memory_space<semaphore_mem>>)
          %dma_wait3A_782 = arith.constant 0 : i32
          %dma_wait3A_783 = tpu.memref_slice %arg4[%add3A_764, %dma_wait3A_782] : memref<2560x128xi32, #tpu.memory_space<hbm>> -> memref<16x128xi32, #tpu.memory_space<hbm>>
          %dma_wait3A_784 = arith.constant 0 : i32
          %dma_wait3A_785 = tpu.memref_slice %arg4[%add3A_764, %dma_wait3A_784] : memref<2560x128xi32, #tpu.memory_space<hbm>> -> memref<16x128xi32, #tpu.memory_space<hbm>>
          tpu.wait_dma2 semaphore(%run_scoped3A : memref<!tpu.dma_semaphore, #tpu.memory_space<semaphore_mem>>) src(%dma_wait3A_785 : memref<16x128xi32, #tpu.memory_space<hbm>>) dst(%arg9 : memref<16x128xi32, #tpu.memory_space<vmem>>)
          tpu.yield
        }) : () -> ()
        %mul3A_765 = arith.constant 16 : i32
        %mul3A_766 = arith.muli %add3A_758, %mul3A_765 : i32
        %add3A_767 = arith.addi %mul3A_12, %mul3A_766 : i32
        "tpu.region"() ({
          %run_scoped3A = tpu.sem_alloc : memref<!tpu.dma_semaphore, #tpu.memory_space<semaphore_mem>>
          %dma_start3A_778 = arith.constant 0 : i32
          %dma_start3A_779 = tpu.memref_slice %arg5[%add3A_767, %dma_start3A_778] : memref<2560x128xf32, #tpu.memory_space<hbm>> -> memref<16x128xf32, #tpu.memory_space<hbm>>
          %dma_start3A_780 = arith.constant 0 : i32
          %dma_start3A_781 = tpu.memref_slice %arg5[%add3A_767, %dma_start3A_780] : memref<2560x128xf32, #tpu.memory_space<hbm>> -> memref<16x128xf32, #tpu.memory_space<hbm>>
          tpu.enqueue_dma source(%dma_start3A_781 : memref<16x128xf32, #tpu.memory_space<hbm>>) target(%arg10 : memref<16x128xf32, #tpu.memory_space<vmem>>) target_semaphore(%run_scoped3A : memref<!tpu.dma_semaphore, #tpu.memory_space<semaphore_mem>>)
          %dma_wait3A_782 = arith.constant 0 : i32
          %dma_wait3A_783 = tpu.memref_slice %arg5[%add3A_767, %dma_wait3A_782] : memref<2560x128xf32, #tpu.memory_space<hbm>> -> memref<16x128xf32, #tpu.memory_space<hbm>>
          %dma_wait3A_784 = arith.constant 0 : i32
          %dma_wait3A_785 = tpu.memref_slice %arg5[%add3A_767, %dma_wait3A_784] : memref<2560x128xf32, #tpu.memory_space<hbm>> -> memref<16x128xf32, #tpu.memory_space<hbm>>
          tpu.wait_dma2 semaphore(%run_scoped3A : memref<!tpu.dma_semaphore, #tpu.memory_space<semaphore_mem>>) src(%dma_wait3A_785 : memref<16x128xf32, #tpu.memory_space<hbm>>) dst(%arg10 : memref<16x128xf32, #tpu.memory_space<vmem>>)
          tpu.yield
        }) : () -> ()
        %dma_start3A_768 = arith.constant 0 : i32
        %dma_start3A_769 = arith.constant 0 : i32
        %dma_start3A_770 = arith.constant 0 : i32
        %dma_start3A_771 = tpu.memref_slice %arg8[%dma_start3A_768, %dma_start3A_770] : memref<16x128xi32, #tpu.memory_space<vmem>> -> memref<1x128xi32, #tpu.memory_space<vmem>>
        %dma_start3A_772 = tpu.memref_squeeze %dma_start3A_771 : memref<1x128xi32, #tpu.memory_space<vmem>> -> memref<128xi32, #tpu.memory_space<vmem>>
        %dma_start3A_773 = arith.constant 0 : i32
        %dma_start3A_774 = arith.constant 0 : i32
        %dma_start3A_775 = tpu.memref_slice %arg2[%dma_start3A_773, %dma_start3A_774] : memref<10240x64xi32, #tpu.memory_space<hbm>> -> memref<10240x64xi32, #tpu.memory_space<hbm>>
        %dma_start3A_776 = tpu.memref_slice %arg14[%dma_start3A_769] : memref<4x!tpu.dma_semaphore, #tpu.memory_space<semaphore_mem>> -> memref<1x!tpu.dma_semaphore, #tpu.memory_space<semaphore_mem>>
        %dma_start3A_777 = tpu.memref_squeeze %dma_start3A_776 : memref<1x!tpu.dma_semaphore, #tpu.memory_space<semaphore_mem>> -> memref<!tpu.dma_semaphore, #tpu.memory_space<semaphore_mem>>
        tpu.enqueue_indirect_dma source(%dma_start3A_775 : memref<10240x64xi32, #tpu.memory_space<hbm>>) target(%arg11 : memref<128x64xi32, #tpu.memory_space<vmem>>) offsets(%dma_start3A_772 : memref<128xi32, #tpu.memory_space<vmem>>) semaphore(%dma_start3A_777 : memref<!tpu.dma_semaphore, #tpu.memory_space<semaphore_mem>>)
      } else {
      }
    }
    %scan3A_32 = arith.constant 5 : i32
    %barrier3A_33 = arith.constant 0 : index
    tpu.barrier barrier_id(%barrier3A_33)
    %scan3A_34 = arith.constant 0 : i32
    %scan3A_35 = arith.constant 5 : i32
    %scan3A_36 = arith.addi %scan3A_34, %scan3A_35 : i32
    %scan3A_37 = arith.constant 1 : i32
    scf.for %scan3A_39 = %scan3A_34 to %scan3A_36 step %scan3A_37  : i32 {
      %mul3A_40 = arith.constant 1 : i32
      %mul3A_41 = arith.muli %scan3A_39, %mul3A_40 : i32
      %add3A_42 = arith.constant 0 : i32
      %add3A_43 = arith.addi %add3A_42, %mul3A_41 : i32
      %mul3A_44 = arith.constant 640 : i32
      %mul3A_45 = arith.muli %arg1, %mul3A_44 : i32
      %mul3A_46 = arith.constant 128 : i32
      %mul3A_47 = arith.muli %add3A_43, %mul3A_46 : i32
      %add3A_48 = arith.addi %mul3A_45, %mul3A_47 : i32
      "tpu.region"() ({
        %run_scoped3A = tpu.sem_alloc : memref<!tpu.dma_semaphore, #tpu.memory_space<semaphore_mem>>
        %dma_start3A_49 = arith.constant 0 : i32
        %dma_start3A_50 = tpu.memref_slice %arg6[%arg0, %add3A_48, %dma_start3A_49] : memref<2x10240x128xf32, #tpu.memory_space<hbm>> -> memref<1x128x128xf32, #tpu.memory_space<hbm>>
        %dma_start3A_51 = tpu.memref_squeeze %dma_start3A_50 : memref<1x128x128xf32, #tpu.memory_space<hbm>> -> memref<128x128xf32, #tpu.memory_space<hbm>>
        %dma_start3A_52 = arith.constant 0 : i32
        %dma_start3A_53 = tpu.memref_slice %arg7[%add3A_48, %dma_start3A_52] : memref<10240x128xf32, #tpu.memory_space<vmem_shared>> -> memref<128x128xf32, #tpu.memory_space<vmem_shared>>
        tpu.enqueue_dma source(%dma_start3A_53 : memref<128x128xf32, #tpu.memory_space<vmem_shared>>) target(%dma_start3A_51 : memref<128x128xf32, #tpu.memory_space<hbm>>) target_semaphore(%run_scoped3A : memref<!tpu.dma_semaphore, #tpu.memory_space<semaphore_mem>>)
        %dma_wait3A = arith.constant 0 : i32
        %dma_wait3A_54 = tpu.memref_slice %arg6[%arg0, %add3A_48, %dma_wait3A] : memref<2x10240x128xf32, #tpu.memory_space<hbm>> -> memref<1x128x128xf32, #tpu.memory_space<hbm>>
        %dma_wait3A_55 = tpu.memref_squeeze %dma_wait3A_54 : memref<1x128x128xf32, #tpu.memory_space<hbm>> -> memref<128x128xf32, #tpu.memory_space<hbm>>
        %dma_wait3A_56 = arith.constant 0 : i32
        %dma_wait3A_57 = tpu.memref_slice %arg7[%add3A_48, %dma_wait3A_56] : memref<10240x128xf32, #tpu.memory_space<vmem_shared>> -> memref<128x128xf32, #tpu.memory_space<vmem_shared>>
        tpu.wait_dma2 semaphore(%run_scoped3A : memref<!tpu.dma_semaphore, #tpu.memory_space<semaphore_mem>>) src(%dma_wait3A_57 : memref<128x128xf32, #tpu.memory_space<vmem_shared>>) dst(%dma_wait3A_55 : memref<128x128xf32, #tpu.memory_space<hbm>>)
        tpu.yield
      }) : () -> ()
    }
    %scan3A_38 = arith.constant 5 : i32
    return
  }
}

</mosaic_0001>

<sc_bundles>
// kernel: kernel.3.cloned.1.call-start
scs
__scs_entry_jumppad:
0x0: {  	(pc) =	sbr.rel $0x88, $3  }
0x1: {  	(tag) =	ssettag $0x0;
	lr =	simm.s32 $0x1  }
0x2: {  	[smem:$0x3F9E] =	sst lr;
	_ =	strace $0xD0000000  }
0x3: {  	_ = 	snop  }
0x4: {  	_ = 	snop  }
0x5: {  	_ = 	snop  }
0x6: {  	_ = 	snop  }
0x7: {  	_ = 	snop  }
__scs_overlays_trampoline_lowered:
0x8: {  	[smem:$0x3FAD] =	sst s0  }
0x9: {  	[smem:$0x3FAE] =	sst s1  }
0xa: {  	[smem:$0x3FAF] =	sst s2  }
0xb: {  	[smem:$0x3FB0] =	sst s3  }
0xc: {  	[smem:$0x3FB1] =	sst s4  }
0xd: {  	[smem:$0x3FB2] =	sst s5  }
0xe: {  	[smem:$0x3FB3] =	sst s6  }
0xf: {  	[smem:$0x3FB4] =	sst s7  }
0x10: {  	[smem:$0x3FB5] =	sst s8  }
0x11: {  	[smem:$0x3FB6] =	sst s9;
	s0 =	simm.s32 @!p0 $0x0  }
0x12: {  	s1 =	sld [smem:$0x3F9C];
	s0 =	simm.s32 @p0 $0x1  }
0x13: {  	[smem:$0x3FB7] =	sst s0;
	s0 =	simm.s32 @!p1 $0x0  }
0x14: {  	s2 =	sld [smem:$0x3F9B];
	s0 =	simm.s32 @p1 $0x1  }
0x15: {  	[smem:$0x3FB8] =	sst s0;
	s0 =	simm.s32 @!p2 $0x0  }
0x16: {  	s3 =	sld [smem:$0x3FDB];
	s0 =	simm.s32 @p2 $0x1  }
0x17: {  	s4 =	simm.s32 $0x1BF5;
	[smem:$0x3FBA] =	sst s0  }
0x18: {  	s0 =	sld [smem:$0x3F9D];
	_ =	swait.ge [sflag:s4], $0x0  }
0x19: {  	s7 =	sld [smem:$0x3F9E]  }
0x1a: {  	s8 =	sadd.s32 $0xFFFFE003, lr  }
0x1b: {  	s9 =	sadd.s32 $0xFFFFFEF7, lr;
	s5 =	simm.s32 $0xFFFFFFFF;
	p2 =	slt.u32 s8, $0xFFFFF086  }
0x1c: {  	p1 =	slt.u32 s9, $0xF7A;
	s5 =	simm.s32 @!p2 $0x0  }
0x1d: {  	s5 =	simm.s32 @p1 $0x1;
	p0 =	seq.s32 s7, s2  }
0x1e: {  	s7 =	smul.u32 @!p0 $0xF7A, s2;
	p2 =	seq.s32 @!p0 s5, $0x0  }
0x1f: {  	s9 =	smul.u32 $0xF7A, s1;
	s8 =	simm.s32 @!p0 $0x1BF5;
	p2 =	por !p2, p0  }
0x20: {  	[sflag:s8] =	ssyncset.s32 @!p0 $0xFFFFF086;
	s6 =	sadd.s32 @!p0 s3, s7;
	s7 =	simm.s32 @!p0 $0x108  }
0x21: {  	s3 =	sadd.s32 s3, s9;
	s6 =	sadd.s32 @!p0 $0x88, s6;
	s7 =	simm.s32 @p2 $0x1082  }
0x22: {  	[simem:s7], [sflag:s8] =	dma.local @!p0 [hbm:s6], $0xF7A  }
0x23: {  	s9 =	sor.u32 $0xD0000000, s2;
	s6 =	simm.s32 $0x108;
	_ =	swait.ge @!p0 [sflag:s8], $0x0  }
0x24: {  	s3 =	sadd.s32 $0x88, s3;
	s6 =	simm.s32 @!p1 $0x1082;
	[sflag:s4] =	ssyncset.s32 $0xFFFFF086  }
0x25: {  	[simem:s6], [sflag:s4] =	dma.local [hbm:s3], $0xF7A  }
0x26: {  	[smem:$0x3F9E] =	sst s1;
	(tag) =	ssettag s2;
	_ =	strace s9  }
0x27: {  	s1 =	sld [smem:$0x3FAE]  }
0x28: {  	s2 =	sld [smem:$0x3FAF]  }
0x29: {  	s4 =	sld [smem:$0x3FB1]  }
0x2a: {  	p0 =	seq.s32 s5, $0x0;
	s5 =	sld [smem:$0x3FB2]  }
0x2b: {  	s6 =	sld [smem:$0x3FB3]  }
0x2c: {  	s7 =	sld [smem:$0x3FB4]  }
0x2d: {  	s3 =	simm.s32 $0x108;
	s8 =	sld [smem:$0x3FB5]  }
0x2e: {  	s3 =	simm.s32 @!p0 $0x1082;
	s9 =	sld [smem:$0x3FB6]  }
0x2f: {  	lr =	sadd.s32 s0, s3;
	s0 =	sld [smem:$0x3FAD]  }
0x30: {  	s3 =	sld [smem:$0x3FB0]  }
0x31: {  	[smem:$0x3FB9] =	sst s10  }
0x32: {  	s10 =	sld [smem:$0x3FB7];
	_ =	sdelay $0x3  }
0x33: {  	p0 =	seq.s32 s10, $0x1;
	s10 =	sld [smem:$0x3FB9];
	_ =	sdelay $0x3  }
0x34: {  	[smem:$0x3FB9] =	sst s10  }
0x35: {  	s10 =	sld [smem:$0x3FB8];
	_ =	sdelay $0x3  }
0x36: {  	p1 =	seq.s32 s10, $0x1;
	s10 =	sld [smem:$0x3FB9];
	_ =	sdelay $0x3  }
0x37: {  	[smem:$0x3FB9] =	sst s10  }
0x38: {  	s10 =	sld [smem:$0x3FBA]  }
0x39: {  	_ = 	snop;
	(pc) =	sbr.ind lr, $3  }
0x3a: {  	_ = 	snop  }
0x3b: {  	_ = 	snop  }
0x3c: {  	p2 =	seq.s32 s10, $0x1;
	s10 =	sld [smem:$0x3FB9]  }
0x3d: {  	_ =	shalt  }
0x3e: {  	_ =	shalt  }
0x3f: {  	_ =	shalt  }
0x40: {  	_ =	shalt  }
0x41: {  	_ =	shalt  }
0x42: {  	_ =	shalt  }
0x43: {  	_ =	shalt  }
0x44: {  	_ =	shalt  }
0x45: {  	_ =	shalt  }
0x46: {  	_ =	shalt  }
0x47: {  	_ =	shalt  }
0x48: {  	_ =	shalt  }
0x49: {  	_ =	shalt  }
0x4a: {  	_ =	shalt  }
0x4b: {  	_ =	shalt  }
0x4c: {  	_ =	shalt  }
0x4d: {  	_ =	shalt  }
0x4e: {  	_ =	shalt  }
0x4f: {  	_ =	shalt  }
0x50: {  	_ =	shalt  }
0x51: {  	_ =	shalt  }
0x52: {  	_ =	shalt  }
0x53: {  	_ =	shalt  }
0x54: {  	_ =	shalt  }
0x55: {  	_ =	shalt  }
0x56: {  	_ =	shalt  }
0x57: {  	_ =	shalt  }
0x58: {  	_ =	shalt  }
0x59: {  	_ =	shalt  }
0x5a: {  	_ =	shalt  }
0x5b: {  	_ =	shalt  }
0x5c: {  	_ =	shalt  }
0x5d: {  	_ =	shalt  }
0x5e: {  	_ =	shalt  }
0x5f: {  	_ =	shalt  }
0x60: {  	_ =	shalt  }
0x61: {  	_ =	shalt  }
0x62: {  	_ =	shalt  }
0x63: {  	_ =	shalt  }
0x64: {  	_ =	shalt  }
0x65: {  	_ =	shalt  }
0x66: {  	_ =	shalt  }
0x67: {  	_ =	shalt  }
0x68: {  	_ =	shalt  }
0x69: {  	_ =	shalt  }
0x6a: {  	_ =	shalt  }
0x6b: {  	_ =	shalt  }
0x6c: {  	_ =	shalt  }
0x6d: {  	_ =	shalt  }
0x6e: {  	_ =	shalt  }
0x6f: {  	_ =	shalt  }
0x70: {  	_ =	shalt  }
0x71: {  	_ =	shalt  }
0x72: {  	_ =	shalt  }
0x73: {  	_ =	shalt  }
0x74: {  	_ =	shalt  }
0x75: {  	_ =	shalt  }
0x76: {  	_ =	shalt  }
0x77: {  	_ =	shalt  }
0x78: {  	_ =	shalt  }
0x79: {  	_ =	shalt  }
0x7a: {  	_ =	shalt  }
0x7b: {  	_ =	shalt  }
0x7c: {  	_ =	shalt  }
0x7d: {  	_ =	shalt  }
0x7e: {  	_ =	shalt  }
0x7f: {  	_ =	shalt  }
0x80: {  	_ =	shalt  }
0x81: {  	_ =	shalt  }
0x82: {  	_ =	shalt  }
0x83: {  	_ =	shalt  }
0x84: {  	_ =	shalt  }
0x85: {  	_ =	shalt  }
0x86: {  	_ =	shalt  }
0x87: {  	_ =	shalt  }
.Lfunc_end0:
.L_simem_size_0:
called_computation_lowered:
.L_overlay_start_0:
0x88: {  	s2 =	sld [smem:$0x3FD9]  }
0x89: {  	s3 =	sld [smem:$0x3FFE];
	_ =	sdelay $0x1  }
0x8a: {  	s1 =	srdreg.scid  }
0x8b: {  	s0 =	sand.u32 $0x1, s1  }
0x8c: {  	s16 =	sshll.u32 s0, $0xA;
	s2 =	sadd.s32 s3, s2  }
0x8d: {  	s2 =	sadd.s32 s2, s16  }
0x8e: {  	[smem:$0x3FC5] =	sst s2  }
0x8f: {  	_ = 	snop  }
0x90: {  	(tm) =	ssettm $0x1  }
0x91: {  	s17 =	sld [smem:$0x3FFB];
	_ =	sdelay $0x3  }
0x92: {  	_ =	strace s17  }
0x93: {  	s2 =	sld [smem:$0x3FFC];
	_ =	sdelay $0x3  }
0x94: {  	_ =	strace s2  }
0x95: {  	s2 =	sld [smem:$0x3FFD];
	_ =	sdelay $0x3  }
0x96: {  	_ =	strace s2  }
0x97: {  	_ =	strace $0x8FFFFFFF  }
0x98: {  	s18 =	sld [smem:$0x3FDB];
	_ =	sdelay $0x1  }
0x99: {  	s19 =	simm.s32 $_scs_section_size  }
0x9a: {  	s4 =	simm.s32 $_size__tile_overlayer_lowered;
	s5 =	simm.s32 $_tile_overlayer_lowered  }
0x9b: {  	s22 =	simm.s32 $0x1BFF;
	s21 =	sshll.u32 s5, $0x1;
	s2 =	sadd.s32 s19, s18  }
0x9c: {  	s6 =	simm.s32 $0x0;
	s20 =	sshll.u32 s4, $0x1;
	s4 =	sadd.s32 s21, s2  }
0x9d: {  	[timem:s6], [sflag:s22] =	dma.local [hbm:s4], s20  }
0x9e: {  	_ =	swait.ge [sflag:s22], s20  }
0x9f: {  	s3 =	ssub.s32 $0x0, s20;
	[sflag:s22] =	ssyncset.done $0x0  }
0xa0: {  	[sflag:s22] =	ssyncadd.s32 s3;
	_ =	sdelay $0x1  }
0xa1: {  	s23 =	simm.s32 $0x1B8B  }
0xa2: {  	_ =	swait.ge [sflag:s23], $0x1  }
0xa3: {  	[sflag:s23] =	ssyncset.done $0x0  }
0xa4: {  	s25 =	simm.s32 $0x1B8E;
	s24 =	sld [smem:$0x3FFE];
	[sflag:s23] =	ssyncadd.s32 $0xFFFFFFFF  }
0xa5: {  	s26 =	simm.s32 $execute0_lowered;
	[smem:$0x3FD2] =	sst s25  }
0xa6: {  	s4 =	sshll.u32 s26, $0x1;
	_ =	strace $0x80000046;
	[dreg:$0x1] =	wrdreg $0xFFFFFFFF  }
0xa7: {  	s28 =	simm.s32 $_size_execute0_lowered;
	s2 =	sadd.s32 s2, s4;
	[dreg:$0x0] =	wrdreg $0x0  }
0xa8: {  	s4 =	sshll.u32 s28, $0x1;
	[dreg:$0x2] =	wrdreg s2  }
0xa9: {  	[dreg:$0x3] =	wrdreg s4  }
0xaa: {  	[dreg:$0x4] =	wrdreg $0xC0  }
0xab: {  	_ =	task [dreg:s6], $0x5FFFF  }
0xac: {  	[dreg:$0x1] =	wrdreg $0xFFFFFFFF  }
0xad: {  	[dreg:$0x0] =	wrdreg $0x60  }
0xae: {  	[dreg:$0x2] =	wrdreg s24  }
0xaf: {  	[dreg:$0x3] =	wrdreg $0x0  }
0xb0: {  	[dreg:$0x4] =	wrdreg $0x9  }
0xb1: {  	_ =	task.clear_ibuf [dreg:s6], $0x5FFFF;
	_ =	strace $0x90000046  }
0xb2: {  	s29 =	simm.s32 $0x9;
	_ =	strace $0x80000048  }
0xb3: {  	_ =	swait.ge [sflag:s29], $0x1  }
0xb4: {  	[sflag:s29] =	ssyncadd.s32 $0xFFFFFFFF  }
0xb5: {  	_ =	strace $0x90000048  }
0xb6: {  	_ =	sfence  }
0xb7: {  	s30 =	sld [smem:$0x0];
	_ =	sdelay $0x2  }
0xb8: {  	s31 =	sshll.u32 s1, $0xD;
	s1 =	sshrl.u32 s1, $0x2  }
0xb9: {  	s3 =	sand.u32 $0x4000, s31;
	s1 =	sadd.s32 s1, s30  }
0xba: {  	s0 =	sor.u32 s3, s0;
	s1 =	sshll.u32 s1, $0x11  }
0xbb: {  	s0 =	sor.u32 s1, s0  }
0xbc: {  	s0 =	sadd.s32 $0x8F2B, s0  }
0xbd: {  	[sflag:s0] =	ssyncadd.remote.s32 $0x1  }
0xbe: {  	_ =	sfence.sel $0xFFFF  }
0xbf: {  	[dreg:$0x0] =	wrdreg $0xFFFFFFFF;
	(pc) =	sbr.abs _section_cstart, $3  }
0xc0: {  	[dreg:$0x1] =	wrdreg $0xFFFFFFFF  }
0xc1: {  	_ =	task.clear_ibuf [dreg:s6], $0x2FFFF;
	_ =	strace $0x9FFFFFFF  }
0xc2: {  	(tm) =	ssettm $0x7FFFFFFF  }
0xc3: {  	_ =	shalt  }
tec
execute0_lowered:
.L_overlay_start_1:
0x0: {  	(tag) =	ssettag $0x1  }
0x1: {  	s12 =	rddreg [dreg:$0x0]  }
0x2: {  	s2 =	rddreg [dreg:$0x1]  }
0x3: {  	s14 =	simm.s32 $0x0;
	s0 =	srdreg.scid;
	s11 =	stileid.u32  }
0x4: {  	s29 =	simm.s32 $0x19800;
	s30 =	simm.s32 $0x7;
	s31 =	simm.s32 $0x80  }
0x5: {  	s28 =	simm.s32 $0x14F00;
	[smem:$0x7FF] =	sst s14;
	s0 =	sand.u32 $0x1, s0  }
0x6: {  	s5 =	sadd.s32 $0x14000, s12;
	s3 =	smul.u32 $0x50000, s11;
	s6 =	sadd.s32 $0xA000, s12  }
0x7: {  	s7 =	sadd.s32 $0x28000, s12;
	s8 =	sadd.s32 $0x32000, s12;
	_ =	strace $0x80000047  }
0x8: {  	s1 =	sshll.u32 s0, $0x4;
	s9 =	ssub.s32 $0x2, s0;
	s0 =	smul.u32 $0x140000, s0  }
0x9: {  	s1 =	sor.u32 s11, s1;
	s10 =	sshrl.u32 s9, $0x1;
	s11 =	smul.u32 $0x14000, s11  }
0xa: {  	s3 =	sshrl.u32 s3, $0x2;
	s4 =	smul.u32 $0x500, s1;
	s9 =	ssub.s32 s9, s10  }
0xb: {  	s15 =	sadd.s32 s3, s2;
	s18 =	sadd.s32 s0, s11;
	s10 =	sadd.s32 $0x4000, s11  }
0xc: {  	s22 =	smax.u32 s9, $0x1;
	s23 =	sadd.s32 $0x4000, s15;
	s24 =	sadd.s32 $0x8000, s11  }
0xd: {  	s25 =	sadd.s32 $0xC000, s11;
	s26 =	sadd.s32 $0x10000, s11;
	[dreg:$0x4] =	wrdreg s15  }
0xe: {  	s16 =	sadd.s32 s6, s4;
	s17 =	sadd.s32 s12, s4;
	[dreg:$0x9] =	wrdreg s22  }
0xf: {  	s4 =	sadd.s32 s7, s4;
	s3 =	sshrl.u32 s18, $0x3;
	[dreg:$0xa] =	wrdreg s23  }
0x10: {  	s19 =	sadd.s32 s0, s10;
	s12 =	smul.u32 $0x2800, s1;
	[dreg:$0x5] =	wrdreg s16  }
0x11: {  	s13 =	sadd.s32 s0, s25;
	s18 =	sadd.s32 $0x8000, s15;
	[dreg:$0x6] =	wrdreg s17  }
0x12: {  	[dreg:$0x7] =	wrdreg s4;
	s20 =	sadd.s32 s8, s3;
	s21 =	sshrl.u32 s19, $0x3  }
0x13: {  	s16 =	sadd.s32 s0, s24;
	s0 =	sadd.s32 s0, s26;
	s13 =	sshrl.u32 s13, $0x3  }
0x14: {  	[dreg:$0xf] =	wrdreg s18;
	s19 =	sadd.s32 s11, s2;
	s3 =	sadd.s32 s25, s2  }
0x15: {  	s4 =	sadd.s32 s26, s2;
	s25 =	sadd.s32 $0xC000, s15;
	s26 =	sadd.s32 $0x10000, s15  }
0x16: {  	s11 =	simm.s32 $0x17800;
	s15 =	simm.s32 $0x5;
	[dreg:$0x8] =	wrdreg s20  }
0x17: {  	s1 =	sadd.s32 s8, s21;
	s9 =	sshrl.u32 s16, $0x3;
	s0 =	sshrl.u32 s0, $0x3  }
0x18: {  	s17 =	sadd.s32 s8, s13;
	s20 =	sadd.s32 s10, s2;
	[dreg:$0x15] =	wrdreg s25  }
0x19: {  	s23 =	sshrl.u32 s3, $0x3;
	[dreg:$0x16] =	wrdreg s26;
	s13 =	simm.s32 $0x1  }
0x1a: {  	s16 =	simm.s32 $0x2;
	s25 =	simm.s32 $0x14E80;
	[dreg:$0xb] =	wrdreg s1  }
0x1b: {  	s26 =	simm.s32 $0x14780;
	s9 =	sadd.s32 s8, s9;
	[dreg:$0xd] =	wrdreg s17  }
0x1c: {  	s0 =	sadd.s32 s8, s0;
	s1 =	sadd.s32 s24, s2;
	[dreg:$0x13] =	wrdreg s23  }
0x1d: {  	s21 =	sshrl.u32 s20, $0x3;
	s24 =	sshrl.u32 s4, $0x3;
	[dreg:$0xc] =	wrdreg s9  }
0x1e: {  	s4 =	simm.s32 $0x15000;
	s23 =	simm.s32 $0x14E00;
	[dreg:$0xe] =	wrdreg s0  }
0x1f: {  	s8 =	simm.s32 $0x14F80;
	s0 =	sshrl.u32 s19, $0x3;
	[dreg:$0x11] =	wrdreg s21  }
0x20: {  	s22 =	sshrl.u32 s1, $0x3;
	[dreg:$0x14] =	wrdreg s24;
	s9 =	simm.s32 $0x15800  }
0x21: {  	s21 =	simm.s32 $0x14D80;
	s24 =	simm.s32 $0x14700;
	[dreg:$0x10] =	wrdreg s0  }
0x22: {  	v0 =	vimm.f32 $0.0e+00;
	[dreg:$0x12] =	wrdreg s22;
	s0 =	simm.s32 $0x14800;
	s22 =	simm.s32 $0x14680  }
.LBB2_1:
0x23: {  	[dreg:$0x3] =	wrdreg s14;
	s1 =	simm.s32 $0x0;
	s3 =	simm.s32 $0x200  }
.LBB2_2:
0x24: {  	p0 =	sne.s32 s3, $0xFE00;
	[tilespmem:s1+$0x19870] =	vst v0  }
0x25: {  	[tilespmem:s1+$0x19800] =	vst v0  }
0x26: {  	[tilespmem:s1+$0x19810] =	vst v0  }
.Ltmp0:
0x27: {  	[tilespmem:s1+$0x19820] =	vst v0;
	(pc) =	sbr.rel @p0 .LBB2_2-.Ltmp0, $4  }
0x28: {  	[tilespmem:s1+$0x19830] =	vst v0  }
0x29: {  	[tilespmem:s1+$0x19840] =	vst v0  }
0x2a: {  	[tilespmem:s1+$0x19850] =	vst v0  }
0x2b: {  	[tilespmem:s1+$0x19860] =	vst v0;
	s1 =	sshra.s32 s3, $0x2;
	s3 =	sadd.s32 $0x200, s3  }
0x2c: {  	[tilespmem:s1+$0x19870] =	vst v0  }
0x2d: {  	[tilespmem:s1+$0x19800] =	vst v0  }
0x2e: {  	[tilespmem:s1+$0x19810] =	vst v0  }
0x2f: {  	[tilespmem:s1+$0x19820] =	vst v0  }
0x30: {  	[tilespmem:s1+$0x19830] =	vst v0  }
0x31: {  	[tilespmem:s1+$0x19840] =	vst v0  }
0x32: {  	[tilespmem:s1+$0x19850] =	vst v0  }
0x33: {  	[tilespmem:s1+$0x19860] =	vst v0;
	s20 =	rddreg [dreg:$0x4]  }
0x34: {  	[spmem:s20] =	stream.linear.scatter [tilespmem:s29], [sflag:$0x7], $0x4000, $0x38;
	[tilespmem:$0x1D800] =	vst v63  }
0x35: {  	_ =	swait.ge [sflag:s30], $0x4000  }
0x36: {  	[sflag:s30] =	ssyncset.done $0x0  }
0x37: {  	s3 =	rddreg [dreg:$0xa];
	[sflag:s30] =	ssyncadd.s32 $0xFFFFC000  }
0x38: {  	[spmem:s3] =	stream.linear.scatter [tilespmem:s29], [sflag:$0x7], $0x4000, $0x38;
	[tilespmem:$0x1D800] =	vst v63  }
0x39: {  	_ =	swait.ge [sflag:s30], $0x4000  }
0x3a: {  	[sflag:s30] =	ssyncset.done $0x0  }
0x3b: {  	s10 =	rddreg [dreg:$0xf];
	[sflag:s30] =	ssyncadd.s32 $0xFFFFC000  }
0x3c: {  	[spmem:s10] =	stream.linear.scatter [tilespmem:s29], [sflag:$0x7], $0x4000, $0x38;
	[tilespmem:$0x1D800] =	vst v63  }
0x3d: {  	_ =	swait.ge [sflag:s30], $0x4000  }
0x3e: {  	[sflag:s30] =	ssyncset.done $0x0  }
0x3f: {  	s14 =	rddreg [dreg:$0x15];
	[sflag:s30] =	ssyncadd.s32 $0xFFFFC000  }
0x40: {  	[spmem:s14] =	stream.linear.scatter [tilespmem:s29], [sflag:$0x7], $0x4000, $0x38;
	[tilespmem:$0x1D800] =	vst v63  }
0x41: {  	_ =	swait.ge [sflag:s30], $0x4000  }
0x42: {  	[sflag:s30] =	ssyncset.done $0x0  }
0x43: {  	s17 =	rddreg [dreg:$0x16];
	[sflag:s30] =	ssyncadd.s32 $0xFFFFC000  }
0x44: {  	[spmem:s17] =	stream.linear.scatter [tilespmem:s29], [sflag:$0x7], $0x4000, $0x38;
	[tilespmem:$0x1D800] =	vst v63  }
0x45: {  	_ =	swait.ge [sflag:s30], $0x4000  }
0x46: {  	[sflag:s30] =	ssyncset.done $0x0  }
0x47: {  	[sflag:s30] =	ssyncadd.s32 $0xFFFFC000  }
0x48: {  	[bflag:$0x0] =	sbarrier.arrive $0xFFFF  }
0x49: {  	s3 =	simm.s32 $0x0;
	s10 =	simm.s32 $0x14000;
	s18 =	rddreg [dreg:$0x5]  }
0x4a: {  	[tilespmem:s10], [sflag:$0x7] =	stream.linear.gather [hbm4b:s18+s3], $0x800, $0x38;
	[tilespmem:$0x1D800] =	vst v63  }
0x4b: {  	_ =	swait.ge [sflag:s30], $0x800  }
0x4c: {  	[sflag:s30] =	ssyncset.done $0x0  }
0x4d: {  	s19 =	rddreg [dreg:$0x6];
	[sflag:s30] =	ssyncadd.s32 $0xFFFFF800  }
0x4e: {  	[tilespmem:s0], [sflag:$0x7] =	stream.linear.gather [hbm4b:s19+s3], $0x800, $0x38;
	[tilespmem:$0x1D800] =	vst v63  }
0x4f: {  	_ =	swait.ge [sflag:s30], $0x800  }
0x50: {  	[sflag:s30] =	ssyncset.done $0x0  }
0x51: {  	s20 =	rddreg [dreg:$0x7];
	[sflag:s30] =	ssyncadd.s32 $0xFFFFF800  }
0x52: {  	[tilespmem:s4], [sflag:$0x7] =	stream.linear.gather [hbm4b:s20+s3], $0x800, $0x38;
	[tilespmem:$0x1D800] =	vst v63  }
0x53: {  	_ =	swait.ge [sflag:s30], $0x800  }
0x54: {  	[sflag:s30] =	ssyncset.done $0x0  }
0x55: {  	s1 =	simm.s32 $0x0;
	[sflag:s30] =	ssyncadd.s32 $0xFFFFF800  }
0x56: {  	[tilespmem:s9], [sflag:$0x1] =	stream.indirect.gather [hbm4b:s5+s31], $0x40, s10, s31, $0xb8;
	[tilespmem:$0x1D800] =	vst v63  }
.LBB2_4:
0x57: {  	s10 =	simm.s32 $0x14080  }
0x58: {  	v1 =	vmov s3;
	[tilespmem:s11], [sflag:$0x2] =	stream.indirect.gather [hbm4b:s5+s31], $0x40, s10, s31, $0xb8;
	[tilespmem:$0x1D800] =	vst v63  }
0x59: {  	_ =	swait.ge [sflag:s13], $0x2000  }
0x5a: {  	[sflag:s13] =	ssyncset.done $0x0  }
0x5b: {  	s10 =	simm.s32 $0x15820;
	[sflag:s13] =	ssyncadd.s32 $0xFFFFE000  }
0x5c: {  	v2 =	vld [tilespmem:s10+$0xFFFFFFE0]  }
0x5d: {  	v1 =	vld.idx.msk [tilespmem:v1+s4+$0x0], $0xffff;
	_ =	sdelay $0x3  }
0x5e: {  	v3 =	vunpack.i.l.bf16.f32 v2  }
0x5f: {  	v2 =	vunpack.i.u.bf16.f32 v2;
	v3 =	vmul.f32 v3, v1  }
0x60: {  	s14 =	simm.s32 $0x19840;
	v2 =	vmul.f32 v2, v1  }
0x61: {  	[tilespmem:s14+$0xFFFFFFC0] =	vst v3  }
0x62: {  	[tilespmem:s14+$0xFFFFFFD0] =	vst v2  }
0x63: {  	v2 =	vld [tilespmem:s10+$0xFFFFFFF0];
	_ =	sdelay $0x4  }
0x64: {  	v3 =	vunpack.i.l.bf16.f32 v2  }
0x65: {  	v2 =	vunpack.i.u.bf16.f32 v2;
	v3 =	vmul.f32 v3, v1  }
0x66: {  	v2 =	vmul.f32 v2, v1  }
0x67: {  	[tilespmem:s14+$0xFFFFFFE0] =	vst v3  }
0x68: {  	[tilespmem:s14+$0xFFFFFFF0] =	vst v2  }
0x69: {  	v2 =	vld [tilespmem:s10+$0x0];
	_ =	sdelay $0x4  }
0x6a: {  	v3 =	vunpack.i.l.bf16.f32 v2  }
0x6b: {  	v2 =	vunpack.i.u.bf16.f32 v2;
	v3 =	vmul.f32 v3, v1  }
0x6c: {  	v2 =	vmul.f32 v2, v1  }
0x6d: {  	[tilespmem:s14+$0x0] =	vst v3  }
0x6e: {  	[tilespmem:s14+$0x10] =	vst v2  }
0x6f: {  	s18 =	simm.s32 $0x1;
	s17 =	simm.s32 $0x19840;
	v2 =	vld [tilespmem:s10+$0x10]  }
.LBB2_5:
0x70: {  	_ =	sdelay $0x3  }
0x71: {  	p0 =	sne.s32 s18, $0x7F;
	s14 =	sadd.s32 $0x80, s14;
	s10 =	sadd.s32 $0x40, s10;
	v3 =	vunpack.i.u.bf16.f32 v2;
	v2 =	vunpack.i.l.bf16.f32 v2  }
0x72: {  	v4 =	vmov s18;
	s18 =	sadd.s32 $0x1, s18;
	v2 =	vmul.f32 v2, v1;
	v1 =	vmul.f32 v3, v1;
	_ =	sdelay $0x1  }
0x73: {  	[tilespmem:s17+$0x20] =	vst v2  }
0x74: {  	[tilespmem:s17+$0x30] =	vst v1;
	s17 =	smov.u32 s14  }
0x75: {  	v2 =	vld [tilespmem:s10+$0xFFFFFFE0]  }
0x76: {  	v1 =	vld.idx.msk [tilespmem:v4+s4+$0x0], $0xffff;
	_ =	sdelay $0x4  }
0x77: {  	v3 =	vunpack.i.u.bf16.f32 v2;
	v2 =	vunpack.i.l.bf16.f32 v2  }
0x78: {  	v2 =	vmul.f32 v2, v1;
	v3 =	vmul.f32 v3, v1;
	_ =	sdelay $0x1  }
0x79: {  	[tilespmem:s14+$0xFFFFFFC0] =	vst v2  }
0x7a: {  	[tilespmem:s14+$0xFFFFFFD0] =	vst v3  }
0x7b: {  	v2 =	vld [tilespmem:s10+$0xFFFFFFF0];
	_ =	sdelay $0x4  }
0x7c: {  	v3 =	vunpack.i.u.bf16.f32 v2;
	v2 =	vunpack.i.l.bf16.f32 v2  }
0x7d: {  	v2 =	vmul.f32 v2, v1;
	v3 =	vmul.f32 v3, v1;
	_ =	sdelay $0x1  }
0x7e: {  	[tilespmem:s14+$0xFFFFFFE0] =	vst v2  }
0x7f: {  	[tilespmem:s14+$0xFFFFFFF0] =	vst v3  }
0x80: {  	v2 =	vld [tilespmem:s10+$0x0];
	_ =	sdelay $0x4  }
0x81: {  	v3 =	vunpack.i.u.bf16.f32 v2;
	v2 =	vunpack.i.l.bf16.f32 v2  }
.Ltmp1:
0x82: {  	v2 =	vmul.f32 v2, v1;
	v3 =	vmul.f32 v3, v1;
	(pc) =	sbr.rel @p0 .LBB2_5-.Ltmp1, $4  }
0x83: {  	_ = 	snop  }
0x84: {  	[tilespmem:s14+$0x0] =	vst v2  }
0x85: {  	[tilespmem:s14+$0x10] =	vst v3  }
0x86: {  	v2 =	vld [tilespmem:s10+$0x10]  }
0x87: {  	_ =	sdelay $0x3  }
0x88: {  	v3 =	vunpack.i.l.bf16.f32 v2  }
0x89: {  	v2 =	vunpack.i.u.bf16.f32 v2;
	v3 =	vmul.f32 v3, v1  }
0x8a: {  	v1 =	vmul.f32 v2, v1  }
0x8b: {  	[tilespmem:s17+$0x20] =	vst v3  }
0x8c: {  	s10 =	simm.s32 $0x0;
	[tilespmem:s17+$0x30] =	vst v1  }
0x8d: {  	[spmem:s2] =	stream.indirect.scatter.add.f32 [tilespmem:s29], [sflag:$0x5], $0x80, s0, s31, $0xb8;
	[tilespmem:$0x1D800] =	vst v63  }
0x8e: {  	s19 =	simm.s32 $0x14100;
	v1 =	vmov s10  }
0x8f: {  	v1 =	vand.u32 $0x7F, v1;
	[tilespmem:s9], [sflag:$0x1] =	stream.indirect.gather [hbm4b:s5+s31], $0x40, s19, s31, $0xb8;
	[tilespmem:$0x1D800] =	vst v63  }
0x90: {  	v1 =	vor.u32 $0x80, v1;
	_ =	swait.ge [sflag:s15], $0x4000  }
0x91: {  	v1 =	vbroadcast v1, $0x0;
	[sflag:s15] =	ssyncset.done $0x0  }
0x92: {  	[sflag:s15] =	ssyncadd.s32 $0xFFFFC000  }
0x93: {  	_ =	swait.ge [sflag:s16], $0x2000  }
0x94: {  	[sflag:s16] =	ssyncset.done $0x0  }
0x95: {  	s14 =	simm.s32 $0x17820;
	[sflag:s16] =	ssyncadd.s32 $0xFFFFE000  }
0x96: {  	v2 =	vld [tilespmem:s14+$0xFFFFFFE0]  }
0x97: {  	v1 =	vld.idx.msk [tilespmem:v1+s4+$0x0], $0xffff;
	_ =	sdelay $0x3  }
0x98: {  	v3 =	vunpack.i.l.bf16.f32 v2  }
0x99: {  	v2 =	vunpack.i.u.bf16.f32 v2;
	v3 =	vmul.f32 v3, v1  }
0x9a: {  	s10 =	simm.s32 $0x19840;
	v2 =	vmul.f32 v2, v1  }
0x9b: {  	[tilespmem:s10+$0xFFFFFFC0] =	vst v3  }
0x9c: {  	[tilespmem:s10+$0xFFFFFFD0] =	vst v2  }
0x9d: {  	v2 =	vld [tilespmem:s14+$0xFFFFFFF0];
	_ =	sdelay $0x4  }
0x9e: {  	v3 =	vunpack.i.l.bf16.f32 v2  }
0x9f: {  	v2 =	vunpack.i.u.bf16.f32 v2;
	v3 =	vmul.f32 v3, v1  }
0xa0: {  	v2 =	vmul.f32 v2, v1  }
0xa1: {  	[tilespmem:s10+$0xFFFFFFE0] =	vst v3  }
0xa2: {  	[tilespmem:s10+$0xFFFFFFF0] =	vst v2  }
0xa3: {  	v2 =	vld [tilespmem:s14+$0x0];
	_ =	sdelay $0x4  }
0xa4: {  	v3 =	vunpack.i.l.bf16.f32 v2  }
0xa5: {  	v2 =	vunpack.i.u.bf16.f32 v2;
	v3 =	vmul.f32 v3, v1  }
0xa6: {  	v2 =	vmul.f32 v2, v1  }
0xa7: {  	[tilespmem:s10+$0x0] =	vst v3  }
0xa8: {  	[tilespmem:s10+$0x10] =	vst v2  }
0xa9: {  	s20 =	simm.s32 $0x1;
	v2 =	vld [tilespmem:s14+$0x10]  }
0xaa: {  	v3 =	vmov s20  }
0xab: {  	v3 =	vand.u32 $0x7F, v3  }
0xac: {  	s18 =	simm.s32 $0x2;
	s17 =	simm.s32 $0x19840;
	v3 =	vor.u32 $0x80, v3  }
.LBB2_7:
0xad: {  	s10 =	sadd.s32 $0x80, s10  }
0xae: {  	v3 =	vbroadcast v3, $0x0;
	v4 =	vunpack.i.u.bf16.f32 v2;
	v2 =	vunpack.i.l.bf16.f32 v2;
	s14 =	sadd.s32 $0x40, s14;
	s19 =	smov.u32 s18;
	s20 =	sadd.s32 $0x1, s18  }
0xaf: {  	p0 =	sne.s32 s18, $0x7F;
	v2 =	vmul.f32 v2, v1;
	v1 =	vmul.f32 v4, v1;
	_ =	sdelay $0x1  }
0xb0: {  	[tilespmem:s17+$0x20] =	vst v2  }
0xb1: {  	[tilespmem:s17+$0x30] =	vst v1;
	s17 =	smov.u32 s10  }
0xb2: {  	v2 =	vld [tilespmem:s14+$0xFFFFFFE0]  }
0xb3: {  	v1 =	vld.idx.msk [tilespmem:v3+s4+$0x0], $0xffff;
	_ =	sdelay $0x4  }
0xb4: {  	v3 =	vunpack.i.u.bf16.f32 v2;
	v2 =	vunpack.i.l.bf16.f32 v2  }
0xb5: {  	v2 =	vmul.f32 v2, v1;
	v3 =	vmul.f32 v3, v1;
	_ =	sdelay $0x1  }
0xb6: {  	[tilespmem:s10+$0xFFFFFFC0] =	vst v2  }
0xb7: {  	[tilespmem:s10+$0xFFFFFFD0] =	vst v3  }
0xb8: {  	v2 =	vld [tilespmem:s14+$0xFFFFFFF0];
	_ =	sdelay $0x4  }
0xb9: {  	v3 =	vunpack.i.u.bf16.f32 v2;
	v2 =	vunpack.i.l.bf16.f32 v2  }
0xba: {  	v2 =	vmul.f32 v2, v1;
	v3 =	vmul.f32 v3, v1;
	_ =	sdelay $0x1  }
0xbb: {  	[tilespmem:s10+$0xFFFFFFE0] =	vst v2  }
0xbc: {  	[tilespmem:s10+$0xFFFFFFF0] =	vst v3  }
0xbd: {  	v2 =	vld [tilespmem:s14+$0x0];
	_ =	sdelay $0x4  }
0xbe: {  	v3 =	vunpack.i.u.bf16.f32 v2;
	v2 =	vunpack.i.l.bf16.f32 v2  }
0xbf: {  	v2 =	vmul.f32 v2, v1;
	v3 =	vmul.f32 v3, v1;
	_ =	sdelay $0x1  }
0xc0: {  	[tilespmem:s10+$0x0] =	vst v2  }
0xc1: {  	[tilespmem:s10+$0x10] =	vst v3  }
.Ltmp2:
0xc2: {  	v2 =	vld [tilespmem:s14+$0x10];
	(pc) =	sbr.rel @p0 .LBB2_7-.Ltmp2, $4  }
0xc3: {  	_ = 	snop  }
0xc4: {  	v3 =	vmov s19  }
0xc5: {  	v3 =	vand.u32 $0x7F, v3  }
0xc6: {  	s18 =	smov.u32 s20;
	v3 =	vor.u32 $0x80, v3  }
0xc7: {  	v3 =	vbroadcast v3, $0x0;
	v4 =	vunpack.i.l.bf16.f32 v2  }
0xc8: {  	v2 =	vunpack.i.u.bf16.f32 v2;
	v4 =	vmul.f32 v4, v1  }
0xc9: {  	v1 =	vmul.f32 v2, v1  }
0xca: {  	[tilespmem:s17+$0x20] =	vst v4  }
0xcb: {  	s14 =	sadd.s32 $0x40, s14;
	[tilespmem:s17+$0x30] =	vst v1  }
0xcc: {  	v1 =	vld [tilespmem:s14+$0xFFFFFFE0]  }
0xcd: {  	v2 =	vld.idx.msk [tilespmem:v3+s4+$0x0], $0xffff;
	_ =	sdelay $0x3  }
0xce: {  	v3 =	vunpack.i.l.bf16.f32 v1  }
0xcf: {  	v1 =	vunpack.i.u.bf16.f32 v1;
	v3 =	vmul.f32 v3, v2  }
0xd0: {  	s10 =	sadd.s32 $0x80, s10;
	v1 =	vmul.f32 v1, v2  }
0xd1: {  	[tilespmem:s10+$0xFFFFFFC0] =	vst v3  }
0xd2: {  	[tilespmem:s10+$0xFFFFFFD0] =	vst v1  }
0xd3: {  	v1 =	vld [tilespmem:s14+$0xFFFFFFF0];
	_ =	sdelay $0x4  }
0xd4: {  	v3 =	vunpack.i.l.bf16.f32 v1  }
0xd5: {  	v1 =	vunpack.i.u.bf16.f32 v1;
	v3 =	vmul.f32 v3, v2  }
0xd6: {  	v1 =	vmul.f32 v1, v2  }
0xd7: {  	[tilespmem:s10+$0xFFFFFFE0] =	vst v3  }
0xd8: {  	[tilespmem:s10+$0xFFFFFFF0] =	vst v1  }
0xd9: {  	v1 =	vld [tilespmem:s14+$0x0];
	_ =	sdelay $0x4  }
0xda: {  	v3 =	vunpack.i.l.bf16.f32 v1  }
0xdb: {  	v1 =	vunpack.i.u.bf16.f32 v1;
	v3 =	vmul.f32 v3, v2  }
0xdc: {  	v1 =	vmul.f32 v1, v2  }
0xdd: {  	[tilespmem:s10+$0x0] =	vst v3  }
0xde: {  	[tilespmem:s10+$0x10] =	vst v1  }
0xdf: {  	v1 =	vld [tilespmem:s14+$0x10];
	_ =	sdelay $0x4  }
0xe0: {  	v3 =	vunpack.i.l.bf16.f32 v1  }
0xe1: {  	v1 =	vunpack.i.u.bf16.f32 v1;
	v3 =	vmul.f32 v3, v2  }
0xe2: {  	v1 =	vmul.f32 v1, v2  }
0xe3: {  	[tilespmem:s10+$0x20] =	vst v3  }
0xe4: {  	s18 =	simm.s32 $0x0;
	s17 =	simm.s32 $0x14880;
	[tilespmem:s10+$0x30] =	vst v1  }
0xe5: {  	[spmem:s2] =	stream.indirect.scatter.add.f32 [tilespmem:s29], [sflag:$0x5], $0x80, s17, s31, $0xb8;
	[tilespmem:$0x1D800] =	vst v63  }
0xe6: {  	s19 =	simm.s32 $0x14180;
	v1 =	vmov s18  }
0xe7: {  	v1 =	vand.u32 $0x7F, v1;
	[tilespmem:s11], [sflag:$0x2] =	stream.indirect.gather [hbm4b:s5+s31], $0x40, s19, s31, $0xb8;
	[tilespmem:$0x1D800] =	vst v63  }
0xe8: {  	v1 =	vor.u32 $0x100, v1;
	_ =	swait.ge [sflag:s15], $0x4000  }
0xe9: {  	v1 =	vbroadcast v1, $0x0;
	[sflag:s15] =	ssyncset.done $0x0  }
0xea: {  	[sflag:s15] =	ssyncadd.s32 $0xFFFFC000  }
0xeb: {  	_ =	swait.ge [sflag:s13], $0x2000  }
0xec: {  	[sflag:s13] =	ssyncset.done $0x0  }
0xed: {  	s14 =	simm.s32 $0x15820;
	[sflag:s13] =	ssyncadd.s32 $0xFFFFE000  }
0xee: {  	v2 =	vld [tilespmem:s14+$0xFFFFFFE0]  }
0xef: {  	v1 =	vld.idx.msk [tilespmem:v1+s4+$0x0], $0xffff;
	_ =	sdelay $0x3  }
0xf0: {  	v3 =	vunpack.i.l.bf16.f32 v2  }
0xf1: {  	v2 =	vunpack.i.u.bf16.f32 v2;
	v3 =	vmul.f32 v3, v1  }
0xf2: {  	s10 =	simm.s32 $0x19840;
	v2 =	vmul.f32 v2, v1  }
0xf3: {  	[tilespmem:s10+$0xFFFFFFC0] =	vst v3  }
0xf4: {  	[tilespmem:s10+$0xFFFFFFD0] =	vst v2  }
0xf5: {  	v2 =	vld [tilespmem:s14+$0xFFFFFFF0];
	_ =	sdelay $0x4  }
0xf6: {  	v3 =	vunpack.i.l.bf16.f32 v2  }
0xf7: {  	v2 =	vunpack.i.u.bf16.f32 v2;
	v3 =	vmul.f32 v3, v1  }
0xf8: {  	v2 =	vmul.f32 v2, v1  }
0xf9: {  	[tilespmem:s10+$0xFFFFFFE0] =	vst v3  }
0xfa: {  	[tilespmem:s10+$0xFFFFFFF0] =	vst v2  }
0xfb: {  	v2 =	vld [tilespmem:s14+$0x0];
	_ =	sdelay $0x4  }
0xfc: {  	v3 =	vunpack.i.l.bf16.f32 v2  }
0xfd: {  	v2 =	vunpack.i.u.bf16.f32 v2;
	v3 =	vmul.f32 v3, v1  }
0xfe: {  	v2 =	vmul.f32 v2, v1  }
0xff: {  	[tilespmem:s10+$0x0] =	vst v3  }
0x100: {  	[tilespmem:s10+$0x10] =	vst v2  }
0x101: {  	s20 =	simm.s32 $0x1;
	v2 =	vld [tilespmem:s14+$0x10]  }
0x102: {  	v3 =	vmov s20  }
0x103: {  	v3 =	vand.u32 $0x7F, v3  }
0x104: {  	s17 =	simm.s32 $0x19840;
	s20 =	simm.s32 $0x2;
	v3 =	vor.u32 $0x100, v3  }
.LBB2_9:
0x105: {  	s10 =	sadd.s32 $0x80, s10  }
0x106: {  	v3 =	vbroadcast v3, $0x0;
	v4 =	vunpack.i.u.bf16.f32 v2;
	v2 =	vunpack.i.l.bf16.f32 v2;
	s14 =	sadd.s32 $0x40, s14;
	s19 =	smov.u32 s20;
	s18 =	sadd.s32 $0x1, s20  }
0x107: {  	p0 =	sne.s32 s20, $0x7F;
	v2 =	vmul.f32 v2, v1;
	v1 =	vmul.f32 v4, v1;
	_ =	sdelay $0x1  }
0x108: {  	[tilespmem:s17+$0x20] =	vst v2  }
0x109: {  	[tilespmem:s17+$0x30] =	vst v1;
	s17 =	smov.u32 s10  }
0x10a: {  	v2 =	vld [tilespmem:s14+$0xFFFFFFE0]  }
0x10b: {  	v1 =	vld.idx.msk [tilespmem:v3+s4+$0x0], $0xffff;
	_ =	sdelay $0x4  }
0x10c: {  	v3 =	vunpack.i.u.bf16.f32 v2;
	v2 =	vunpack.i.l.bf16.f32 v2  }
0x10d: {  	v2 =	vmul.f32 v2, v1;
	v3 =	vmul.f32 v3, v1;
	_ =	sdelay $0x1  }
0x10e: {  	[tilespmem:s10+$0xFFFFFFC0] =	vst v2  }
0x10f: {  	[tilespmem:s10+$0xFFFFFFD0] =	vst v3  }
0x110: {  	v2 =	vld [tilespmem:s14+$0xFFFFFFF0];
	_ =	sdelay $0x4  }
0x111: {  	v3 =	vunpack.i.u.bf16.f32 v2;
	v2 =	vunpack.i.l.bf16.f32 v2  }
0x112: {  	v2 =	vmul.f32 v2, v1;
	v3 =	vmul.f32 v3, v1;
	_ =	sdelay $0x1  }
0x113: {  	[tilespmem:s10+$0xFFFFFFE0] =	vst v2  }
0x114: {  	[tilespmem:s10+$0xFFFFFFF0] =	vst v3  }
0x115: {  	v2 =	vld [tilespmem:s14+$0x0];
	_ =	sdelay $0x4  }
0x116: {  	v3 =	vunpack.i.u.bf16.f32 v2;
	v2 =	vunpack.i.l.bf16.f32 v2  }
0x117: {  	v2 =	vmul.f32 v2, v1;
	v3 =	vmul.f32 v3, v1;
	_ =	sdelay $0x1  }
0x118: {  	[tilespmem:s10+$0x0] =	vst v2  }
0x119: {  	[tilespmem:s10+$0x10] =	vst v3  }
.Ltmp3:
0x11a: {  	v2 =	vld [tilespmem:s14+$0x10];
	(pc) =	sbr.rel @p0 .LBB2_9-.Ltmp3, $4  }
0x11b: {  	_ = 	snop  }
0x11c: {  	v3 =	vmov s19  }
0x11d: {  	v3 =	vand.u32 $0x7F, v3  }
0x11e: {  	s20 =	smov.u32 s18;
	v3 =	vor.u32 $0x100, v3  }
0x11f: {  	v3 =	vbroadcast v3, $0x0;
	v4 =	vunpack.i.l.bf16.f32 v2  }
0x120: {  	v2 =	vunpack.i.u.bf16.f32 v2;
	v4 =	vmul.f32 v4, v1  }
0x121: {  	v1 =	vmul.f32 v2, v1  }
0x122: {  	[tilespmem:s17+$0x20] =	vst v4  }
0x123: {  	s14 =	sadd.s32 $0x40, s14;
	[tilespmem:s17+$0x30] =	vst v1  }
0x124: {  	v1 =	vld [tilespmem:s14+$0xFFFFFFE0]  }
0x125: {  	v2 =	vld.idx.msk [tilespmem:v3+s4+$0x0], $0xffff;
	_ =	sdelay $0x3  }
0x126: {  	v3 =	vunpack.i.l.bf16.f32 v1  }
0x127: {  	v1 =	vunpack.i.u.bf16.f32 v1;
	v3 =	vmul.f32 v3, v2  }
0x128: {  	s10 =	sadd.s32 $0x80, s10;
	v1 =	vmul.f32 v1, v2  }
0x129: {  	[tilespmem:s10+$0xFFFFFFC0] =	vst v3  }
0x12a: {  	[tilespmem:s10+$0xFFFFFFD0] =	vst v1  }
0x12b: {  	v1 =	vld [tilespmem:s14+$0xFFFFFFF0];
	_ =	sdelay $0x4  }
0x12c: {  	v3 =	vunpack.i.l.bf16.f32 v1  }
0x12d: {  	v1 =	vunpack.i.u.bf16.f32 v1;
	v3 =	vmul.f32 v3, v2  }
0x12e: {  	v1 =	vmul.f32 v1, v2  }
0x12f: {  	[tilespmem:s10+$0xFFFFFFE0] =	vst v3  }
0x130: {  	[tilespmem:s10+$0xFFFFFFF0] =	vst v1  }
0x131: {  	v1 =	vld [tilespmem:s14+$0x0];
	_ =	sdelay $0x4  }
0x132: {  	v3 =	vunpack.i.l.bf16.f32 v1  }
0x133: {  	v1 =	vunpack.i.u.bf16.f32 v1;
	v3 =	vmul.f32 v3, v2  }
0x134: {  	v1 =	vmul.f32 v1, v2  }
0x135: {  	[tilespmem:s10+$0x0] =	vst v3  }
0x136: {  	[tilespmem:s10+$0x10] =	vst v1  }
0x137: {  	v1 =	vld [tilespmem:s14+$0x10];
	_ =	sdelay $0x4  }
0x138: {  	v3 =	vunpack.i.l.bf16.f32 v1  }
0x139: {  	v1 =	vunpack.i.u.bf16.f32 v1;
	v3 =	vmul.f32 v3, v2  }
0x13a: {  	v1 =	vmul.f32 v1, v2  }
0x13b: {  	[tilespmem:s10+$0x20] =	vst v3  }
0x13c: {  	s18 =	simm.s32 $0x0;
	s17 =	simm.s32 $0x14900;
	[tilespmem:s10+$0x30] =	vst v1  }
0x13d: {  	[spmem:s2] =	stream.indirect.scatter.add.f32 [tilespmem:s29], [sflag:$0x5], $0x80, s17, s31, $0xb8;
	[tilespmem:$0x1D800] =	vst v63  }
0x13e: {  	s19 =	simm.s32 $0x14200;
	v1 =	vmov s18  }
0x13f: {  	v1 =	vand.u32 $0x7F, v1;
	[tilespmem:s9], [sflag:$0x1] =	stream.indirect.gather [hbm4b:s5+s31], $0x40, s19, s31, $0xb8;
	[tilespmem:$0x1D800] =	vst v63  }
0x140: {  	v1 =	vor.u32 $0x180, v1;
	_ =	swait.ge [sflag:s15], $0x4000  }
0x141: {  	v1 =	vbroadcast v1, $0x0;
	[sflag:s15] =	ssyncset.done $0x0  }
0x142: {  	[sflag:s15] =	ssyncadd.s32 $0xFFFFC000  }
0x143: {  	_ =	swait.ge [sflag:s16], $0x2000  }
0x144: {  	[sflag:s16] =	ssyncset.done $0x0  }
0x145: {  	s14 =	simm.s32 $0x17820;
	[sflag:s16] =	ssyncadd.s32 $0xFFFFE000  }
0x146: {  	v2 =	vld [tilespmem:s14+$0xFFFFFFE0]  }
0x147: {  	v1 =	vld.idx.msk [tilespmem:v1+s4+$0x0], $0xffff;
	_ =	sdelay $0x3  }
0x148: {  	v3 =	vunpack.i.l.bf16.f32 v2  }
0x149: {  	v2 =	vunpack.i.u.bf16.f32 v2;
	v3 =	vmul.f32 v3, v1  }
0x14a: {  	s10 =	simm.s32 $0x19840;
	v2 =	vmul.f32 v2, v1  }
0x14b: {  	[tilespmem:s10+$0xFFFFFFC0] =	vst v3  }
0x14c: {  	[tilespmem:s10+$0xFFFFFFD0] =	vst v2  }
0x14d: {  	v2 =	vld [tilespmem:s14+$0xFFFFFFF0];
	_ =	sdelay $0x4  }
0x14e: {  	v3 =	vunpack.i.l.bf16.f32 v2  }
0x14f: {  	v2 =	vunpack.i.u.bf16.f32 v2;
	v3 =	vmul.f32 v3, v1  }
0x150: {  	v2 =	vmul.f32 v2, v1  }
0x151: {  	[tilespmem:s10+$0xFFFFFFE0] =	vst v3  }
0x152: {  	[tilespmem:s10+$0xFFFFFFF0] =	vst v2  }
0x153: {  	v2 =	vld [tilespmem:s14+$0x0];
	_ =	sdelay $0x4  }
0x154: {  	v3 =	vunpack.i.l.bf16.f32 v2  }
0x155: {  	v2 =	vunpack.i.u.bf16.f32 v2;
	v3 =	vmul.f32 v3, v1  }
0x156: {  	v2 =	vmul.f32 v2, v1  }
0x157: {  	[tilespmem:s10+$0x0] =	vst v3  }
0x158: {  	[tilespmem:s10+$0x10] =	vst v2  }
0x159: {  	s20 =	simm.s32 $0x1;
	v2 =	vld [tilespmem:s14+$0x10]  }
0x15a: {  	v3 =	vmov s20  }
0x15b: {  	v3 =	vand.u32 $0x7F, v3  }
0x15c: {  	s17 =	simm.s32 $0x19840;
	s20 =	simm.s32 $0x2;
	v3 =	vor.u32 $0x180, v3  }
.LBB2_11:
0x15d: {  	s10 =	sadd.s32 $0x80, s10  }
0x15e: {  	v3 =	vbroadcast v3, $0x0;
	v4 =	vunpack.i.u.bf16.f32 v2;
	v2 =	vunpack.i.l.bf16.f32 v2;
	s14 =	sadd.s32 $0x40, s14;
	s19 =	smov.u32 s20;
	s18 =	sadd.s32 $0x1, s20  }
0x15f: {  	p0 =	sne.s32 s20, $0x7F;
	v2 =	vmul.f32 v2, v1;
	v1 =	vmul.f32 v4, v1;
	_ =	sdelay $0x1  }
0x160: {  	[tilespmem:s17+$0x20] =	vst v2  }
0x161: {  	[tilespmem:s17+$0x30] =	vst v1;
	s17 =	smov.u32 s10  }
0x162: {  	v2 =	vld [tilespmem:s14+$0xFFFFFFE0]  }
0x163: {  	v1 =	vld.idx.msk [tilespmem:v3+s4+$0x0], $0xffff;
	_ =	sdelay $0x4  }
0x164: {  	v3 =	vunpack.i.u.bf16.f32 v2;
	v2 =	vunpack.i.l.bf16.f32 v2  }
0x165: {  	v2 =	vmul.f32 v2, v1;
	v3 =	vmul.f32 v3, v1;
	_ =	sdelay $0x1  }
0x166: {  	[tilespmem:s10+$0xFFFFFFC0] =	vst v2  }
0x167: {  	[tilespmem:s10+$0xFFFFFFD0] =	vst v3  }
0x168: {  	v2 =	vld [tilespmem:s14+$0xFFFFFFF0];
	_ =	sdelay $0x4  }
0x169: {  	v3 =	vunpack.i.u.bf16.f32 v2;
	v2 =	vunpack.i.l.bf16.f32 v2  }
0x16a: {  	v2 =	vmul.f32 v2, v1;
	v3 =	vmul.f32 v3, v1;
	_ =	sdelay $0x1  }
0x16b: {  	[tilespmem:s10+$0xFFFFFFE0] =	vst v2  }
0x16c: {  	[tilespmem:s10+$0xFFFFFFF0] =	vst v3  }
0x16d: {  	v2 =	vld [tilespmem:s14+$0x0];
	_ =	sdelay $0x4  }
0x16e: {  	v3 =	vunpack.i.u.bf16.f32 v2;
	v2 =	vunpack.i.l.bf16.f32 v2  }
0x16f: {  	v2 =	vmul.f32 v2, v1;
	v3 =	vmul.f32 v3, v1;
	_ =	sdelay $0x1  }
0x170: {  	[tilespmem:s10+$0x0] =	vst v2  }
0x171: {  	[tilespmem:s10+$0x10] =	vst v3  }
.Ltmp4:
0x172: {  	v2 =	vld [tilespmem:s14+$0x10];
	(pc) =	sbr.rel @p0 .LBB2_11-.Ltmp4, $4  }
0x173: {  	_ = 	snop  }
0x174: {  	v3 =	vmov s19  }
0x175: {  	v3 =	vand.u32 $0x7F, v3  }
0x176: {  	s20 =	smov.u32 s18;
	v3 =	vor.u32 $0x180, v3  }
0x177: {  	v3 =	vbroadcast v3, $0x0;
	v4 =	vunpack.i.l.bf16.f32 v2  }
0x178: {  	v2 =	vunpack.i.u.bf16.f32 v2;
	v4 =	vmul.f32 v4, v1  }
0x179: {  	v1 =	vmul.f32 v2, v1  }
0x17a: {  	[tilespmem:s17+$0x20] =	vst v4  }
0x17b: {  	s14 =	sadd.s32 $0x40, s14;
	[tilespmem:s17+$0x30] =	vst v1  }
0x17c: {  	v1 =	vld [tilespmem:s14+$0xFFFFFFE0]  }
0x17d: {  	v2 =	vld.idx.msk [tilespmem:v3+s4+$0x0], $0xffff;
	_ =	sdelay $0x3  }
0x17e: {  	v3 =	vunpack.i.l.bf16.f32 v1  }
0x17f: {  	v1 =	vunpack.i.u.bf16.f32 v1;
	v3 =	vmul.f32 v3, v2  }
0x180: {  	s10 =	sadd.s32 $0x80, s10;
	v1 =	vmul.f32 v1, v2  }
0x181: {  	[tilespmem:s10+$0xFFFFFFC0] =	vst v3  }
0x182: {  	[tilespmem:s10+$0xFFFFFFD0] =	vst v1  }
0x183: {  	v1 =	vld [tilespmem:s14+$0xFFFFFFF0];
	_ =	sdelay $0x4  }
0x184: {  	v3 =	vunpack.i.l.bf16.f32 v1  }
0x185: {  	v1 =	vunpack.i.u.bf16.f32 v1;
	v3 =	vmul.f32 v3, v2  }
0x186: {  	v1 =	vmul.f32 v1, v2  }
0x187: {  	[tilespmem:s10+$0xFFFFFFE0] =	vst v3  }
0x188: {  	[tilespmem:s10+$0xFFFFFFF0] =	vst v1  }
0x189: {  	v1 =	vld [tilespmem:s14+$0x0];
	_ =	sdelay $0x4  }
0x18a: {  	v3 =	vunpack.i.l.bf16.f32 v1  }
0x18b: {  	v1 =	vunpack.i.u.bf16.f32 v1;
	v3 =	vmul.f32 v3, v2  }
0x18c: {  	v1 =	vmul.f32 v1, v2  }
0x18d: {  	[tilespmem:s10+$0x0] =	vst v3  }
0x18e: {  	[tilespmem:s10+$0x10] =	vst v1  }
0x18f: {  	v1 =	vld [tilespmem:s14+$0x10];
	_ =	sdelay $0x4  }
0x190: {  	v3 =	vunpack.i.l.bf16.f32 v1  }
0x191: {  	v1 =	vunpack.i.u.bf16.f32 v1;
	v3 =	vmul.f32 v3, v2  }
0x192: {  	v1 =	vmul.f32 v1, v2  }
0x193: {  	[tilespmem:s10+$0x20] =	vst v3  }
0x194: {  	s18 =	simm.s32 $0x0;
	s17 =	simm.s32 $0x14980;
	[tilespmem:s10+$0x30] =	vst v1  }
0x195: {  	[spmem:s2] =	stream.indirect.scatter.add.f32 [tilespmem:s29], [sflag:$0x5], $0x80, s17, s31, $0xb8;
	[tilespmem:$0x1D800] =	vst v63  }
0x196: {  	s19 =	simm.s32 $0x14280;
	v1 =	vmov s18  }
0x197: {  	v1 =	vand.u32 $0x7F, v1;
	[tilespmem:s11], [sflag:$0x2] =	stream.indirect.gather [hbm4b:s5+s31], $0x40, s19, s31, $0xb8;
	[tilespmem:$0x1D800] =	vst v63  }
0x198: {  	v1 =	vor.u32 $0x200, v1;
	_ =	swait.ge [sflag:s15], $0x4000  }
0x199: {  	v1 =	vbroadcast v1, $0x0;
	[sflag:s15] =	ssyncset.done $0x0  }
0x19a: {  	[sflag:s15] =	ssyncadd.s32 $0xFFFFC000  }
0x19b: {  	_ =	swait.ge [sflag:s13], $0x2000  }
0x19c: {  	[sflag:s13] =	ssyncset.done $0x0  }
0x19d: {  	s14 =	simm.s32 $0x15820;
	[sflag:s13] =	ssyncadd.s32 $0xFFFFE000  }
0x19e: {  	v2 =	vld [tilespmem:s14+$0xFFFFFFE0]  }
0x19f: {  	v1 =	vld.idx.msk [tilespmem:v1+s4+$0x0], $0xffff;
	_ =	sdelay $0x3  }
0x1a0: {  	v3 =	vunpack.i.l.bf16.f32 v2  }
0x1a1: {  	v2 =	vunpack.i.u.bf16.f32 v2;
	v3 =	vmul.f32 v3, v1  }
0x1a2: {  	s10 =	simm.s32 $0x19840;
	v2 =	vmul.f32 v2, v1  }
0x1a3: {  	[tilespmem:s10+$0xFFFFFFC0] =	vst v3  }
0x1a4: {  	[tilespmem:s10+$0xFFFFFFD0] =	vst v2  }
0x1a5: {  	v2 =	vld [tilespmem:s14+$0xFFFFFFF0];
	_ =	sdelay $0x4  }
0x1a6: {  	v3 =	vunpack.i.l.bf16.f32 v2  }
0x1a7: {  	v2 =	vunpack.i.u.bf16.f32 v2;
	v3 =	vmul.f32 v3, v1  }
0x1a8: {  	v2 =	vmul.f32 v2, v1  }
0x1a9: {  	[tilespmem:s10+$0xFFFFFFE0] =	vst v3  }
0x1aa: {  	[tilespmem:s10+$0xFFFFFFF0] =	vst v2  }
0x1ab: {  	v2 =	vld [tilespmem:s14+$0x0];
	_ =	sdelay $0x4  }
0x1ac: {  	v3 =	vunpack.i.l.bf16.f32 v2  }
0x1ad: {  	v2 =	vunpack.i.u.bf16.f32 v2;
	v3 =	vmul.f32 v3, v1  }
0x1ae: {  	v2 =	vmul.f32 v2, v1  }
0x1af: {  	[tilespmem:s10+$0x0] =	vst v3  }
0x1b0: {  	[tilespmem:s10+$0x10] =	vst v2  }
0x1b1: {  	s20 =	simm.s32 $0x1;
	v2 =	vld [tilespmem:s14+$0x10]  }
0x1b2: {  	v3 =	vmov s20  }
0x1b3: {  	v3 =	vand.u32 $0x7F, v3  }
0x1b4: {  	s17 =	simm.s32 $0x19840;
	s20 =	simm.s32 $0x2;
	v3 =	vor.u32 $0x200, v3  }
.LBB2_13:
0x1b5: {  	s10 =	sadd.s32 $0x80, s10  }
0x1b6: {  	v3 =	vbroadcast v3, $0x0;
	v4 =	vunpack.i.u.bf16.f32 v2;
	v2 =	vunpack.i.l.bf16.f32 v2;
	s14 =	sadd.s32 $0x40, s14;
	s19 =	smov.u32 s20;
	s18 =	sadd.s32 $0x1, s20  }
0x1b7: {  	p0 =	sne.s32 s20, $0x7F;
	v2 =	vmul.f32 v2, v1;
	v1 =	vmul.f32 v4, v1;
	_ =	sdelay $0x1  }
0x1b8: {  	[tilespmem:s17+$0x20] =	vst v2  }
0x1b9: {  	[tilespmem:s17+$0x30] =	vst v1;
	s17 =	smov.u32 s10  }
0x1ba: {  	v2 =	vld [tilespmem:s14+$0xFFFFFFE0]  }
0x1bb: {  	v1 =	vld.idx.msk [tilespmem:v3+s4+$0x0], $0xffff;
	_ =	sdelay $0x4  }
0x1bc: {  	v3 =	vunpack.i.u.bf16.f32 v2;
	v2 =	vunpack.i.l.bf16.f32 v2  }
0x1bd: {  	v2 =	vmul.f32 v2, v1;
	v3 =	vmul.f32 v3, v1;
	_ =	sdelay $0x1  }
0x1be: {  	[tilespmem:s10+$0xFFFFFFC0] =	vst v2  }
0x1bf: {  	[tilespmem:s10+$0xFFFFFFD0] =	vst v3  }
0x1c0: {  	v2 =	vld [tilespmem:s14+$0xFFFFFFF0];
	_ =	sdelay $0x4  }
0x1c1: {  	v3 =	vunpack.i.u.bf16.f32 v2;
	v2 =	vunpack.i.l.bf16.f32 v2  }
0x1c2: {  	v2 =	vmul.f32 v2, v1;
	v3 =	vmul.f32 v3, v1;
	_ =	sdelay $0x1  }
0x1c3: {  	[tilespmem:s10+$0xFFFFFFE0] =	vst v2  }
0x1c4: {  	[tilespmem:s10+$0xFFFFFFF0] =	vst v3  }
0x1c5: {  	v2 =	vld [tilespmem:s14+$0x0];
	_ =	sdelay $0x4  }
0x1c6: {  	v3 =	vunpack.i.u.bf16.f32 v2;
	v2 =	vunpack.i.l.bf16.f32 v2  }
0x1c7: {  	v2 =	vmul.f32 v2, v1;
	v3 =	vmul.f32 v3, v1;
	_ =	sdelay $0x1  }
0x1c8: {  	[tilespmem:s10+$0x0] =	vst v2  }
0x1c9: {  	[tilespmem:s10+$0x10] =	vst v3  }
.Ltmp5:
0x1ca: {  	v2 =	vld [tilespmem:s14+$0x10];
	(pc) =	sbr.rel @p0 .LBB2_13-.Ltmp5, $4  }
0x1cb: {  	_ = 	snop  }
0x1cc: {  	v3 =	vmov s19  }
0x1cd: {  	v3 =	vand.u32 $0x7F, v3  }
0x1ce: {  	s20 =	smov.u32 s18;
	v3 =	vor.u32 $0x200, v3  }
0x1cf: {  	v3 =	vbroadcast v3, $0x0;
	v4 =	vunpack.i.l.bf16.f32 v2  }
0x1d0: {  	v2 =	vunpack.i.u.bf16.f32 v2;
	v4 =	vmul.f32 v4, v1  }
0x1d1: {  	v1 =	vmul.f32 v2, v1  }
0x1d2: {  	[tilespmem:s17+$0x20] =	vst v4  }
0x1d3: {  	s14 =	sadd.s32 $0x40, s14;
	[tilespmem:s17+$0x30] =	vst v1  }
0x1d4: {  	v1 =	vld [tilespmem:s14+$0xFFFFFFE0]  }
0x1d5: {  	v2 =	vld.idx.msk [tilespmem:v3+s4+$0x0], $0xffff;
	_ =	sdelay $0x3  }
0x1d6: {  	v3 =	vunpack.i.l.bf16.f32 v1  }
0x1d7: {  	v1 =	vunpack.i.u.bf16.f32 v1;
	v3 =	vmul.f32 v3, v2  }
0x1d8: {  	s10 =	sadd.s32 $0x80, s10;
	v1 =	vmul.f32 v1, v2  }
0x1d9: {  	[tilespmem:s10+$0xFFFFFFC0] =	vst v3  }
0x1da: {  	[tilespmem:s10+$0xFFFFFFD0] =	vst v1  }
0x1db: {  	v1 =	vld [tilespmem:s14+$0xFFFFFFF0];
	_ =	sdelay $0x4  }
0x1dc: {  	v3 =	vunpack.i.l.bf16.f32 v1  }
0x1dd: {  	v1 =	vunpack.i.u.bf16.f32 v1;
	v3 =	vmul.f32 v3, v2  }
0x1de: {  	v1 =	vmul.f32 v1, v2  }
0x1df: {  	[tilespmem:s10+$0xFFFFFFE0] =	vst v3  }
0x1e0: {  	[tilespmem:s10+$0xFFFFFFF0] =	vst v1  }
0x1e1: {  	v1 =	vld [tilespmem:s14+$0x0];
	_ =	sdelay $0x4  }
0x1e2: {  	v3 =	vunpack.i.l.bf16.f32 v1  }
0x1e3: {  	v1 =	vunpack.i.u.bf16.f32 v1;
	v3 =	vmul.f32 v3, v2  }
0x1e4: {  	v1 =	vmul.f32 v1, v2  }
0x1e5: {  	[tilespmem:s10+$0x0] =	vst v3  }
0x1e6: {  	[tilespmem:s10+$0x10] =	vst v1  }
0x1e7: {  	v1 =	vld [tilespmem:s14+$0x10];
	_ =	sdelay $0x4  }
0x1e8: {  	v3 =	vunpack.i.l.bf16.f32 v1  }
0x1e9: {  	v1 =	vunpack.i.u.bf16.f32 v1;
	v3 =	vmul.f32 v3, v2  }
0x1ea: {  	v1 =	vmul.f32 v1, v2  }
0x1eb: {  	[tilespmem:s10+$0x20] =	vst v3  }
0x1ec: {  	s18 =	simm.s32 $0x0;
	s17 =	simm.s32 $0x14A00;
	[tilespmem:s10+$0x30] =	vst v1  }
0x1ed: {  	[spmem:s2] =	stream.indirect.scatter.add.f32 [tilespmem:s29], [sflag:$0x5], $0x80, s17, s31, $0xb8;
	[tilespmem:$0x1D800] =	vst v63  }
0x1ee: {  	s19 =	simm.s32 $0x14300;
	v1 =	vmov s18  }
0x1ef: {  	v1 =	vand.u32 $0x7F, v1;
	[tilespmem:s9], [sflag:$0x1] =	stream.indirect.gather [hbm4b:s5+s31], $0x40, s19, s31, $0xb8;
	[tilespmem:$0x1D800] =	vst v63  }
0x1f0: {  	v1 =	vor.u32 $0x280, v1;
	_ =	swait.ge [sflag:s15], $0x4000  }
0x1f1: {  	v1 =	vbroadcast v1, $0x0;
	[sflag:s15] =	ssyncset.done $0x0  }
0x1f2: {  	[sflag:s15] =	ssyncadd.s32 $0xFFFFC000  }
0x1f3: {  	_ =	swait.ge [sflag:s16], $0x2000  }
0x1f4: {  	[sflag:s16] =	ssyncset.done $0x0  }
0x1f5: {  	s14 =	simm.s32 $0x17820;
	[sflag:s16] =	ssyncadd.s32 $0xFFFFE000  }
0x1f6: {  	v2 =	vld [tilespmem:s14+$0xFFFFFFE0]  }
0x1f7: {  	v1 =	vld.idx.msk [tilespmem:v1+s4+$0x0], $0xffff;
	_ =	sdelay $0x3  }
0x1f8: {  	v3 =	vunpack.i.l.bf16.f32 v2  }
0x1f9: {  	v2 =	vunpack.i.u.bf16.f32 v2;
	v3 =	vmul.f32 v3, v1  }
0x1fa: {  	s10 =	simm.s32 $0x19840;
	v2 =	vmul.f32 v2, v1  }
0x1fb: {  	[tilespmem:s10+$0xFFFFFFC0] =	vst v3  }
0x1fc: {  	[tilespmem:s10+$0xFFFFFFD0] =	vst v2  }
0x1fd: {  	v2 =	vld [tilespmem:s14+$0xFFFFFFF0];
	_ =	sdelay $0x4  }
0x1fe: {  	v3 =	vunpack.i.l.bf16.f32 v2  }
0x1ff: {  	v2 =	vunpack.i.u.bf16.f32 v2;
	v3 =	vmul.f32 v3, v1  }
0x200: {  	v2 =	vmul.f32 v2, v1  }
0x201: {  	[tilespmem:s10+$0xFFFFFFE0] =	vst v3  }
0x202: {  	[tilespmem:s10+$0xFFFFFFF0] =	vst v2  }
0x203: {  	v2 =	vld [tilespmem:s14+$0x0];
	_ =	sdelay $0x4  }
0x204: {  	v3 =	vunpack.i.l.bf16.f32 v2  }
0x205: {  	v2 =	vunpack.i.u.bf16.f32 v2;
	v3 =	vmul.f32 v3, v1  }
0x206: {  	v2 =	vmul.f32 v2, v1  }
0x207: {  	[tilespmem:s10+$0x0] =	vst v3  }
0x208: {  	[tilespmem:s10+$0x10] =	vst v2  }
0x209: {  	s20 =	simm.s32 $0x1;
	v2 =	vld [tilespmem:s14+$0x10]  }
0x20a: {  	v3 =	vmov s20  }
0x20b: {  	v3 =	vand.u32 $0x7F, v3  }
0x20c: {  	s17 =	simm.s32 $0x19840;
	s20 =	simm.s32 $0x2;
	v3 =	vor.u32 $0x280, v3  }
.LBB2_15:
0x20d: {  	s10 =	sadd.s32 $0x80, s10  }
0x20e: {  	v3 =	vbroadcast v3, $0x0;
	v4 =	vunpack.i.u.bf16.f32 v2;
	v2 =	vunpack.i.l.bf16.f32 v2;
	s14 =	sadd.s32 $0x40, s14;
	s19 =	smov.u32 s20;
	s18 =	sadd.s32 $0x1, s20  }
0x20f: {  	p0 =	sne.s32 s20, $0x7F;
	v2 =	vmul.f32 v2, v1;
	v1 =	vmul.f32 v4, v1;
	_ =	sdelay $0x1  }
0x210: {  	[tilespmem:s17+$0x20] =	vst v2  }
0x211: {  	[tilespmem:s17+$0x30] =	vst v1;
	s17 =	smov.u32 s10  }
0x212: {  	v2 =	vld [tilespmem:s14+$0xFFFFFFE0]  }
0x213: {  	v1 =	vld.idx.msk [tilespmem:v3+s4+$0x0], $0xffff;
	_ =	sdelay $0x4  }
0x214: {  	v3 =	vunpack.i.u.bf16.f32 v2;
	v2 =	vunpack.i.l.bf16.f32 v2  }
0x215: {  	v2 =	vmul.f32 v2, v1;
	v3 =	vmul.f32 v3, v1;
	_ =	sdelay $0x1  }
0x216: {  	[tilespmem:s10+$0xFFFFFFC0] =	vst v2  }
0x217: {  	[tilespmem:s10+$0xFFFFFFD0] =	vst v3  }
0x218: {  	v2 =	vld [tilespmem:s14+$0xFFFFFFF0];
	_ =	sdelay $0x4  }
0x219: {  	v3 =	vunpack.i.u.bf16.f32 v2;
	v2 =	vunpack.i.l.bf16.f32 v2  }
0x21a: {  	v2 =	vmul.f32 v2, v1;
	v3 =	vmul.f32 v3, v1;
	_ =	sdelay $0x1  }
0x21b: {  	[tilespmem:s10+$0xFFFFFFE0] =	vst v2  }
0x21c: {  	[tilespmem:s10+$0xFFFFFFF0] =	vst v3  }
0x21d: {  	v2 =	vld [tilespmem:s14+$0x0];
	_ =	sdelay $0x4  }
0x21e: {  	v3 =	vunpack.i.u.bf16.f32 v2;
	v2 =	vunpack.i.l.bf16.f32 v2  }
0x21f: {  	v2 =	vmul.f32 v2, v1;
	v3 =	vmul.f32 v3, v1;
	_ =	sdelay $0x1  }
0x220: {  	[tilespmem:s10+$0x0] =	vst v2  }
0x221: {  	[tilespmem:s10+$0x10] =	vst v3  }
.Ltmp6:
0x222: {  	v2 =	vld [tilespmem:s14+$0x10];
	(pc) =	sbr.rel @p0 .LBB2_15-.Ltmp6, $4  }
0x223: {  	_ = 	snop  }
0x224: {  	v3 =	vmov s19  }
0x225: {  	v3 =	vand.u32 $0x7F, v3  }
0x226: {  	s20 =	smov.u32 s18;
	v3 =	vor.u32 $0x280, v3  }
0x227: {  	v3 =	vbroadcast v3, $0x0;
	v4 =	vunpack.i.l.bf16.f32 v2  }
0x228: {  	v2 =	vunpack.i.u.bf16.f32 v2;
	v4 =	vmul.f32 v4, v1  }
0x229: {  	v1 =	vmul.f32 v2, v1  }
0x22a: {  	[tilespmem:s17+$0x20] =	vst v4  }
0x22b: {  	s14 =	sadd.s32 $0x40, s14;
	[tilespmem:s17+$0x30] =	vst v1  }
0x22c: {  	v1 =	vld [tilespmem:s14+$0xFFFFFFE0]  }
0x22d: {  	v2 =	vld.idx.msk [tilespmem:v3+s4+$0x0], $0xffff;
	_ =	sdelay $0x3  }
0x22e: {  	v3 =	vunpack.i.l.bf16.f32 v1  }
0x22f: {  	v1 =	vunpack.i.u.bf16.f32 v1;
	v3 =	vmul.f32 v3, v2  }
0x230: {  	s10 =	sadd.s32 $0x80, s10;
	v1 =	vmul.f32 v1, v2  }
0x231: {  	[tilespmem:s10+$0xFFFFFFC0] =	vst v3  }
0x232: {  	[tilespmem:s10+$0xFFFFFFD0] =	vst v1  }
0x233: {  	v1 =	vld [tilespmem:s14+$0xFFFFFFF0];
	_ =	sdelay $0x4  }
0x234: {  	v3 =	vunpack.i.l.bf16.f32 v1  }
0x235: {  	v1 =	vunpack.i.u.bf16.f32 v1;
	v3 =	vmul.f32 v3, v2  }
0x236: {  	v1 =	vmul.f32 v1, v2  }
0x237: {  	[tilespmem:s10+$0xFFFFFFE0] =	vst v3  }
0x238: {  	[tilespmem:s10+$0xFFFFFFF0] =	vst v1  }
0x239: {  	v1 =	vld [tilespmem:s14+$0x0];
	_ =	sdelay $0x4  }
0x23a: {  	v3 =	vunpack.i.l.bf16.f32 v1  }
0x23b: {  	v1 =	vunpack.i.u.bf16.f32 v1;
	v3 =	vmul.f32 v3, v2  }
0x23c: {  	v1 =	vmul.f32 v1, v2  }
0x23d: {  	[tilespmem:s10+$0x0] =	vst v3  }
0x23e: {  	[tilespmem:s10+$0x10] =	vst v1  }
0x23f: {  	v1 =	vld [tilespmem:s14+$0x10];
	_ =	sdelay $0x4  }
0x240: {  	v3 =	vunpack.i.l.bf16.f32 v1  }
0x241: {  	v1 =	vunpack.i.u.bf16.f32 v1;
	v3 =	vmul.f32 v3, v2  }
0x242: {  	v1 =	vmul.f32 v1, v2  }
0x243: {  	[tilespmem:s10+$0x20] =	vst v3  }
0x244: {  	s18 =	simm.s32 $0x0;
	s17 =	simm.s32 $0x14A80;
	[tilespmem:s10+$0x30] =	vst v1  }
0x245: {  	[spmem:s2] =	stream.indirect.scatter.add.f32 [tilespmem:s29], [sflag:$0x5], $0x80, s17, s31, $0xb8;
	[tilespmem:$0x1D800] =	vst v63  }
0x246: {  	s19 =	simm.s32 $0x14380;
	v1 =	vmov s18  }
0x247: {  	v1 =	vand.u32 $0x7F, v1;
	[tilespmem:s11], [sflag:$0x2] =	stream.indirect.gather [hbm4b:s5+s31], $0x40, s19, s31, $0xb8;
	[tilespmem:$0x1D800] =	vst v63  }
0x248: {  	v1 =	vor.u32 $0x300, v1;
	_ =	swait.ge [sflag:s15], $0x4000  }
0x249: {  	v1 =	vbroadcast v1, $0x0;
	[sflag:s15] =	ssyncset.done $0x0  }
0x24a: {  	[sflag:s15] =	ssyncadd.s32 $0xFFFFC000  }
0x24b: {  	_ =	swait.ge [sflag:s13], $0x2000  }
0x24c: {  	[sflag:s13] =	ssyncset.done $0x0  }
0x24d: {  	s14 =	simm.s32 $0x15820;
	[sflag:s13] =	ssyncadd.s32 $0xFFFFE000  }
0x24e: {  	v2 =	vld [tilespmem:s14+$0xFFFFFFE0]  }
0x24f: {  	v1 =	vld.idx.msk [tilespmem:v1+s4+$0x0], $0xffff;
	_ =	sdelay $0x3  }
0x250: {  	v3 =	vunpack.i.l.bf16.f32 v2  }
0x251: {  	v2 =	vunpack.i.u.bf16.f32 v2;
	v3 =	vmul.f32 v3, v1  }
0x252: {  	s10 =	simm.s32 $0x19840;
	v2 =	vmul.f32 v2, v1  }
0x253: {  	[tilespmem:s10+$0xFFFFFFC0] =	vst v3  }
0x254: {  	[tilespmem:s10+$0xFFFFFFD0] =	vst v2  }
0x255: {  	v2 =	vld [tilespmem:s14+$0xFFFFFFF0];
	_ =	sdelay $0x4  }
0x256: {  	v3 =	vunpack.i.l.bf16.f32 v2  }
0x257: {  	v2 =	vunpack.i.u.bf16.f32 v2;
	v3 =	vmul.f32 v3, v1  }
0x258: {  	v2 =	vmul.f32 v2, v1  }
0x259: {  	[tilespmem:s10+$0xFFFFFFE0] =	vst v3  }
0x25a: {  	[tilespmem:s10+$0xFFFFFFF0] =	vst v2  }
0x25b: {  	v2 =	vld [tilespmem:s14+$0x0];
	_ =	sdelay $0x4  }
0x25c: {  	v3 =	vunpack.i.l.bf16.f32 v2  }
0x25d: {  	v2 =	vunpack.i.u.bf16.f32 v2;
	v3 =	vmul.f32 v3, v1  }
0x25e: {  	v2 =	vmul.f32 v2, v1  }
0x25f: {  	[tilespmem:s10+$0x0] =	vst v3  }
0x260: {  	[tilespmem:s10+$0x10] =	vst v2  }
0x261: {  	s20 =	simm.s32 $0x1;
	v2 =	vld [tilespmem:s14+$0x10]  }
0x262: {  	v3 =	vmov s20  }
0x263: {  	v3 =	vand.u32 $0x7F, v3  }
0x264: {  	s17 =	simm.s32 $0x19840;
	s20 =	simm.s32 $0x2;
	v3 =	vor.u32 $0x300, v3  }
.LBB2_17:
0x265: {  	s10 =	sadd.s32 $0x80, s10  }
0x266: {  	v3 =	vbroadcast v3, $0x0;
	v4 =	vunpack.i.u.bf16.f32 v2;
	v2 =	vunpack.i.l.bf16.f32 v2;
	s14 =	sadd.s32 $0x40, s14;
	s19 =	smov.u32 s20;
	s18 =	sadd.s32 $0x1, s20  }
0x267: {  	p0 =	sne.s32 s20, $0x7F;
	v2 =	vmul.f32 v2, v1;
	v1 =	vmul.f32 v4, v1;
	_ =	sdelay $0x1  }
0x268: {  	[tilespmem:s17+$0x20] =	vst v2  }
0x269: {  	[tilespmem:s17+$0x30] =	vst v1;
	s17 =	smov.u32 s10  }
0x26a: {  	v2 =	vld [tilespmem:s14+$0xFFFFFFE0]  }
0x26b: {  	v1 =	vld.idx.msk [tilespmem:v3+s4+$0x0], $0xffff;
	_ =	sdelay $0x4  }
0x26c: {  	v3 =	vunpack.i.u.bf16.f32 v2;
	v2 =	vunpack.i.l.bf16.f32 v2  }
0x26d: {  	v2 =	vmul.f32 v2, v1;
	v3 =	vmul.f32 v3, v1;
	_ =	sdelay $0x1  }
0x26e: {  	[tilespmem:s10+$0xFFFFFFC0] =	vst v2  }
0x26f: {  	[tilespmem:s10+$0xFFFFFFD0] =	vst v3  }
0x270: {  	v2 =	vld [tilespmem:s14+$0xFFFFFFF0];
	_ =	sdelay $0x4  }
0x271: {  	v3 =	vunpack.i.u.bf16.f32 v2;
	v2 =	vunpack.i.l.bf16.f32 v2  }
0x272: {  	v2 =	vmul.f32 v2, v1;
	v3 =	vmul.f32 v3, v1;
	_ =	sdelay $0x1  }
0x273: {  	[tilespmem:s10+$0xFFFFFFE0] =	vst v2  }
0x274: {  	[tilespmem:s10+$0xFFFFFFF0] =	vst v3  }
0x275: {  	v2 =	vld [tilespmem:s14+$0x0];
	_ =	sdelay $0x4  }
0x276: {  	v3 =	vunpack.i.u.bf16.f32 v2;
	v2 =	vunpack.i.l.bf16.f32 v2  }
0x277: {  	v2 =	vmul.f32 v2, v1;
	v3 =	vmul.f32 v3, v1;
	_ =	sdelay $0x1  }
0x278: {  	[tilespmem:s10+$0x0] =	vst v2  }
0x279: {  	[tilespmem:s10+$0x10] =	vst v3  }
.Ltmp7:
0x27a: {  	v2 =	vld [tilespmem:s14+$0x10];
	(pc) =	sbr.rel @p0 .LBB2_17-.Ltmp7, $4  }
0x27b: {  	_ = 	snop  }
0x27c: {  	v3 =	vmov s19  }
0x27d: {  	v3 =	vand.u32 $0x7F, v3  }
0x27e: {  	s20 =	smov.u32 s18;
	v3 =	vor.u32 $0x300, v3  }
0x27f: {  	v3 =	vbroadcast v3, $0x0;
	v4 =	vunpack.i.l.bf16.f32 v2  }
0x280: {  	v2 =	vunpack.i.u.bf16.f32 v2;
	v4 =	vmul.f32 v4, v1  }
0x281: {  	v1 =	vmul.f32 v2, v1  }
0x282: {  	[tilespmem:s17+$0x20] =	vst v4  }
0x283: {  	s14 =	sadd.s32 $0x40, s14;
	[tilespmem:s17+$0x30] =	vst v1  }
0x284: {  	v1 =	vld [tilespmem:s14+$0xFFFFFFE0]  }
0x285: {  	v2 =	vld.idx.msk [tilespmem:v3+s4+$0x0], $0xffff;
	_ =	sdelay $0x3  }
0x286: {  	v3 =	vunpack.i.l.bf16.f32 v1  }
0x287: {  	v1 =	vunpack.i.u.bf16.f32 v1;
	v3 =	vmul.f32 v3, v2  }
0x288: {  	s10 =	sadd.s32 $0x80, s10;
	v1 =	vmul.f32 v1, v2  }
0x289: {  	[tilespmem:s10+$0xFFFFFFC0] =	vst v3  }
0x28a: {  	[tilespmem:s10+$0xFFFFFFD0] =	vst v1  }
0x28b: {  	v1 =	vld [tilespmem:s14+$0xFFFFFFF0];
	_ =	sdelay $0x4  }
0x28c: {  	v3 =	vunpack.i.l.bf16.f32 v1  }
0x28d: {  	v1 =	vunpack.i.u.bf16.f32 v1;
	v3 =	vmul.f32 v3, v2  }
0x28e: {  	v1 =	vmul.f32 v1, v2  }
0x28f: {  	[tilespmem:s10+$0xFFFFFFE0] =	vst v3  }
0x290: {  	[tilespmem:s10+$0xFFFFFFF0] =	vst v1  }
0x291: {  	v1 =	vld [tilespmem:s14+$0x0];
	_ =	sdelay $0x4  }
0x292: {  	v3 =	vunpack.i.l.bf16.f32 v1  }
0x293: {  	v1 =	vunpack.i.u.bf16.f32 v1;
	v3 =	vmul.f32 v3, v2  }
0x294: {  	v1 =	vmul.f32 v1, v2  }
0x295: {  	[tilespmem:s10+$0x0] =	vst v3  }
0x296: {  	[tilespmem:s10+$0x10] =	vst v1  }
0x297: {  	v1 =	vld [tilespmem:s14+$0x10];
	_ =	sdelay $0x4  }
0x298: {  	v3 =	vunpack.i.l.bf16.f32 v1  }
0x299: {  	v1 =	vunpack.i.u.bf16.f32 v1;
	v3 =	vmul.f32 v3, v2  }
0x29a: {  	v1 =	vmul.f32 v1, v2  }
0x29b: {  	[tilespmem:s10+$0x20] =	vst v3  }
0x29c: {  	s18 =	simm.s32 $0x0;
	s17 =	simm.s32 $0x14B00;
	[tilespmem:s10+$0x30] =	vst v1  }
0x29d: {  	[spmem:s2] =	stream.indirect.scatter.add.f32 [tilespmem:s29], [sflag:$0x5], $0x80, s17, s31, $0xb8;
	[tilespmem:$0x1D800] =	vst v63  }
0x29e: {  	s19 =	simm.s32 $0x14400;
	v1 =	vmov s18  }
0x29f: {  	v1 =	vand.u32 $0x7F, v1;
	[tilespmem:s9], [sflag:$0x1] =	stream.indirect.gather [hbm4b:s5+s31], $0x40, s19, s31, $0xb8;
	[tilespmem:$0x1D800] =	vst v63  }
0x2a0: {  	v1 =	vor.u32 $0x380, v1;
	_ =	swait.ge [sflag:s15], $0x4000  }
0x2a1: {  	v1 =	vbroadcast v1, $0x0;
	[sflag:s15] =	ssyncset.done $0x0  }
0x2a2: {  	[sflag:s15] =	ssyncadd.s32 $0xFFFFC000  }
0x2a3: {  	_ =	swait.ge [sflag:s16], $0x2000  }
0x2a4: {  	[sflag:s16] =	ssyncset.done $0x0  }
0x2a5: {  	s14 =	simm.s32 $0x17820;
	[sflag:s16] =	ssyncadd.s32 $0xFFFFE000  }
0x2a6: {  	v2 =	vld [tilespmem:s14+$0xFFFFFFE0]  }
0x2a7: {  	v1 =	vld.idx.msk [tilespmem:v1+s4+$0x0], $0xffff;
	_ =	sdelay $0x3  }
0x2a8: {  	v3 =	vunpack.i.l.bf16.f32 v2  }
0x2a9: {  	v2 =	vunpack.i.u.bf16.f32 v2;
	v3 =	vmul.f32 v3, v1  }
0x2aa: {  	s10 =	simm.s32 $0x19840;
	v2 =	vmul.f32 v2, v1  }
0x2ab: {  	[tilespmem:s10+$0xFFFFFFC0] =	vst v3  }
0x2ac: {  	[tilespmem:s10+$0xFFFFFFD0] =	vst v2  }
0x2ad: {  	v2 =	vld [tilespmem:s14+$0xFFFFFFF0];
	_ =	sdelay $0x4  }
0x2ae: {  	v3 =	vunpack.i.l.bf16.f32 v2  }
0x2af: {  	v2 =	vunpack.i.u.bf16.f32 v2;
	v3 =	vmul.f32 v3, v1  }
0x2b0: {  	v2 =	vmul.f32 v2, v1  }
0x2b1: {  	[tilespmem:s10+$0xFFFFFFE0] =	vst v3  }
0x2b2: {  	[tilespmem:s10+$0xFFFFFFF0] =	vst v2  }
0x2b3: {  	v2 =	vld [tilespmem:s14+$0x0];
	_ =	sdelay $0x4  }
0x2b4: {  	v3 =	vunpack.i.l.bf16.f32 v2  }
0x2b5: {  	v2 =	vunpack.i.u.bf16.f32 v2;
	v3 =	vmul.f32 v3, v1  }
0x2b6: {  	v2 =	vmul.f32 v2, v1  }
0x2b7: {  	[tilespmem:s10+$0x0] =	vst v3  }
0x2b8: {  	[tilespmem:s10+$0x10] =	vst v2  }
0x2b9: {  	s20 =	simm.s32 $0x1;
	v2 =	vld [tilespmem:s14+$0x10]  }
0x2ba: {  	v3 =	vmov s20  }
0x2bb: {  	v3 =	vand.u32 $0x7F, v3  }
0x2bc: {  	s17 =	simm.s32 $0x19840;
	s20 =	simm.s32 $0x2;
	v3 =	vor.u32 $0x380, v3  }
.LBB2_19:
0x2bd: {  	s10 =	sadd.s32 $0x80, s10  }
0x2be: {  	v3 =	vbroadcast v3, $0x0;
	v4 =	vunpack.i.u.bf16.f32 v2;
	v2 =	vunpack.i.l.bf16.f32 v2;
	s14 =	sadd.s32 $0x40, s14;
	s19 =	smov.u32 s20;
	s18 =	sadd.s32 $0x1, s20  }
0x2bf: {  	p0 =	sne.s32 s20, $0x7F;
	v2 =	vmul.f32 v2, v1;
	v1 =	vmul.f32 v4, v1;
	_ =	sdelay $0x1  }
0x2c0: {  	[tilespmem:s17+$0x20] =	vst v2  }
0x2c1: {  	[tilespmem:s17+$0x30] =	vst v1;
	s17 =	smov.u32 s10  }
0x2c2: {  	v2 =	vld [tilespmem:s14+$0xFFFFFFE0]  }
0x2c3: {  	v1 =	vld.idx.msk [tilespmem:v3+s4+$0x0], $0xffff;
	_ =	sdelay $0x4  }
0x2c4: {  	v3 =	vunpack.i.u.bf16.f32 v2;
	v2 =	vunpack.i.l.bf16.f32 v2  }
0x2c5: {  	v2 =	vmul.f32 v2, v1;
	v3 =	vmul.f32 v3, v1;
	_ =	sdelay $0x1  }
0x2c6: {  	[tilespmem:s10+$0xFFFFFFC0] =	vst v2  }
0x2c7: {  	[tilespmem:s10+$0xFFFFFFD0] =	vst v3  }
0x2c8: {  	v2 =	vld [tilespmem:s14+$0xFFFFFFF0];
	_ =	sdelay $0x4  }
0x2c9: {  	v3 =	vunpack.i.u.bf16.f32 v2;
	v2 =	vunpack.i.l.bf16.f32 v2  }
0x2ca: {  	v2 =	vmul.f32 v2, v1;
	v3 =	vmul.f32 v3, v1;
	_ =	sdelay $0x1  }
0x2cb: {  	[tilespmem:s10+$0xFFFFFFE0] =	vst v2  }
0x2cc: {  	[tilespmem:s10+$0xFFFFFFF0] =	vst v3  }
0x2cd: {  	v2 =	vld [tilespmem:s14+$0x0];
	_ =	sdelay $0x4  }
0x2ce: {  	v3 =	vunpack.i.u.bf16.f32 v2;
	v2 =	vunpack.i.l.bf16.f32 v2  }
0x2cf: {  	v2 =	vmul.f32 v2, v1;
	v3 =	vmul.f32 v3, v1;
	_ =	sdelay $0x1  }
0x2d0: {  	[tilespmem:s10+$0x0] =	vst v2  }
0x2d1: {  	[tilespmem:s10+$0x10] =	vst v3  }
.Ltmp8:
0x2d2: {  	v2 =	vld [tilespmem:s14+$0x10];
	(pc) =	sbr.rel @p0 .LBB2_19-.Ltmp8, $4  }
0x2d3: {  	_ = 	snop  }
0x2d4: {  	v3 =	vmov s19  }
0x2d5: {  	v3 =	vand.u32 $0x7F, v3  }
0x2d6: {  	s20 =	smov.u32 s18;
	v3 =	vor.u32 $0x380, v3  }
0x2d7: {  	v3 =	vbroadcast v3, $0x0;
	v4 =	vunpack.i.l.bf16.f32 v2  }
0x2d8: {  	v2 =	vunpack.i.u.bf16.f32 v2;
	v4 =	vmul.f32 v4, v1  }
0x2d9: {  	v1 =	vmul.f32 v2, v1  }
0x2da: {  	[tilespmem:s17+$0x20] =	vst v4  }
0x2db: {  	s14 =	sadd.s32 $0x40, s14;
	[tilespmem:s17+$0x30] =	vst v1  }
0x2dc: {  	v1 =	vld [tilespmem:s14+$0xFFFFFFE0]  }
0x2dd: {  	v2 =	vld.idx.msk [tilespmem:v3+s4+$0x0], $0xffff;
	_ =	sdelay $0x3  }
0x2de: {  	v3 =	vunpack.i.l.bf16.f32 v1  }
0x2df: {  	v1 =	vunpack.i.u.bf16.f32 v1;
	v3 =	vmul.f32 v3, v2  }
0x2e0: {  	s10 =	sadd.s32 $0x80, s10;
	v1 =	vmul.f32 v1, v2  }
0x2e1: {  	[tilespmem:s10+$0xFFFFFFC0] =	vst v3  }
0x2e2: {  	[tilespmem:s10+$0xFFFFFFD0] =	vst v1  }
0x2e3: {  	v1 =	vld [tilespmem:s14+$0xFFFFFFF0];
	_ =	sdelay $0x4  }
0x2e4: {  	v3 =	vunpack.i.l.bf16.f32 v1  }
0x2e5: {  	v1 =	vunpack.i.u.bf16.f32 v1;
	v3 =	vmul.f32 v3, v2  }
0x2e6: {  	v1 =	vmul.f32 v1, v2  }
0x2e7: {  	[tilespmem:s10+$0xFFFFFFE0] =	vst v3  }
0x2e8: {  	[tilespmem:s10+$0xFFFFFFF0] =	vst v1  }
0x2e9: {  	v1 =	vld [tilespmem:s14+$0x0];
	_ =	sdelay $0x4  }
0x2ea: {  	v3 =	vunpack.i.l.bf16.f32 v1  }
0x2eb: {  	v1 =	vunpack.i.u.bf16.f32 v1;
	v3 =	vmul.f32 v3, v2  }
0x2ec: {  	v1 =	vmul.f32 v1, v2  }
0x2ed: {  	[tilespmem:s10+$0x0] =	vst v3  }
0x2ee: {  	[tilespmem:s10+$0x10] =	vst v1  }
0x2ef: {  	v1 =	vld [tilespmem:s14+$0x10];
	_ =	sdelay $0x4  }
0x2f0: {  	v3 =	vunpack.i.l.bf16.f32 v1  }
0x2f1: {  	v1 =	vunpack.i.u.bf16.f32 v1;
	v3 =	vmul.f32 v3, v2  }
0x2f2: {  	v1 =	vmul.f32 v1, v2  }
0x2f3: {  	[tilespmem:s10+$0x20] =	vst v3  }
0x2f4: {  	s18 =	simm.s32 $0x0;
	s17 =	simm.s32 $0x14B80;
	[tilespmem:s10+$0x30] =	vst v1  }
0x2f5: {  	[spmem:s2] =	stream.indirect.scatter.add.f32 [tilespmem:s29], [sflag:$0x5], $0x80, s17, s31, $0xb8;
	[tilespmem:$0x1D800] =	vst v63  }
0x2f6: {  	s19 =	simm.s32 $0x14480;
	v1 =	vmov s18  }
0x2f7: {  	v1 =	vand.u32 $0x7F, v1;
	[tilespmem:s11], [sflag:$0x2] =	stream.indirect.gather [hbm4b:s5+s31], $0x40, s19, s31, $0xb8;
	[tilespmem:$0x1D800] =	vst v63  }
0x2f8: {  	v1 =	vor.u32 $0x400, v1;
	_ =	swait.ge [sflag:s15], $0x4000  }
0x2f9: {  	v1 =	vbroadcast v1, $0x0;
	[sflag:s15] =	ssyncset.done $0x0  }
0x2fa: {  	[sflag:s15] =	ssyncadd.s32 $0xFFFFC000  }
0x2fb: {  	_ =	swait.ge [sflag:s13], $0x2000  }
0x2fc: {  	[sflag:s13] =	ssyncset.done $0x0  }
0x2fd: {  	s14 =	simm.s32 $0x15820;
	[sflag:s13] =	ssyncadd.s32 $0xFFFFE000  }
0x2fe: {  	v2 =	vld [tilespmem:s14+$0xFFFFFFE0]  }
0x2ff: {  	v1 =	vld.idx.msk [tilespmem:v1+s4+$0x0], $0xffff;
	_ =	sdelay $0x3  }
0x300: {  	v3 =	vunpack.i.l.bf16.f32 v2  }
0x301: {  	v2 =	vunpack.i.u.bf16.f32 v2;
	v3 =	vmul.f32 v3, v1  }
0x302: {  	s10 =	simm.s32 $0x19840;
	v2 =	vmul.f32 v2, v1  }
0x303: {  	[tilespmem:s10+$0xFFFFFFC0] =	vst v3  }
0x304: {  	[tilespmem:s10+$0xFFFFFFD0] =	vst v2  }
0x305: {  	v2 =	vld [tilespmem:s14+$0xFFFFFFF0];
	_ =	sdelay $0x4  }
0x306: {  	v3 =	vunpack.i.l.bf16.f32 v2  }
0x307: {  	v2 =	vunpack.i.u.bf16.f32 v2;
	v3 =	vmul.f32 v3, v1  }
0x308: {  	v2 =	vmul.f32 v2, v1  }
0x309: {  	[tilespmem:s10+$0xFFFFFFE0] =	vst v3  }
0x30a: {  	[tilespmem:s10+$0xFFFFFFF0] =	vst v2  }
0x30b: {  	v2 =	vld [tilespmem:s14+$0x0];
	_ =	sdelay $0x4  }
0x30c: {  	v3 =	vunpack.i.l.bf16.f32 v2  }
0x30d: {  	v2 =	vunpack.i.u.bf16.f32 v2;
	v3 =	vmul.f32 v3, v1  }
0x30e: {  	v2 =	vmul.f32 v2, v1  }
0x30f: {  	[tilespmem:s10+$0x0] =	vst v3  }
0x310: {  	[tilespmem:s10+$0x10] =	vst v2  }
0x311: {  	s20 =	simm.s32 $0x1;
	v2 =	vld [tilespmem:s14+$0x10]  }
0x312: {  	v3 =	vmov s20  }
0x313: {  	v3 =	vand.u32 $0x7F, v3  }
0x314: {  	s17 =	simm.s32 $0x19840;
	s20 =	simm.s32 $0x2;
	v3 =	vor.u32 $0x400, v3  }
.LBB2_21:
0x315: {  	s10 =	sadd.s32 $0x80, s10  }
0x316: {  	v3 =	vbroadcast v3, $0x0;
	v4 =	vunpack.i.u.bf16.f32 v2;
	v2 =	vunpack.i.l.bf16.f32 v2;
	s14 =	sadd.s32 $0x40, s14;
	s19 =	smov.u32 s20;
	s18 =	sadd.s32 $0x1, s20  }
0x317: {  	p0 =	sne.s32 s20, $0x7F;
	v2 =	vmul.f32 v2, v1;
	v1 =	vmul.f32 v4, v1;
	_ =	sdelay $0x1  }
0x318: {  	[tilespmem:s17+$0x20] =	vst v2  }
0x319: {  	[tilespmem:s17+$0x30] =	vst v1;
	s17 =	smov.u32 s10  }
0x31a: {  	v2 =	vld [tilespmem:s14+$0xFFFFFFE0]  }
0x31b: {  	v1 =	vld.idx.msk [tilespmem:v3+s4+$0x0], $0xffff;
	_ =	sdelay $0x4  }
0x31c: {  	v3 =	vunpack.i.u.bf16.f32 v2;
	v2 =	vunpack.i.l.bf16.f32 v2  }
0x31d: {  	v2 =	vmul.f32 v2, v1;
	v3 =	vmul.f32 v3, v1;
	_ =	sdelay $0x1  }
0x31e: {  	[tilespmem:s10+$0xFFFFFFC0] =	vst v2  }
0x31f: {  	[tilespmem:s10+$0xFFFFFFD0] =	vst v3  }
0x320: {  	v2 =	vld [tilespmem:s14+$0xFFFFFFF0];
	_ =	sdelay $0x4  }
0x321: {  	v3 =	vunpack.i.u.bf16.f32 v2;
	v2 =	vunpack.i.l.bf16.f32 v2  }
0x322: {  	v2 =	vmul.f32 v2, v1;
	v3 =	vmul.f32 v3, v1;
	_ =	sdelay $0x1  }
0x323: {  	[tilespmem:s10+$0xFFFFFFE0] =	vst v2  }
0x324: {  	[tilespmem:s10+$0xFFFFFFF0] =	vst v3  }
0x325: {  	v2 =	vld [tilespmem:s14+$0x0];
	_ =	sdelay $0x4  }
0x326: {  	v3 =	vunpack.i.u.bf16.f32 v2;
	v2 =	vunpack.i.l.bf16.f32 v2  }
0x327: {  	v2 =	vmul.f32 v2, v1;
	v3 =	vmul.f32 v3, v1;
	_ =	sdelay $0x1  }
0x328: {  	[tilespmem:s10+$0x0] =	vst v2  }
0x329: {  	[tilespmem:s10+$0x10] =	vst v3  }
.Ltmp9:
0x32a: {  	v2 =	vld [tilespmem:s14+$0x10];
	(pc) =	sbr.rel @p0 .LBB2_21-.Ltmp9, $4  }
0x32b: {  	_ = 	snop  }
0x32c: {  	v3 =	vmov s19  }
0x32d: {  	v3 =	vand.u32 $0x7F, v3  }
0x32e: {  	s20 =	smov.u32 s18;
	v3 =	vor.u32 $0x400, v3  }
0x32f: {  	v3 =	vbroadcast v3, $0x0;
	v4 =	vunpack.i.l.bf16.f32 v2  }
0x330: {  	v2 =	vunpack.i.u.bf16.f32 v2;
	v4 =	vmul.f32 v4, v1  }
0x331: {  	v1 =	vmul.f32 v2, v1  }
0x332: {  	[tilespmem:s17+$0x20] =	vst v4  }
0x333: {  	s14 =	sadd.s32 $0x40, s14;
	[tilespmem:s17+$0x30] =	vst v1  }
0x334: {  	v1 =	vld [tilespmem:s14+$0xFFFFFFE0]  }
0x335: {  	v2 =	vld.idx.msk [tilespmem:v3+s4+$0x0], $0xffff;
	_ =	sdelay $0x3  }
0x336: {  	v3 =	vunpack.i.l.bf16.f32 v1  }
0x337: {  	v1 =	vunpack.i.u.bf16.f32 v1;
	v3 =	vmul.f32 v3, v2  }
0x338: {  	s10 =	sadd.s32 $0x80, s10;
	v1 =	vmul.f32 v1, v2  }
0x339: {  	[tilespmem:s10+$0xFFFFFFC0] =	vst v3  }
0x33a: {  	[tilespmem:s10+$0xFFFFFFD0] =	vst v1  }
0x33b: {  	v1 =	vld [tilespmem:s14+$0xFFFFFFF0];
	_ =	sdelay $0x4  }
0x33c: {  	v3 =	vunpack.i.l.bf16.f32 v1  }
0x33d: {  	v1 =	vunpack.i.u.bf16.f32 v1;
	v3 =	vmul.f32 v3, v2  }
0x33e: {  	v1 =	vmul.f32 v1, v2  }
0x33f: {  	[tilespmem:s10+$0xFFFFFFE0] =	vst v3  }
0x340: {  	[tilespmem:s10+$0xFFFFFFF0] =	vst v1  }
0x341: {  	v1 =	vld [tilespmem:s14+$0x0];
	_ =	sdelay $0x4  }
0x342: {  	v3 =	vunpack.i.l.bf16.f32 v1  }
0x343: {  	v1 =	vunpack.i.u.bf16.f32 v1;
	v3 =	vmul.f32 v3, v2  }
0x344: {  	v1 =	vmul.f32 v1, v2  }
0x345: {  	[tilespmem:s10+$0x0] =	vst v3  }
0x346: {  	[tilespmem:s10+$0x10] =	vst v1  }
0x347: {  	v1 =	vld [tilespmem:s14+$0x10];
	_ =	sdelay $0x4  }
0x348: {  	v3 =	vunpack.i.l.bf16.f32 v1  }
0x349: {  	v1 =	vunpack.i.u.bf16.f32 v1;
	v3 =	vmul.f32 v3, v2  }
0x34a: {  	v1 =	vmul.f32 v1, v2  }
0x34b: {  	[tilespmem:s10+$0x20] =	vst v3  }
0x34c: {  	s18 =	simm.s32 $0x0;
	s17 =	simm.s32 $0x14C00;
	[tilespmem:s10+$0x30] =	vst v1  }
0x34d: {  	[spmem:s2] =	stream.indirect.scatter.add.f32 [tilespmem:s29], [sflag:$0x5], $0x80, s17, s31, $0xb8;
	[tilespmem:$0x1D800] =	vst v63  }
0x34e: {  	s19 =	simm.s32 $0x14500;
	v1 =	vmov s18  }
0x34f: {  	v1 =	vand.u32 $0x7F, v1;
	[tilespmem:s9], [sflag:$0x1] =	stream.indirect.gather [hbm4b:s5+s31], $0x40, s19, s31, $0xb8;
	[tilespmem:$0x1D800] =	vst v63  }
0x350: {  	v1 =	vor.u32 $0x480, v1;
	_ =	swait.ge [sflag:s15], $0x4000  }
0x351: {  	v1 =	vbroadcast v1, $0x0;
	[sflag:s15] =	ssyncset.done $0x0  }
0x352: {  	[sflag:s15] =	ssyncadd.s32 $0xFFFFC000  }
0x353: {  	_ =	swait.ge [sflag:s16], $0x2000  }
0x354: {  	[sflag:s16] =	ssyncset.done $0x0  }
0x355: {  	s14 =	simm.s32 $0x17820;
	[sflag:s16] =	ssyncadd.s32 $0xFFFFE000  }
0x356: {  	v2 =	vld [tilespmem:s14+$0xFFFFFFE0]  }
0x357: {  	v1 =	vld.idx.msk [tilespmem:v1+s4+$0x0], $0xffff;
	_ =	sdelay $0x3  }
0x358: {  	v3 =	vunpack.i.l.bf16.f32 v2  }
0x359: {  	v2 =	vunpack.i.u.bf16.f32 v2;
	v3 =	vmul.f32 v3, v1  }
0x35a: {  	s10 =	simm.s32 $0x19840;
	v2 =	vmul.f32 v2, v1  }
0x35b: {  	[tilespmem:s10+$0xFFFFFFC0] =	vst v3  }
0x35c: {  	[tilespmem:s10+$0xFFFFFFD0] =	vst v2  }
0x35d: {  	v2 =	vld [tilespmem:s14+$0xFFFFFFF0];
	_ =	sdelay $0x4  }
0x35e: {  	v3 =	vunpack.i.l.bf16.f32 v2  }
0x35f: {  	v2 =	vunpack.i.u.bf16.f32 v2;
	v3 =	vmul.f32 v3, v1  }
0x360: {  	v2 =	vmul.f32 v2, v1  }
0x361: {  	[tilespmem:s10+$0xFFFFFFE0] =	vst v3  }
0x362: {  	[tilespmem:s10+$0xFFFFFFF0] =	vst v2  }
0x363: {  	v2 =	vld [tilespmem:s14+$0x0];
	_ =	sdelay $0x4  }
0x364: {  	v3 =	vunpack.i.l.bf16.f32 v2  }
0x365: {  	v2 =	vunpack.i.u.bf16.f32 v2;
	v3 =	vmul.f32 v3, v1  }
0x366: {  	v2 =	vmul.f32 v2, v1  }
0x367: {  	[tilespmem:s10+$0x0] =	vst v3  }
0x368: {  	[tilespmem:s10+$0x10] =	vst v2  }
0x369: {  	s20 =	simm.s32 $0x1;
	v2 =	vld [tilespmem:s14+$0x10]  }
0x36a: {  	v3 =	vmov s20  }
0x36b: {  	v3 =	vand.u32 $0x7F, v3  }
0x36c: {  	s17 =	simm.s32 $0x19840;
	s20 =	simm.s32 $0x2;
	v3 =	vor.u32 $0x480, v3  }
.LBB2_23:
0x36d: {  	s10 =	sadd.s32 $0x80, s10  }
0x36e: {  	v3 =	vbroadcast v3, $0x0;
	v4 =	vunpack.i.u.bf16.f32 v2;
	v2 =	vunpack.i.l.bf16.f32 v2;
	s14 =	sadd.s32 $0x40, s14;
	s19 =	smov.u32 s20;
	s18 =	sadd.s32 $0x1, s20  }
0x36f: {  	p0 =	sne.s32 s20, $0x7F;
	v2 =	vmul.f32 v2, v1;
	v1 =	vmul.f32 v4, v1;
	_ =	sdelay $0x1  }
0x370: {  	[tilespmem:s17+$0x20] =	vst v2  }
0x371: {  	[tilespmem:s17+$0x30] =	vst v1;
	s17 =	smov.u32 s10  }
0x372: {  	v2 =	vld [tilespmem:s14+$0xFFFFFFE0]  }
0x373: {  	v1 =	vld.idx.msk [tilespmem:v3+s4+$0x0], $0xffff;
	_ =	sdelay $0x4  }
0x374: {  	v3 =	vunpack.i.u.bf16.f32 v2;
	v2 =	vunpack.i.l.bf16.f32 v2  }
0x375: {  	v2 =	vmul.f32 v2, v1;
	v3 =	vmul.f32 v3, v1;
	_ =	sdelay $0x1  }
0x376: {  	[tilespmem:s10+$0xFFFFFFC0] =	vst v2  }
0x377: {  	[tilespmem:s10+$0xFFFFFFD0] =	vst v3  }
0x378: {  	v2 =	vld [tilespmem:s14+$0xFFFFFFF0];
	_ =	sdelay $0x4  }
0x379: {  	v3 =	vunpack.i.u.bf16.f32 v2;
	v2 =	vunpack.i.l.bf16.f32 v2  }
0x37a: {  	v2 =	vmul.f32 v2, v1;
	v3 =	vmul.f32 v3, v1;
	_ =	sdelay $0x1  }
0x37b: {  	[tilespmem:s10+$0xFFFFFFE0] =	vst v2  }
0x37c: {  	[tilespmem:s10+$0xFFFFFFF0] =	vst v3  }
0x37d: {  	v2 =	vld [tilespmem:s14+$0x0];
	_ =	sdelay $0x4  }
0x37e: {  	v3 =	vunpack.i.u.bf16.f32 v2;
	v2 =	vunpack.i.l.bf16.f32 v2  }
0x37f: {  	v2 =	vmul.f32 v2, v1;
	v3 =	vmul.f32 v3, v1;
	_ =	sdelay $0x1  }
0x380: {  	[tilespmem:s10+$0x0] =	vst v2  }
0x381: {  	[tilespmem:s10+$0x10] =	vst v3  }
.Ltmp10:
0x382: {  	v2 =	vld [tilespmem:s14+$0x10];
	(pc) =	sbr.rel @p0 .LBB2_23-.Ltmp10, $4  }
0x383: {  	_ = 	snop  }
0x384: {  	v3 =	vmov s19  }
0x385: {  	v3 =	vand.u32 $0x7F, v3  }
0x386: {  	s20 =	smov.u32 s18;
	v3 =	vor.u32 $0x480, v3  }
0x387: {  	v3 =	vbroadcast v3, $0x0;
	v4 =	vunpack.i.l.bf16.f32 v2  }
0x388: {  	v2 =	vunpack.i.u.bf16.f32 v2;
	v4 =	vmul.f32 v4, v1  }
0x389: {  	v1 =	vmul.f32 v2, v1  }
0x38a: {  	[tilespmem:s17+$0x20] =	vst v4  }
0x38b: {  	s14 =	sadd.s32 $0x40, s14;
	[tilespmem:s17+$0x30] =	vst v1  }
0x38c: {  	v1 =	vld [tilespmem:s14+$0xFFFFFFE0]  }
0x38d: {  	v2 =	vld.idx.msk [tilespmem:v3+s4+$0x0], $0xffff;
	_ =	sdelay $0x3  }
0x38e: {  	v3 =	vunpack.i.l.bf16.f32 v1  }
0x38f: {  	v1 =	vunpack.i.u.bf16.f32 v1;
	v3 =	vmul.f32 v3, v2  }
0x390: {  	s10 =	sadd.s32 $0x80, s10;
	v1 =	vmul.f32 v1, v2  }
0x391: {  	[tilespmem:s10+$0xFFFFFFC0] =	vst v3  }
0x392: {  	[tilespmem:s10+$0xFFFFFFD0] =	vst v1  }
0x393: {  	v1 =	vld [tilespmem:s14+$0xFFFFFFF0];
	_ =	sdelay $0x4  }
0x394: {  	v3 =	vunpack.i.l.bf16.f32 v1  }
0x395: {  	v1 =	vunpack.i.u.bf16.f32 v1;
	v3 =	vmul.f32 v3, v2  }
0x396: {  	v1 =	vmul.f32 v1, v2  }
0x397: {  	[tilespmem:s10+$0xFFFFFFE0] =	vst v3  }
0x398: {  	[tilespmem:s10+$0xFFFFFFF0] =	vst v1  }
0x399: {  	v1 =	vld [tilespmem:s14+$0x0];
	_ =	sdelay $0x4  }
0x39a: {  	v3 =	vunpack.i.l.bf16.f32 v1  }
0x39b: {  	v1 =	vunpack.i.u.bf16.f32 v1;
	v3 =	vmul.f32 v3, v2  }
0x39c: {  	v1 =	vmul.f32 v1, v2  }
0x39d: {  	[tilespmem:s10+$0x0] =	vst v3  }
0x39e: {  	[tilespmem:s10+$0x10] =	vst v1  }
0x39f: {  	v1 =	vld [tilespmem:s14+$0x10];
	_ =	sdelay $0x4  }
0x3a0: {  	v3 =	vunpack.i.l.bf16.f32 v1  }
0x3a1: {  	v1 =	vunpack.i.u.bf16.f32 v1;
	v3 =	vmul.f32 v3, v2  }
0x3a2: {  	v1 =	vmul.f32 v1, v2  }
0x3a3: {  	[tilespmem:s10+$0x20] =	vst v3  }
0x3a4: {  	s18 =	simm.s32 $0x0;
	s17 =	simm.s32 $0x14C80;
	[tilespmem:s10+$0x30] =	vst v1  }
0x3a5: {  	[spmem:s2] =	stream.indirect.scatter.add.f32 [tilespmem:s29], [sflag:$0x5], $0x80, s17, s31, $0xb8;
	[tilespmem:$0x1D800] =	vst v63  }
0x3a6: {  	s19 =	simm.s32 $0x14580;
	v1 =	vmov s18  }
0x3a7: {  	v1 =	vand.u32 $0x7F, v1;
	[tilespmem:s11], [sflag:$0x2] =	stream.indirect.gather [hbm4b:s5+s31], $0x40, s19, s31, $0xb8;
	[tilespmem:$0x1D800] =	vst v63  }
0x3a8: {  	v1 =	vor.u32 $0x500, v1;
	_ =	swait.ge [sflag:s15], $0x4000  }
0x3a9: {  	v1 =	vbroadcast v1, $0x0;
	[sflag:s15] =	ssyncset.done $0x0  }
0x3aa: {  	[sflag:s15] =	ssyncadd.s32 $0xFFFFC000  }
0x3ab: {  	_ =	swait.ge [sflag:s13], $0x2000  }
0x3ac: {  	[sflag:s13] =	ssyncset.done $0x0  }
0x3ad: {  	s14 =	simm.s32 $0x15820;
	[sflag:s13] =	ssyncadd.s32 $0xFFFFE000  }
0x3ae: {  	v2 =	vld [tilespmem:s14+$0xFFFFFFE0]  }
0x3af: {  	v1 =	vld.idx.msk [tilespmem:v1+s4+$0x0], $0xffff;
	_ =	sdelay $0x3  }
0x3b0: {  	v3 =	vunpack.i.l.bf16.f32 v2  }
0x3b1: {  	v2 =	vunpack.i.u.bf16.f32 v2;
	v3 =	vmul.f32 v3, v1  }
0x3b2: {  	s10 =	simm.s32 $0x19840;
	v2 =	vmul.f32 v2, v1  }
0x3b3: {  	[tilespmem:s10+$0xFFFFFFC0] =	vst v3  }
0x3b4: {  	[tilespmem:s10+$0xFFFFFFD0] =	vst v2  }
0x3b5: {  	v2 =	vld [tilespmem:s14+$0xFFFFFFF0];
	_ =	sdelay $0x4  }
0x3b6: {  	v3 =	vunpack.i.l.bf16.f32 v2  }
0x3b7: {  	v2 =	vunpack.i.u.bf16.f32 v2;
	v3 =	vmul.f32 v3, v1  }
0x3b8: {  	v2 =	vmul.f32 v2, v1  }
0x3b9: {  	[tilespmem:s10+$0xFFFFFFE0] =	vst v3  }
0x3ba: {  	[tilespmem:s10+$0xFFFFFFF0] =	vst v2  }
0x3bb: {  	v2 =	vld [tilespmem:s14+$0x0];
	_ =	sdelay $0x4  }
0x3bc: {  	v3 =	vunpack.i.l.bf16.f32 v2  }
0x3bd: {  	v2 =	vunpack.i.u.bf16.f32 v2;
	v3 =	vmul.f32 v3, v1  }
0x3be: {  	v2 =	vmul.f32 v2, v1  }
0x3bf: {  	[tilespmem:s10+$0x0] =	vst v3  }
0x3c0: {  	[tilespmem:s10+$0x10] =	vst v2  }
0x3c1: {  	s20 =	simm.s32 $0x1;
	v2 =	vld [tilespmem:s14+$0x10]  }
0x3c2: {  	v3 =	vmov s20  }
0x3c3: {  	v3 =	vand.u32 $0x7F, v3  }
0x3c4: {  	s17 =	simm.s32 $0x19840;
	s20 =	simm.s32 $0x2;
	v3 =	vor.u32 $0x500, v3  }
.LBB2_25:
0x3c5: {  	s10 =	sadd.s32 $0x80, s10  }
0x3c6: {  	v3 =	vbroadcast v3, $0x0;
	v4 =	vunpack.i.u.bf16.f32 v2;
	v2 =	vunpack.i.l.bf16.f32 v2;
	s14 =	sadd.s32 $0x40, s14;
	s19 =	smov.u32 s20;
	s18 =	sadd.s32 $0x1, s20  }
0x3c7: {  	p0 =	sne.s32 s20, $0x7F;
	v2 =	vmul.f32 v2, v1;
	v1 =	vmul.f32 v4, v1;
	_ =	sdelay $0x1  }
0x3c8: {  	[tilespmem:s17+$0x20] =	vst v2  }
0x3c9: {  	[tilespmem:s17+$0x30] =	vst v1;
	s17 =	smov.u32 s10  }
0x3ca: {  	v2 =	vld [tilespmem:s14+$0xFFFFFFE0]  }
0x3cb: {  	v1 =	vld.idx.msk [tilespmem:v3+s4+$0x0], $0xffff;
	_ =	sdelay $0x4  }
0x3cc: {  	v3 =	vunpack.i.u.bf16.f32 v2;
	v2 =	vunpack.i.l.bf16.f32 v2  }
0x3cd: {  	v2 =	vmul.f32 v2, v1;
	v3 =	vmul.f32 v3, v1;
	_ =	sdelay $0x1  }
0x3ce: {  	[tilespmem:s10+$0xFFFFFFC0] =	vst v2  }
0x3cf: {  	[tilespmem:s10+$0xFFFFFFD0] =	vst v3  }
0x3d0: {  	v2 =	vld [tilespmem:s14+$0xFFFFFFF0];
	_ =	sdelay $0x4  }
0x3d1: {  	v3 =	vunpack.i.u.bf16.f32 v2;
	v2 =	vunpack.i.l.bf16.f32 v2  }
0x3d2: {  	v2 =	vmul.f32 v2, v1;
	v3 =	vmul.f32 v3, v1;
	_ =	sdelay $0x1  }
0x3d3: {  	[tilespmem:s10+$0xFFFFFFE0] =	vst v2  }
0x3d4: {  	[tilespmem:s10+$0xFFFFFFF0] =	vst v3  }
0x3d5: {  	v2 =	vld [tilespmem:s14+$0x0];
	_ =	sdelay $0x4  }
0x3d6: {  	v3 =	vunpack.i.u.bf16.f32 v2;
	v2 =	vunpack.i.l.bf16.f32 v2  }
0x3d7: {  	v2 =	vmul.f32 v2, v1;
	v3 =	vmul.f32 v3, v1;
	_ =	sdelay $0x1  }
0x3d8: {  	[tilespmem:s10+$0x0] =	vst v2  }
0x3d9: {  	[tilespmem:s10+$0x10] =	vst v3  }
.Ltmp11:
0x3da: {  	v2 =	vld [tilespmem:s14+$0x10];
	(pc) =	sbr.rel @p0 .LBB2_25-.Ltmp11, $4  }
0x3db: {  	_ = 	snop  }
0x3dc: {  	v3 =	vmov s19  }
0x3dd: {  	v3 =	vand.u32 $0x7F, v3  }
0x3de: {  	s20 =	smov.u32 s18;
	v3 =	vor.u32 $0x500, v3  }
0x3df: {  	v3 =	vbroadcast v3, $0x0;
	v4 =	vunpack.i.l.bf16.f32 v2  }
0x3e0: {  	v2 =	vunpack.i.u.bf16.f32 v2;
	v4 =	vmul.f32 v4, v1  }
0x3e1: {  	v1 =	vmul.f32 v2, v1  }
0x3e2: {  	[tilespmem:s17+$0x20] =	vst v4  }
0x3e3: {  	s14 =	sadd.s32 $0x40, s14;
	[tilespmem:s17+$0x30] =	vst v1  }
0x3e4: {  	v1 =	vld [tilespmem:s14+$0xFFFFFFE0]  }
0x3e5: {  	v2 =	vld.idx.msk [tilespmem:v3+s4+$0x0], $0xffff;
	_ =	sdelay $0x3  }
0x3e6: {  	v3 =	vunpack.i.l.bf16.f32 v1  }
0x3e7: {  	v1 =	vunpack.i.u.bf16.f32 v1;
	v3 =	vmul.f32 v3, v2  }
0x3e8: {  	s10 =	sadd.s32 $0x80, s10;
	v1 =	vmul.f32 v1, v2  }
0x3e9: {  	[tilespmem:s10+$0xFFFFFFC0] =	vst v3  }
0x3ea: {  	[tilespmem:s10+$0xFFFFFFD0] =	vst v1  }
0x3eb: {  	v1 =	vld [tilespmem:s14+$0xFFFFFFF0];
	_ =	sdelay $0x4  }
0x3ec: {  	v3 =	vunpack.i.l.bf16.f32 v1  }
0x3ed: {  	v1 =	vunpack.i.u.bf16.f32 v1;
	v3 =	vmul.f32 v3, v2  }
0x3ee: {  	v1 =	vmul.f32 v1, v2  }
0x3ef: {  	[tilespmem:s10+$0xFFFFFFE0] =	vst v3  }
0x3f0: {  	[tilespmem:s10+$0xFFFFFFF0] =	vst v1  }
0x3f1: {  	v1 =	vld [tilespmem:s14+$0x0];
	_ =	sdelay $0x4  }
0x3f2: {  	v3 =	vunpack.i.l.bf16.f32 v1  }
0x3f3: {  	v1 =	vunpack.i.u.bf16.f32 v1;
	v3 =	vmul.f32 v3, v2  }
0x3f4: {  	v1 =	vmul.f32 v1, v2  }
0x3f5: {  	[tilespmem:s10+$0x0] =	vst v3  }
0x3f6: {  	[tilespmem:s10+$0x10] =	vst v1  }
0x3f7: {  	v1 =	vld [tilespmem:s14+$0x10];
	_ =	sdelay $0x4  }
0x3f8: {  	v3 =	vunpack.i.l.bf16.f32 v1  }
0x3f9: {  	v1 =	vunpack.i.u.bf16.f32 v1;
	v3 =	vmul.f32 v3, v2  }
0x3fa: {  	v1 =	vmul.f32 v1, v2  }
0x3fb: {  	[tilespmem:s10+$0x20] =	vst v3  }
0x3fc: {  	s18 =	simm.s32 $0x0;
	s17 =	simm.s32 $0x14D00;
	[tilespmem:s10+$0x30] =	vst v1  }
0x3fd: {  	[spmem:s2] =	stream.indirect.scatter.add.f32 [tilespmem:s29], [sflag:$0x5], $0x80, s17, s31, $0xb8;
	[tilespmem:$0x1D800] =	vst v63  }
0x3fe: {  	s19 =	simm.s32 $0x14600;
	v1 =	vmov s18  }
0x3ff: {  	v1 =	vand.u32 $0x7F, v1;
	[tilespmem:s9], [sflag:$0x1] =	stream.indirect.gather [hbm4b:s5+s31], $0x40, s19, s31, $0xb8;
	[tilespmem:$0x1D800] =	vst v63  }
0x400: {  	v1 =	vor.u32 $0x580, v1;
	_ =	swait.ge [sflag:s15], $0x4000  }
0x401: {  	v1 =	vbroadcast v1, $0x0;
	[sflag:s15] =	ssyncset.done $0x0  }
0x402: {  	[sflag:s15] =	ssyncadd.s32 $0xFFFFC000  }
0x403: {  	_ =	swait.ge [sflag:s16], $0x2000  }
0x404: {  	[sflag:s16] =	ssyncset.done $0x0  }
0x405: {  	s14 =	simm.s32 $0x17820;
	[sflag:s16] =	ssyncadd.s32 $0xFFFFE000  }
0x406: {  	v2 =	vld [tilespmem:s14+$0xFFFFFFE0]  }
0x407: {  	v1 =	vld.idx.msk [tilespmem:v1+s4+$0x0], $0xffff;
	_ =	sdelay $0x3  }
0x408: {  	v3 =	vunpack.i.l.bf16.f32 v2  }
0x409: {  	v2 =	vunpack.i.u.bf16.f32 v2;
	v3 =	vmul.f32 v3, v1  }
0x40a: {  	s10 =	simm.s32 $0x19840;
	v2 =	vmul.f32 v2, v1  }
0x40b: {  	[tilespmem:s10+$0xFFFFFFC0] =	vst v3  }
0x40c: {  	[tilespmem:s10+$0xFFFFFFD0] =	vst v2  }
0x40d: {  	v2 =	vld [tilespmem:s14+$0xFFFFFFF0];
	_ =	sdelay $0x4  }
0x40e: {  	v3 =	vunpack.i.l.bf16.f32 v2  }
0x40f: {  	v2 =	vunpack.i.u.bf16.f32 v2;
	v3 =	vmul.f32 v3, v1  }
0x410: {  	v2 =	vmul.f32 v2, v1  }
0x411: {  	[tilespmem:s10+$0xFFFFFFE0] =	vst v3  }
0x412: {  	[tilespmem:s10+$0xFFFFFFF0] =	vst v2  }
0x413: {  	v2 =	vld [tilespmem:s14+$0x0];
	_ =	sdelay $0x4  }
0x414: {  	v3 =	vunpack.i.l.bf16.f32 v2  }
0x415: {  	v2 =	vunpack.i.u.bf16.f32 v2;
	v3 =	vmul.f32 v3, v1  }
0x416: {  	v2 =	vmul.f32 v2, v1  }
0x417: {  	[tilespmem:s10+$0x0] =	vst v3  }
0x418: {  	[tilespmem:s10+$0x10] =	vst v2  }
0x419: {  	s20 =	simm.s32 $0x1;
	v2 =	vld [tilespmem:s14+$0x10]  }
0x41a: {  	v3 =	vmov s20  }
0x41b: {  	v3 =	vand.u32 $0x7F, v3  }
0x41c: {  	s17 =	simm.s32 $0x19840;
	s20 =	simm.s32 $0x2;
	v3 =	vor.u32 $0x580, v3  }
.LBB2_27:
0x41d: {  	s10 =	sadd.s32 $0x80, s10  }
0x41e: {  	v3 =	vbroadcast v3, $0x0;
	v4 =	vunpack.i.u.bf16.f32 v2;
	v2 =	vunpack.i.l.bf16.f32 v2;
	s14 =	sadd.s32 $0x40, s14;
	s19 =	smov.u32 s20;
	s18 =	sadd.s32 $0x1, s20  }
0x41f: {  	p0 =	sne.s32 s20, $0x7F;
	v2 =	vmul.f32 v2, v1;
	v1 =	vmul.f32 v4, v1;
	_ =	sdelay $0x1  }
0x420: {  	[tilespmem:s17+$0x20] =	vst v2  }
0x421: {  	[tilespmem:s17+$0x30] =	vst v1;
	s17 =	smov.u32 s10  }
0x422: {  	v2 =	vld [tilespmem:s14+$0xFFFFFFE0]  }
0x423: {  	v1 =	vld.idx.msk [tilespmem:v3+s4+$0x0], $0xffff;
	_ =	sdelay $0x4  }
0x424: {  	v3 =	vunpack.i.u.bf16.f32 v2;
	v2 =	vunpack.i.l.bf16.f32 v2  }
0x425: {  	v2 =	vmul.f32 v2, v1;
	v3 =	vmul.f32 v3, v1;
	_ =	sdelay $0x1  }
0x426: {  	[tilespmem:s10+$0xFFFFFFC0] =	vst v2  }
0x427: {  	[tilespmem:s10+$0xFFFFFFD0] =	vst v3  }
0x428: {  	v2 =	vld [tilespmem:s14+$0xFFFFFFF0];
	_ =	sdelay $0x4  }
0x429: {  	v3 =	vunpack.i.u.bf16.f32 v2;
	v2 =	vunpack.i.l.bf16.f32 v2  }
0x42a: {  	v2 =	vmul.f32 v2, v1;
	v3 =	vmul.f32 v3, v1;
	_ =	sdelay $0x1  }
0x42b: {  	[tilespmem:s10+$0xFFFFFFE0] =	vst v2  }
0x42c: {  	[tilespmem:s10+$0xFFFFFFF0] =	vst v3  }
0x42d: {  	v2 =	vld [tilespmem:s14+$0x0];
	_ =	sdelay $0x4  }
0x42e: {  	v3 =	vunpack.i.u.bf16.f32 v2;
	v2 =	vunpack.i.l.bf16.f32 v2  }
0x42f: {  	v2 =	vmul.f32 v2, v1;
	v3 =	vmul.f32 v3, v1;
	_ =	sdelay $0x1  }
0x430: {  	[tilespmem:s10+$0x0] =	vst v2  }
0x431: {  	[tilespmem:s10+$0x10] =	vst v3  }
.Ltmp12:
0x432: {  	v2 =	vld [tilespmem:s14+$0x10];
	(pc) =	sbr.rel @p0 .LBB2_27-.Ltmp12, $4  }
0x433: {  	_ = 	snop  }
0x434: {  	v3 =	vmov s19  }
0x435: {  	v3 =	vand.u32 $0x7F, v3  }
0x436: {  	s20 =	smov.u32 s18;
	v3 =	vor.u32 $0x580, v3  }
0x437: {  	v3 =	vbroadcast v3, $0x0;
	v4 =	vunpack.i.l.bf16.f32 v2  }
0x438: {  	v2 =	vunpack.i.u.bf16.f32 v2;
	v4 =	vmul.f32 v4, v1  }
0x439: {  	v1 =	vmul.f32 v2, v1  }
0x43a: {  	[tilespmem:s17+$0x20] =	vst v4  }
0x43b: {  	s14 =	sadd.s32 $0x40, s14;
	[tilespmem:s17+$0x30] =	vst v1  }
0x43c: {  	v1 =	vld [tilespmem:s14+$0xFFFFFFE0]  }
0x43d: {  	v2 =	vld.idx.msk [tilespmem:v3+s4+$0x0], $0xffff;
	_ =	sdelay $0x3  }
0x43e: {  	v3 =	vunpack.i.l.bf16.f32 v1  }
0x43f: {  	v1 =	vunpack.i.u.bf16.f32 v1;
	v3 =	vmul.f32 v3, v2  }
0x440: {  	s10 =	sadd.s32 $0x80, s10;
	v1 =	vmul.f32 v1, v2  }
0x441: {  	[tilespmem:s10+$0xFFFFFFC0] =	vst v3  }
0x442: {  	[tilespmem:s10+$0xFFFFFFD0] =	vst v1  }
0x443: {  	v1 =	vld [tilespmem:s14+$0xFFFFFFF0];
	_ =	sdelay $0x4  }
0x444: {  	v3 =	vunpack.i.l.bf16.f32 v1  }
0x445: {  	v1 =	vunpack.i.u.bf16.f32 v1;
	v3 =	vmul.f32 v3, v2  }
0x446: {  	v1 =	vmul.f32 v1, v2  }
0x447: {  	[tilespmem:s10+$0xFFFFFFE0] =	vst v3  }
0x448: {  	[tilespmem:s10+$0xFFFFFFF0] =	vst v1  }
0x449: {  	v1 =	vld [tilespmem:s14+$0x0];
	_ =	sdelay $0x4  }
0x44a: {  	v3 =	vunpack.i.l.bf16.f32 v1  }
0x44b: {  	v1 =	vunpack.i.u.bf16.f32 v1;
	v3 =	vmul.f32 v3, v2  }
0x44c: {  	v1 =	vmul.f32 v1, v2  }
0x44d: {  	[tilespmem:s10+$0x0] =	vst v3  }
0x44e: {  	[tilespmem:s10+$0x10] =	vst v1  }
0x44f: {  	v1 =	vld [tilespmem:s14+$0x10];
	_ =	sdelay $0x4  }
0x450: {  	v3 =	vunpack.i.l.bf16.f32 v1  }
0x451: {  	v1 =	vunpack.i.u.bf16.f32 v1;
	v3 =	vmul.f32 v3, v2  }
0x452: {  	v1 =	vmul.f32 v1, v2  }
0x453: {  	[tilespmem:s10+$0x20] =	vst v3  }
0x454: {  	s19 =	simm.s32 $0x0;
	[tilespmem:s10+$0x30] =	vst v1  }
0x455: {  	[spmem:s2] =	stream.indirect.scatter.add.f32 [tilespmem:s29], [sflag:$0x5], $0x80, s21, s31, $0xb8;
	[tilespmem:$0x1D800] =	vst v63  }
0x456: {  	v1 =	vmov s19  }
0x457: {  	v1 =	vand.u32 $0x7F, v1;
	[tilespmem:s11], [sflag:$0x2] =	stream.indirect.gather [hbm4b:s5+s31], $0x40, s22, s31, $0xb8;
	[tilespmem:$0x1D800] =	vst v63  }
0x458: {  	v1 =	vor.u32 $0x600, v1;
	_ =	swait.ge [sflag:s15], $0x4000  }
0x459: {  	v1 =	vbroadcast v1, $0x0;
	[sflag:s15] =	ssyncset.done $0x0  }
0x45a: {  	[sflag:s15] =	ssyncadd.s32 $0xFFFFC000  }
0x45b: {  	_ =	swait.ge [sflag:s13], $0x2000  }
0x45c: {  	[sflag:s13] =	ssyncset.done $0x0  }
0x45d: {  	s14 =	simm.s32 $0x15820;
	[sflag:s13] =	ssyncadd.s32 $0xFFFFE000  }
0x45e: {  	v2 =	vld [tilespmem:s14+$0xFFFFFFE0]  }
0x45f: {  	v1 =	vld.idx.msk [tilespmem:v1+s4+$0x0], $0xffff;
	_ =	sdelay $0x3  }
0x460: {  	v3 =	vunpack.i.l.bf16.f32 v2  }
0x461: {  	v2 =	vunpack.i.u.bf16.f32 v2;
	v3 =	vmul.f32 v3, v1  }
0x462: {  	s10 =	simm.s32 $0x19840;
	v2 =	vmul.f32 v2, v1  }
0x463: {  	[tilespmem:s10+$0xFFFFFFC0] =	vst v3  }
0x464: {  	[tilespmem:s10+$0xFFFFFFD0] =	vst v2  }
0x465: {  	v2 =	vld [tilespmem:s14+$0xFFFFFFF0];
	_ =	sdelay $0x4  }
0x466: {  	v3 =	vunpack.i.l.bf16.f32 v2  }
0x467: {  	v2 =	vunpack.i.u.bf16.f32 v2;
	v3 =	vmul.f32 v3, v1  }
0x468: {  	v2 =	vmul.f32 v2, v1  }
0x469: {  	[tilespmem:s10+$0xFFFFFFE0] =	vst v3  }
0x46a: {  	[tilespmem:s10+$0xFFFFFFF0] =	vst v2  }
0x46b: {  	v2 =	vld [tilespmem:s14+$0x0];
	_ =	sdelay $0x4  }
0x46c: {  	v3 =	vunpack.i.l.bf16.f32 v2  }
0x46d: {  	v2 =	vunpack.i.u.bf16.f32 v2;
	v3 =	vmul.f32 v3, v1  }
0x46e: {  	v2 =	vmul.f32 v2, v1  }
0x46f: {  	[tilespmem:s10+$0x0] =	vst v3  }
0x470: {  	[tilespmem:s10+$0x10] =	vst v2  }
0x471: {  	s20 =	simm.s32 $0x1;
	v2 =	vld [tilespmem:s14+$0x10]  }
0x472: {  	v3 =	vmov s20  }
0x473: {  	v3 =	vand.u32 $0x7F, v3  }
0x474: {  	s17 =	simm.s32 $0x19840;
	s20 =	simm.s32 $0x2;
	v3 =	vor.u32 $0x600, v3  }
.LBB2_29:
0x475: {  	s10 =	sadd.s32 $0x80, s10  }
0x476: {  	v3 =	vbroadcast v3, $0x0;
	v4 =	vunpack.i.u.bf16.f32 v2;
	v2 =	vunpack.i.l.bf16.f32 v2;
	s14 =	sadd.s32 $0x40, s14;
	s19 =	smov.u32 s20;
	s18 =	sadd.s32 $0x1, s20  }
0x477: {  	p0 =	sne.s32 s20, $0x7F;
	v2 =	vmul.f32 v2, v1;
	v1 =	vmul.f32 v4, v1;
	_ =	sdelay $0x1  }
0x478: {  	[tilespmem:s17+$0x20] =	vst v2  }
0x479: {  	[tilespmem:s17+$0x30] =	vst v1;
	s17 =	smov.u32 s10  }
0x47a: {  	v2 =	vld [tilespmem:s14+$0xFFFFFFE0]  }
0x47b: {  	v1 =	vld.idx.msk [tilespmem:v3+s4+$0x0], $0xffff;
	_ =	sdelay $0x4  }
0x47c: {  	v3 =	vunpack.i.u.bf16.f32 v2;
	v2 =	vunpack.i.l.bf16.f32 v2  }
0x47d: {  	v2 =	vmul.f32 v2, v1;
	v3 =	vmul.f32 v3, v1;
	_ =	sdelay $0x1  }
0x47e: {  	[tilespmem:s10+$0xFFFFFFC0] =	vst v2  }
0x47f: {  	[tilespmem:s10+$0xFFFFFFD0] =	vst v3  }
0x480: {  	v2 =	vld [tilespmem:s14+$0xFFFFFFF0];
	_ =	sdelay $0x4  }
0x481: {  	v3 =	vunpack.i.u.bf16.f32 v2;
	v2 =	vunpack.i.l.bf16.f32 v2  }
0x482: {  	v2 =	vmul.f32 v2, v1;
	v3 =	vmul.f32 v3, v1;
	_ =	sdelay $0x1  }
0x483: {  	[tilespmem:s10+$0xFFFFFFE0] =	vst v2  }
0x484: {  	[tilespmem:s10+$0xFFFFFFF0] =	vst v3  }
0x485: {  	v2 =	vld [tilespmem:s14+$0x0];
	_ =	sdelay $0x4  }
0x486: {  	v3 =	vunpack.i.u.bf16.f32 v2;
	v2 =	vunpack.i.l.bf16.f32 v2  }
0x487: {  	v2 =	vmul.f32 v2, v1;
	v3 =	vmul.f32 v3, v1;
	_ =	sdelay $0x1  }
0x488: {  	[tilespmem:s10+$0x0] =	vst v2  }
0x489: {  	[tilespmem:s10+$0x10] =	vst v3  }
.Ltmp13:
0x48a: {  	v2 =	vld [tilespmem:s14+$0x10];
	(pc) =	sbr.rel @p0 .LBB2_29-.Ltmp13, $4  }
0x48b: {  	_ = 	snop  }
0x48c: {  	v3 =	vmov s19  }
0x48d: {  	v3 =	vand.u32 $0x7F, v3  }
0x48e: {  	s20 =	smov.u32 s18;
	v3 =	vor.u32 $0x600, v3  }
0x48f: {  	v3 =	vbroadcast v3, $0x0;
	v4 =	vunpack.i.l.bf16.f32 v2  }
0x490: {  	v2 =	vunpack.i.u.bf16.f32 v2;
	v4 =	vmul.f32 v4, v1  }
0x491: {  	v1 =	vmul.f32 v2, v1  }
0x492: {  	[tilespmem:s17+$0x20] =	vst v4  }
0x493: {  	s14 =	sadd.s32 $0x40, s14;
	[tilespmem:s17+$0x30] =	vst v1  }
0x494: {  	v1 =	vld [tilespmem:s14+$0xFFFFFFE0]  }
0x495: {  	v2 =	vld.idx.msk [tilespmem:v3+s4+$0x0], $0xffff;
	_ =	sdelay $0x3  }
0x496: {  	v3 =	vunpack.i.l.bf16.f32 v1  }
0x497: {  	v1 =	vunpack.i.u.bf16.f32 v1;
	v3 =	vmul.f32 v3, v2  }
0x498: {  	s10 =	sadd.s32 $0x80, s10;
	v1 =	vmul.f32 v1, v2  }
0x499: {  	[tilespmem:s10+$0xFFFFFFC0] =	vst v3  }
0x49a: {  	[tilespmem:s10+$0xFFFFFFD0] =	vst v1  }
0x49b: {  	v1 =	vld [tilespmem:s14+$0xFFFFFFF0];
	_ =	sdelay $0x4  }
0x49c: {  	v3 =	vunpack.i.l.bf16.f32 v1  }
0x49d: {  	v1 =	vunpack.i.u.bf16.f32 v1;
	v3 =	vmul.f32 v3, v2  }
0x49e: {  	v1 =	vmul.f32 v1, v2  }
0x49f: {  	[tilespmem:s10+$0xFFFFFFE0] =	vst v3  }
0x4a0: {  	[tilespmem:s10+$0xFFFFFFF0] =	vst v1  }
0x4a1: {  	v1 =	vld [tilespmem:s14+$0x0];
	_ =	sdelay $0x4  }
0x4a2: {  	v3 =	vunpack.i.l.bf16.f32 v1  }
0x4a3: {  	v1 =	vunpack.i.u.bf16.f32 v1;
	v3 =	vmul.f32 v3, v2  }
0x4a4: {  	v1 =	vmul.f32 v1, v2  }
0x4a5: {  	[tilespmem:s10+$0x0] =	vst v3  }
0x4a6: {  	[tilespmem:s10+$0x10] =	vst v1  }
0x4a7: {  	v1 =	vld [tilespmem:s14+$0x10];
	_ =	sdelay $0x4  }
0x4a8: {  	v3 =	vunpack.i.l.bf16.f32 v1  }
0x4a9: {  	v1 =	vunpack.i.u.bf16.f32 v1;
	v3 =	vmul.f32 v3, v2  }
0x4aa: {  	v1 =	vmul.f32 v1, v2  }
0x4ab: {  	[tilespmem:s10+$0x20] =	vst v3  }
0x4ac: {  	s19 =	simm.s32 $0x0;
	[tilespmem:s10+$0x30] =	vst v1  }
0x4ad: {  	[spmem:s2] =	stream.indirect.scatter.add.f32 [tilespmem:s29], [sflag:$0x5], $0x80, s23, s31, $0xb8;
	[tilespmem:$0x1D800] =	vst v63  }
0x4ae: {  	v1 =	vmov s19  }
0x4af: {  	v1 =	vand.u32 $0x7F, v1;
	[tilespmem:s9], [sflag:$0x1] =	stream.indirect.gather [hbm4b:s5+s31], $0x40, s24, s31, $0xb8;
	[tilespmem:$0x1D800] =	vst v63  }
0x4b0: {  	v1 =	vor.u32 $0x680, v1;
	_ =	swait.ge [sflag:s15], $0x4000  }
0x4b1: {  	v1 =	vbroadcast v1, $0x0;
	[sflag:s15] =	ssyncset.done $0x0  }
0x4b2: {  	[sflag:s15] =	ssyncadd.s32 $0xFFFFC000  }
0x4b3: {  	_ =	swait.ge [sflag:s16], $0x2000  }
0x4b4: {  	[sflag:s16] =	ssyncset.done $0x0  }
0x4b5: {  	s14 =	simm.s32 $0x17820;
	[sflag:s16] =	ssyncadd.s32 $0xFFFFE000  }
0x4b6: {  	v2 =	vld [tilespmem:s14+$0xFFFFFFE0]  }
0x4b7: {  	v1 =	vld.idx.msk [tilespmem:v1+s4+$0x0], $0xffff;
	_ =	sdelay $0x3  }
0x4b8: {  	v3 =	vunpack.i.l.bf16.f32 v2  }
0x4b9: {  	v2 =	vunpack.i.u.bf16.f32 v2;
	v3 =	vmul.f32 v3, v1  }
0x4ba: {  	s10 =	simm.s32 $0x19840;
	v2 =	vmul.f32 v2, v1  }
0x4bb: {  	[tilespmem:s10+$0xFFFFFFC0] =	vst v3  }
0x4bc: {  	[tilespmem:s10+$0xFFFFFFD0] =	vst v2  }
0x4bd: {  	v2 =	vld [tilespmem:s14+$0xFFFFFFF0];
	_ =	sdelay $0x4  }
0x4be: {  	v3 =	vunpack.i.l.bf16.f32 v2  }
0x4bf: {  	v2 =	vunpack.i.u.bf16.f32 v2;
	v3 =	vmul.f32 v3, v1  }
0x4c0: {  	v2 =	vmul.f32 v2, v1  }
0x4c1: {  	[tilespmem:s10+$0xFFFFFFE0] =	vst v3  }
0x4c2: {  	[tilespmem:s10+$0xFFFFFFF0] =	vst v2  }
0x4c3: {  	v2 =	vld [tilespmem:s14+$0x0];
	_ =	sdelay $0x4  }
0x4c4: {  	v3 =	vunpack.i.l.bf16.f32 v2  }
0x4c5: {  	v2 =	vunpack.i.u.bf16.f32 v2;
	v3 =	vmul.f32 v3, v1  }
0x4c6: {  	v2 =	vmul.f32 v2, v1  }
0x4c7: {  	[tilespmem:s10+$0x0] =	vst v3  }
0x4c8: {  	[tilespmem:s10+$0x10] =	vst v2  }
0x4c9: {  	s20 =	simm.s32 $0x1;
	v2 =	vld [tilespmem:s14+$0x10]  }
0x4ca: {  	v3 =	vmov s20  }
0x4cb: {  	v3 =	vand.u32 $0x7F, v3  }
0x4cc: {  	s17 =	simm.s32 $0x19840;
	s20 =	simm.s32 $0x2;
	v3 =	vor.u32 $0x680, v3  }
.LBB2_31:
0x4cd: {  	s10 =	sadd.s32 $0x80, s10  }
0x4ce: {  	v3 =	vbroadcast v3, $0x0;
	v4 =	vunpack.i.u.bf16.f32 v2;
	v2 =	vunpack.i.l.bf16.f32 v2;
	s14 =	sadd.s32 $0x40, s14;
	s19 =	smov.u32 s20;
	s18 =	sadd.s32 $0x1, s20  }
0x4cf: {  	p0 =	sne.s32 s20, $0x7F;
	v2 =	vmul.f32 v2, v1;
	v1 =	vmul.f32 v4, v1;
	_ =	sdelay $0x1  }
0x4d0: {  	[tilespmem:s17+$0x20] =	vst v2  }
0x4d1: {  	[tilespmem:s17+$0x30] =	vst v1;
	s17 =	smov.u32 s10  }
0x4d2: {  	v2 =	vld [tilespmem:s14+$0xFFFFFFE0]  }
0x4d3: {  	v1 =	vld.idx.msk [tilespmem:v3+s4+$0x0], $0xffff;
	_ =	sdelay $0x4  }
0x4d4: {  	v3 =	vunpack.i.u.bf16.f32 v2;
	v2 =	vunpack.i.l.bf16.f32 v2  }
0x4d5: {  	v2 =	vmul.f32 v2, v1;
	v3 =	vmul.f32 v3, v1;
	_ =	sdelay $0x1  }
0x4d6: {  	[tilespmem:s10+$0xFFFFFFC0] =	vst v2  }
0x4d7: {  	[tilespmem:s10+$0xFFFFFFD0] =	vst v3  }
0x4d8: {  	v2 =	vld [tilespmem:s14+$0xFFFFFFF0];
	_ =	sdelay $0x4  }
0x4d9: {  	v3 =	vunpack.i.u.bf16.f32 v2;
	v2 =	vunpack.i.l.bf16.f32 v2  }
0x4da: {  	v2 =	vmul.f32 v2, v1;
	v3 =	vmul.f32 v3, v1;
	_ =	sdelay $0x1  }
0x4db: {  	[tilespmem:s10+$0xFFFFFFE0] =	vst v2  }
0x4dc: {  	[tilespmem:s10+$0xFFFFFFF0] =	vst v3  }
0x4dd: {  	v2 =	vld [tilespmem:s14+$0x0];
	_ =	sdelay $0x4  }
0x4de: {  	v3 =	vunpack.i.u.bf16.f32 v2;
	v2 =	vunpack.i.l.bf16.f32 v2  }
0x4df: {  	v2 =	vmul.f32 v2, v1;
	v3 =	vmul.f32 v3, v1;
	_ =	sdelay $0x1  }
0x4e0: {  	[tilespmem:s10+$0x0] =	vst v2  }
0x4e1: {  	[tilespmem:s10+$0x10] =	vst v3  }
.Ltmp14:
0x4e2: {  	v2 =	vld [tilespmem:s14+$0x10];
	(pc) =	sbr.rel @p0 .LBB2_31-.Ltmp14, $4  }
0x4e3: {  	_ = 	snop  }
0x4e4: {  	v3 =	vmov s19  }
0x4e5: {  	v3 =	vand.u32 $0x7F, v3  }
0x4e6: {  	s20 =	smov.u32 s18;
	v3 =	vor.u32 $0x680, v3  }
0x4e7: {  	v3 =	vbroadcast v3, $0x0;
	v4 =	vunpack.i.l.bf16.f32 v2  }
0x4e8: {  	v2 =	vunpack.i.u.bf16.f32 v2;
	v4 =	vmul.f32 v4, v1  }
0x4e9: {  	v1 =	vmul.f32 v2, v1  }
0x4ea: {  	[tilespmem:s17+$0x20] =	vst v4  }
0x4eb: {  	s14 =	sadd.s32 $0x40, s14;
	[tilespmem:s17+$0x30] =	vst v1  }
0x4ec: {  	v1 =	vld [tilespmem:s14+$0xFFFFFFE0]  }
0x4ed: {  	v2 =	vld.idx.msk [tilespmem:v3+s4+$0x0], $0xffff;
	_ =	sdelay $0x3  }
0x4ee: {  	v3 =	vunpack.i.l.bf16.f32 v1  }
0x4ef: {  	v1 =	vunpack.i.u.bf16.f32 v1;
	v3 =	vmul.f32 v3, v2  }
0x4f0: {  	s10 =	sadd.s32 $0x80, s10;
	v1 =	vmul.f32 v1, v2  }
0x4f1: {  	[tilespmem:s10+$0xFFFFFFC0] =	vst v3  }
0x4f2: {  	[tilespmem:s10+$0xFFFFFFD0] =	vst v1  }
0x4f3: {  	v1 =	vld [tilespmem:s14+$0xFFFFFFF0];
	_ =	sdelay $0x4  }
0x4f4: {  	v3 =	vunpack.i.l.bf16.f32 v1  }
0x4f5: {  	v1 =	vunpack.i.u.bf16.f32 v1;
	v3 =	vmul.f32 v3, v2  }
0x4f6: {  	v1 =	vmul.f32 v1, v2  }
0x4f7: {  	[tilespmem:s10+$0xFFFFFFE0] =	vst v3  }
0x4f8: {  	[tilespmem:s10+$0xFFFFFFF0] =	vst v1  }
0x4f9: {  	v1 =	vld [tilespmem:s14+$0x0];
	_ =	sdelay $0x4  }
0x4fa: {  	v3 =	vunpack.i.l.bf16.f32 v1  }
0x4fb: {  	v1 =	vunpack.i.u.bf16.f32 v1;
	v3 =	vmul.f32 v3, v2  }
0x4fc: {  	v1 =	vmul.f32 v1, v2  }
0x4fd: {  	[tilespmem:s10+$0x0] =	vst v3  }
0x4fe: {  	[tilespmem:s10+$0x10] =	vst v1  }
0x4ff: {  	v1 =	vld [tilespmem:s14+$0x10];
	_ =	sdelay $0x4  }
0x500: {  	v3 =	vunpack.i.l.bf16.f32 v1  }
0x501: {  	v1 =	vunpack.i.u.bf16.f32 v1;
	v3 =	vmul.f32 v3, v2  }
0x502: {  	v1 =	vmul.f32 v1, v2  }
0x503: {  	[tilespmem:s10+$0x20] =	vst v3  }
0x504: {  	s19 =	simm.s32 $0x0;
	[tilespmem:s10+$0x30] =	vst v1  }
0x505: {  	[spmem:s2] =	stream.indirect.scatter.add.f32 [tilespmem:s29], [sflag:$0x5], $0x80, s25, s31, $0xb8;
	[tilespmem:$0x1D800] =	vst v63  }
0x506: {  	v1 =	vmov s19  }
0x507: {  	v1 =	vand.u32 $0x7F, v1;
	[tilespmem:s11], [sflag:$0x2] =	stream.indirect.gather [hbm4b:s5+s31], $0x40, s26, s31, $0xb8;
	[tilespmem:$0x1D800] =	vst v63  }
0x508: {  	v1 =	vor.u32 $0x700, v1;
	_ =	swait.ge [sflag:s15], $0x4000  }
0x509: {  	v1 =	vbroadcast v1, $0x0;
	[sflag:s15] =	ssyncset.done $0x0  }
0x50a: {  	[sflag:s15] =	ssyncadd.s32 $0xFFFFC000  }
0x50b: {  	_ =	swait.ge [sflag:s13], $0x2000  }
0x50c: {  	[sflag:s13] =	ssyncset.done $0x0  }
0x50d: {  	s14 =	simm.s32 $0x15820;
	[sflag:s13] =	ssyncadd.s32 $0xFFFFE000  }
0x50e: {  	v2 =	vld [tilespmem:s14+$0xFFFFFFE0]  }
0x50f: {  	v1 =	vld.idx.msk [tilespmem:v1+s4+$0x0], $0xffff;
	_ =	sdelay $0x3  }
0x510: {  	v3 =	vunpack.i.l.bf16.f32 v2  }
0x511: {  	v2 =	vunpack.i.u.bf16.f32 v2;
	v3 =	vmul.f32 v3, v1  }
0x512: {  	s10 =	simm.s32 $0x19840;
	v2 =	vmul.f32 v2, v1  }
0x513: {  	[tilespmem:s10+$0xFFFFFFC0] =	vst v3  }
0x514: {  	[tilespmem:s10+$0xFFFFFFD0] =	vst v2  }
0x515: {  	v2 =	vld [tilespmem:s14+$0xFFFFFFF0];
	_ =	sdelay $0x4  }
0x516: {  	v3 =	vunpack.i.l.bf16.f32 v2  }
0x517: {  	v2 =	vunpack.i.u.bf16.f32 v2;
	v3 =	vmul.f32 v3, v1  }
0x518: {  	v2 =	vmul.f32 v2, v1  }
0x519: {  	[tilespmem:s10+$0xFFFFFFE0] =	vst v3  }
0x51a: {  	[tilespmem:s10+$0xFFFFFFF0] =	vst v2  }
0x51b: {  	v2 =	vld [tilespmem:s14+$0x0];
	_ =	sdelay $0x4  }
0x51c: {  	v3 =	vunpack.i.l.bf16.f32 v2  }
0x51d: {  	v2 =	vunpack.i.u.bf16.f32 v2;
	v3 =	vmul.f32 v3, v1  }
0x51e: {  	v2 =	vmul.f32 v2, v1  }
0x51f: {  	[tilespmem:s10+$0x0] =	vst v3  }
0x520: {  	[tilespmem:s10+$0x10] =	vst v2  }
0x521: {  	s20 =	simm.s32 $0x1;
	v2 =	vld [tilespmem:s14+$0x10]  }
0x522: {  	v3 =	vmov s20  }
0x523: {  	v3 =	vand.u32 $0x7F, v3  }
0x524: {  	s17 =	simm.s32 $0x19840;
	s20 =	simm.s32 $0x2;
	v3 =	vor.u32 $0x700, v3  }
.LBB2_33:
0x525: {  	s10 =	sadd.s32 $0x80, s10  }
0x526: {  	v3 =	vbroadcast v3, $0x0;
	v4 =	vunpack.i.u.bf16.f32 v2;
	v2 =	vunpack.i.l.bf16.f32 v2;
	s14 =	sadd.s32 $0x40, s14;
	s19 =	smov.u32 s20;
	s18 =	sadd.s32 $0x1, s20  }
0x527: {  	p0 =	sne.s32 s20, $0x7F;
	v2 =	vmul.f32 v2, v1;
	v1 =	vmul.f32 v4, v1;
	_ =	sdelay $0x1  }
0x528: {  	[tilespmem:s17+$0x20] =	vst v2  }
0x529: {  	[tilespmem:s17+$0x30] =	vst v1;
	s17 =	smov.u32 s10  }
0x52a: {  	v2 =	vld [tilespmem:s14+$0xFFFFFFE0]  }
0x52b: {  	v1 =	vld.idx.msk [tilespmem:v3+s4+$0x0], $0xffff;
	_ =	sdelay $0x4  }
0x52c: {  	v3 =	vunpack.i.u.bf16.f32 v2;
	v2 =	vunpack.i.l.bf16.f32 v2  }
0x52d: {  	v2 =	vmul.f32 v2, v1;
	v3 =	vmul.f32 v3, v1;
	_ =	sdelay $0x1  }
0x52e: {  	[tilespmem:s10+$0xFFFFFFC0] =	vst v2  }
0x52f: {  	[tilespmem:s10+$0xFFFFFFD0] =	vst v3  }
0x530: {  	v2 =	vld [tilespmem:s14+$0xFFFFFFF0];
	_ =	sdelay $0x4  }
0x531: {  	v3 =	vunpack.i.u.bf16.f32 v2;
	v2 =	vunpack.i.l.bf16.f32 v2  }
0x532: {  	v2 =	vmul.f32 v2, v1;
	v3 =	vmul.f32 v3, v1;
	_ =	sdelay $0x1  }
0x533: {  	[tilespmem:s10+$0xFFFFFFE0] =	vst v2  }
0x534: {  	[tilespmem:s10+$0xFFFFFFF0] =	vst v3  }
0x535: {  	v2 =	vld [tilespmem:s14+$0x0];
	_ =	sdelay $0x4  }
0x536: {  	v3 =	vunpack.i.u.bf16.f32 v2;
	v2 =	vunpack.i.l.bf16.f32 v2  }
0x537: {  	v2 =	vmul.f32 v2, v1;
	v3 =	vmul.f32 v3, v1;
	_ =	sdelay $0x1  }
0x538: {  	[tilespmem:s10+$0x0] =	vst v2  }
0x539: {  	[tilespmem:s10+$0x10] =	vst v3  }
.Ltmp15:
0x53a: {  	v2 =	vld [tilespmem:s14+$0x10];
	(pc) =	sbr.rel @p0 .LBB2_33-.Ltmp15, $4  }
0x53b: {  	_ = 	snop  }
0x53c: {  	v3 =	vmov s19  }
0x53d: {  	v3 =	vand.u32 $0x7F, v3  }
0x53e: {  	s20 =	smov.u32 s18;
	v3 =	vor.u32 $0x700, v3  }
0x53f: {  	v3 =	vbroadcast v3, $0x0;
	v4 =	vunpack.i.l.bf16.f32 v2  }
0x540: {  	v2 =	vunpack.i.u.bf16.f32 v2;
	v4 =	vmul.f32 v4, v1  }
0x541: {  	v1 =	vmul.f32 v2, v1  }
0x542: {  	[tilespmem:s17+$0x20] =	vst v4  }
0x543: {  	s14 =	sadd.s32 $0x40, s14;
	[tilespmem:s17+$0x30] =	vst v1  }
0x544: {  	v1 =	vld [tilespmem:s14+$0xFFFFFFE0]  }
0x545: {  	v2 =	vld.idx.msk [tilespmem:v3+s4+$0x0], $0xffff;
	_ =	sdelay $0x3  }
0x546: {  	v3 =	vunpack.i.l.bf16.f32 v1  }
0x547: {  	v1 =	vunpack.i.u.bf16.f32 v1;
	v3 =	vmul.f32 v3, v2  }
0x548: {  	s10 =	sadd.s32 $0x80, s10;
	v1 =	vmul.f32 v1, v2  }
0x549: {  	[tilespmem:s10+$0xFFFFFFC0] =	vst v3  }
0x54a: {  	[tilespmem:s10+$0xFFFFFFD0] =	vst v1  }
0x54b: {  	v1 =	vld [tilespmem:s14+$0xFFFFFFF0];
	_ =	sdelay $0x4  }
0x54c: {  	v3 =	vunpack.i.l.bf16.f32 v1  }
0x54d: {  	v1 =	vunpack.i.u.bf16.f32 v1;
	v3 =	vmul.f32 v3, v2  }
0x54e: {  	v1 =	vmul.f32 v1, v2  }
0x54f: {  	[tilespmem:s10+$0xFFFFFFE0] =	vst v3  }
0x550: {  	[tilespmem:s10+$0xFFFFFFF0] =	vst v1  }
0x551: {  	v1 =	vld [tilespmem:s14+$0x0];
	_ =	sdelay $0x4  }
0x552: {  	v3 =	vunpack.i.l.bf16.f32 v1  }
0x553: {  	v1 =	vunpack.i.u.bf16.f32 v1;
	v3 =	vmul.f32 v3, v2  }
0x554: {  	v1 =	vmul.f32 v1, v2  }
0x555: {  	[tilespmem:s10+$0x0] =	vst v3  }
0x556: {  	[tilespmem:s10+$0x10] =	vst v1  }
0x557: {  	v1 =	vld [tilespmem:s14+$0x10];
	_ =	sdelay $0x4  }
0x558: {  	v3 =	vunpack.i.l.bf16.f32 v1  }
0x559: {  	v1 =	vunpack.i.u.bf16.f32 v1;
	v3 =	vmul.f32 v3, v2  }
0x55a: {  	v1 =	vmul.f32 v1, v2  }
0x55b: {  	s19 =	simm.s32 $0x0;
	[tilespmem:s10+$0x20] =	vst v3  }
0x55c: {  	[tilespmem:s10+$0x30] =	vst v1;
	v1 =	vmov s19  }
0x55d: {  	[spmem:s2] =	stream.indirect.scatter.add.f32 [tilespmem:s29], [sflag:$0x5], $0x80, s28, s31, $0xb8;
	v1 =	vand.u32 $0x7F, v1;
	[tilespmem:$0x1D800] =	vst v63  }
0x55e: {  	_ =	swait.ge [sflag:s15], $0x4000;
	v1 =	vor.u32 $0x780, v1  }
0x55f: {  	[sflag:s15] =	ssyncset.done $0x0;
	v1 =	vbroadcast v1, $0x0  }
0x560: {  	[sflag:s15] =	ssyncadd.s32 $0xFFFFC000  }
0x561: {  	_ =	swait.ge [sflag:s16], $0x2000  }
0x562: {  	[sflag:s16] =	ssyncset.done $0x0  }
0x563: {  	s14 =	simm.s32 $0x17820;
	[sflag:s16] =	ssyncadd.s32 $0xFFFFE000  }
0x564: {  	v2 =	vld [tilespmem:s14+$0xFFFFFFE0]  }
0x565: {  	v1 =	vld.idx.msk [tilespmem:v1+s4+$0x0], $0xffff;
	_ =	sdelay $0x3  }
0x566: {  	v3 =	vunpack.i.l.bf16.f32 v2  }
0x567: {  	v2 =	vunpack.i.u.bf16.f32 v2;
	v3 =	vmul.f32 v3, v1  }
0x568: {  	s10 =	simm.s32 $0x19840;
	v2 =	vmul.f32 v2, v1  }
0x569: {  	[tilespmem:s10+$0xFFFFFFC0] =	vst v3  }
0x56a: {  	[tilespmem:s10+$0xFFFFFFD0] =	vst v2  }
0x56b: {  	v2 =	vld [tilespmem:s14+$0xFFFFFFF0];
	_ =	sdelay $0x4  }
0x56c: {  	v3 =	vunpack.i.l.bf16.f32 v2  }
0x56d: {  	v2 =	vunpack.i.u.bf16.f32 v2;
	v3 =	vmul.f32 v3, v1  }
0x56e: {  	v2 =	vmul.f32 v2, v1  }
0x56f: {  	[tilespmem:s10+$0xFFFFFFE0] =	vst v3  }
0x570: {  	[tilespmem:s10+$0xFFFFFFF0] =	vst v2  }
0x571: {  	v2 =	vld [tilespmem:s14+$0x0];
	_ =	sdelay $0x4  }
0x572: {  	v3 =	vunpack.i.l.bf16.f32 v2  }
0x573: {  	v2 =	vunpack.i.u.bf16.f32 v2;
	v3 =	vmul.f32 v3, v1  }
0x574: {  	v2 =	vmul.f32 v2, v1  }
0x575: {  	[tilespmem:s10+$0x0] =	vst v3  }
0x576: {  	[tilespmem:s10+$0x10] =	vst v2  }
0x577: {  	s20 =	simm.s32 $0x1;
	v2 =	vld [tilespmem:s14+$0x10]  }
0x578: {  	v3 =	vmov s20  }
0x579: {  	v3 =	vand.u32 $0x7F, v3  }
0x57a: {  	s17 =	simm.s32 $0x19840;
	s20 =	simm.s32 $0x2;
	v3 =	vor.u32 $0x780, v3  }
.LBB2_35:
0x57b: {  	s10 =	sadd.s32 $0x80, s10  }
0x57c: {  	v3 =	vbroadcast v3, $0x0;
	v4 =	vunpack.i.u.bf16.f32 v2;
	v2 =	vunpack.i.l.bf16.f32 v2;
	s14 =	sadd.s32 $0x40, s14;
	s19 =	smov.u32 s20;
	s18 =	sadd.s32 $0x1, s20  }
0x57d: {  	p0 =	sne.s32 s20, $0x7F;
	v2 =	vmul.f32 v2, v1;
	v1 =	vmul.f32 v4, v1;
	_ =	sdelay $0x1  }
0x57e: {  	[tilespmem:s17+$0x20] =	vst v2  }
0x57f: {  	[tilespmem:s17+$0x30] =	vst v1;
	s17 =	smov.u32 s10  }
0x580: {  	v2 =	vld [tilespmem:s14+$0xFFFFFFE0]  }
0x581: {  	v1 =	vld.idx.msk [tilespmem:v3+s4+$0x0], $0xffff;
	_ =	sdelay $0x4  }
0x582: {  	v3 =	vunpack.i.u.bf16.f32 v2;
	v2 =	vunpack.i.l.bf16.f32 v2  }
0x583: {  	v2 =	vmul.f32 v2, v1;
	v3 =	vmul.f32 v3, v1;
	_ =	sdelay $0x1  }
0x584: {  	[tilespmem:s10+$0xFFFFFFC0] =	vst v2  }
0x585: {  	[tilespmem:s10+$0xFFFFFFD0] =	vst v3  }
0x586: {  	v2 =	vld [tilespmem:s14+$0xFFFFFFF0];
	_ =	sdelay $0x4  }
0x587: {  	v3 =	vunpack.i.u.bf16.f32 v2;
	v2 =	vunpack.i.l.bf16.f32 v2  }
0x588: {  	v2 =	vmul.f32 v2, v1;
	v3 =	vmul.f32 v3, v1;
	_ =	sdelay $0x1  }
0x589: {  	[tilespmem:s10+$0xFFFFFFE0] =	vst v2  }
0x58a: {  	[tilespmem:s10+$0xFFFFFFF0] =	vst v3  }
0x58b: {  	v2 =	vld [tilespmem:s14+$0x0];
	_ =	sdelay $0x4  }
0x58c: {  	v3 =	vunpack.i.u.bf16.f32 v2;
	v2 =	vunpack.i.l.bf16.f32 v2  }
0x58d: {  	v2 =	vmul.f32 v2, v1;
	v3 =	vmul.f32 v3, v1;
	_ =	sdelay $0x1  }
0x58e: {  	[tilespmem:s10+$0x0] =	vst v2  }
0x58f: {  	[tilespmem:s10+$0x10] =	vst v3  }
.Ltmp16:
0x590: {  	v2 =	vld [tilespmem:s14+$0x10];
	(pc) =	sbr.rel @p0 .LBB2_35-.Ltmp16, $4  }
0x591: {  	_ = 	snop  }
0x592: {  	v3 =	vmov s19  }
0x593: {  	v3 =	vand.u32 $0x7F, v3  }
0x594: {  	s20 =	smov.u32 s18;
	v3 =	vor.u32 $0x780, v3  }
0x595: {  	v3 =	vbroadcast v3, $0x0;
	v4 =	vunpack.i.l.bf16.f32 v2  }
0x596: {  	v2 =	vunpack.i.u.bf16.f32 v2;
	v4 =	vmul.f32 v4, v1  }
0x597: {  	v1 =	vmul.f32 v2, v1  }
0x598: {  	[tilespmem:s17+$0x20] =	vst v4  }
0x599: {  	s14 =	sadd.s32 $0x40, s14;
	[tilespmem:s17+$0x30] =	vst v1  }
0x59a: {  	v1 =	vld [tilespmem:s14+$0xFFFFFFE0]  }
0x59b: {  	v2 =	vld.idx.msk [tilespmem:v3+s4+$0x0], $0xffff;
	_ =	sdelay $0x3  }
0x59c: {  	v3 =	vunpack.i.l.bf16.f32 v1  }
0x59d: {  	v1 =	vunpack.i.u.bf16.f32 v1;
	v3 =	vmul.f32 v3, v2  }
0x59e: {  	s10 =	sadd.s32 $0x80, s10;
	v1 =	vmul.f32 v1, v2  }
0x59f: {  	[tilespmem:s10+$0xFFFFFFC0] =	vst v3  }
0x5a0: {  	[tilespmem:s10+$0xFFFFFFD0] =	vst v1  }
0x5a1: {  	v1 =	vld [tilespmem:s14+$0xFFFFFFF0];
	_ =	sdelay $0x4  }
0x5a2: {  	v3 =	vunpack.i.l.bf16.f32 v1  }
0x5a3: {  	v1 =	vunpack.i.u.bf16.f32 v1;
	v3 =	vmul.f32 v3, v2  }
0x5a4: {  	v1 =	vmul.f32 v1, v2  }
0x5a5: {  	[tilespmem:s10+$0xFFFFFFE0] =	vst v3  }
0x5a6: {  	[tilespmem:s10+$0xFFFFFFF0] =	vst v1  }
0x5a7: {  	v1 =	vld [tilespmem:s14+$0x0];
	_ =	sdelay $0x4  }
0x5a8: {  	v3 =	vunpack.i.l.bf16.f32 v1  }
0x5a9: {  	v1 =	vunpack.i.u.bf16.f32 v1;
	v3 =	vmul.f32 v3, v2  }
0x5aa: {  	v1 =	vmul.f32 v1, v2  }
0x5ab: {  	[tilespmem:s10+$0x0] =	vst v3  }
0x5ac: {  	[tilespmem:s10+$0x10] =	vst v1  }
0x5ad: {  	v1 =	vld [tilespmem:s14+$0x10];
	_ =	sdelay $0x4  }
0x5ae: {  	v3 =	vunpack.i.l.bf16.f32 v1  }
0x5af: {  	v1 =	vunpack.i.u.bf16.f32 v1;
	v3 =	vmul.f32 v3, v2  }
0x5b0: {  	p0 =	seq.s32 s1, $0x4;
	v1 =	vmul.f32 v1, v2  }
0x5b1: {  	s1 =	sadd.s32 @!p0 $0x1, s1;
	[tilespmem:s10+$0x20] =	vst v3  }
0x5b2: {  	[tilespmem:s10+$0x30] =	vst v1;
	s10 =	sshll.u32 @!p0 s1, $0xB  }
0x5b3: {  	[spmem:s2] =	stream.indirect.scatter.add.f32 [tilespmem:s29], [sflag:$0x5], $0x80, s8, s31, $0xb8;
	[tilespmem:$0x1D800] =	vst v63  }
0x5b4: {  	s10 =	sadd.s32 @!p0 s12, s10;
	_ =	swait.ge [sflag:s15], $0x4000  }
0x5b5: {  	s18 =	simm.s32 @!p0 $0x14000;
	s10 =	sshrl.u32 @!p0 s10, $0x3;
	[sflag:s15] =	ssyncset.done $0x0  }
0x5b6: {  	s17 =	simm.s32 @!p0 $0x0;
	s14 =	sadd.s32 @!p0 s6, s10;
	[sflag:s15] =	ssyncadd.s32 $0xFFFFC000  }
0x5b7: {  	[tilespmem:s18], [sflag:$0x7] =	stream.linear.gather @!p0 [hbm4b:s14+s17], $0x800, $0x38;
	[tilespmem:$0x1D800] =	vst v63  }
0x5b8: {  	s14 =	simm.s32 @!p0 $0x7  }
0x5b9: {  	_ =	swait.ge @!p0 [sflag:s14], $0x800  }
0x5ba: {  	[sflag:s14] =	ssyncset.done @!p0 $0x0  }
0x5bb: {  	[sflag:s14] =	ssyncadd.s32 @!p0 $0xFFFFF800  }
0x5bc: {  	s19 =	rddreg [dreg:$0x0]  }
0x5bd: {  	s20 =	simm.s32 @!p0 $0x14800;
	s19 =	sadd.s32 @!p0 s19, s10  }
0x5be: {  	[tilespmem:s20], [sflag:$0x7] =	stream.linear.gather @!p0 [hbm4b:s19+s17], $0x800, $0x38;
	[tilespmem:$0x1D800] =	vst v63  }
0x5bf: {  	_ =	swait.ge @!p0 [sflag:s14], $0x800  }
0x5c0: {  	[sflag:s14] =	ssyncset.done @!p0 $0x0  }
0x5c1: {  	s10 =	sadd.s32 @!p0 s7, s10;
	s19 =	simm.s32 @!p0 $0x15000;
	[sflag:s14] =	ssyncadd.s32 @!p0 $0xFFFFF800  }
0x5c2: {  	[tilespmem:s19], [sflag:$0x7] =	stream.linear.gather @!p0 [hbm4b:s10+s17], $0x800, $0x38;
	[tilespmem:$0x1D800] =	vst v63  }
0x5c3: {  	_ =	swait.ge @!p0 [sflag:s14], $0x800  }
0x5c4: {  	p1 =	sne.s32 @!p0 s1, $0x5;
	[sflag:s14] =	ssyncset.done @!p0 $0x0  }
0x5c5: {  	s10 =	simm.s32 @!p0 $0x80;
	[sflag:s14] =	ssyncadd.s32 @!p0 $0xFFFFF800;
	s14 =	simm.s32 @!p0 $0x15800  }
0x5c6: {  	[tilespmem:s14], [sflag:$0x1] =	stream.indirect.gather @!p0 [hbm4b:s5+s10], $0x40, s18, s10, $0xb8;
	[tilespmem:$0x1D800] =	vst v63  }
0x5c7: {  	p0 =	por p0, !p1  }
.Ltmp17:
0x5c8: {  	_ = 	snop;
	(pc) =	sbr.rel @!p0 .LBB2_4-.Ltmp17, $1  }
0x5c9: {  	_ =	sdelay $0x3  }
0x5ca: {  	s1 =	stileid.u32;
	[bflag:$0x0] =	sbarrier.arrive $0xFFFF  }
0x5cb: {  	s1 =	sshll.u32 s1, $0x6;
	s3 =	rddreg [dreg:$0x8]  }
0x5cc: {  	s10 =	rddreg [dreg:$0x10];
	s1 =	sor.u32 $0x1C07, s1  }
0x5cd: {  	[hbm:s3], [sflag:s1] =	dma.local [spmem:s10], $0x800  }
0x5ce: {  	_ =	swait.ge [sflag:s30], $0x800  }
0x5cf: {  	[sflag:s30] =	ssyncset.done $0x0;
	s17 =	rddreg [dreg:$0xb]  }
0x5d0: {  	s18 =	rddreg [dreg:$0x11];
	[sflag:s30] =	ssyncadd.s32 $0xFFFFF800  }
0x5d1: {  	[hbm:s17], [sflag:s1] =	dma.local [spmem:s18], $0x800  }
0x5d2: {  	_ =	swait.ge [sflag:s30], $0x800  }
0x5d3: {  	[sflag:s30] =	ssyncset.done $0x0;
	s19 =	rddreg [dreg:$0xc]  }
0x5d4: {  	s20 =	rddreg [dreg:$0x12];
	[sflag:s30] =	ssyncadd.s32 $0xFFFFF800  }
0x5d5: {  	[hbm:s19], [sflag:s1] =	dma.local [spmem:s20], $0x800  }
0x5d6: {  	_ =	swait.ge [sflag:s30], $0x800  }
0x5d7: {  	[sflag:s30] =	ssyncset.done $0x0;
	s14 =	rddreg [dreg:$0xd]  }
0x5d8: {  	s17 =	rddreg [dreg:$0x13];
	[sflag:s30] =	ssyncadd.s32 $0xFFFFF800  }
0x5d9: {  	[hbm:s14], [sflag:s1] =	dma.local [spmem:s17], $0x800  }
0x5da: {  	_ =	swait.ge [sflag:s30], $0x800  }
0x5db: {  	[sflag:s30] =	ssyncset.done $0x0;
	s18 =	rddreg [dreg:$0xe]  }
0x5dc: {  	s19 =	rddreg [dreg:$0x14];
	[sflag:s30] =	ssyncadd.s32 $0xFFFFF800  }
0x5dd: {  	[hbm:s18], [sflag:s1] =	dma.local [spmem:s19], $0x800  }
0x5de: {  	_ =	swait.ge [sflag:s30], $0x800  }
0x5df: {  	s14 =	rddreg [dreg:$0x3]  }
0x5e0: {  	s20 =	rddreg [dreg:$0x9];
	s14 =	sadd.s32 $0x1, s14  }
0x5e1: {  	p0 =	sne.s32 s14, s20  }
.Ltmp18:
0x5e2: {  	_ = 	snop;
	(pc) =	sbr.rel @p0 .LBB2_1-.Ltmp18, $3  }
0x5e3: {  	_ =	sdelay $0x1  }
0x5e4: {  	[sflag:s30] =	ssyncset.done $0x0  }
0x5e5: {  	[sflag:s30] =	ssyncadd.s32 $0xFFFFF800  }
0x5e6: {  	_ =	sfence.sel $0x180000  }
0x5e7: {  	[bflag:$0x0] =	sbarrier.arrive $0xFFFF  }
0x5e8: {  	_ =	strace $0x90000047  }
0x5e9: {  	s0 =	stileid.u32;
	[bflag:$0x2] =	sbarrier.arrive $0xFFFF  }
0x5ea: {  	p0 =	sne.s32 s0, $0x0;
	s0 =	rddreg [dreg:$0x2]  }
0x5eb: {  	s0 =	sadd.s32 @!p0 $0x100000, s0  }
0x5ec: {  	[sflag:s0] =	ssyncadd.tile.s32 @!p0 $0x1;
	_ =	shalt  }
.Lfunc_end2:
_tile_overlayer_lowered:
.L_overlay_start_2:
0x5ed: {  	(tag) =	ssettag $0x2  }
0x5ee: {  	s0 =	rddreg [dreg:$0x0];
	s2 =	stileid.u32  }
0x5ef: {  	s1 =	rddreg [dreg:$0x1];
	p0 =	sne.s32 s2, $0x0  }
0x5f0: {  	s3 =	rddreg [dreg:$0x2];
	[bflag:$0x3] =	sbarrier.arrive $0xFFFF;
	s2 =	simm.s32 @!p0 $0x1C07  }
0x5f1: {  	[timem:s3], [sflag:s2] =	dma.local @!p0 [hbm:s0], s1  }
0x5f2: {  	s0 =	simm.s32 @!p0 $0x7  }
0x5f3: {  	_ =	swait.ge @!p0 [sflag:s0], s1  }
0x5f4: {  	s1 =	ssub.s32 @!p0 $0x0, s1;
	[sflag:s0] =	ssyncset.done @!p0 $0x0  }
0x5f5: {  	[sflag:s0] =	ssyncadd.s32 @!p0 s1  }
0x5f6: {  	[bflag:$0x3] =	sbarrier.arrive $0xFFFF  }
0x5f7: {  	_ =	shalt  }

</sc_bundles>
